<compile_context>
chip_gen: v7x
topology: tpu7x:2x2x1
jax: 0.10.2.dev20260603
libtpu: 0.0.44.dev20260713+nightly
codegen_flags: <defaults>
</compile_context>

<pallas_src>
import dataclasses
import functools

import jax
import jax.numpy as jnp
from jax.experimental import pallas as pl
from jax.experimental.pallas import tpu as pltpu
from jax.experimental.pallas import tpu_sc as plsc

N = 10000
D = 128
E = 320000
NC, NS = 2, 16
NW = NC * NS
N_PAD = 10112
RPS = N_PAD // NS
EPT = 10240
CHUNK = 64
NCHUNK = EPT // CHUNK
OCT = 16
NOCT = NCHUNK // OCT
NCHUNK_EXT = NCHUNK + OCT
RSLOT = 4

SHUF_PAD = 10240
S_CHUNK = 64
S_NCHUNK = 5
SPT = S_CHUNK * S_NCHUNK

_mesh = lambda: plsc.VectorSubcoreMesh(core_axis_name="c", subcore_axis_name="s")


def _sc_agg():
    def body(h_hbm, src_hbm, dst_hbm, agg_out,
             idxs_v, idxd_v, rows_v, agg_sp,
             sem_g0, sem_g1, sem_g2, sem_g3,
             sem_s0, sem_s1, sem_s2, sem_s3, sem_i0, sem_i1):
        cid = jax.lax.axis_index("c")
        sid = jax.lax.axis_index("s")
        wid = cid * NS + sid
        rsl = pl.ds(sid * RPS, RPS)
        sem_g = (sem_g0, sem_g1, sem_g2, sem_g3)
        sem_s = (sem_s0, sem_s1, sem_s2, sem_s3)
        sem_i = (sem_i0, sem_i1)

        def i_descs(t, slot):
            blk = pl.ds(t * OCT, OCT)
            return (pltpu.make_async_copy(src_hbm.at[wid, blk],
                                          idxs_v.at[slot], sem_i[slot]),
                    pltpu.make_async_copy(dst_hbm.at[wid, blk],
                                          idxd_v.at[slot], sem_i[slot]))

        def g_desc(slot, p, b):
            return pltpu.make_async_copy(h_hbm.at[idxs_v.at[p, b]],
                                         rows_v.at[slot], sem_g[slot])

        def s_desc(slot, p, b):
            return pltpu.make_async_copy(rows_v.at[slot],
                                         agg_sp.at[idxd_v.at[p, b]],
                                         sem_s[slot])

        pltpu.sync_copy(h_hbm.at[rsl], agg_sp.at[rsl])
        for d in i_descs(0, 0):
            d.start()
        plsc.subcore_barrier()
        for d in i_descs(0, 0):
            d.wait()
        g_desc(0, 0, 0).start()
        g_desc(1, 0, 1).start()

        @pl.loop(0, NOCT // 2)
        def _(t2):
            for half in (0, 1):
                p, pn = half, 1 - half
                t = t2 * 2 + half

                qmax = OCT // RSLOT - 1

                @pl.loop(0, OCT // RSLOT)
                def _(q):
                    for b4 in range(RSLOT):
                        b = q * RSLOT + b4
                        g_desc(b4, p, b).wait()
                        s_desc(b4, p, b).start(add=True)
                        w2 = (b4 - 2) % RSLOT
                        if b4 >= 2:
                            s_desc(w2, p, b - 2).wait()
                        else:
                            @pl.when(q > 0)
                            def _():
                                s_desc(w2, p, b - 2).wait()

                            if half == 0:
                                @pl.when((q == 0) & (t2 > 0))
                                def _():
                                    s_desc(w2, pn, OCT - 2 + b4).wait()
                            else:
                                @pl.when(q == 0)
                                def _():
                                    s_desc(w2, pn, OCT - 2 + b4).wait()
                        if b4 == 1:
                            @pl.when(q == 0)
                            def _():
                                for d in i_descs(t + 1, pn):
                                    d.start()
                            @pl.when(q == qmax)
                            def _():
                                for d in i_descs(t + 1, pn):
                                    d.wait()
                        g2 = (b4 + 2) % RSLOT
                        if b4 < 2:
                            g_desc(g2, p, b + 2).start()
                        else:
                            @pl.when(q < qmax)
                            def _():
                                g_desc(g2, p, b + 2).start()

                            @pl.when(q == qmax)
                            def _():
                                g_desc(g2, pn, b4 - 2).start()

        g_desc(0, 0, 0).wait()
        g_desc(1, 0, 1).wait()
        s_desc(2, 1, OCT - 2).wait()
        s_desc(3, 1, OCT - 1).wait()
        plsc.subcore_barrier()
        pltpu.sync_copy(agg_sp.at[rsl], agg_out.at[cid, rsl])

    return pl.kernel(
        body,
        out_type=jax.ShapeDtypeStruct((NC, N_PAD, D), jnp.float32),
        mesh=_mesh(),
        scratch_types=[
            pltpu.VMEM((2, OCT, CHUNK), jnp.int32),
            pltpu.VMEM((2, OCT, CHUNK), jnp.int32),
            pltpu.VMEM((RSLOT, CHUNK, D), jnp.float32),
            pltpu.VMEM_SHARED((N_PAD, D), jnp.float32),
            pltpu.SemaphoreType.DMA, pltpu.SemaphoreType.DMA,
            pltpu.SemaphoreType.DMA, pltpu.SemaphoreType.DMA,
            pltpu.SemaphoreType.DMA, pltpu.SemaphoreType.DMA,
            pltpu.SemaphoreType.DMA, pltpu.SemaphoreType.DMA,
            pltpu.SemaphoreType.DMA, pltpu.SemaphoreType.DMA,
        ],
    )


def _sc_deg():
    def body(dst_hbm, deg_out, dst_v, hist_v):
        cid = jax.lax.axis_index("c")
        sid = jax.lax.axis_index("s")
        wid = cid * NS + sid
        pltpu.sync_copy(dst_hbm.at[wid, pl.ds(0, NCHUNK)], dst_v)

        @pl.loop(0, N_PAD // 16)
        def _(i):
            hist_v[pl.ds(i * 16, 16)] = jnp.zeros((16,), jnp.float32)

        ones16 = jnp.ones((16,), jnp.float32)

        @pl.loop(0, NCHUNK)
        def _(j):
            @pl.loop(0, CHUNK // 16)
            def _(k):
                idx = dst_v[j, pl.ds(k * 16, 16)]
                plsc.addupdate_scatter(hist_v, [idx], ones16)

        pltpu.sync_copy(hist_v, deg_out.at[wid])

    cp = pltpu.CompilerParams()
    if "needs_layout_passes" in pltpu.CompilerParams.__dataclass_fields__:
        cp = dataclasses.replace(cp, needs_layout_passes=False)
    return pl.kernel(
        body,
        out_type=jax.ShapeDtypeStruct((NW, N_PAD), jnp.float32),
        mesh=_mesh(),
        scratch_types=[
            pltpu.VMEM((NCHUNK, CHUNK), jnp.int32),
            pltpu.VMEM((N_PAD,), jnp.float32),
        ],
        compiler_params=cp,
    )


def _sc_shuf_gather():
    def body(h_hbm, idx_hbm, out_hbm, idx_v, rows_v):
        cid = jax.lax.axis_index("c")
        sid = jax.lax.axis_index("s")
        wid = cid * NS + sid
        pltpu.sync_copy(idx_hbm.at[wid], idx_v)

        @pl.loop(0, S_NCHUNK)
        def _(j):
            pltpu.sync_copy(h_hbm.at[idx_v.at[j]], rows_v)
            pltpu.sync_copy(
                rows_v, out_hbm.at[pl.ds(wid * SPT + j * S_CHUNK, S_CHUNK)])

    return pl.kernel(
        body,
        out_type=jax.ShapeDtypeStruct((SHUF_PAD, D), jnp.float32),
        mesh=_mesh(),
        scratch_types=[
            pltpu.VMEM((S_NCHUNK, S_CHUNK), jnp.int32),
            pltpu.VMEM((S_CHUNK, D), jnp.float32),
        ],
    )


def _tc_layer1_body(agg_ref, deg_ref, h_ref, w_ref, b_ref, o_ref):
    d = jnp.sum(deg_ref[...], axis=0)[:, None]
    t = (agg_ref[0] + agg_ref[1] - h_ref[...]) / (d + 1.0)
    y = jnp.dot(t, w_ref[...], preferred_element_type=jnp.float32)
    o_ref[...] = jnp.maximum(y + b_ref[...][None, :], 0.0)


def _tc_layer2_body(agg_ref, deg_ref, h_ref, w_ref, b_ref, wd_ref, bd_ref,
                    h2_ref, logp_ref):
    d = jnp.sum(deg_ref[...], axis=0)[:, None]
    t = (agg_ref[0] + agg_ref[1] - h_ref[...]) / (d + 1.0)
    h2 = jnp.dot(t, w_ref[...], preferred_element_type=jnp.float32)
    h2 = h2 + b_ref[...][None, :]
    h2_ref[...] = h2
    a = jnp.dot(h2, wd_ref[...], preferred_element_type=jnp.float32)
    a = a + bd_ref[...][None, :]
    m = jnp.max(a, axis=-1, keepdims=True)
    ex = jnp.exp(a - m)
    lse = jnp.log(jnp.sum(ex, axis=-1, keepdims=True))
    logp_ref[...] = a - m - lse


def _tc_dec_body(hs_ref, logp_ref, wd_ref, bd_ref, o_ref):
    hs = hs_ref[0:N_PAD, :]
    hb = jnp.dot(hs, wd_ref[...], preferred_element_type=jnp.float32)
    hb = hb + bd_ref[...][None, :]
    prod = hb * logp_ref[...]
    rid = jax.lax.broadcasted_iota(jnp.int32, (N_PAD, D), 0)
    s = jnp.sum(jnp.where(rid < N, prod, 0.0))
    o_ref[...] = jnp.broadcast_to(-s / N, (1, 1))


def kernel(x, edge_index, shuffled_index, W1, b1, W2, b2, Wd, bd):
    f32 = jnp.float32
    src = edge_index[0].astype(jnp.int32)
    dst = edge_index[1].astype(jnp.int32)

    pad = NCHUNK_EXT * CHUNK - (E // NW)
    src_r = src.reshape(NW, E // NW)
    dst_r = dst.reshape(NW, E // NW)
    pad_src = jnp.zeros((NW, pad), jnp.int32)
    pad_dst = jnp.broadcast_to(
        N + (jnp.arange(pad, dtype=jnp.int32) % (N_PAD - N)), (NW, pad))
    src_p = jnp.concatenate([src_r, pad_src], axis=1).reshape(NW, NCHUNK_EXT, CHUNK)
    dst_p = jnp.concatenate([dst_r, pad_dst], axis=1).reshape(NW, NCHUNK_EXT, CHUNK)

    x_pad = jnp.zeros((N_PAD, D), f32).at[:N].set(x)

    shuf = shuffled_index.astype(jnp.int32)
    shuf_p = jnp.zeros((SHUF_PAD,), jnp.int32).at[:N].set(shuf)
    shuf_p = shuf_p.reshape(NW, S_NCHUNK, S_CHUNK)

    sc_agg = _sc_agg()
    sc_deg = _sc_deg()
    sc_gather = _sc_shuf_gather()

    deg = sc_deg(dst_p)
    agg1 = sc_agg(x_pad, src_p, dst_p)

    h1 = pl.pallas_call(
        _tc_layer1_body,
        out_shape=jax.ShapeDtypeStruct((N_PAD, D), f32),
    )(agg1, deg, x_pad, W1, b1)

    agg2 = sc_agg(h1, src_p, dst_p)

    h2, logp = pl.pallas_call(
        _tc_layer2_body,
        out_shape=(jax.ShapeDtypeStruct((N_PAD, D), f32),
                   jax.ShapeDtypeStruct((N_PAD, D), f32)),
    )(agg2, deg, h1, W2, b2, Wd, bd)

    hs = sc_gather(h2, shuf_p)

    dec = pl.pallas_call(
        _tc_dec_body,
        out_shape=jax.ShapeDtypeStruct((1, 1), f32),
    )(hs, logp, Wd, bd)

    return h2[:N], dec[0, 0]

# --- scband reference (transcript-rebuilt; emitter-appended) ---
"""Pipeline reference for scband-encoder-14018773254741 (READ-ONLY COPY).

The authoritative reference and input builder live on the scoring server;
editing this copy changes nothing except your own understanding.
"""

import jax, jax.numpy as jnp
import numpy as np

N_NODES = 10000
N_EDGES = 320000
IN_SIZE = 128
HID_SIZE = 128
OUT_SIZE = 128
DEC_SIZE = 128


def setup_inputs(seed: int = 0) -> dict:
    key = jax.random.key(seed)
    ks = jax.random.split(key, 10)
    x = jax.random.normal(ks[0], (N_NODES, IN_SIZE), dtype=jnp.float32)
    edge_index = jax.random.randint(ks[1], (2, N_EDGES), 0, N_NODES, dtype=jnp.int64)
    shuffled_index = jax.random.randint(ks[2], (N_NODES,), 0, N_NODES, dtype=jnp.int64)
    # SAGEConv('gcn') layer 1: fc_neigh Linear(in, hid)
    W1 = jax.random.normal(ks[3], (IN_SIZE, HID_SIZE), dtype=jnp.float32) * (1.0 / np.sqrt(IN_SIZE))
    b1 = jnp.zeros((HID_SIZE,), dtype=jnp.float32)
    # SAGEConv('gcn') layer 2: fc_neigh Linear(hid, out)
    W2 = jax.random.normal(ks[4], (HID_SIZE, OUT_SIZE), dtype=jnp.float32) * (1.0 / np.sqrt(HID_SIZE))
    b2 = jnp.zeros((OUT_SIZE,), dtype=jnp.float32)
    # Decoder linear: Linear(out, dec)
    Wd = jax.random.normal(ks[5], (OUT_SIZE, DEC_SIZE), dtype=jnp.float32) * (1.0 / np.sqrt(OUT_SIZE))
    bd = jnp.zeros((DEC_SIZE,), dtype=jnp.float32)
    return {"x": x, "edge_index": edge_index, "shuffled_index": shuffled_index,
            "W1": W1, "b1": b1, "W2": W2, "b2": b2, "Wd": Wd, "bd": bd}


def _sage_gcn(h, src, dst, W, b, n_nodes):
    # DGL SAGEConv with aggregator_type='gcn':
    # neigh = sum_{j in N(i)} h_j ; h_i' = fc_neigh((neigh + h_i) / (deg_i + 1))
    d = h.shape[1]
    agg = jnp.zeros((n_nodes, d), dtype=h.dtype).at[dst].add(h[src])
    deg = jnp.zeros((n_nodes,), dtype=h.dtype).at[dst].add(1.0)
    h_neigh = (agg + h) / (deg[:, None] + 1.0)
    return h_neigh @ W + b


def reference(x, edge_index, shuffled_index, W1, b1, W2, b2, Wd, bd):
    # Dropout layers act as identity in eval/deterministic mode.
    src = edge_index[0]
    dst = edge_index[1]
    h = _sage_gcn(x, src, dst, W1, b1, N_NODES)
    h = jax.nn.relu(h)
    h = _sage_gcn(h, src, dst, W2, b2, N_NODES)
    # Decoder: shared linear applied to h and h[shuffled_index],
    # then CrossEntropyLoss with soft (probabilistic) targets:
    # loss = mean_i( -sum_c target[i,c] * log_softmax(logits)[i,c] )
    h_a = h @ Wd + bd
    h_b = h[shuffled_index] @ Wd + bd
    log_p = jax.nn.log_softmax(h_a, axis=-1)
    dec = -jnp.mean(jnp.sum(h_b * log_p, axis=-1))
    return (h, dec)

if __name__ == "__main__":
    import jax
    _d = setup_inputs()
    print(jax.jit(kernel)(*tuple(_d.values())))

</pallas_src>

<mosaic_0001>
#map = affine_map<(d0, d1) -> (0, 0)>
#map1 = affine_map<(d0, d1) -> (0, 0, 0)>
module attributes {stable_mosaic.version = 14 : i64} {
  func.func @body(%arg0: i32, %arg1: i32, %arg2: memref<10112x128xf32, #tpu.memory_space<hbm>>, %arg3: memref<32x5x64xi32, #tpu.memory_space<hbm>>, %arg4: memref<10240x128xf32, #tpu.memory_space<hbm>>, %arg5: memref<5x64xi32, #tpu.memory_space<vmem>>, %arg6: memref<64x128xf32, #tpu.memory_space<vmem>>) attributes {dimension_semantics = [#tpu.dimension_semantics<core_parallel>, #tpu.dimension_semantics<subcore_parallel>], iteration_bounds = array<i64: 2, 16>, scalar_prefetch = 0 : i64, scratch_operands = 2 : i64, tpu.core_type = #tpu.core_type<sc_vector_subcore>, window_params = [{transform_indices = #map}, {transform_indices = #map1}, {transform_indices = #map}]} {
    %mul3A = arith.constant 16 : i32
    %mul3A_0 = arith.muli %arg0, %mul3A : i32
    %add3A = arith.addi %mul3A_0, %arg1 : i32
    "tpu.region"() ({
      %run_scoped3A = tpu.sem_alloc : memref<!tpu.dma_semaphore, #tpu.memory_space<semaphore_mem>>
      %dma_start3A = arith.constant 0 : i32
      %dma_start3A_5 = arith.constant 0 : i32
      %dma_start3A_6 = tpu.memref_slice %arg3[%add3A, %dma_start3A, %dma_start3A_5] : memref<32x5x64xi32, #tpu.memory_space<hbm>> -> memref<1x5x64xi32, #tpu.memory_space<hbm>>
      %dma_start3A_7 = tpu.memref_squeeze %dma_start3A_6 : memref<1x5x64xi32, #tpu.memory_space<hbm>> -> memref<5x64xi32, #tpu.memory_space<hbm>>
      %dma_start3A_8 = arith.constant 0 : i32
      %dma_start3A_9 = arith.constant 0 : i32
      %dma_start3A_10 = tpu.memref_slice %arg3[%add3A, %dma_start3A_8, %dma_start3A_9] : memref<32x5x64xi32, #tpu.memory_space<hbm>> -> memref<1x5x64xi32, #tpu.memory_space<hbm>>
      %dma_start3A_11 = tpu.memref_squeeze %dma_start3A_10 : memref<1x5x64xi32, #tpu.memory_space<hbm>> -> memref<5x64xi32, #tpu.memory_space<hbm>>
      tpu.enqueue_dma source(%dma_start3A_11 : memref<5x64xi32, #tpu.memory_space<hbm>>) target(%arg5 : memref<5x64xi32, #tpu.memory_space<vmem>>) target_semaphore(%run_scoped3A : memref<!tpu.dma_semaphore, #tpu.memory_space<semaphore_mem>>)
      %dma_wait3A = arith.constant 0 : i32
      %dma_wait3A_12 = arith.constant 0 : i32
      %dma_wait3A_13 = tpu.memref_slice %arg3[%add3A, %dma_wait3A, %dma_wait3A_12] : memref<32x5x64xi32, #tpu.memory_space<hbm>> -> memref<1x5x64xi32, #tpu.memory_space<hbm>>
      %dma_wait3A_14 = tpu.memref_squeeze %dma_wait3A_13 : memref<1x5x64xi32, #tpu.memory_space<hbm>> -> memref<5x64xi32, #tpu.memory_space<hbm>>
      %dma_wait3A_15 = arith.constant 0 : i32
      %dma_wait3A_16 = arith.constant 0 : i32
      %dma_wait3A_17 = tpu.memref_slice %arg3[%add3A, %dma_wait3A_15, %dma_wait3A_16] : memref<32x5x64xi32, #tpu.memory_space<hbm>> -> memref<1x5x64xi32, #tpu.memory_space<hbm>>
      %dma_wait3A_18 = tpu.memref_squeeze %dma_wait3A_17 : memref<1x5x64xi32, #tpu.memory_space<hbm>> -> memref<5x64xi32, #tpu.memory_space<hbm>>
      tpu.wait_dma2 semaphore(%run_scoped3A : memref<!tpu.dma_semaphore, #tpu.memory_space<semaphore_mem>>) src(%dma_wait3A_18 : memref<5x64xi32, #tpu.memory_space<hbm>>) dst(%arg5 : memref<5x64xi32, #tpu.memory_space<vmem>>)
      tpu.yield
    }) : () -> ()
    %scan3A = arith.constant 0 : i32
    %scan3A_1 = arith.constant 5 : i32
    %scan3A_2 = arith.addi %scan3A, %scan3A_1 : i32
    %scan3A_3 = arith.constant 1 : i32
    scf.for %scan3A_5 = %scan3A to %scan3A_2 step %scan3A_3  : i32 {
      %mul3A_6 = arith.constant 1 : i32
      %mul3A_7 = arith.muli %scan3A_5, %mul3A_6 : i32
      %add3A_8 = arith.constant 0 : i32
      %add3A_9 = arith.addi %add3A_8, %mul3A_7 : i32
      "tpu.region"() ({
        %run_scoped3A = tpu.sem_alloc : memref<!tpu.dma_semaphore, #tpu.memory_space<semaphore_mem>>
        %dma_start3A = arith.constant 0 : i32
        %dma_start3A_15 = tpu.memref_slice %arg5[%add3A_9, %dma_start3A] : memref<5x64xi32, #tpu.memory_space<vmem>> -> memref<1x64xi32, #tpu.memory_space<vmem>>
        %dma_start3A_16 = tpu.memref_squeeze %dma_start3A_15 : memref<1x64xi32, #tpu.memory_space<vmem>> -> memref<64xi32, #tpu.memory_space<vmem>>
        %dma_start3A_17 = arith.constant 0 : i32
        %dma_start3A_18 = arith.constant 0 : i32
        %dma_start3A_19 = tpu.memref_slice %arg2[%dma_start3A_17, %dma_start3A_18] : memref<10112x128xf32, #tpu.memory_space<hbm>> -> memref<10112x128xf32, #tpu.memory_space<hbm>>
        tpu.enqueue_indirect_dma source(%dma_start3A_19 : memref<10112x128xf32, #tpu.memory_space<hbm>>) target(%arg6 : memref<64x128xf32, #tpu.memory_space<vmem>>) offsets(%dma_start3A_16 : memref<64xi32, #tpu.memory_space<vmem>>) semaphore(%run_scoped3A : memref<!tpu.dma_semaphore, #tpu.memory_space<semaphore_mem>>)
        %dma_wait3A = arith.constant 0 : i32
        %dma_wait3A_20 = tpu.memref_slice %arg5[%add3A_9, %dma_wait3A] : memref<5x64xi32, #tpu.memory_space<vmem>> -> memref<1x64xi32, #tpu.memory_space<vmem>>
        %dma_wait3A_21 = tpu.memref_squeeze %dma_wait3A_20 : memref<1x64xi32, #tpu.memory_space<vmem>> -> memref<64xi32, #tpu.memory_space<vmem>>
        %dma_wait3A_22 = arith.constant 0 : i32
        %dma_wait3A_23 = arith.constant 0 : i32
        %dma_wait3A_24 = tpu.memref_slice %arg2[%dma_wait3A_22, %dma_wait3A_23] : memref<10112x128xf32, #tpu.memory_space<hbm>> -> memref<10112x128xf32, #tpu.memory_space<hbm>>
        tpu.wait_indirect_dma semaphore(%run_scoped3A : memref<!tpu.dma_semaphore, #tpu.memory_space<semaphore_mem>>) src(%dma_wait3A_24 : memref<10112x128xf32, #tpu.memory_space<hbm>>) dst(%arg6 : memref<64x128xf32, #tpu.memory_space<vmem>>)
        tpu.yield
      }) : () -> ()
      %mul3A_10 = arith.constant 320 : i32
      %mul3A_11 = arith.muli %add3A, %mul3A_10 : i32
      %mul3A_12 = arith.constant 64 : i32
      %mul3A_13 = arith.muli %add3A_9, %mul3A_12 : i32
      %add3A_14 = arith.addi %mul3A_11, %mul3A_13 : i32
      "tpu.region"() ({
        %run_scoped3A = tpu.sem_alloc : memref<!tpu.dma_semaphore, #tpu.memory_space<semaphore_mem>>
        %dma_start3A = arith.constant 0 : i32
        %dma_start3A_15 = tpu.memref_slice %arg4[%add3A_14, %dma_start3A] : memref<10240x128xf32, #tpu.memory_space<hbm>> -> memref<64x128xf32, #tpu.memory_space<hbm>>
        %dma_start3A_16 = arith.constant 0 : i32
        %dma_start3A_17 = tpu.memref_slice %arg4[%add3A_14, %dma_start3A_16] : memref<10240x128xf32, #tpu.memory_space<hbm>> -> memref<64x128xf32, #tpu.memory_space<hbm>>
        tpu.enqueue_dma source(%arg6 : memref<64x128xf32, #tpu.memory_space<vmem>>) target(%dma_start3A_17 : memref<64x128xf32, #tpu.memory_space<hbm>>) target_semaphore(%run_scoped3A : memref<!tpu.dma_semaphore, #tpu.memory_space<semaphore_mem>>)
        %dma_wait3A = arith.constant 0 : i32
        %dma_wait3A_18 = tpu.memref_slice %arg4[%add3A_14, %dma_wait3A] : memref<10240x128xf32, #tpu.memory_space<hbm>> -> memref<64x128xf32, #tpu.memory_space<hbm>>
        %dma_wait3A_19 = arith.constant 0 : i32
        %dma_wait3A_20 = tpu.memref_slice %arg4[%add3A_14, %dma_wait3A_19] : memref<10240x128xf32, #tpu.memory_space<hbm>> -> memref<64x128xf32, #tpu.memory_space<hbm>>
        tpu.wait_dma2 semaphore(%run_scoped3A : memref<!tpu.dma_semaphore, #tpu.memory_space<semaphore_mem>>) src(%arg6 : memref<64x128xf32, #tpu.memory_space<vmem>>) dst(%dma_wait3A_20 : memref<64x128xf32, #tpu.memory_space<hbm>>)
        tpu.yield
      }) : () -> ()
    }
    %scan3A_4 = arith.constant 5 : i32
    return
  }
}

#map = affine_map<(d0, d1) -> (0, 0)>
#map1 = affine_map<(d0, d1) -> (0, 0, 0)>
module attributes {stable_mosaic.version = 14 : i64} {
  func.func @body(%arg0: i32, %arg1: i32, %arg2: memref<10112x128xf32, #tpu.memory_space<hbm>>, %arg3: memref<32x176x64xi32, #tpu.memory_space<hbm>>, %arg4: memref<32x176x64xi32, #tpu.memory_space<hbm>>, %arg5: memref<2x10112x128xf32, #tpu.memory_space<hbm>>, %arg6: memref<2x16x64xi32, #tpu.memory_space<vmem>>, %arg7: memref<2x16x64xi32, #tpu.memory_space<vmem>>, %arg8: memref<4x64x128xf32, #tpu.memory_space<vmem>>, %arg9: memref<10112x128xf32, #tpu.memory_space<vmem_shared>>, %arg10: memref<!tpu.dma_semaphore, #tpu.memory_space<semaphore_mem>>, %arg11: memref<!tpu.dma_semaphore, #tpu.memory_space<semaphore_mem>>, %arg12: memref<!tpu.dma_semaphore, #tpu.memory_space<semaphore_mem>>, %arg13: memref<!tpu.dma_semaphore, #tpu.memory_space<semaphore_mem>>, %arg14: memref<!tpu.dma_semaphore, #tpu.memory_space<semaphore_mem>>, %arg15: memref<!tpu.dma_semaphore, #tpu.memory_space<semaphore_mem>>, %arg16: memref<!tpu.dma_semaphore, #tpu.memory_space<semaphore_mem>>, %arg17: memref<!tpu.dma_semaphore, #tpu.memory_space<semaphore_mem>>, %arg18: memref<!tpu.dma_semaphore, #tpu.memory_space<semaphore_mem>>, %arg19: memref<!tpu.dma_semaphore, #tpu.memory_space<semaphore_mem>>) attributes {dimension_semantics = [#tpu.dimension_semantics<core_parallel>, #tpu.dimension_semantics<subcore_parallel>], iteration_bounds = array<i64: 2, 16>, scalar_prefetch = 0 : i64, scratch_operands = 14 : i64, tpu.core_type = #tpu.core_type<sc_vector_subcore>, window_params = [{transform_indices = #map}, {transform_indices = #map1}, {transform_indices = #map1}, {transform_indices = #map1}]} {
    %mul3A = arith.constant 16 : i32
    %mul3A_0 = arith.muli %arg0, %mul3A : i32
    %add3A = arith.addi %mul3A_0, %arg1 : i32
    %mul3A_1 = arith.constant 632 : i32
    %mul3A_2 = arith.muli %arg1, %mul3A_1 : i32
    "tpu.region"() ({
      %run_scoped3A = tpu.sem_alloc : memref<!tpu.dma_semaphore, #tpu.memory_space<semaphore_mem>>
      %dma_start3A_152 = arith.constant 0 : i32
      %dma_start3A_153 = tpu.memref_slice %arg9[%mul3A_2, %dma_start3A_152] : memref<10112x128xf32, #tpu.memory_space<vmem_shared>> -> memref<632x128xf32, #tpu.memory_space<vmem_shared>>
      %dma_start3A_154 = arith.constant 0 : i32
      %dma_start3A_155 = tpu.memref_slice %arg2[%mul3A_2, %dma_start3A_154] : memref<10112x128xf32, #tpu.memory_space<hbm>> -> memref<632x128xf32, #tpu.memory_space<hbm>>
      tpu.enqueue_dma source(%dma_start3A_155 : memref<632x128xf32, #tpu.memory_space<hbm>>) target(%dma_start3A_153 : memref<632x128xf32, #tpu.memory_space<vmem_shared>>) target_semaphore(%run_scoped3A : memref<!tpu.dma_semaphore, #tpu.memory_space<semaphore_mem>>)
      %dma_wait3A_156 = arith.constant 0 : i32
      %dma_wait3A_157 = tpu.memref_slice %arg9[%mul3A_2, %dma_wait3A_156] : memref<10112x128xf32, #tpu.memory_space<vmem_shared>> -> memref<632x128xf32, #tpu.memory_space<vmem_shared>>
      %dma_wait3A_158 = arith.constant 0 : i32
      %dma_wait3A_159 = tpu.memref_slice %arg2[%mul3A_2, %dma_wait3A_158] : memref<10112x128xf32, #tpu.memory_space<hbm>> -> memref<632x128xf32, #tpu.memory_space<hbm>>
      tpu.wait_dma2 semaphore(%run_scoped3A : memref<!tpu.dma_semaphore, #tpu.memory_space<semaphore_mem>>) src(%dma_wait3A_159 : memref<632x128xf32, #tpu.memory_space<hbm>>) dst(%dma_wait3A_157 : memref<632x128xf32, #tpu.memory_space<vmem_shared>>)
      tpu.yield
    }) : () -> ()
    %dma_start3A = arith.constant 0 : i32
    %dma_start3A_3 = arith.constant 0 : i32
    %dma_start3A_4 = arith.constant 0 : i32
    %dma_start3A_5 = tpu.memref_slice %arg6[%dma_start3A, %dma_start3A_3, %dma_start3A_4] : memref<2x16x64xi32, #tpu.memory_space<vmem>> -> memref<1x16x64xi32, #tpu.memory_space<vmem>>
    %dma_start3A_6 = tpu.memref_squeeze %dma_start3A_5 : memref<1x16x64xi32, #tpu.memory_space<vmem>> -> memref<16x64xi32, #tpu.memory_space<vmem>>
    %dma_start3A_7 = arith.constant 0 : i32
    %dma_start3A_8 = arith.constant 0 : i32
    %dma_start3A_9 = tpu.memref_slice %arg3[%add3A, %dma_start3A_7, %dma_start3A_8] : memref<32x176x64xi32, #tpu.memory_space<hbm>> -> memref<1x16x64xi32, #tpu.memory_space<hbm>>
    %dma_start3A_10 = tpu.memref_squeeze %dma_start3A_9 : memref<1x16x64xi32, #tpu.memory_space<hbm>> -> memref<16x64xi32, #tpu.memory_space<hbm>>
    %dma_start3A_11 = arith.constant 0 : i32
    %dma_start3A_12 = arith.constant 0 : i32
    %dma_start3A_13 = tpu.memref_slice %arg6[%dma_start3A, %dma_start3A_11, %dma_start3A_12] : memref<2x16x64xi32, #tpu.memory_space<vmem>> -> memref<1x16x64xi32, #tpu.memory_space<vmem>>
    %dma_start3A_14 = tpu.memref_squeeze %dma_start3A_13 : memref<1x16x64xi32, #tpu.memory_space<vmem>> -> memref<16x64xi32, #tpu.memory_space<vmem>>
    %dma_start3A_15 = arith.constant 0 : i32
    %dma_start3A_16 = arith.constant 0 : i32
    %dma_start3A_17 = tpu.memref_slice %arg3[%add3A, %dma_start3A_15, %dma_start3A_16] : memref<32x176x64xi32, #tpu.memory_space<hbm>> -> memref<1x16x64xi32, #tpu.memory_space<hbm>>
    %dma_start3A_18 = tpu.memref_squeeze %dma_start3A_17 : memref<1x16x64xi32, #tpu.memory_space<hbm>> -> memref<16x64xi32, #tpu.memory_space<hbm>>
    tpu.enqueue_dma source(%dma_start3A_18 : memref<16x64xi32, #tpu.memory_space<hbm>>) target(%dma_start3A_14 : memref<16x64xi32, #tpu.memory_space<vmem>>) target_semaphore(%arg18 : memref<!tpu.dma_semaphore, #tpu.memory_space<semaphore_mem>>)
    %dma_start3A_19 = arith.constant 0 : i32
    %dma_start3A_20 = arith.constant 0 : i32
    %dma_start3A_21 = arith.constant 0 : i32
    %dma_start3A_22 = tpu.memref_slice %arg7[%dma_start3A_19, %dma_start3A_20, %dma_start3A_21] : memref<2x16x64xi32, #tpu.memory_space<vmem>> -> memref<1x16x64xi32, #tpu.memory_space<vmem>>
    %dma_start3A_23 = tpu.memref_squeeze %dma_start3A_22 : memref<1x16x64xi32, #tpu.memory_space<vmem>> -> memref<16x64xi32, #tpu.memory_space<vmem>>
    %dma_start3A_24 = arith.constant 0 : i32
    %dma_start3A_25 = arith.constant 0 : i32
    %dma_start3A_26 = tpu.memref_slice %arg4[%add3A, %dma_start3A_24, %dma_start3A_25] : memref<32x176x64xi32, #tpu.memory_space<hbm>> -> memref<1x16x64xi32, #tpu.memory_space<hbm>>
    %dma_start3A_27 = tpu.memref_squeeze %dma_start3A_26 : memref<1x16x64xi32, #tpu.memory_space<hbm>> -> memref<16x64xi32, #tpu.memory_space<hbm>>
    %dma_start3A_28 = arith.constant 0 : i32
    %dma_start3A_29 = arith.constant 0 : i32
    %dma_start3A_30 = tpu.memref_slice %arg7[%dma_start3A_19, %dma_start3A_28, %dma_start3A_29] : memref<2x16x64xi32, #tpu.memory_space<vmem>> -> memref<1x16x64xi32, #tpu.memory_space<vmem>>
    %dma_start3A_31 = tpu.memref_squeeze %dma_start3A_30 : memref<1x16x64xi32, #tpu.memory_space<vmem>> -> memref<16x64xi32, #tpu.memory_space<vmem>>
    %dma_start3A_32 = arith.constant 0 : i32
    %dma_start3A_33 = arith.constant 0 : i32
    %dma_start3A_34 = tpu.memref_slice %arg4[%add3A, %dma_start3A_32, %dma_start3A_33] : memref<32x176x64xi32, #tpu.memory_space<hbm>> -> memref<1x16x64xi32, #tpu.memory_space<hbm>>
    %dma_start3A_35 = tpu.memref_squeeze %dma_start3A_34 : memref<1x16x64xi32, #tpu.memory_space<hbm>> -> memref<16x64xi32, #tpu.memory_space<hbm>>
    tpu.enqueue_dma source(%dma_start3A_35 : memref<16x64xi32, #tpu.memory_space<hbm>>) target(%dma_start3A_31 : memref<16x64xi32, #tpu.memory_space<vmem>>) target_semaphore(%arg18 : memref<!tpu.dma_semaphore, #tpu.memory_space<semaphore_mem>>)
    %barrier3A = arith.constant 0 : index
    tpu.barrier barrier_id(%barrier3A)
    %dma_wait3A = arith.constant 0 : i32
    %dma_wait3A_36 = arith.constant 0 : i32
    %dma_wait3A_37 = arith.constant 0 : i32
    %dma_wait3A_38 = tpu.memref_slice %arg6[%dma_wait3A, %dma_wait3A_36, %dma_wait3A_37] : memref<2x16x64xi32, #tpu.memory_space<vmem>> -> memref<1x16x64xi32, #tpu.memory_space<vmem>>
    %dma_wait3A_39 = tpu.memref_squeeze %dma_wait3A_38 : memref<1x16x64xi32, #tpu.memory_space<vmem>> -> memref<16x64xi32, #tpu.memory_space<vmem>>
    %dma_wait3A_40 = arith.constant 0 : i32
    %dma_wait3A_41 = arith.constant 0 : i32
    %dma_wait3A_42 = tpu.memref_slice %arg3[%add3A, %dma_wait3A_40, %dma_wait3A_41] : memref<32x176x64xi32, #tpu.memory_space<hbm>> -> memref<1x16x64xi32, #tpu.memory_space<hbm>>
    %dma_wait3A_43 = tpu.memref_squeeze %dma_wait3A_42 : memref<1x16x64xi32, #tpu.memory_space<hbm>> -> memref<16x64xi32, #tpu.memory_space<hbm>>
    %dma_wait3A_44 = arith.constant 0 : i32
    %dma_wait3A_45 = arith.constant 0 : i32
    %dma_wait3A_46 = tpu.memref_slice %arg6[%dma_wait3A, %dma_wait3A_44, %dma_wait3A_45] : memref<2x16x64xi32, #tpu.memory_space<vmem>> -> memref<1x16x64xi32, #tpu.memory_space<vmem>>
    %dma_wait3A_47 = tpu.memref_squeeze %dma_wait3A_46 : memref<1x16x64xi32, #tpu.memory_space<vmem>> -> memref<16x64xi32, #tpu.memory_space<vmem>>
    %dma_wait3A_48 = arith.constant 0 : i32
    %dma_wait3A_49 = arith.constant 0 : i32
    %dma_wait3A_50 = tpu.memref_slice %arg3[%add3A, %dma_wait3A_48, %dma_wait3A_49] : memref<32x176x64xi32, #tpu.memory_space<hbm>> -> memref<1x16x64xi32, #tpu.memory_space<hbm>>
    %dma_wait3A_51 = tpu.memref_squeeze %dma_wait3A_50 : memref<1x16x64xi32, #tpu.memory_space<hbm>> -> memref<16x64xi32, #tpu.memory_space<hbm>>
    tpu.wait_dma2 semaphore(%arg18 : memref<!tpu.dma_semaphore, #tpu.memory_space<semaphore_mem>>) src(%dma_wait3A_51 : memref<16x64xi32, #tpu.memory_space<hbm>>) dst(%dma_wait3A_47 : memref<16x64xi32, #tpu.memory_space<vmem>>)
    %dma_wait3A_52 = arith.constant 0 : i32
    %dma_wait3A_53 = arith.constant 0 : i32
    %dma_wait3A_54 = arith.constant 0 : i32
    %dma_wait3A_55 = tpu.memref_slice %arg7[%dma_wait3A_52, %dma_wait3A_53, %dma_wait3A_54] : memref<2x16x64xi32, #tpu.memory_space<vmem>> -> memref<1x16x64xi32, #tpu.memory_space<vmem>>
    %dma_wait3A_56 = tpu.memref_squeeze %dma_wait3A_55 : memref<1x16x64xi32, #tpu.memory_space<vmem>> -> memref<16x64xi32, #tpu.memory_space<vmem>>
    %dma_wait3A_57 = arith.constant 0 : i32
    %dma_wait3A_58 = arith.constant 0 : i32
    %dma_wait3A_59 = tpu.memref_slice %arg4[%add3A, %dma_wait3A_57, %dma_wait3A_58] : memref<32x176x64xi32, #tpu.memory_space<hbm>> -> memref<1x16x64xi32, #tpu.memory_space<hbm>>
    %dma_wait3A_60 = tpu.memref_squeeze %dma_wait3A_59 : memref<1x16x64xi32, #tpu.memory_space<hbm>> -> memref<16x64xi32, #tpu.memory_space<hbm>>
    %dma_wait3A_61 = arith.constant 0 : i32
    %dma_wait3A_62 = arith.constant 0 : i32
    %dma_wait3A_63 = tpu.memref_slice %arg7[%dma_wait3A_52, %dma_wait3A_61, %dma_wait3A_62] : memref<2x16x64xi32, #tpu.memory_space<vmem>> -> memref<1x16x64xi32, #tpu.memory_space<vmem>>
    %dma_wait3A_64 = tpu.memref_squeeze %dma_wait3A_63 : memref<1x16x64xi32, #tpu.memory_space<vmem>> -> memref<16x64xi32, #tpu.memory_space<vmem>>
    %dma_wait3A_65 = arith.constant 0 : i32
    %dma_wait3A_66 = arith.constant 0 : i32
    %dma_wait3A_67 = tpu.memref_slice %arg4[%add3A, %dma_wait3A_65, %dma_wait3A_66] : memref<32x176x64xi32, #tpu.memory_space<hbm>> -> memref<1x16x64xi32, #tpu.memory_space<hbm>>
    %dma_wait3A_68 = tpu.memref_squeeze %dma_wait3A_67 : memref<1x16x64xi32, #tpu.memory_space<hbm>> -> memref<16x64xi32, #tpu.memory_space<hbm>>
    tpu.wait_dma2 semaphore(%arg18 : memref<!tpu.dma_semaphore, #tpu.memory_space<semaphore_mem>>) src(%dma_wait3A_68 : memref<16x64xi32, #tpu.memory_space<hbm>>) dst(%dma_wait3A_64 : memref<16x64xi32, #tpu.memory_space<vmem>>)
    %dma_start3A_69 = arith.constant 0 : i32
    %dma_start3A_70 = arith.constant 0 : i32
    %dma_start3A_71 = arith.constant 0 : i32
    %dma_start3A_72 = arith.constant 0 : i32
    %dma_start3A_73 = arith.constant 0 : i32
    %dma_start3A_74 = tpu.memref_slice %arg8[%dma_start3A_71, %dma_start3A_72, %dma_start3A_73] : memref<4x64x128xf32, #tpu.memory_space<vmem>> -> memref<1x64x128xf32, #tpu.memory_space<vmem>>
    %dma_start3A_75 = tpu.memref_squeeze %dma_start3A_74 : memref<1x64x128xf32, #tpu.memory_space<vmem>> -> memref<64x128xf32, #tpu.memory_space<vmem>>
    %dma_start3A_76 = arith.constant 0 : i32
    %dma_start3A_77 = tpu.memref_slice %arg6[%dma_start3A_69, %dma_start3A_70, %dma_start3A_76] : memref<2x16x64xi32, #tpu.memory_space<vmem>> -> memref<1x1x64xi32, #tpu.memory_space<vmem>>
    %dma_start3A_78 = tpu.memref_squeeze %dma_start3A_77 : memref<1x1x64xi32, #tpu.memory_space<vmem>> -> memref<64xi32, #tpu.memory_space<vmem>>
    %dma_start3A_79 = arith.constant 0 : i32
    %dma_start3A_80 = arith.constant 0 : i32
    %dma_start3A_81 = tpu.memref_slice %arg2[%dma_start3A_79, %dma_start3A_80] : memref<10112x128xf32, #tpu.memory_space<hbm>> -> memref<10112x128xf32, #tpu.memory_space<hbm>>
    tpu.enqueue_indirect_dma source(%dma_start3A_81 : memref<10112x128xf32, #tpu.memory_space<hbm>>) target(%dma_start3A_75 : memref<64x128xf32, #tpu.memory_space<vmem>>) offsets(%dma_start3A_78 : memref<64xi32, #tpu.memory_space<vmem>>) semaphore(%arg10 : memref<!tpu.dma_semaphore, #tpu.memory_space<semaphore_mem>>)
    %dma_start3A_82 = arith.constant 0 : i32
    %dma_start3A_83 = arith.constant 1 : i32
    %dma_start3A_84 = arith.constant 1 : i32
    %dma_start3A_85 = arith.constant 0 : i32
    %dma_start3A_86 = arith.constant 0 : i32
    %dma_start3A_87 = tpu.memref_slice %arg8[%dma_start3A_84, %dma_start3A_85, %dma_start3A_86] : memref<4x64x128xf32, #tpu.memory_space<vmem>> -> memref<1x64x128xf32, #tpu.memory_space<vmem>>
    %dma_start3A_88 = tpu.memref_squeeze %dma_start3A_87 : memref<1x64x128xf32, #tpu.memory_space<vmem>> -> memref<64x128xf32, #tpu.memory_space<vmem>>
    %dma_start3A_89 = arith.constant 0 : i32
    %dma_start3A_90 = tpu.memref_slice %arg6[%dma_start3A_82, %dma_start3A_83, %dma_start3A_89] : memref<2x16x64xi32, #tpu.memory_space<vmem>> -> memref<1x1x64xi32, #tpu.memory_space<vmem>>
    %dma_start3A_91 = tpu.memref_squeeze %dma_start3A_90 : memref<1x1x64xi32, #tpu.memory_space<vmem>> -> memref<64xi32, #tpu.memory_space<vmem>>
    %dma_start3A_92 = arith.constant 0 : i32
    %dma_start3A_93 = arith.constant 0 : i32
    %dma_start3A_94 = tpu.memref_slice %arg2[%dma_start3A_92, %dma_start3A_93] : memref<10112x128xf32, #tpu.memory_space<hbm>> -> memref<10112x128xf32, #tpu.memory_space<hbm>>
    tpu.enqueue_indirect_dma source(%dma_start3A_94 : memref<10112x128xf32, #tpu.memory_space<hbm>>) target(%dma_start3A_88 : memref<64x128xf32, #tpu.memory_space<vmem>>) offsets(%dma_start3A_91 : memref<64xi32, #tpu.memory_space<vmem>>) semaphore(%arg11 : memref<!tpu.dma_semaphore, #tpu.memory_space<semaphore_mem>>)
    %scan3A = arith.constant 0 : i32
    %scan3A_95 = arith.constant 5 : i32
    %scan3A_96 = arith.addi %scan3A, %scan3A_95 : i32
    %scan3A_97 = arith.constant 1 : i32
    scf.for %scan3A_152 = %scan3A to %scan3A_96 step %scan3A_97  : i32 {
      %mul3A_153 = arith.constant 1 : i32
      %mul3A_154 = arith.muli %scan3A_152, %mul3A_153 : i32
      %add3A_155 = arith.constant 0 : i32
      %add3A_156 = arith.addi %add3A_155, %mul3A_154 : i32
      %mul3A_157 = arith.constant 2 : i32
      %mul3A_158 = arith.muli %add3A_156, %mul3A_157 : i32
      %add3A_159 = arith.constant 0 : i32
      %add3A_160 = arith.addi %mul3A_158, %add3A_159 : i32
      %scan3A_161 = arith.constant 0 : i32
      %scan3A_162 = arith.constant 4 : i32
      %scan3A_163 = arith.addi %scan3A_161, %scan3A_162 : i32
      %scan3A_164 = arith.constant 1 : i32
      scf.for %scan3A_175 = %scan3A_161 to %scan3A_163 step %scan3A_164  : i32 {
        %mul3A_176 = arith.constant 1 : i32
        %mul3A_177 = arith.muli %scan3A_175, %mul3A_176 : i32
        %add3A_178 = arith.constant 0 : i32
        %add3A_179 = arith.addi %add3A_178, %mul3A_177 : i32
        %mul3A_180 = arith.constant 4 : i32
        %mul3A_181 = arith.muli %add3A_179, %mul3A_180 : i32
        %add3A_182 = arith.constant 0 : i32
        %add3A_183 = arith.addi %mul3A_181, %add3A_182 : i32
        %dma_wait3A_184 = arith.constant 0 : i32
        %dma_wait3A_185 = arith.constant 0 : i32
        %dma_wait3A_186 = arith.constant 0 : i32
        %dma_wait3A_187 = arith.constant 0 : i32
        %dma_wait3A_188 = tpu.memref_slice %arg8[%dma_wait3A_185, %dma_wait3A_186, %dma_wait3A_187] : memref<4x64x128xf32, #tpu.memory_space<vmem>> -> memref<1x64x128xf32, #tpu.memory_space<vmem>>
        %dma_wait3A_189 = tpu.memref_squeeze %dma_wait3A_188 : memref<1x64x128xf32, #tpu.memory_space<vmem>> -> memref<64x128xf32, #tpu.memory_space<vmem>>
        %dma_wait3A_190 = arith.constant 0 : i32
        %dma_wait3A_191 = tpu.memref_slice %arg6[%dma_wait3A_184, %add3A_183, %dma_wait3A_190] : memref<2x16x64xi32, #tpu.memory_space<vmem>> -> memref<1x1x64xi32, #tpu.memory_space<vmem>>
        %dma_wait3A_192 = tpu.memref_squeeze %dma_wait3A_191 : memref<1x1x64xi32, #tpu.memory_space<vmem>> -> memref<64xi32, #tpu.memory_space<vmem>>
        %dma_wait3A_193 = arith.constant 0 : i32
        %dma_wait3A_194 = arith.constant 0 : i32
        %dma_wait3A_195 = tpu.memref_slice %arg2[%dma_wait3A_193, %dma_wait3A_194] : memref<10112x128xf32, #tpu.memory_space<hbm>> -> memref<10112x128xf32, #tpu.memory_space<hbm>>
        tpu.wait_indirect_dma semaphore(%arg10 : memref<!tpu.dma_semaphore, #tpu.memory_space<semaphore_mem>>) src(%dma_wait3A_195 : memref<10112x128xf32, #tpu.memory_space<hbm>>) dst(%dma_wait3A_189 : memref<64x128xf32, #tpu.memory_space<vmem>>)
        %dma_start3A_196 = arith.constant 0 : i32
        %dma_start3A_197 = arith.constant 0 : i32
        %dma_start3A_198 = arith.constant 0 : i32
        %dma_start3A_199 = arith.constant 0 : i32
        %dma_start3A_200 = tpu.memref_slice %arg8[%dma_start3A_196, %dma_start3A_198, %dma_start3A_199] : memref<4x64x128xf32, #tpu.memory_space<vmem>> -> memref<1x64x128xf32, #tpu.memory_space<vmem>>
        %dma_start3A_201 = tpu.memref_squeeze %dma_start3A_200 : memref<1x64x128xf32, #tpu.memory_space<vmem>> -> memref<64x128xf32, #tpu.memory_space<vmem>>
        %dma_start3A_202 = arith.constant 0 : i32
        %dma_start3A_203 = tpu.memref_slice %arg7[%dma_start3A_197, %add3A_183, %dma_start3A_202] : memref<2x16x64xi32, #tpu.memory_space<vmem>> -> memref<1x1x64xi32, #tpu.memory_space<vmem>>
        %dma_start3A_204 = tpu.memref_squeeze %dma_start3A_203 : memref<1x1x64xi32, #tpu.memory_space<vmem>> -> memref<64xi32, #tpu.memory_space<vmem>>
        %dma_start3A_205 = arith.constant 0 : i32
        %dma_start3A_206 = arith.constant 0 : i32
        %dma_start3A_207 = tpu.memref_slice %arg9[%dma_start3A_205, %dma_start3A_206] : memref<10112x128xf32, #tpu.memory_space<vmem_shared>> -> memref<10112x128xf32, #tpu.memory_space<vmem_shared>>
        tpu.enqueue_indirect_dma source(%dma_start3A_201 : memref<64x128xf32, #tpu.memory_space<vmem>>) target(%dma_start3A_207 : memref<10112x128xf32, #tpu.memory_space<vmem_shared>>) offsets(%dma_start3A_204 : memref<64xi32, #tpu.memory_space<vmem>>) semaphore(%arg14 : memref<!tpu.dma_semaphore, #tpu.memory_space<semaphore_mem>>) {add = true}
        %gt3A = arith.constant 0 : i32
        %gt3A_208 = arith.cmpi sgt, %add3A_179, %gt3A : i32
        %convert_element_type3A = arith.extui %gt3A_208 : i1 to i32
        %cond3A = arith.constant 0 : i32
        %cond3A_209 = arith.cmpi ne, %convert_element_type3A, %cond3A : i32
        scf.if %cond3A_209 {
          %sub3A_397 = arith.constant 2 : i32
          %sub3A_398 = arith.subi %add3A_183, %sub3A_397 : i32
          %dma_wait3A_399 = arith.constant 2 : i32
          %dma_wait3A_400 = arith.constant 0 : i32
          %dma_wait3A_401 = arith.constant 0 : i32
          %dma_wait3A_402 = arith.constant 0 : i32
          %dma_wait3A_403 = tpu.memref_slice %arg8[%dma_wait3A_399, %dma_wait3A_401, %dma_wait3A_402] : memref<4x64x128xf32, #tpu.memory_space<vmem>> -> memref<1x64x128xf32, #tpu.memory_space<vmem>>
          %dma_wait3A_404 = tpu.memref_squeeze %dma_wait3A_403 : memref<1x64x128xf32, #tpu.memory_space<vmem>> -> memref<64x128xf32, #tpu.memory_space<vmem>>
          %dma_wait3A_405 = arith.constant 0 : i32
          %dma_wait3A_406 = tpu.memref_slice %arg7[%dma_wait3A_400, %sub3A_398, %dma_wait3A_405] : memref<2x16x64xi32, #tpu.memory_space<vmem>> -> memref<1x1x64xi32, #tpu.memory_space<vmem>>
          %dma_wait3A_407 = tpu.memref_squeeze %dma_wait3A_406 : memref<1x1x64xi32, #tpu.memory_space<vmem>> -> memref<64xi32, #tpu.memory_space<vmem>>
          %dma_wait3A_408 = arith.constant 0 : i32
          %dma_wait3A_409 = arith.constant 0 : i32
          %dma_wait3A_410 = tpu.memref_slice %arg9[%dma_wait3A_408, %dma_wait3A_409] : memref<10112x128xf32, #tpu.memory_space<vmem_shared>> -> memref<10112x128xf32, #tpu.memory_space<vmem_shared>>
          tpu.wait_indirect_dma semaphore(%arg16 : memref<!tpu.dma_semaphore, #tpu.memory_space<semaphore_mem>>) src(%dma_wait3A_404 : memref<64x128xf32, #tpu.memory_space<vmem>>) dst(%dma_wait3A_410 : memref<10112x128xf32, #tpu.memory_space<vmem_shared>>)
        } else {
        }
        %eq3A = arith.constant 0 : i32
        %eq3A_210 = arith.cmpi eq, %add3A_179, %eq3A : i32
        %gt3A_211 = arith.constant 0 : i32
        %gt3A_212 = arith.cmpi sgt, %add3A_156, %gt3A_211 : i32
        %and3A = arith.andi %eq3A_210, %gt3A_212 : i1
        %convert_element_type3A_213 = arith.extui %and3A : i1 to i32
        %cond3A_214 = arith.constant 0 : i32
        %cond3A_215 = arith.cmpi ne, %convert_element_type3A_213, %cond3A_214 : i32
        scf.if %cond3A_215 {
          %dma_wait3A_397 = arith.constant 2 : i32
          %dma_wait3A_398 = arith.constant 1 : i32
          %dma_wait3A_399 = arith.constant 14 : i32
          %dma_wait3A_400 = arith.constant 0 : i32
          %dma_wait3A_401 = arith.constant 0 : i32
          %dma_wait3A_402 = tpu.memref_slice %arg8[%dma_wait3A_397, %dma_wait3A_400, %dma_wait3A_401] : memref<4x64x128xf32, #tpu.memory_space<vmem>> -> memref<1x64x128xf32, #tpu.memory_space<vmem>>
          %dma_wait3A_403 = tpu.memref_squeeze %dma_wait3A_402 : memref<1x64x128xf32, #tpu.memory_space<vmem>> -> memref<64x128xf32, #tpu.memory_space<vmem>>
          %dma_wait3A_404 = arith.constant 0 : i32
          %dma_wait3A_405 = tpu.memref_slice %arg7[%dma_wait3A_398, %dma_wait3A_399, %dma_wait3A_404] : memref<2x16x64xi32, #tpu.memory_space<vmem>> -> memref<1x1x64xi32, #tpu.memory_space<vmem>>
          %dma_wait3A_406 = tpu.memref_squeeze %dma_wait3A_405 : memref<1x1x64xi32, #tpu.memory_space<vmem>> -> memref<64xi32, #tpu.memory_space<vmem>>
          %dma_wait3A_407 = arith.constant 0 : i32
          %dma_wait3A_408 = arith.constant 0 : i32
          %dma_wait3A_409 = tpu.memref_slice %arg9[%dma_wait3A_407, %dma_wait3A_408] : memref<10112x128xf32, #tpu.memory_space<vmem_shared>> -> memref<10112x128xf32, #tpu.memory_space<vmem_shared>>
          tpu.wait_indirect_dma semaphore(%arg16 : memref<!tpu.dma_semaphore, #tpu.memory_space<semaphore_mem>>) src(%dma_wait3A_403 : memref<64x128xf32, #tpu.memory_space<vmem>>) dst(%dma_wait3A_409 : memref<10112x128xf32, #tpu.memory_space<vmem_shared>>)
        } else {
        }
        %add3A_216 = arith.constant 2 : i32
        %add3A_217 = arith.addi %add3A_183, %add3A_216 : i32
        %dma_start3A_218 = arith.constant 0 : i32
        %dma_start3A_219 = arith.constant 2 : i32
        %dma_start3A_220 = arith.constant 0 : i32
        %dma_start3A_221 = arith.constant 0 : i32
        %dma_start3A_222 = tpu.memref_slice %arg8[%dma_start3A_219, %dma_start3A_220, %dma_start3A_221] : memref<4x64x128xf32, #tpu.memory_space<vmem>> -> memref<1x64x128xf32, #tpu.memory_space<vmem>>
        %dma_start3A_223 = tpu.memref_squeeze %dma_start3A_222 : memref<1x64x128xf32, #tpu.memory_space<vmem>> -> memref<64x128xf32, #tpu.memory_space<vmem>>
        %dma_start3A_224 = arith.constant 0 : i32
        %dma_start3A_225 = tpu.memref_slice %arg6[%dma_start3A_218, %add3A_217, %dma_start3A_224] : memref<2x16x64xi32, #tpu.memory_space<vmem>> -> memref<1x1x64xi32, #tpu.memory_space<vmem>>
        %dma_start3A_226 = tpu.memref_squeeze %dma_start3A_225 : memref<1x1x64xi32, #tpu.memory_space<vmem>> -> memref<64xi32, #tpu.memory_space<vmem>>
        %dma_start3A_227 = arith.constant 0 : i32
        %dma_start3A_228 = arith.constant 0 : i32
        %dma_start3A_229 = tpu.memref_slice %arg2[%dma_start3A_227, %dma_start3A_228] : memref<10112x128xf32, #tpu.memory_space<hbm>> -> memref<10112x128xf32, #tpu.memory_space<hbm>>
        tpu.enqueue_indirect_dma source(%dma_start3A_229 : memref<10112x128xf32, #tpu.memory_space<hbm>>) target(%dma_start3A_223 : memref<64x128xf32, #tpu.memory_space<vmem>>) offsets(%dma_start3A_226 : memref<64xi32, #tpu.memory_space<vmem>>) semaphore(%arg12 : memref<!tpu.dma_semaphore, #tpu.memory_space<semaphore_mem>>)
        %mul3A_230 = arith.constant 4 : i32
        %mul3A_231 = arith.muli %add3A_179, %mul3A_230 : i32
        %add3A_232 = arith.constant 1 : i32
        %add3A_233 = arith.addi %mul3A_231, %add3A_232 : i32
        %dma_wait3A_234 = arith.constant 0 : i32
        %dma_wait3A_235 = arith.constant 1 : i32
        %dma_wait3A_236 = arith.constant 0 : i32
        %dma_wait3A_237 = arith.constant 0 : i32
        %dma_wait3A_238 = tpu.memref_slice %arg8[%dma_wait3A_235, %dma_wait3A_236, %dma_wait3A_237] : memref<4x64x128xf32, #tpu.memory_space<vmem>> -> memref<1x64x128xf32, #tpu.memory_space<vmem>>
        %dma_wait3A_239 = tpu.memref_squeeze %dma_wait3A_238 : memref<1x64x128xf32, #tpu.memory_space<vmem>> -> memref<64x128xf32, #tpu.memory_space<vmem>>
        %dma_wait3A_240 = arith.constant 0 : i32
        %dma_wait3A_241 = tpu.memref_slice %arg6[%dma_wait3A_234, %add3A_233, %dma_wait3A_240] : memref<2x16x64xi32, #tpu.memory_space<vmem>> -> memref<1x1x64xi32, #tpu.memory_space<vmem>>
        %dma_wait3A_242 = tpu.memref_squeeze %dma_wait3A_241 : memref<1x1x64xi32, #tpu.memory_space<vmem>> -> memref<64xi32, #tpu.memory_space<vmem>>
        %dma_wait3A_243 = arith.constant 0 : i32
        %dma_wait3A_244 = arith.constant 0 : i32
        %dma_wait3A_245 = tpu.memref_slice %arg2[%dma_wait3A_243, %dma_wait3A_244] : memref<10112x128xf32, #tpu.memory_space<hbm>> -> memref<10112x128xf32, #tpu.memory_space<hbm>>
        tpu.wait_indirect_dma semaphore(%arg11 : memref<!tpu.dma_semaphore, #tpu.memory_space<semaphore_mem>>) src(%dma_wait3A_245 : memref<10112x128xf32, #tpu.memory_space<hbm>>) dst(%dma_wait3A_239 : memref<64x128xf32, #tpu.memory_space<vmem>>)
        %dma_start3A_246 = arith.constant 1 : i32
        %dma_start3A_247 = arith.constant 0 : i32
        %dma_start3A_248 = arith.constant 0 : i32
        %dma_start3A_249 = arith.constant 0 : i32
        %dma_start3A_250 = tpu.memref_slice %arg8[%dma_start3A_246, %dma_start3A_248, %dma_start3A_249] : memref<4x64x128xf32, #tpu.memory_space<vmem>> -> memref<1x64x128xf32, #tpu.memory_space<vmem>>
        %dma_start3A_251 = tpu.memref_squeeze %dma_start3A_250 : memref<1x64x128xf32, #tpu.memory_space<vmem>> -> memref<64x128xf32, #tpu.memory_space<vmem>>
        %dma_start3A_252 = arith.constant 0 : i32
        %dma_start3A_253 = tpu.memref_slice %arg7[%dma_start3A_247, %add3A_233, %dma_start3A_252] : memref<2x16x64xi32, #tpu.memory_space<vmem>> -> memref<1x1x64xi32, #tpu.memory_space<vmem>>
        %dma_start3A_254 = tpu.memref_squeeze %dma_start3A_253 : memref<1x1x64xi32, #tpu.memory_space<vmem>> -> memref<64xi32, #tpu.memory_space<vmem>>
        %dma_start3A_255 = arith.constant 0 : i32
        %dma_start3A_256 = arith.constant 0 : i32
        %dma_start3A_257 = tpu.memref_slice %arg9[%dma_start3A_255, %dma_start3A_256] : memref<10112x128xf32, #tpu.memory_space<vmem_shared>> -> memref<10112x128xf32, #tpu.memory_space<vmem_shared>>
        tpu.enqueue_indirect_dma source(%dma_start3A_251 : memref<64x128xf32, #tpu.memory_space<vmem>>) target(%dma_start3A_257 : memref<10112x128xf32, #tpu.memory_space<vmem_shared>>) offsets(%dma_start3A_254 : memref<64xi32, #tpu.memory_space<vmem>>) semaphore(%arg15 : memref<!tpu.dma_semaphore, #tpu.memory_space<semaphore_mem>>) {add = true}
        %gt3A_258 = arith.constant 0 : i32
        %gt3A_259 = arith.cmpi sgt, %add3A_179, %gt3A_258 : i32
        %convert_element_type3A_260 = arith.extui %gt3A_259 : i1 to i32
        %cond3A_261 = arith.constant 0 : i32
        %cond3A_262 = arith.cmpi ne, %convert_element_type3A_260, %cond3A_261 : i32
        scf.if %cond3A_262 {
          %sub3A_397 = arith.constant 2 : i32
          %sub3A_398 = arith.subi %add3A_233, %sub3A_397 : i32
          %dma_wait3A_399 = arith.constant 3 : i32
          %dma_wait3A_400 = arith.constant 0 : i32
          %dma_wait3A_401 = arith.constant 0 : i32
          %dma_wait3A_402 = arith.constant 0 : i32
          %dma_wait3A_403 = tpu.memref_slice %arg8[%dma_wait3A_399, %dma_wait3A_401, %dma_wait3A_402] : memref<4x64x128xf32, #tpu.memory_space<vmem>> -> memref<1x64x128xf32, #tpu.memory_space<vmem>>
          %dma_wait3A_404 = tpu.memref_squeeze %dma_wait3A_403 : memref<1x64x128xf32, #tpu.memory_space<vmem>> -> memref<64x128xf32, #tpu.memory_space<vmem>>
          %dma_wait3A_405 = arith.constant 0 : i32
          %dma_wait3A_406 = tpu.memref_slice %arg7[%dma_wait3A_400, %sub3A_398, %dma_wait3A_405] : memref<2x16x64xi32, #tpu.memory_space<vmem>> -> memref<1x1x64xi32, #tpu.memory_space<vmem>>
          %dma_wait3A_407 = tpu.memref_squeeze %dma_wait3A_406 : memref<1x1x64xi32, #tpu.memory_space<vmem>> -> memref<64xi32, #tpu.memory_space<vmem>>
          %dma_wait3A_408 = arith.constant 0 : i32
          %dma_wait3A_409 = arith.constant 0 : i32
          %dma_wait3A_410 = tpu.memref_slice %arg9[%dma_wait3A_408, %dma_wait3A_409] : memref<10112x128xf32, #tpu.memory_space<vmem_shared>> -> memref<10112x128xf32, #tpu.memory_space<vmem_shared>>
          tpu.wait_indirect_dma semaphore(%arg17 : memref<!tpu.dma_semaphore, #tpu.memory_space<semaphore_mem>>) src(%dma_wait3A_404 : memref<64x128xf32, #tpu.memory_space<vmem>>) dst(%dma_wait3A_410 : memref<10112x128xf32, #tpu.memory_space<vmem_shared>>)
        } else {
        }
        %eq3A_263 = arith.constant 0 : i32
        %eq3A_264 = arith.cmpi eq, %add3A_179, %eq3A_263 : i32
        %gt3A_265 = arith.constant 0 : i32
        %gt3A_266 = arith.cmpi sgt, %add3A_156, %gt3A_265 : i32
        %and3A_267 = arith.andi %eq3A_264, %gt3A_266 : i1
        %convert_element_type3A_268 = arith.extui %and3A_267 : i1 to i32
        %cond3A_269 = arith.constant 0 : i32
        %cond3A_270 = arith.cmpi ne, %convert_element_type3A_268, %cond3A_269 : i32
        scf.if %cond3A_270 {
          %dma_wait3A_397 = arith.constant 3 : i32
          %dma_wait3A_398 = arith.constant 1 : i32
          %dma_wait3A_399 = arith.constant 15 : i32
          %dma_wait3A_400 = arith.constant 0 : i32
          %dma_wait3A_401 = arith.constant 0 : i32
          %dma_wait3A_402 = tpu.memref_slice %arg8[%dma_wait3A_397, %dma_wait3A_400, %dma_wait3A_401] : memref<4x64x128xf32, #tpu.memory_space<vmem>> -> memref<1x64x128xf32, #tpu.memory_space<vmem>>
          %dma_wait3A_403 = tpu.memref_squeeze %dma_wait3A_402 : memref<1x64x128xf32, #tpu.memory_space<vmem>> -> memref<64x128xf32, #tpu.memory_space<vmem>>
          %dma_wait3A_404 = arith.constant 0 : i32
          %dma_wait3A_405 = tpu.memref_slice %arg7[%dma_wait3A_398, %dma_wait3A_399, %dma_wait3A_404] : memref<2x16x64xi32, #tpu.memory_space<vmem>> -> memref<1x1x64xi32, #tpu.memory_space<vmem>>
          %dma_wait3A_406 = tpu.memref_squeeze %dma_wait3A_405 : memref<1x1x64xi32, #tpu.memory_space<vmem>> -> memref<64xi32, #tpu.memory_space<vmem>>
          %dma_wait3A_407 = arith.constant 0 : i32
          %dma_wait3A_408 = arith.constant 0 : i32
          %dma_wait3A_409 = tpu.memref_slice %arg9[%dma_wait3A_407, %dma_wait3A_408] : memref<10112x128xf32, #tpu.memory_space<vmem_shared>> -> memref<10112x128xf32, #tpu.memory_space<vmem_shared>>
          tpu.wait_indirect_dma semaphore(%arg17 : memref<!tpu.dma_semaphore, #tpu.memory_space<semaphore_mem>>) src(%dma_wait3A_403 : memref<64x128xf32, #tpu.memory_space<vmem>>) dst(%dma_wait3A_409 : memref<10112x128xf32, #tpu.memory_space<vmem_shared>>)
        } else {
        }
        %eq3A_271 = arith.constant 0 : i32
        %eq3A_272 = arith.cmpi eq, %add3A_179, %eq3A_271 : i32
        %convert_element_type3A_273 = arith.extui %eq3A_272 : i1 to i32
        %cond3A_274 = arith.constant 0 : i32
        %cond3A_275 = arith.cmpi ne, %convert_element_type3A_273, %cond3A_274 : i32
        scf.if %cond3A_275 {
          %add3A_397 = arith.constant 1 : i32
          %add3A_398 = arith.addi %add3A_160, %add3A_397 : i32
          %mul3A_399 = arith.constant 16 : i32
          %mul3A_400 = arith.muli %add3A_398, %mul3A_399 : i32
          %dma_start3A_401 = arith.constant 1 : i32
          %dma_start3A_402 = arith.constant 0 : i32
          %dma_start3A_403 = arith.constant 0 : i32
          %dma_start3A_404 = tpu.memref_slice %arg6[%dma_start3A_401, %dma_start3A_402, %dma_start3A_403] : memref<2x16x64xi32, #tpu.memory_space<vmem>> -> memref<1x16x64xi32, #tpu.memory_space<vmem>>
          %dma_start3A_405 = tpu.memref_squeeze %dma_start3A_404 : memref<1x16x64xi32, #tpu.memory_space<vmem>> -> memref<16x64xi32, #tpu.memory_space<vmem>>
          %dma_start3A_406 = arith.constant 0 : i32
          %dma_start3A_407 = tpu.memref_slice %arg3[%add3A, %mul3A_400, %dma_start3A_406] : memref<32x176x64xi32, #tpu.memory_space<hbm>> -> memref<1x16x64xi32, #tpu.memory_space<hbm>>
          %dma_start3A_408 = tpu.memref_squeeze %dma_start3A_407 : memref<1x16x64xi32, #tpu.memory_space<hbm>> -> memref<16x64xi32, #tpu.memory_space<hbm>>
          %dma_start3A_409 = arith.constant 0 : i32
          %dma_start3A_410 = arith.constant 0 : i32
          %dma_start3A_411 = tpu.memref_slice %arg6[%dma_start3A_401, %dma_start3A_409, %dma_start3A_410] : memref<2x16x64xi32, #tpu.memory_space<vmem>> -> memref<1x16x64xi32, #tpu.memory_space<vmem>>
          %dma_start3A_412 = tpu.memref_squeeze %dma_start3A_411 : memref<1x16x64xi32, #tpu.memory_space<vmem>> -> memref<16x64xi32, #tpu.memory_space<vmem>>
          %dma_start3A_413 = arith.constant 0 : i32
          %dma_start3A_414 = tpu.memref_slice %arg3[%add3A, %mul3A_400, %dma_start3A_413] : memref<32x176x64xi32, #tpu.memory_space<hbm>> -> memref<1x16x64xi32, #tpu.memory_space<hbm>>
          %dma_start3A_415 = tpu.memref_squeeze %dma_start3A_414 : memref<1x16x64xi32, #tpu.memory_space<hbm>> -> memref<16x64xi32, #tpu.memory_space<hbm>>
          tpu.enqueue_dma source(%dma_start3A_415 : memref<16x64xi32, #tpu.memory_space<hbm>>) target(%dma_start3A_412 : memref<16x64xi32, #tpu.memory_space<vmem>>) target_semaphore(%arg19 : memref<!tpu.dma_semaphore, #tpu.memory_space<semaphore_mem>>)
          %dma_start3A_416 = arith.constant 1 : i32
          %dma_start3A_417 = arith.constant 0 : i32
          %dma_start3A_418 = arith.constant 0 : i32
          %dma_start3A_419 = tpu.memref_slice %arg7[%dma_start3A_416, %dma_start3A_417, %dma_start3A_418] : memref<2x16x64xi32, #tpu.memory_space<vmem>> -> memref<1x16x64xi32, #tpu.memory_space<vmem>>
          %dma_start3A_420 = tpu.memref_squeeze %dma_start3A_419 : memref<1x16x64xi32, #tpu.memory_space<vmem>> -> memref<16x64xi32, #tpu.memory_space<vmem>>
          %dma_start3A_421 = arith.constant 0 : i32
          %dma_start3A_422 = tpu.memref_slice %arg4[%add3A, %mul3A_400, %dma_start3A_421] : memref<32x176x64xi32, #tpu.memory_space<hbm>> -> memref<1x16x64xi32, #tpu.memory_space<hbm>>
          %dma_start3A_423 = tpu.memref_squeeze %dma_start3A_422 : memref<1x16x64xi32, #tpu.memory_space<hbm>> -> memref<16x64xi32, #tpu.memory_space<hbm>>
          %dma_start3A_424 = arith.constant 0 : i32
          %dma_start3A_425 = arith.constant 0 : i32
          %dma_start3A_426 = tpu.memref_slice %arg7[%dma_start3A_416, %dma_start3A_424, %dma_start3A_425] : memref<2x16x64xi32, #tpu.memory_space<vmem>> -> memref<1x16x64xi32, #tpu.memory_space<vmem>>
          %dma_start3A_427 = tpu.memref_squeeze %dma_start3A_426 : memref<1x16x64xi32, #tpu.memory_space<vmem>> -> memref<16x64xi32, #tpu.memory_space<vmem>>
          %dma_start3A_428 = arith.constant 0 : i32
          %dma_start3A_429 = tpu.memref_slice %arg4[%add3A, %mul3A_400, %dma_start3A_428] : memref<32x176x64xi32, #tpu.memory_space<hbm>> -> memref<1x16x64xi32, #tpu.memory_space<hbm>>
          %dma_start3A_430 = tpu.memref_squeeze %dma_start3A_429 : memref<1x16x64xi32, #tpu.memory_space<hbm>> -> memref<16x64xi32, #tpu.memory_space<hbm>>
          tpu.enqueue_dma source(%dma_start3A_430 : memref<16x64xi32, #tpu.memory_space<hbm>>) target(%dma_start3A_427 : memref<16x64xi32, #tpu.memory_space<vmem>>) target_semaphore(%arg19 : memref<!tpu.dma_semaphore, #tpu.memory_space<semaphore_mem>>)
        } else {
        }
        %eq3A_276 = arith.constant 3 : i32
        %eq3A_277 = arith.cmpi eq, %add3A_179, %eq3A_276 : i32
        %convert_element_type3A_278 = arith.extui %eq3A_277 : i1 to i32
        %cond3A_279 = arith.constant 0 : i32
        %cond3A_280 = arith.cmpi ne, %convert_element_type3A_278, %cond3A_279 : i32
        scf.if %cond3A_280 {
          %add3A_397 = arith.constant 1 : i32
          %add3A_398 = arith.addi %add3A_160, %add3A_397 : i32
          %mul3A_399 = arith.constant 16 : i32
          %mul3A_400 = arith.muli %add3A_398, %mul3A_399 : i32
          %dma_wait3A_401 = arith.constant 1 : i32
          %dma_wait3A_402 = arith.constant 0 : i32
          %dma_wait3A_403 = arith.constant 0 : i32
          %dma_wait3A_404 = tpu.memref_slice %arg6[%dma_wait3A_401, %dma_wait3A_402, %dma_wait3A_403] : memref<2x16x64xi32, #tpu.memory_space<vmem>> -> memref<1x16x64xi32, #tpu.memory_space<vmem>>
          %dma_wait3A_405 = tpu.memref_squeeze %dma_wait3A_404 : memref<1x16x64xi32, #tpu.memory_space<vmem>> -> memref<16x64xi32, #tpu.memory_space<vmem>>
          %dma_wait3A_406 = arith.constant 0 : i32
          %dma_wait3A_407 = tpu.memref_slice %arg3[%add3A, %mul3A_400, %dma_wait3A_406] : memref<32x176x64xi32, #tpu.memory_space<hbm>> -> memref<1x16x64xi32, #tpu.memory_space<hbm>>
          %dma_wait3A_408 = tpu.memref_squeeze %dma_wait3A_407 : memref<1x16x64xi32, #tpu.memory_space<hbm>> -> memref<16x64xi32, #tpu.memory_space<hbm>>
          %dma_wait3A_409 = arith.constant 0 : i32
          %dma_wait3A_410 = arith.constant 0 : i32
          %dma_wait3A_411 = tpu.memref_slice %arg6[%dma_wait3A_401, %dma_wait3A_409, %dma_wait3A_410] : memref<2x16x64xi32, #tpu.memory_space<vmem>> -> memref<1x16x64xi32, #tpu.memory_space<vmem>>
          %dma_wait3A_412 = tpu.memref_squeeze %dma_wait3A_411 : memref<1x16x64xi32, #tpu.memory_space<vmem>> -> memref<16x64xi32, #tpu.memory_space<vmem>>
          %dma_wait3A_413 = arith.constant 0 : i32
          %dma_wait3A_414 = tpu.memref_slice %arg3[%add3A, %mul3A_400, %dma_wait3A_413] : memref<32x176x64xi32, #tpu.memory_space<hbm>> -> memref<1x16x64xi32, #tpu.memory_space<hbm>>
          %dma_wait3A_415 = tpu.memref_squeeze %dma_wait3A_414 : memref<1x16x64xi32, #tpu.memory_space<hbm>> -> memref<16x64xi32, #tpu.memory_space<hbm>>
          tpu.wait_dma2 semaphore(%arg19 : memref<!tpu.dma_semaphore, #tpu.memory_space<semaphore_mem>>) src(%dma_wait3A_415 : memref<16x64xi32, #tpu.memory_space<hbm>>) dst(%dma_wait3A_412 : memref<16x64xi32, #tpu.memory_space<vmem>>)
          %dma_wait3A_416 = arith.constant 1 : i32
          %dma_wait3A_417 = arith.constant 0 : i32
          %dma_wait3A_418 = arith.constant 0 : i32
          %dma_wait3A_419 = tpu.memref_slice %arg7[%dma_wait3A_416, %dma_wait3A_417, %dma_wait3A_418] : memref<2x16x64xi32, #tpu.memory_space<vmem>> -> memref<1x16x64xi32, #tpu.memory_space<vmem>>
          %dma_wait3A_420 = tpu.memref_squeeze %dma_wait3A_419 : memref<1x16x64xi32, #tpu.memory_space<vmem>> -> memref<16x64xi32, #tpu.memory_space<vmem>>
          %dma_wait3A_421 = arith.constant 0 : i32
          %dma_wait3A_422 = tpu.memref_slice %arg4[%add3A, %mul3A_400, %dma_wait3A_421] : memref<32x176x64xi32, #tpu.memory_space<hbm>> -> memref<1x16x64xi32, #tpu.memory_space<hbm>>
          %dma_wait3A_423 = tpu.memref_squeeze %dma_wait3A_422 : memref<1x16x64xi32, #tpu.memory_space<hbm>> -> memref<16x64xi32, #tpu.memory_space<hbm>>
          %dma_wait3A_424 = arith.constant 0 : i32
          %dma_wait3A_425 = arith.constant 0 : i32
          %dma_wait3A_426 = tpu.memref_slice %arg7[%dma_wait3A_416, %dma_wait3A_424, %dma_wait3A_425] : memref<2x16x64xi32, #tpu.memory_space<vmem>> -> memref<1x16x64xi32, #tpu.memory_space<vmem>>
          %dma_wait3A_427 = tpu.memref_squeeze %dma_wait3A_426 : memref<1x16x64xi32, #tpu.memory_space<vmem>> -> memref<16x64xi32, #tpu.memory_space<vmem>>
          %dma_wait3A_428 = arith.constant 0 : i32
          %dma_wait3A_429 = tpu.memref_slice %arg4[%add3A, %mul3A_400, %dma_wait3A_428] : memref<32x176x64xi32, #tpu.memory_space<hbm>> -> memref<1x16x64xi32, #tpu.memory_space<hbm>>
          %dma_wait3A_430 = tpu.memref_squeeze %dma_wait3A_429 : memref<1x16x64xi32, #tpu.memory_space<hbm>> -> memref<16x64xi32, #tpu.memory_space<hbm>>
          tpu.wait_dma2 semaphore(%arg19 : memref<!tpu.dma_semaphore, #tpu.memory_space<semaphore_mem>>) src(%dma_wait3A_430 : memref<16x64xi32, #tpu.memory_space<hbm>>) dst(%dma_wait3A_427 : memref<16x64xi32, #tpu.memory_space<vmem>>)
        } else {
        }
        %add3A_281 = arith.constant 2 : i32
        %add3A_282 = arith.addi %add3A_233, %add3A_281 : i32
        %dma_start3A_283 = arith.constant 0 : i32
        %dma_start3A_284 = arith.constant 3 : i32
        %dma_start3A_285 = arith.constant 0 : i32
        %dma_start3A_286 = arith.constant 0 : i32
        %dma_start3A_287 = tpu.memref_slice %arg8[%dma_start3A_284, %dma_start3A_285, %dma_start3A_286] : memref<4x64x128xf32, #tpu.memory_space<vmem>> -> memref<1x64x128xf32, #tpu.memory_space<vmem>>
        %dma_start3A_288 = tpu.memref_squeeze %dma_start3A_287 : memref<1x64x128xf32, #tpu.memory_space<vmem>> -> memref<64x128xf32, #tpu.memory_space<vmem>>
        %dma_start3A_289 = arith.constant 0 : i32
        %dma_start3A_290 = tpu.memref_slice %arg6[%dma_start3A_283, %add3A_282, %dma_start3A_289] : memref<2x16x64xi32, #tpu.memory_space<vmem>> -> memref<1x1x64xi32, #tpu.memory_space<vmem>>
        %dma_start3A_291 = tpu.memref_squeeze %dma_start3A_290 : memref<1x1x64xi32, #tpu.memory_space<vmem>> -> memref<64xi32, #tpu.memory_space<vmem>>
        %dma_start3A_292 = arith.constant 0 : i32
        %dma_start3A_293 = arith.constant 0 : i32
        %dma_start3A_294 = tpu.memref_slice %arg2[%dma_start3A_292, %dma_start3A_293] : memref<10112x128xf32, #tpu.memory_space<hbm>> -> memref<10112x128xf32, #tpu.memory_space<hbm>>
        tpu.enqueue_indirect_dma source(%dma_start3A_294 : memref<10112x128xf32, #tpu.memory_space<hbm>>) target(%dma_start3A_288 : memref<64x128xf32, #tpu.memory_space<vmem>>) offsets(%dma_start3A_291 : memref<64xi32, #tpu.memory_space<vmem>>) semaphore(%arg13 : memref<!tpu.dma_semaphore, #tpu.memory_space<semaphore_mem>>)
        %mul3A_295 = arith.constant 4 : i32
        %mul3A_296 = arith.muli %add3A_179, %mul3A_295 : i32
        %add3A_297 = arith.constant 2 : i32
        %add3A_298 = arith.addi %mul3A_296, %add3A_297 : i32
        %dma_wait3A_299 = arith.constant 0 : i32
        %dma_wait3A_300 = arith.constant 2 : i32
        %dma_wait3A_301 = arith.constant 0 : i32
        %dma_wait3A_302 = arith.constant 0 : i32
        %dma_wait3A_303 = tpu.memref_slice %arg8[%dma_wait3A_300, %dma_wait3A_301, %dma_wait3A_302] : memref<4x64x128xf32, #tpu.memory_space<vmem>> -> memref<1x64x128xf32, #tpu.memory_space<vmem>>
        %dma_wait3A_304 = tpu.memref_squeeze %dma_wait3A_303 : memref<1x64x128xf32, #tpu.memory_space<vmem>> -> memref<64x128xf32, #tpu.memory_space<vmem>>
        %dma_wait3A_305 = arith.constant 0 : i32
        %dma_wait3A_306 = tpu.memref_slice %arg6[%dma_wait3A_299, %add3A_298, %dma_wait3A_305] : memref<2x16x64xi32, #tpu.memory_space<vmem>> -> memref<1x1x64xi32, #tpu.memory_space<vmem>>
        %dma_wait3A_307 = tpu.memref_squeeze %dma_wait3A_306 : memref<1x1x64xi32, #tpu.memory_space<vmem>> -> memref<64xi32, #tpu.memory_space<vmem>>
        %dma_wait3A_308 = arith.constant 0 : i32
        %dma_wait3A_309 = arith.constant 0 : i32
        %dma_wait3A_310 = tpu.memref_slice %arg2[%dma_wait3A_308, %dma_wait3A_309] : memref<10112x128xf32, #tpu.memory_space<hbm>> -> memref<10112x128xf32, #tpu.memory_space<hbm>>
        tpu.wait_indirect_dma semaphore(%arg12 : memref<!tpu.dma_semaphore, #tpu.memory_space<semaphore_mem>>) src(%dma_wait3A_310 : memref<10112x128xf32, #tpu.memory_space<hbm>>) dst(%dma_wait3A_304 : memref<64x128xf32, #tpu.memory_space<vmem>>)
        %dma_start3A_311 = arith.constant 2 : i32
        %dma_start3A_312 = arith.constant 0 : i32
        %dma_start3A_313 = arith.constant 0 : i32
        %dma_start3A_314 = arith.constant 0 : i32
        %dma_start3A_315 = tpu.memref_slice %arg8[%dma_start3A_311, %dma_start3A_313, %dma_start3A_314] : memref<4x64x128xf32, #tpu.memory_space<vmem>> -> memref<1x64x128xf32, #tpu.memory_space<vmem>>
        %dma_start3A_316 = tpu.memref_squeeze %dma_start3A_315 : memref<1x64x128xf32, #tpu.memory_space<vmem>> -> memref<64x128xf32, #tpu.memory_space<vmem>>
        %dma_start3A_317 = arith.constant 0 : i32
        %dma_start3A_318 = tpu.memref_slice %arg7[%dma_start3A_312, %add3A_298, %dma_start3A_317] : memref<2x16x64xi32, #tpu.memory_space<vmem>> -> memref<1x1x64xi32, #tpu.memory_space<vmem>>
        %dma_start3A_319 = tpu.memref_squeeze %dma_start3A_318 : memref<1x1x64xi32, #tpu.memory_space<vmem>> -> memref<64xi32, #tpu.memory_space<vmem>>
        %dma_start3A_320 = arith.constant 0 : i32
        %dma_start3A_321 = arith.constant 0 : i32
        %dma_start3A_322 = tpu.memref_slice %arg9[%dma_start3A_320, %dma_start3A_321] : memref<10112x128xf32, #tpu.memory_space<vmem_shared>> -> memref<10112x128xf32, #tpu.memory_space<vmem_shared>>
        tpu.enqueue_indirect_dma source(%dma_start3A_316 : memref<64x128xf32, #tpu.memory_space<vmem>>) target(%dma_start3A_322 : memref<10112x128xf32, #tpu.memory_space<vmem_shared>>) offsets(%dma_start3A_319 : memref<64xi32, #tpu.memory_space<vmem>>) semaphore(%arg16 : memref<!tpu.dma_semaphore, #tpu.memory_space<semaphore_mem>>) {add = true}
        %sub3A = arith.constant 2 : i32
        %sub3A_323 = arith.subi %add3A_298, %sub3A : i32
        %dma_wait3A_324 = arith.constant 0 : i32
        %dma_wait3A_325 = arith.constant 0 : i32
        %dma_wait3A_326 = arith.constant 0 : i32
        %dma_wait3A_327 = arith.constant 0 : i32
        %dma_wait3A_328 = tpu.memref_slice %arg8[%dma_wait3A_324, %dma_wait3A_326, %dma_wait3A_327] : memref<4x64x128xf32, #tpu.memory_space<vmem>> -> memref<1x64x128xf32, #tpu.memory_space<vmem>>
        %dma_wait3A_329 = tpu.memref_squeeze %dma_wait3A_328 : memref<1x64x128xf32, #tpu.memory_space<vmem>> -> memref<64x128xf32, #tpu.memory_space<vmem>>
        %dma_wait3A_330 = arith.constant 0 : i32
        %dma_wait3A_331 = tpu.memref_slice %arg7[%dma_wait3A_325, %sub3A_323, %dma_wait3A_330] : memref<2x16x64xi32, #tpu.memory_space<vmem>> -> memref<1x1x64xi32, #tpu.memory_space<vmem>>
        %dma_wait3A_332 = tpu.memref_squeeze %dma_wait3A_331 : memref<1x1x64xi32, #tpu.memory_space<vmem>> -> memref<64xi32, #tpu.memory_space<vmem>>
        %dma_wait3A_333 = arith.constant 0 : i32
        %dma_wait3A_334 = arith.constant 0 : i32
        %dma_wait3A_335 = tpu.memref_slice %arg9[%dma_wait3A_333, %dma_wait3A_334] : memref<10112x128xf32, #tpu.memory_space<vmem_shared>> -> memref<10112x128xf32, #tpu.memory_space<vmem_shared>>
        tpu.wait_indirect_dma semaphore(%arg14 : memref<!tpu.dma_semaphore, #tpu.memory_space<semaphore_mem>>) src(%dma_wait3A_329 : memref<64x128xf32, #tpu.memory_space<vmem>>) dst(%dma_wait3A_335 : memref<10112x128xf32, #tpu.memory_space<vmem_shared>>)
        %lt3A = arith.constant 3 : i32
        %lt3A_336 = arith.cmpi slt, %add3A_179, %lt3A : i32
        %convert_element_type3A_337 = arith.extui %lt3A_336 : i1 to i32
        %cond3A_338 = arith.constant 0 : i32
        %cond3A_339 = arith.cmpi ne, %convert_element_type3A_337, %cond3A_338 : i32
        scf.if %cond3A_339 {
          %add3A_397 = arith.constant 2 : i32
          %add3A_398 = arith.addi %add3A_298, %add3A_397 : i32
          %dma_start3A_399 = arith.constant 0 : i32
          %dma_start3A_400 = arith.constant 0 : i32
          %dma_start3A_401 = arith.constant 0 : i32
          %dma_start3A_402 = arith.constant 0 : i32
          %dma_start3A_403 = tpu.memref_slice %arg8[%dma_start3A_400, %dma_start3A_401, %dma_start3A_402] : memref<4x64x128xf32, #tpu.memory_space<vmem>> -> memref<1x64x128xf32, #tpu.memory_space<vmem>>
          %dma_start3A_404 = tpu.memref_squeeze %dma_start3A_403 : memref<1x64x128xf32, #tpu.memory_space<vmem>> -> memref<64x128xf32, #tpu.memory_space<vmem>>
          %dma_start3A_405 = arith.constant 0 : i32
          %dma_start3A_406 = tpu.memref_slice %arg6[%dma_start3A_399, %add3A_398, %dma_start3A_405] : memref<2x16x64xi32, #tpu.memory_space<vmem>> -> memref<1x1x64xi32, #tpu.memory_space<vmem>>
          %dma_start3A_407 = tpu.memref_squeeze %dma_start3A_406 : memref<1x1x64xi32, #tpu.memory_space<vmem>> -> memref<64xi32, #tpu.memory_space<vmem>>
          %dma_start3A_408 = arith.constant 0 : i32
          %dma_start3A_409 = arith.constant 0 : i32
          %dma_start3A_410 = tpu.memref_slice %arg2[%dma_start3A_408, %dma_start3A_409] : memref<10112x128xf32, #tpu.memory_space<hbm>> -> memref<10112x128xf32, #tpu.memory_space<hbm>>
          tpu.enqueue_indirect_dma source(%dma_start3A_410 : memref<10112x128xf32, #tpu.memory_space<hbm>>) target(%dma_start3A_404 : memref<64x128xf32, #tpu.memory_space<vmem>>) offsets(%dma_start3A_407 : memref<64xi32, #tpu.memory_space<vmem>>) semaphore(%arg10 : memref<!tpu.dma_semaphore, #tpu.memory_space<semaphore_mem>>)
        } else {
        }
        %eq3A_340 = arith.constant 3 : i32
        %eq3A_341 = arith.cmpi eq, %add3A_179, %eq3A_340 : i32
        %convert_element_type3A_342 = arith.extui %eq3A_341 : i1 to i32
        %cond3A_343 = arith.constant 0 : i32
        %cond3A_344 = arith.cmpi ne, %convert_element_type3A_342, %cond3A_343 : i32
        scf.if %cond3A_344 {
          %dma_start3A_397 = arith.constant 1 : i32
          %dma_start3A_398 = arith.constant 0 : i32
          %dma_start3A_399 = arith.constant 0 : i32
          %dma_start3A_400 = arith.constant 0 : i32
          %dma_start3A_401 = arith.constant 0 : i32
          %dma_start3A_402 = tpu.memref_slice %arg8[%dma_start3A_399, %dma_start3A_400, %dma_start3A_401] : memref<4x64x128xf32, #tpu.memory_space<vmem>> -> memref<1x64x128xf32, #tpu.memory_space<vmem>>
          %dma_start3A_403 = tpu.memref_squeeze %dma_start3A_402 : memref<1x64x128xf32, #tpu.memory_space<vmem>> -> memref<64x128xf32, #tpu.memory_space<vmem>>
          %dma_start3A_404 = arith.constant 0 : i32
          %dma_start3A_405 = tpu.memref_slice %arg6[%dma_start3A_397, %dma_start3A_398, %dma_start3A_404] : memref<2x16x64xi32, #tpu.memory_space<vmem>> -> memref<1x1x64xi32, #tpu.memory_space<vmem>>
          %dma_start3A_406 = tpu.memref_squeeze %dma_start3A_405 : memref<1x1x64xi32, #tpu.memory_space<vmem>> -> memref<64xi32, #tpu.memory_space<vmem>>
          %dma_start3A_407 = arith.constant 0 : i32
          %dma_start3A_408 = arith.constant 0 : i32
          %dma_start3A_409 = tpu.memref_slice %arg2[%dma_start3A_407, %dma_start3A_408] : memref<10112x128xf32, #tpu.memory_space<hbm>> -> memref<10112x128xf32, #tpu.memory_space<hbm>>
          tpu.enqueue_indirect_dma source(%dma_start3A_409 : memref<10112x128xf32, #tpu.memory_space<hbm>>) target(%dma_start3A_403 : memref<64x128xf32, #tpu.memory_space<vmem>>) offsets(%dma_start3A_406 : memref<64xi32, #tpu.memory_space<vmem>>) semaphore(%arg10 : memref<!tpu.dma_semaphore, #tpu.memory_space<semaphore_mem>>)
        } else {
        }
        %mul3A_345 = arith.constant 4 : i32
        %mul3A_346 = arith.muli %add3A_179, %mul3A_345 : i32
        %add3A_347 = arith.constant 3 : i32
        %add3A_348 = arith.addi %mul3A_346, %add3A_347 : i32
        %dma_wait3A_349 = arith.constant 0 : i32
        %dma_wait3A_350 = arith.constant 3 : i32
        %dma_wait3A_351 = arith.constant 0 : i32
        %dma_wait3A_352 = arith.constant 0 : i32
        %dma_wait3A_353 = tpu.memref_slice %arg8[%dma_wait3A_350, %dma_wait3A_351, %dma_wait3A_352] : memref<4x64x128xf32, #tpu.memory_space<vmem>> -> memref<1x64x128xf32, #tpu.memory_space<vmem>>
        %dma_wait3A_354 = tpu.memref_squeeze %dma_wait3A_353 : memref<1x64x128xf32, #tpu.memory_space<vmem>> -> memref<64x128xf32, #tpu.memory_space<vmem>>
        %dma_wait3A_355 = arith.constant 0 : i32
        %dma_wait3A_356 = tpu.memref_slice %arg6[%dma_wait3A_349, %add3A_348, %dma_wait3A_355] : memref<2x16x64xi32, #tpu.memory_space<vmem>> -> memref<1x1x64xi32, #tpu.memory_space<vmem>>
        %dma_wait3A_357 = tpu.memref_squeeze %dma_wait3A_356 : memref<1x1x64xi32, #tpu.memory_space<vmem>> -> memref<64xi32, #tpu.memory_space<vmem>>
        %dma_wait3A_358 = arith.constant 0 : i32
        %dma_wait3A_359 = arith.constant 0 : i32
        %dma_wait3A_360 = tpu.memref_slice %arg2[%dma_wait3A_358, %dma_wait3A_359] : memref<10112x128xf32, #tpu.memory_space<hbm>> -> memref<10112x128xf32, #tpu.memory_space<hbm>>
        tpu.wait_indirect_dma semaphore(%arg13 : memref<!tpu.dma_semaphore, #tpu.memory_space<semaphore_mem>>) src(%dma_wait3A_360 : memref<10112x128xf32, #tpu.memory_space<hbm>>) dst(%dma_wait3A_354 : memref<64x128xf32, #tpu.memory_space<vmem>>)
        %dma_start3A_361 = arith.constant 3 : i32
        %dma_start3A_362 = arith.constant 0 : i32
        %dma_start3A_363 = arith.constant 0 : i32
        %dma_start3A_364 = arith.constant 0 : i32
        %dma_start3A_365 = tpu.memref_slice %arg8[%dma_start3A_361, %dma_start3A_363, %dma_start3A_364] : memref<4x64x128xf32, #tpu.memory_space<vmem>> -> memref<1x64x128xf32, #tpu.memory_space<vmem>>
        %dma_start3A_366 = tpu.memref_squeeze %dma_start3A_365 : memref<1x64x128xf32, #tpu.memory_space<vmem>> -> memref<64x128xf32, #tpu.memory_space<vmem>>
        %dma_start3A_367 = arith.constant 0 : i32
        %dma_start3A_368 = tpu.memref_slice %arg7[%dma_start3A_362, %add3A_348, %dma_start3A_367] : memref<2x16x64xi32, #tpu.memory_space<vmem>> -> memref<1x1x64xi32, #tpu.memory_space<vmem>>
        %dma_start3A_369 = tpu.memref_squeeze %dma_start3A_368 : memref<1x1x64xi32, #tpu.memory_space<vmem>> -> memref<64xi32, #tpu.memory_space<vmem>>
        %dma_start3A_370 = arith.constant 0 : i32
        %dma_start3A_371 = arith.constant 0 : i32
        %dma_start3A_372 = tpu.memref_slice %arg9[%dma_start3A_370, %dma_start3A_371] : memref<10112x128xf32, #tpu.memory_space<vmem_shared>> -> memref<10112x128xf32, #tpu.memory_space<vmem_shared>>
        tpu.enqueue_indirect_dma source(%dma_start3A_366 : memref<64x128xf32, #tpu.memory_space<vmem>>) target(%dma_start3A_372 : memref<10112x128xf32, #tpu.memory_space<vmem_shared>>) offsets(%dma_start3A_369 : memref<64xi32, #tpu.memory_space<vmem>>) semaphore(%arg17 : memref<!tpu.dma_semaphore, #tpu.memory_space<semaphore_mem>>) {add = true}
        %sub3A_373 = arith.constant 2 : i32
        %sub3A_374 = arith.subi %add3A_348, %sub3A_373 : i32
        %dma_wait3A_375 = arith.constant 1 : i32
        %dma_wait3A_376 = arith.constant 0 : i32
        %dma_wait3A_377 = arith.constant 0 : i32
        %dma_wait3A_378 = arith.constant 0 : i32
        %dma_wait3A_379 = tpu.memref_slice %arg8[%dma_wait3A_375, %dma_wait3A_377, %dma_wait3A_378] : memref<4x64x128xf32, #tpu.memory_space<vmem>> -> memref<1x64x128xf32, #tpu.memory_space<vmem>>
        %dma_wait3A_380 = tpu.memref_squeeze %dma_wait3A_379 : memref<1x64x128xf32, #tpu.memory_space<vmem>> -> memref<64x128xf32, #tpu.memory_space<vmem>>
        %dma_wait3A_381 = arith.constant 0 : i32
        %dma_wait3A_382 = tpu.memref_slice %arg7[%dma_wait3A_376, %sub3A_374, %dma_wait3A_381] : memref<2x16x64xi32, #tpu.memory_space<vmem>> -> memref<1x1x64xi32, #tpu.memory_space<vmem>>
        %dma_wait3A_383 = tpu.memref_squeeze %dma_wait3A_382 : memref<1x1x64xi32, #tpu.memory_space<vmem>> -> memref<64xi32, #tpu.memory_space<vmem>>
        %dma_wait3A_384 = arith.constant 0 : i32
        %dma_wait3A_385 = arith.constant 0 : i32
        %dma_wait3A_386 = tpu.memref_slice %arg9[%dma_wait3A_384, %dma_wait3A_385] : memref<10112x128xf32, #tpu.memory_space<vmem_shared>> -> memref<10112x128xf32, #tpu.memory_space<vmem_shared>>
        tpu.wait_indirect_dma semaphore(%arg15 : memref<!tpu.dma_semaphore, #tpu.memory_space<semaphore_mem>>) src(%dma_wait3A_380 : memref<64x128xf32, #tpu.memory_space<vmem>>) dst(%dma_wait3A_386 : memref<10112x128xf32, #tpu.memory_space<vmem_shared>>)
        %lt3A_387 = arith.constant 3 : i32
        %lt3A_388 = arith.cmpi slt, %add3A_179, %lt3A_387 : i32
        %convert_element_type3A_389 = arith.extui %lt3A_388 : i1 to i32
        %cond3A_390 = arith.constant 0 : i32
        %cond3A_391 = arith.cmpi ne, %convert_element_type3A_389, %cond3A_390 : i32
        scf.if %cond3A_391 {
          %add3A_397 = arith.constant 2 : i32
          %add3A_398 = arith.addi %add3A_348, %add3A_397 : i32
          %dma_start3A_399 = arith.constant 0 : i32
          %dma_start3A_400 = arith.constant 1 : i32
          %dma_start3A_401 = arith.constant 0 : i32
          %dma_start3A_402 = arith.constant 0 : i32
          %dma_start3A_403 = tpu.memref_slice %arg8[%dma_start3A_400, %dma_start3A_401, %dma_start3A_402] : memref<4x64x128xf32, #tpu.memory_space<vmem>> -> memref<1x64x128xf32, #tpu.memory_space<vmem>>
          %dma_start3A_404 = tpu.memref_squeeze %dma_start3A_403 : memref<1x64x128xf32, #tpu.memory_space<vmem>> -> memref<64x128xf32, #tpu.memory_space<vmem>>
          %dma_start3A_405 = arith.constant 0 : i32
          %dma_start3A_406 = tpu.memref_slice %arg6[%dma_start3A_399, %add3A_398, %dma_start3A_405] : memref<2x16x64xi32, #tpu.memory_space<vmem>> -> memref<1x1x64xi32, #tpu.memory_space<vmem>>
          %dma_start3A_407 = tpu.memref_squeeze %dma_start3A_406 : memref<1x1x64xi32, #tpu.memory_space<vmem>> -> memref<64xi32, #tpu.memory_space<vmem>>
          %dma_start3A_408 = arith.constant 0 : i32
          %dma_start3A_409 = arith.constant 0 : i32
          %dma_start3A_410 = tpu.memref_slice %arg2[%dma_start3A_408, %dma_start3A_409] : memref<10112x128xf32, #tpu.memory_space<hbm>> -> memref<10112x128xf32, #tpu.memory_space<hbm>>
          tpu.enqueue_indirect_dma source(%dma_start3A_410 : memref<10112x128xf32, #tpu.memory_space<hbm>>) target(%dma_start3A_404 : memref<64x128xf32, #tpu.memory_space<vmem>>) offsets(%dma_start3A_407 : memref<64xi32, #tpu.memory_space<vmem>>) semaphore(%arg11 : memref<!tpu.dma_semaphore, #tpu.memory_space<semaphore_mem>>)
        } else {
        }
        %eq3A_392 = arith.constant 3 : i32
        %eq3A_393 = arith.cmpi eq, %add3A_179, %eq3A_392 : i32
        %convert_element_type3A_394 = arith.extui %eq3A_393 : i1 to i32
        %cond3A_395 = arith.constant 0 : i32
        %cond3A_396 = arith.cmpi ne, %convert_element_type3A_394, %cond3A_395 : i32
        scf.if %cond3A_396 {
          %dma_start3A_397 = arith.constant 1 : i32
          %dma_start3A_398 = arith.constant 1 : i32
          %dma_start3A_399 = arith.constant 1 : i32
          %dma_start3A_400 = arith.constant 0 : i32
          %dma_start3A_401 = arith.constant 0 : i32
          %dma_start3A_402 = tpu.memref_slice %arg8[%dma_start3A_399, %dma_start3A_400, %dma_start3A_401] : memref<4x64x128xf32, #tpu.memory_space<vmem>> -> memref<1x64x128xf32, #tpu.memory_space<vmem>>
          %dma_start3A_403 = tpu.memref_squeeze %dma_start3A_402 : memref<1x64x128xf32, #tpu.memory_space<vmem>> -> memref<64x128xf32, #tpu.memory_space<vmem>>
          %dma_start3A_404 = arith.constant 0 : i32
          %dma_start3A_405 = tpu.memref_slice %arg6[%dma_start3A_397, %dma_start3A_398, %dma_start3A_404] : memref<2x16x64xi32, #tpu.memory_space<vmem>> -> memref<1x1x64xi32, #tpu.memory_space<vmem>>
          %dma_start3A_406 = tpu.memref_squeeze %dma_start3A_405 : memref<1x1x64xi32, #tpu.memory_space<vmem>> -> memref<64xi32, #tpu.memory_space<vmem>>
          %dma_start3A_407 = arith.constant 0 : i32
          %dma_start3A_408 = arith.constant 0 : i32
          %dma_start3A_409 = tpu.memref_slice %arg2[%dma_start3A_407, %dma_start3A_408] : memref<10112x128xf32, #tpu.memory_space<hbm>> -> memref<10112x128xf32, #tpu.memory_space<hbm>>
          tpu.enqueue_indirect_dma source(%dma_start3A_409 : memref<10112x128xf32, #tpu.memory_space<hbm>>) target(%dma_start3A_403 : memref<64x128xf32, #tpu.memory_space<vmem>>) offsets(%dma_start3A_406 : memref<64xi32, #tpu.memory_space<vmem>>) semaphore(%arg11 : memref<!tpu.dma_semaphore, #tpu.memory_space<semaphore_mem>>)
        } else {
        }
      }
      %scan3A_165 = arith.constant 4 : i32
      %mul3A_166 = arith.constant 2 : i32
      %mul3A_167 = arith.muli %add3A_156, %mul3A_166 : i32
      %add3A_168 = arith.constant 1 : i32
      %add3A_169 = arith.addi %mul3A_167, %add3A_168 : i32
      %scan3A_170 = arith.constant 0 : i32
      %scan3A_171 = arith.constant 4 : i32
      %scan3A_172 = arith.addi %scan3A_170, %scan3A_171 : i32
      %scan3A_173 = arith.constant 1 : i32
      scf.for %scan3A_175 = %scan3A_170 to %scan3A_172 step %scan3A_173  : i32 {
        %mul3A_176 = arith.constant 1 : i32
        %mul3A_177 = arith.muli %scan3A_175, %mul3A_176 : i32
        %add3A_178 = arith.constant 0 : i32
        %add3A_179 = arith.addi %add3A_178, %mul3A_177 : i32
        %mul3A_180 = arith.constant 4 : i32
        %mul3A_181 = arith.muli %add3A_179, %mul3A_180 : i32
        %add3A_182 = arith.constant 0 : i32
        %add3A_183 = arith.addi %mul3A_181, %add3A_182 : i32
        %dma_wait3A_184 = arith.constant 1 : i32
        %dma_wait3A_185 = arith.constant 0 : i32
        %dma_wait3A_186 = arith.constant 0 : i32
        %dma_wait3A_187 = arith.constant 0 : i32
        %dma_wait3A_188 = tpu.memref_slice %arg8[%dma_wait3A_185, %dma_wait3A_186, %dma_wait3A_187] : memref<4x64x128xf32, #tpu.memory_space<vmem>> -> memref<1x64x128xf32, #tpu.memory_space<vmem>>
        %dma_wait3A_189 = tpu.memref_squeeze %dma_wait3A_188 : memref<1x64x128xf32, #tpu.memory_space<vmem>> -> memref<64x128xf32, #tpu.memory_space<vmem>>
        %dma_wait3A_190 = arith.constant 0 : i32
        %dma_wait3A_191 = tpu.memref_slice %arg6[%dma_wait3A_184, %add3A_183, %dma_wait3A_190] : memref<2x16x64xi32, #tpu.memory_space<vmem>> -> memref<1x1x64xi32, #tpu.memory_space<vmem>>
        %dma_wait3A_192 = tpu.memref_squeeze %dma_wait3A_191 : memref<1x1x64xi32, #tpu.memory_space<vmem>> -> memref<64xi32, #tpu.memory_space<vmem>>
        %dma_wait3A_193 = arith.constant 0 : i32
        %dma_wait3A_194 = arith.constant 0 : i32
        %dma_wait3A_195 = tpu.memref_slice %arg2[%dma_wait3A_193, %dma_wait3A_194] : memref<10112x128xf32, #tpu.memory_space<hbm>> -> memref<10112x128xf32, #tpu.memory_space<hbm>>
        tpu.wait_indirect_dma semaphore(%arg10 : memref<!tpu.dma_semaphore, #tpu.memory_space<semaphore_mem>>) src(%dma_wait3A_195 : memref<10112x128xf32, #tpu.memory_space<hbm>>) dst(%dma_wait3A_189 : memref<64x128xf32, #tpu.memory_space<vmem>>)
        %dma_start3A_196 = arith.constant 0 : i32
        %dma_start3A_197 = arith.constant 1 : i32
        %dma_start3A_198 = arith.constant 0 : i32
        %dma_start3A_199 = arith.constant 0 : i32
        %dma_start3A_200 = tpu.memref_slice %arg8[%dma_start3A_196, %dma_start3A_198, %dma_start3A_199] : memref<4x64x128xf32, #tpu.memory_space<vmem>> -> memref<1x64x128xf32, #tpu.memory_space<vmem>>
        %dma_start3A_201 = tpu.memref_squeeze %dma_start3A_200 : memref<1x64x128xf32, #tpu.memory_space<vmem>> -> memref<64x128xf32, #tpu.memory_space<vmem>>
        %dma_start3A_202 = arith.constant 0 : i32
        %dma_start3A_203 = tpu.memref_slice %arg7[%dma_start3A_197, %add3A_183, %dma_start3A_202] : memref<2x16x64xi32, #tpu.memory_space<vmem>> -> memref<1x1x64xi32, #tpu.memory_space<vmem>>
        %dma_start3A_204 = tpu.memref_squeeze %dma_start3A_203 : memref<1x1x64xi32, #tpu.memory_space<vmem>> -> memref<64xi32, #tpu.memory_space<vmem>>
        %dma_start3A_205 = arith.constant 0 : i32
        %dma_start3A_206 = arith.constant 0 : i32
        %dma_start3A_207 = tpu.memref_slice %arg9[%dma_start3A_205, %dma_start3A_206] : memref<10112x128xf32, #tpu.memory_space<vmem_shared>> -> memref<10112x128xf32, #tpu.memory_space<vmem_shared>>
        tpu.enqueue_indirect_dma source(%dma_start3A_201 : memref<64x128xf32, #tpu.memory_space<vmem>>) target(%dma_start3A_207 : memref<10112x128xf32, #tpu.memory_space<vmem_shared>>) offsets(%dma_start3A_204 : memref<64xi32, #tpu.memory_space<vmem>>) semaphore(%arg14 : memref<!tpu.dma_semaphore, #tpu.memory_space<semaphore_mem>>) {add = true}
        %gt3A = arith.constant 0 : i32
        %gt3A_208 = arith.cmpi sgt, %add3A_179, %gt3A : i32
        %convert_element_type3A = arith.extui %gt3A_208 : i1 to i32
        %cond3A = arith.constant 0 : i32
        %cond3A_209 = arith.cmpi ne, %convert_element_type3A, %cond3A : i32
        scf.if %cond3A_209 {
          %sub3A_392 = arith.constant 2 : i32
          %sub3A_393 = arith.subi %add3A_183, %sub3A_392 : i32
          %dma_wait3A_394 = arith.constant 2 : i32
          %dma_wait3A_395 = arith.constant 1 : i32
          %dma_wait3A_396 = arith.constant 0 : i32
          %dma_wait3A_397 = arith.constant 0 : i32
          %dma_wait3A_398 = tpu.memref_slice %arg8[%dma_wait3A_394, %dma_wait3A_396, %dma_wait3A_397] : memref<4x64x128xf32, #tpu.memory_space<vmem>> -> memref<1x64x128xf32, #tpu.memory_space<vmem>>
          %dma_wait3A_399 = tpu.memref_squeeze %dma_wait3A_398 : memref<1x64x128xf32, #tpu.memory_space<vmem>> -> memref<64x128xf32, #tpu.memory_space<vmem>>
          %dma_wait3A_400 = arith.constant 0 : i32
          %dma_wait3A_401 = tpu.memref_slice %arg7[%dma_wait3A_395, %sub3A_393, %dma_wait3A_400] : memref<2x16x64xi32, #tpu.memory_space<vmem>> -> memref<1x1x64xi32, #tpu.memory_space<vmem>>
          %dma_wait3A_402 = tpu.memref_squeeze %dma_wait3A_401 : memref<1x1x64xi32, #tpu.memory_space<vmem>> -> memref<64xi32, #tpu.memory_space<vmem>>
          %dma_wait3A_403 = arith.constant 0 : i32
          %dma_wait3A_404 = arith.constant 0 : i32
          %dma_wait3A_405 = tpu.memref_slice %arg9[%dma_wait3A_403, %dma_wait3A_404] : memref<10112x128xf32, #tpu.memory_space<vmem_shared>> -> memref<10112x128xf32, #tpu.memory_space<vmem_shared>>
          tpu.wait_indirect_dma semaphore(%arg16 : memref<!tpu.dma_semaphore, #tpu.memory_space<semaphore_mem>>) src(%dma_wait3A_399 : memref<64x128xf32, #tpu.memory_space<vmem>>) dst(%dma_wait3A_405 : memref<10112x128xf32, #tpu.memory_space<vmem_shared>>)
        } else {
        }
        %eq3A = arith.constant 0 : i32
        %eq3A_210 = arith.cmpi eq, %add3A_179, %eq3A : i32
        %convert_element_type3A_211 = arith.extui %eq3A_210 : i1 to i32
        %cond3A_212 = arith.constant 0 : i32
        %cond3A_213 = arith.cmpi ne, %convert_element_type3A_211, %cond3A_212 : i32
        scf.if %cond3A_213 {
          %dma_wait3A_392 = arith.constant 2 : i32
          %dma_wait3A_393 = arith.constant 0 : i32
          %dma_wait3A_394 = arith.constant 14 : i32
          %dma_wait3A_395 = arith.constant 0 : i32
          %dma_wait3A_396 = arith.constant 0 : i32
          %dma_wait3A_397 = tpu.memref_slice %arg8[%dma_wait3A_392, %dma_wait3A_395, %dma_wait3A_396] : memref<4x64x128xf32, #tpu.memory_space<vmem>> -> memref<1x64x128xf32, #tpu.memory_space<vmem>>
          %dma_wait3A_398 = tpu.memref_squeeze %dma_wait3A_397 : memref<1x64x128xf32, #tpu.memory_space<vmem>> -> memref<64x128xf32, #tpu.memory_space<vmem>>
          %dma_wait3A_399 = arith.constant 0 : i32
          %dma_wait3A_400 = tpu.memref_slice %arg7[%dma_wait3A_393, %dma_wait3A_394, %dma_wait3A_399] : memref<2x16x64xi32, #tpu.memory_space<vmem>> -> memref<1x1x64xi32, #tpu.memory_space<vmem>>
          %dma_wait3A_401 = tpu.memref_squeeze %dma_wait3A_400 : memref<1x1x64xi32, #tpu.memory_space<vmem>> -> memref<64xi32, #tpu.memory_space<vmem>>
          %dma_wait3A_402 = arith.constant 0 : i32
          %dma_wait3A_403 = arith.constant 0 : i32
          %dma_wait3A_404 = tpu.memref_slice %arg9[%dma_wait3A_402, %dma_wait3A_403] : memref<10112x128xf32, #tpu.memory_space<vmem_shared>> -> memref<10112x128xf32, #tpu.memory_space<vmem_shared>>
          tpu.wait_indirect_dma semaphore(%arg16 : memref<!tpu.dma_semaphore, #tpu.memory_space<semaphore_mem>>) src(%dma_wait3A_398 : memref<64x128xf32, #tpu.memory_space<vmem>>) dst(%dma_wait3A_404 : memref<10112x128xf32, #tpu.memory_space<vmem_shared>>)
        } else {
        }
        %add3A_214 = arith.constant 2 : i32
        %add3A_215 = arith.addi %add3A_183, %add3A_214 : i32
        %dma_start3A_216 = arith.constant 1 : i32
        %dma_start3A_217 = arith.constant 2 : i32
        %dma_start3A_218 = arith.constant 0 : i32
        %dma_start3A_219 = arith.constant 0 : i32
        %dma_start3A_220 = tpu.memref_slice %arg8[%dma_start3A_217, %dma_start3A_218, %dma_start3A_219] : memref<4x64x128xf32, #tpu.memory_space<vmem>> -> memref<1x64x128xf32, #tpu.memory_space<vmem>>
        %dma_start3A_221 = tpu.memref_squeeze %dma_start3A_220 : memref<1x64x128xf32, #tpu.memory_space<vmem>> -> memref<64x128xf32, #tpu.memory_space<vmem>>
        %dma_start3A_222 = arith.constant 0 : i32
        %dma_start3A_223 = tpu.memref_slice %arg6[%dma_start3A_216, %add3A_215, %dma_start3A_222] : memref<2x16x64xi32, #tpu.memory_space<vmem>> -> memref<1x1x64xi32, #tpu.memory_space<vmem>>
        %dma_start3A_224 = tpu.memref_squeeze %dma_start3A_223 : memref<1x1x64xi32, #tpu.memory_space<vmem>> -> memref<64xi32, #tpu.memory_space<vmem>>
        %dma_start3A_225 = arith.constant 0 : i32
        %dma_start3A_226 = arith.constant 0 : i32
        %dma_start3A_227 = tpu.memref_slice %arg2[%dma_start3A_225, %dma_start3A_226] : memref<10112x128xf32, #tpu.memory_space<hbm>> -> memref<10112x128xf32, #tpu.memory_space<hbm>>
        tpu.enqueue_indirect_dma source(%dma_start3A_227 : memref<10112x128xf32, #tpu.memory_space<hbm>>) target(%dma_start3A_221 : memref<64x128xf32, #tpu.memory_space<vmem>>) offsets(%dma_start3A_224 : memref<64xi32, #tpu.memory_space<vmem>>) semaphore(%arg12 : memref<!tpu.dma_semaphore, #tpu.memory_space<semaphore_mem>>)
        %mul3A_228 = arith.constant 4 : i32
        %mul3A_229 = arith.muli %add3A_179, %mul3A_228 : i32
        %add3A_230 = arith.constant 1 : i32
        %add3A_231 = arith.addi %mul3A_229, %add3A_230 : i32
        %dma_wait3A_232 = arith.constant 1 : i32
        %dma_wait3A_233 = arith.constant 1 : i32
        %dma_wait3A_234 = arith.constant 0 : i32
        %dma_wait3A_235 = arith.constant 0 : i32
        %dma_wait3A_236 = tpu.memref_slice %arg8[%dma_wait3A_233, %dma_wait3A_234, %dma_wait3A_235] : memref<4x64x128xf32, #tpu.memory_space<vmem>> -> memref<1x64x128xf32, #tpu.memory_space<vmem>>
        %dma_wait3A_237 = tpu.memref_squeeze %dma_wait3A_236 : memref<1x64x128xf32, #tpu.memory_space<vmem>> -> memref<64x128xf32, #tpu.memory_space<vmem>>
        %dma_wait3A_238 = arith.constant 0 : i32
        %dma_wait3A_239 = tpu.memref_slice %arg6[%dma_wait3A_232, %add3A_231, %dma_wait3A_238] : memref<2x16x64xi32, #tpu.memory_space<vmem>> -> memref<1x1x64xi32, #tpu.memory_space<vmem>>
        %dma_wait3A_240 = tpu.memref_squeeze %dma_wait3A_239 : memref<1x1x64xi32, #tpu.memory_space<vmem>> -> memref<64xi32, #tpu.memory_space<vmem>>
        %dma_wait3A_241 = arith.constant 0 : i32
        %dma_wait3A_242 = arith.constant 0 : i32
        %dma_wait3A_243 = tpu.memref_slice %arg2[%dma_wait3A_241, %dma_wait3A_242] : memref<10112x128xf32, #tpu.memory_space<hbm>> -> memref<10112x128xf32, #tpu.memory_space<hbm>>
        tpu.wait_indirect_dma semaphore(%arg11 : memref<!tpu.dma_semaphore, #tpu.memory_space<semaphore_mem>>) src(%dma_wait3A_243 : memref<10112x128xf32, #tpu.memory_space<hbm>>) dst(%dma_wait3A_237 : memref<64x128xf32, #tpu.memory_space<vmem>>)
        %dma_start3A_244 = arith.constant 1 : i32
        %dma_start3A_245 = arith.constant 1 : i32
        %dma_start3A_246 = arith.constant 0 : i32
        %dma_start3A_247 = arith.constant 0 : i32
        %dma_start3A_248 = tpu.memref_slice %arg8[%dma_start3A_244, %dma_start3A_246, %dma_start3A_247] : memref<4x64x128xf32, #tpu.memory_space<vmem>> -> memref<1x64x128xf32, #tpu.memory_space<vmem>>
        %dma_start3A_249 = tpu.memref_squeeze %dma_start3A_248 : memref<1x64x128xf32, #tpu.memory_space<vmem>> -> memref<64x128xf32, #tpu.memory_space<vmem>>
        %dma_start3A_250 = arith.constant 0 : i32
        %dma_start3A_251 = tpu.memref_slice %arg7[%dma_start3A_245, %add3A_231, %dma_start3A_250] : memref<2x16x64xi32, #tpu.memory_space<vmem>> -> memref<1x1x64xi32, #tpu.memory_space<vmem>>
        %dma_start3A_252 = tpu.memref_squeeze %dma_start3A_251 : memref<1x1x64xi32, #tpu.memory_space<vmem>> -> memref<64xi32, #tpu.memory_space<vmem>>
        %dma_start3A_253 = arith.constant 0 : i32
        %dma_start3A_254 = arith.constant 0 : i32
        %dma_start3A_255 = tpu.memref_slice %arg9[%dma_start3A_253, %dma_start3A_254] : memref<10112x128xf32, #tpu.memory_space<vmem_shared>> -> memref<10112x128xf32, #tpu.memory_space<vmem_shared>>
        tpu.enqueue_indirect_dma source(%dma_start3A_249 : memref<64x128xf32, #tpu.memory_space<vmem>>) target(%dma_start3A_255 : memref<10112x128xf32, #tpu.memory_space<vmem_shared>>) offsets(%dma_start3A_252 : memref<64xi32, #tpu.memory_space<vmem>>) semaphore(%arg15 : memref<!tpu.dma_semaphore, #tpu.memory_space<semaphore_mem>>) {add = true}
        %gt3A_256 = arith.constant 0 : i32
        %gt3A_257 = arith.cmpi sgt, %add3A_179, %gt3A_256 : i32
        %convert_element_type3A_258 = arith.extui %gt3A_257 : i1 to i32
        %cond3A_259 = arith.constant 0 : i32
        %cond3A_260 = arith.cmpi ne, %convert_element_type3A_258, %cond3A_259 : i32
        scf.if %cond3A_260 {
          %sub3A_392 = arith.constant 2 : i32
          %sub3A_393 = arith.subi %add3A_231, %sub3A_392 : i32
          %dma_wait3A_394 = arith.constant 3 : i32
          %dma_wait3A_395 = arith.constant 1 : i32
          %dma_wait3A_396 = arith.constant 0 : i32
          %dma_wait3A_397 = arith.constant 0 : i32
          %dma_wait3A_398 = tpu.memref_slice %arg8[%dma_wait3A_394, %dma_wait3A_396, %dma_wait3A_397] : memref<4x64x128xf32, #tpu.memory_space<vmem>> -> memref<1x64x128xf32, #tpu.memory_space<vmem>>
          %dma_wait3A_399 = tpu.memref_squeeze %dma_wait3A_398 : memref<1x64x128xf32, #tpu.memory_space<vmem>> -> memref<64x128xf32, #tpu.memory_space<vmem>>
          %dma_wait3A_400 = arith.constant 0 : i32
          %dma_wait3A_401 = tpu.memref_slice %arg7[%dma_wait3A_395, %sub3A_393, %dma_wait3A_400] : memref<2x16x64xi32, #tpu.memory_space<vmem>> -> memref<1x1x64xi32, #tpu.memory_space<vmem>>
          %dma_wait3A_402 = tpu.memref_squeeze %dma_wait3A_401 : memref<1x1x64xi32, #tpu.memory_space<vmem>> -> memref<64xi32, #tpu.memory_space<vmem>>
          %dma_wait3A_403 = arith.constant 0 : i32
          %dma_wait3A_404 = arith.constant 0 : i32
          %dma_wait3A_405 = tpu.memref_slice %arg9[%dma_wait3A_403, %dma_wait3A_404] : memref<10112x128xf32, #tpu.memory_space<vmem_shared>> -> memref<10112x128xf32, #tpu.memory_space<vmem_shared>>
          tpu.wait_indirect_dma semaphore(%arg17 : memref<!tpu.dma_semaphore, #tpu.memory_space<semaphore_mem>>) src(%dma_wait3A_399 : memref<64x128xf32, #tpu.memory_space<vmem>>) dst(%dma_wait3A_405 : memref<10112x128xf32, #tpu.memory_space<vmem_shared>>)
        } else {
        }
        %eq3A_261 = arith.constant 0 : i32
        %eq3A_262 = arith.cmpi eq, %add3A_179, %eq3A_261 : i32
        %convert_element_type3A_263 = arith.extui %eq3A_262 : i1 to i32
        %cond3A_264 = arith.constant 0 : i32
        %cond3A_265 = arith.cmpi ne, %convert_element_type3A_263, %cond3A_264 : i32
        scf.if %cond3A_265 {
          %dma_wait3A_392 = arith.constant 3 : i32
          %dma_wait3A_393 = arith.constant 0 : i32
          %dma_wait3A_394 = arith.constant 15 : i32
          %dma_wait3A_395 = arith.constant 0 : i32
          %dma_wait3A_396 = arith.constant 0 : i32
          %dma_wait3A_397 = tpu.memref_slice %arg8[%dma_wait3A_392, %dma_wait3A_395, %dma_wait3A_396] : memref<4x64x128xf32, #tpu.memory_space<vmem>> -> memref<1x64x128xf32, #tpu.memory_space<vmem>>
          %dma_wait3A_398 = tpu.memref_squeeze %dma_wait3A_397 : memref<1x64x128xf32, #tpu.memory_space<vmem>> -> memref<64x128xf32, #tpu.memory_space<vmem>>
          %dma_wait3A_399 = arith.constant 0 : i32
          %dma_wait3A_400 = tpu.memref_slice %arg7[%dma_wait3A_393, %dma_wait3A_394, %dma_wait3A_399] : memref<2x16x64xi32, #tpu.memory_space<vmem>> -> memref<1x1x64xi32, #tpu.memory_space<vmem>>
          %dma_wait3A_401 = tpu.memref_squeeze %dma_wait3A_400 : memref<1x1x64xi32, #tpu.memory_space<vmem>> -> memref<64xi32, #tpu.memory_space<vmem>>
          %dma_wait3A_402 = arith.constant 0 : i32
          %dma_wait3A_403 = arith.constant 0 : i32
          %dma_wait3A_404 = tpu.memref_slice %arg9[%dma_wait3A_402, %dma_wait3A_403] : memref<10112x128xf32, #tpu.memory_space<vmem_shared>> -> memref<10112x128xf32, #tpu.memory_space<vmem_shared>>
          tpu.wait_indirect_dma semaphore(%arg17 : memref<!tpu.dma_semaphore, #tpu.memory_space<semaphore_mem>>) src(%dma_wait3A_398 : memref<64x128xf32, #tpu.memory_space<vmem>>) dst(%dma_wait3A_404 : memref<10112x128xf32, #tpu.memory_space<vmem_shared>>)
        } else {
        }
        %eq3A_266 = arith.constant 0 : i32
        %eq3A_267 = arith.cmpi eq, %add3A_179, %eq3A_266 : i32
        %convert_element_type3A_268 = arith.extui %eq3A_267 : i1 to i32
        %cond3A_269 = arith.constant 0 : i32
        %cond3A_270 = arith.cmpi ne, %convert_element_type3A_268, %cond3A_269 : i32
        scf.if %cond3A_270 {
          %add3A_392 = arith.constant 1 : i32
          %add3A_393 = arith.addi %add3A_169, %add3A_392 : i32
          %mul3A_394 = arith.constant 16 : i32
          %mul3A_395 = arith.muli %add3A_393, %mul3A_394 : i32
          %dma_start3A_396 = arith.constant 0 : i32
          %dma_start3A_397 = arith.constant 0 : i32
          %dma_start3A_398 = arith.constant 0 : i32
          %dma_start3A_399 = tpu.memref_slice %arg6[%dma_start3A_396, %dma_start3A_397, %dma_start3A_398] : memref<2x16x64xi32, #tpu.memory_space<vmem>> -> memref<1x16x64xi32, #tpu.memory_space<vmem>>
          %dma_start3A_400 = tpu.memref_squeeze %dma_start3A_399 : memref<1x16x64xi32, #tpu.memory_space<vmem>> -> memref<16x64xi32, #tpu.memory_space<vmem>>
          %dma_start3A_401 = arith.constant 0 : i32
          %dma_start3A_402 = tpu.memref_slice %arg3[%add3A, %mul3A_395, %dma_start3A_401] : memref<32x176x64xi32, #tpu.memory_space<hbm>> -> memref<1x16x64xi32, #tpu.memory_space<hbm>>
          %dma_start3A_403 = tpu.memref_squeeze %dma_start3A_402 : memref<1x16x64xi32, #tpu.memory_space<hbm>> -> memref<16x64xi32, #tpu.memory_space<hbm>>
          %dma_start3A_404 = arith.constant 0 : i32
          %dma_start3A_405 = arith.constant 0 : i32
          %dma_start3A_406 = tpu.memref_slice %arg6[%dma_start3A_396, %dma_start3A_404, %dma_start3A_405] : memref<2x16x64xi32, #tpu.memory_space<vmem>> -> memref<1x16x64xi32, #tpu.memory_space<vmem>>
          %dma_start3A_407 = tpu.memref_squeeze %dma_start3A_406 : memref<1x16x64xi32, #tpu.memory_space<vmem>> -> memref<16x64xi32, #tpu.memory_space<vmem>>
          %dma_start3A_408 = arith.constant 0 : i32
          %dma_start3A_409 = tpu.memref_slice %arg3[%add3A, %mul3A_395, %dma_start3A_408] : memref<32x176x64xi32, #tpu.memory_space<hbm>> -> memref<1x16x64xi32, #tpu.memory_space<hbm>>
          %dma_start3A_410 = tpu.memref_squeeze %dma_start3A_409 : memref<1x16x64xi32, #tpu.memory_space<hbm>> -> memref<16x64xi32, #tpu.memory_space<hbm>>
          tpu.enqueue_dma source(%dma_start3A_410 : memref<16x64xi32, #tpu.memory_space<hbm>>) target(%dma_start3A_407 : memref<16x64xi32, #tpu.memory_space<vmem>>) target_semaphore(%arg18 : memref<!tpu.dma_semaphore, #tpu.memory_space<semaphore_mem>>)
          %dma_start3A_411 = arith.constant 0 : i32
          %dma_start3A_412 = arith.constant 0 : i32
          %dma_start3A_413 = arith.constant 0 : i32
          %dma_start3A_414 = tpu.memref_slice %arg7[%dma_start3A_411, %dma_start3A_412, %dma_start3A_413] : memref<2x16x64xi32, #tpu.memory_space<vmem>> -> memref<1x16x64xi32, #tpu.memory_space<vmem>>
          %dma_start3A_415 = tpu.memref_squeeze %dma_start3A_414 : memref<1x16x64xi32, #tpu.memory_space<vmem>> -> memref<16x64xi32, #tpu.memory_space<vmem>>
          %dma_start3A_416 = arith.constant 0 : i32
          %dma_start3A_417 = tpu.memref_slice %arg4[%add3A, %mul3A_395, %dma_start3A_416] : memref<32x176x64xi32, #tpu.memory_space<hbm>> -> memref<1x16x64xi32, #tpu.memory_space<hbm>>
          %dma_start3A_418 = tpu.memref_squeeze %dma_start3A_417 : memref<1x16x64xi32, #tpu.memory_space<hbm>> -> memref<16x64xi32, #tpu.memory_space<hbm>>
          %dma_start3A_419 = arith.constant 0 : i32
          %dma_start3A_420 = arith.constant 0 : i32
          %dma_start3A_421 = tpu.memref_slice %arg7[%dma_start3A_411, %dma_start3A_419, %dma_start3A_420] : memref<2x16x64xi32, #tpu.memory_space<vmem>> -> memref<1x16x64xi32, #tpu.memory_space<vmem>>
          %dma_start3A_422 = tpu.memref_squeeze %dma_start3A_421 : memref<1x16x64xi32, #tpu.memory_space<vmem>> -> memref<16x64xi32, #tpu.memory_space<vmem>>
          %dma_start3A_423 = arith.constant 0 : i32
          %dma_start3A_424 = tpu.memref_slice %arg4[%add3A, %mul3A_395, %dma_start3A_423] : memref<32x176x64xi32, #tpu.memory_space<hbm>> -> memref<1x16x64xi32, #tpu.memory_space<hbm>>
          %dma_start3A_425 = tpu.memref_squeeze %dma_start3A_424 : memref<1x16x64xi32, #tpu.memory_space<hbm>> -> memref<16x64xi32, #tpu.memory_space<hbm>>
          tpu.enqueue_dma source(%dma_start3A_425 : memref<16x64xi32, #tpu.memory_space<hbm>>) target(%dma_start3A_422 : memref<16x64xi32, #tpu.memory_space<vmem>>) target_semaphore(%arg18 : memref<!tpu.dma_semaphore, #tpu.memory_space<semaphore_mem>>)
        } else {
        }
        %eq3A_271 = arith.constant 3 : i32
        %eq3A_272 = arith.cmpi eq, %add3A_179, %eq3A_271 : i32
        %convert_element_type3A_273 = arith.extui %eq3A_272 : i1 to i32
        %cond3A_274 = arith.constant 0 : i32
        %cond3A_275 = arith.cmpi ne, %convert_element_type3A_273, %cond3A_274 : i32
        scf.if %cond3A_275 {
          %add3A_392 = arith.constant 1 : i32
          %add3A_393 = arith.addi %add3A_169, %add3A_392 : i32
          %mul3A_394 = arith.constant 16 : i32
          %mul3A_395 = arith.muli %add3A_393, %mul3A_394 : i32
          %dma_wait3A_396 = arith.constant 0 : i32
          %dma_wait3A_397 = arith.constant 0 : i32
          %dma_wait3A_398 = arith.constant 0 : i32
          %dma_wait3A_399 = tpu.memref_slice %arg6[%dma_wait3A_396, %dma_wait3A_397, %dma_wait3A_398] : memref<2x16x64xi32, #tpu.memory_space<vmem>> -> memref<1x16x64xi32, #tpu.memory_space<vmem>>
          %dma_wait3A_400 = tpu.memref_squeeze %dma_wait3A_399 : memref<1x16x64xi32, #tpu.memory_space<vmem>> -> memref<16x64xi32, #tpu.memory_space<vmem>>
          %dma_wait3A_401 = arith.constant 0 : i32
          %dma_wait3A_402 = tpu.memref_slice %arg3[%add3A, %mul3A_395, %dma_wait3A_401] : memref<32x176x64xi32, #tpu.memory_space<hbm>> -> memref<1x16x64xi32, #tpu.memory_space<hbm>>
          %dma_wait3A_403 = tpu.memref_squeeze %dma_wait3A_402 : memref<1x16x64xi32, #tpu.memory_space<hbm>> -> memref<16x64xi32, #tpu.memory_space<hbm>>
          %dma_wait3A_404 = arith.constant 0 : i32
          %dma_wait3A_405 = arith.constant 0 : i32
          %dma_wait3A_406 = tpu.memref_slice %arg6[%dma_wait3A_396, %dma_wait3A_404, %dma_wait3A_405] : memref<2x16x64xi32, #tpu.memory_space<vmem>> -> memref<1x16x64xi32, #tpu.memory_space<vmem>>
          %dma_wait3A_407 = tpu.memref_squeeze %dma_wait3A_406 : memref<1x16x64xi32, #tpu.memory_space<vmem>> -> memref<16x64xi32, #tpu.memory_space<vmem>>
          %dma_wait3A_408 = arith.constant 0 : i32
          %dma_wait3A_409 = tpu.memref_slice %arg3[%add3A, %mul3A_395, %dma_wait3A_408] : memref<32x176x64xi32, #tpu.memory_space<hbm>> -> memref<1x16x64xi32, #tpu.memory_space<hbm>>
          %dma_wait3A_410 = tpu.memref_squeeze %dma_wait3A_409 : memref<1x16x64xi32, #tpu.memory_space<hbm>> -> memref<16x64xi32, #tpu.memory_space<hbm>>
          tpu.wait_dma2 semaphore(%arg18 : memref<!tpu.dma_semaphore, #tpu.memory_space<semaphore_mem>>) src(%dma_wait3A_410 : memref<16x64xi32, #tpu.memory_space<hbm>>) dst(%dma_wait3A_407 : memref<16x64xi32, #tpu.memory_space<vmem>>)
          %dma_wait3A_411 = arith.constant 0 : i32
          %dma_wait3A_412 = arith.constant 0 : i32
          %dma_wait3A_413 = arith.constant 0 : i32
          %dma_wait3A_414 = tpu.memref_slice %arg7[%dma_wait3A_411, %dma_wait3A_412, %dma_wait3A_413] : memref<2x16x64xi32, #tpu.memory_space<vmem>> -> memref<1x16x64xi32, #tpu.memory_space<vmem>>
          %dma_wait3A_415 = tpu.memref_squeeze %dma_wait3A_414 : memref<1x16x64xi32, #tpu.memory_space<vmem>> -> memref<16x64xi32, #tpu.memory_space<vmem>>
          %dma_wait3A_416 = arith.constant 0 : i32
          %dma_wait3A_417 = tpu.memref_slice %arg4[%add3A, %mul3A_395, %dma_wait3A_416] : memref<32x176x64xi32, #tpu.memory_space<hbm>> -> memref<1x16x64xi32, #tpu.memory_space<hbm>>
          %dma_wait3A_418 = tpu.memref_squeeze %dma_wait3A_417 : memref<1x16x64xi32, #tpu.memory_space<hbm>> -> memref<16x64xi32, #tpu.memory_space<hbm>>
          %dma_wait3A_419 = arith.constant 0 : i32
          %dma_wait3A_420 = arith.constant 0 : i32
          %dma_wait3A_421 = tpu.memref_slice %arg7[%dma_wait3A_411, %dma_wait3A_419, %dma_wait3A_420] : memref<2x16x64xi32, #tpu.memory_space<vmem>> -> memref<1x16x64xi32, #tpu.memory_space<vmem>>
          %dma_wait3A_422 = tpu.memref_squeeze %dma_wait3A_421 : memref<1x16x64xi32, #tpu.memory_space<vmem>> -> memref<16x64xi32, #tpu.memory_space<vmem>>
          %dma_wait3A_423 = arith.constant 0 : i32
          %dma_wait3A_424 = tpu.memref_slice %arg4[%add3A, %mul3A_395, %dma_wait3A_423] : memref<32x176x64xi32, #tpu.memory_space<hbm>> -> memref<1x16x64xi32, #tpu.memory_space<hbm>>
          %dma_wait3A_425 = tpu.memref_squeeze %dma_wait3A_424 : memref<1x16x64xi32, #tpu.memory_space<hbm>> -> memref<16x64xi32, #tpu.memory_space<hbm>>
          tpu.wait_dma2 semaphore(%arg18 : memref<!tpu.dma_semaphore, #tpu.memory_space<semaphore_mem>>) src(%dma_wait3A_425 : memref<16x64xi32, #tpu.memory_space<hbm>>) dst(%dma_wait3A_422 : memref<16x64xi32, #tpu.memory_space<vmem>>)
        } else {
        }
        %add3A_276 = arith.constant 2 : i32
        %add3A_277 = arith.addi %add3A_231, %add3A_276 : i32
        %dma_start3A_278 = arith.constant 1 : i32
        %dma_start3A_279 = arith.constant 3 : i32
        %dma_start3A_280 = arith.constant 0 : i32
        %dma_start3A_281 = arith.constant 0 : i32
        %dma_start3A_282 = tpu.memref_slice %arg8[%dma_start3A_279, %dma_start3A_280, %dma_start3A_281] : memref<4x64x128xf32, #tpu.memory_space<vmem>> -> memref<1x64x128xf32, #tpu.memory_space<vmem>>
        %dma_start3A_283 = tpu.memref_squeeze %dma_start3A_282 : memref<1x64x128xf32, #tpu.memory_space<vmem>> -> memref<64x128xf32, #tpu.memory_space<vmem>>
        %dma_start3A_284 = arith.constant 0 : i32
        %dma_start3A_285 = tpu.memref_slice %arg6[%dma_start3A_278, %add3A_277, %dma_start3A_284] : memref<2x16x64xi32, #tpu.memory_space<vmem>> -> memref<1x1x64xi32, #tpu.memory_space<vmem>>
        %dma_start3A_286 = tpu.memref_squeeze %dma_start3A_285 : memref<1x1x64xi32, #tpu.memory_space<vmem>> -> memref<64xi32, #tpu.memory_space<vmem>>
        %dma_start3A_287 = arith.constant 0 : i32
        %dma_start3A_288 = arith.constant 0 : i32
        %dma_start3A_289 = tpu.memref_slice %arg2[%dma_start3A_287, %dma_start3A_288] : memref<10112x128xf32, #tpu.memory_space<hbm>> -> memref<10112x128xf32, #tpu.memory_space<hbm>>
        tpu.enqueue_indirect_dma source(%dma_start3A_289 : memref<10112x128xf32, #tpu.memory_space<hbm>>) target(%dma_start3A_283 : memref<64x128xf32, #tpu.memory_space<vmem>>) offsets(%dma_start3A_286 : memref<64xi32, #tpu.memory_space<vmem>>) semaphore(%arg13 : memref<!tpu.dma_semaphore, #tpu.memory_space<semaphore_mem>>)
        %mul3A_290 = arith.constant 4 : i32
        %mul3A_291 = arith.muli %add3A_179, %mul3A_290 : i32
        %add3A_292 = arith.constant 2 : i32
        %add3A_293 = arith.addi %mul3A_291, %add3A_292 : i32
        %dma_wait3A_294 = arith.constant 1 : i32
        %dma_wait3A_295 = arith.constant 2 : i32
        %dma_wait3A_296 = arith.constant 0 : i32
        %dma_wait3A_297 = arith.constant 0 : i32
        %dma_wait3A_298 = tpu.memref_slice %arg8[%dma_wait3A_295, %dma_wait3A_296, %dma_wait3A_297] : memref<4x64x128xf32, #tpu.memory_space<vmem>> -> memref<1x64x128xf32, #tpu.memory_space<vmem>>
        %dma_wait3A_299 = tpu.memref_squeeze %dma_wait3A_298 : memref<1x64x128xf32, #tpu.memory_space<vmem>> -> memref<64x128xf32, #tpu.memory_space<vmem>>
        %dma_wait3A_300 = arith.constant 0 : i32
        %dma_wait3A_301 = tpu.memref_slice %arg6[%dma_wait3A_294, %add3A_293, %dma_wait3A_300] : memref<2x16x64xi32, #tpu.memory_space<vmem>> -> memref<1x1x64xi32, #tpu.memory_space<vmem>>
        %dma_wait3A_302 = tpu.memref_squeeze %dma_wait3A_301 : memref<1x1x64xi32, #tpu.memory_space<vmem>> -> memref<64xi32, #tpu.memory_space<vmem>>
        %dma_wait3A_303 = arith.constant 0 : i32
        %dma_wait3A_304 = arith.constant 0 : i32
        %dma_wait3A_305 = tpu.memref_slice %arg2[%dma_wait3A_303, %dma_wait3A_304] : memref<10112x128xf32, #tpu.memory_space<hbm>> -> memref<10112x128xf32, #tpu.memory_space<hbm>>
        tpu.wait_indirect_dma semaphore(%arg12 : memref<!tpu.dma_semaphore, #tpu.memory_space<semaphore_mem>>) src(%dma_wait3A_305 : memref<10112x128xf32, #tpu.memory_space<hbm>>) dst(%dma_wait3A_299 : memref<64x128xf32, #tpu.memory_space<vmem>>)
        %dma_start3A_306 = arith.constant 2 : i32
        %dma_start3A_307 = arith.constant 1 : i32
        %dma_start3A_308 = arith.constant 0 : i32
        %dma_start3A_309 = arith.constant 0 : i32
        %dma_start3A_310 = tpu.memref_slice %arg8[%dma_start3A_306, %dma_start3A_308, %dma_start3A_309] : memref<4x64x128xf32, #tpu.memory_space<vmem>> -> memref<1x64x128xf32, #tpu.memory_space<vmem>>
        %dma_start3A_311 = tpu.memref_squeeze %dma_start3A_310 : memref<1x64x128xf32, #tpu.memory_space<vmem>> -> memref<64x128xf32, #tpu.memory_space<vmem>>
        %dma_start3A_312 = arith.constant 0 : i32
        %dma_start3A_313 = tpu.memref_slice %arg7[%dma_start3A_307, %add3A_293, %dma_start3A_312] : memref<2x16x64xi32, #tpu.memory_space<vmem>> -> memref<1x1x64xi32, #tpu.memory_space<vmem>>
        %dma_start3A_314 = tpu.memref_squeeze %dma_start3A_313 : memref<1x1x64xi32, #tpu.memory_space<vmem>> -> memref<64xi32, #tpu.memory_space<vmem>>
        %dma_start3A_315 = arith.constant 0 : i32
        %dma_start3A_316 = arith.constant 0 : i32
        %dma_start3A_317 = tpu.memref_slice %arg9[%dma_start3A_315, %dma_start3A_316] : memref<10112x128xf32, #tpu.memory_space<vmem_shared>> -> memref<10112x128xf32, #tpu.memory_space<vmem_shared>>
        tpu.enqueue_indirect_dma source(%dma_start3A_311 : memref<64x128xf32, #tpu.memory_space<vmem>>) target(%dma_start3A_317 : memref<10112x128xf32, #tpu.memory_space<vmem_shared>>) offsets(%dma_start3A_314 : memref<64xi32, #tpu.memory_space<vmem>>) semaphore(%arg16 : memref<!tpu.dma_semaphore, #tpu.memory_space<semaphore_mem>>) {add = true}
        %sub3A = arith.constant 2 : i32
        %sub3A_318 = arith.subi %add3A_293, %sub3A : i32
        %dma_wait3A_319 = arith.constant 0 : i32
        %dma_wait3A_320 = arith.constant 1 : i32
        %dma_wait3A_321 = arith.constant 0 : i32
        %dma_wait3A_322 = arith.constant 0 : i32
        %dma_wait3A_323 = tpu.memref_slice %arg8[%dma_wait3A_319, %dma_wait3A_321, %dma_wait3A_322] : memref<4x64x128xf32, #tpu.memory_space<vmem>> -> memref<1x64x128xf32, #tpu.memory_space<vmem>>
        %dma_wait3A_324 = tpu.memref_squeeze %dma_wait3A_323 : memref<1x64x128xf32, #tpu.memory_space<vmem>> -> memref<64x128xf32, #tpu.memory_space<vmem>>
        %dma_wait3A_325 = arith.constant 0 : i32
        %dma_wait3A_326 = tpu.memref_slice %arg7[%dma_wait3A_320, %sub3A_318, %dma_wait3A_325] : memref<2x16x64xi32, #tpu.memory_space<vmem>> -> memref<1x1x64xi32, #tpu.memory_space<vmem>>
        %dma_wait3A_327 = tpu.memref_squeeze %dma_wait3A_326 : memref<1x1x64xi32, #tpu.memory_space<vmem>> -> memref<64xi32, #tpu.memory_space<vmem>>
        %dma_wait3A_328 = arith.constant 0 : i32
        %dma_wait3A_329 = arith.constant 0 : i32
        %dma_wait3A_330 = tpu.memref_slice %arg9[%dma_wait3A_328, %dma_wait3A_329] : memref<10112x128xf32, #tpu.memory_space<vmem_shared>> -> memref<10112x128xf32, #tpu.memory_space<vmem_shared>>
        tpu.wait_indirect_dma semaphore(%arg14 : memref<!tpu.dma_semaphore, #tpu.memory_space<semaphore_mem>>) src(%dma_wait3A_324 : memref<64x128xf32, #tpu.memory_space<vmem>>) dst(%dma_wait3A_330 : memref<10112x128xf32, #tpu.memory_space<vmem_shared>>)
        %lt3A = arith.constant 3 : i32
        %lt3A_331 = arith.cmpi slt, %add3A_179, %lt3A : i32
        %convert_element_type3A_332 = arith.extui %lt3A_331 : i1 to i32
        %cond3A_333 = arith.constant 0 : i32
        %cond3A_334 = arith.cmpi ne, %convert_element_type3A_332, %cond3A_333 : i32
        scf.if %cond3A_334 {
          %add3A_392 = arith.constant 2 : i32
          %add3A_393 = arith.addi %add3A_293, %add3A_392 : i32
          %dma_start3A_394 = arith.constant 1 : i32
          %dma_start3A_395 = arith.constant 0 : i32
          %dma_start3A_396 = arith.constant 0 : i32
          %dma_start3A_397 = arith.constant 0 : i32
          %dma_start3A_398 = tpu.memref_slice %arg8[%dma_start3A_395, %dma_start3A_396, %dma_start3A_397] : memref<4x64x128xf32, #tpu.memory_space<vmem>> -> memref<1x64x128xf32, #tpu.memory_space<vmem>>
          %dma_start3A_399 = tpu.memref_squeeze %dma_start3A_398 : memref<1x64x128xf32, #tpu.memory_space<vmem>> -> memref<64x128xf32, #tpu.memory_space<vmem>>
          %dma_start3A_400 = arith.constant 0 : i32
          %dma_start3A_401 = tpu.memref_slice %arg6[%dma_start3A_394, %add3A_393, %dma_start3A_400] : memref<2x16x64xi32, #tpu.memory_space<vmem>> -> memref<1x1x64xi32, #tpu.memory_space<vmem>>
          %dma_start3A_402 = tpu.memref_squeeze %dma_start3A_401 : memref<1x1x64xi32, #tpu.memory_space<vmem>> -> memref<64xi32, #tpu.memory_space<vmem>>
          %dma_start3A_403 = arith.constant 0 : i32
          %dma_start3A_404 = arith.constant 0 : i32
          %dma_start3A_405 = tpu.memref_slice %arg2[%dma_start3A_403, %dma_start3A_404] : memref<10112x128xf32, #tpu.memory_space<hbm>> -> memref<10112x128xf32, #tpu.memory_space<hbm>>
          tpu.enqueue_indirect_dma source(%dma_start3A_405 : memref<10112x128xf32, #tpu.memory_space<hbm>>) target(%dma_start3A_399 : memref<64x128xf32, #tpu.memory_space<vmem>>) offsets(%dma_start3A_402 : memref<64xi32, #tpu.memory_space<vmem>>) semaphore(%arg10 : memref<!tpu.dma_semaphore, #tpu.memory_space<semaphore_mem>>)
        } else {
        }
        %eq3A_335 = arith.constant 3 : i32
        %eq3A_336 = arith.cmpi eq, %add3A_179, %eq3A_335 : i32
        %convert_element_type3A_337 = arith.extui %eq3A_336 : i1 to i32
        %cond3A_338 = arith.constant 0 : i32
        %cond3A_339 = arith.cmpi ne, %convert_element_type3A_337, %cond3A_338 : i32
        scf.if %cond3A_339 {
          %dma_start3A_392 = arith.constant 0 : i32
          %dma_start3A_393 = arith.constant 0 : i32
          %dma_start3A_394 = arith.constant 0 : i32
          %dma_start3A_395 = arith.constant 0 : i32
          %dma_start3A_396 = arith.constant 0 : i32
          %dma_start3A_397 = tpu.memref_slice %arg8[%dma_start3A_394, %dma_start3A_395, %dma_start3A_396] : memref<4x64x128xf32, #tpu.memory_space<vmem>> -> memref<1x64x128xf32, #tpu.memory_space<vmem>>
          %dma_start3A_398 = tpu.memref_squeeze %dma_start3A_397 : memref<1x64x128xf32, #tpu.memory_space<vmem>> -> memref<64x128xf32, #tpu.memory_space<vmem>>
          %dma_start3A_399 = arith.constant 0 : i32
          %dma_start3A_400 = tpu.memref_slice %arg6[%dma_start3A_392, %dma_start3A_393, %dma_start3A_399] : memref<2x16x64xi32, #tpu.memory_space<vmem>> -> memref<1x1x64xi32, #tpu.memory_space<vmem>>
          %dma_start3A_401 = tpu.memref_squeeze %dma_start3A_400 : memref<1x1x64xi32, #tpu.memory_space<vmem>> -> memref<64xi32, #tpu.memory_space<vmem>>
          %dma_start3A_402 = arith.constant 0 : i32
          %dma_start3A_403 = arith.constant 0 : i32
          %dma_start3A_404 = tpu.memref_slice %arg2[%dma_start3A_402, %dma_start3A_403] : memref<10112x128xf32, #tpu.memory_space<hbm>> -> memref<10112x128xf32, #tpu.memory_space<hbm>>
          tpu.enqueue_indirect_dma source(%dma_start3A_404 : memref<10112x128xf32, #tpu.memory_space<hbm>>) target(%dma_start3A_398 : memref<64x128xf32, #tpu.memory_space<vmem>>) offsets(%dma_start3A_401 : memref<64xi32, #tpu.memory_space<vmem>>) semaphore(%arg10 : memref<!tpu.dma_semaphore, #tpu.memory_space<semaphore_mem>>)
        } else {
        }
        %mul3A_340 = arith.constant 4 : i32
        %mul3A_341 = arith.muli %add3A_179, %mul3A_340 : i32
        %add3A_342 = arith.constant 3 : i32
        %add3A_343 = arith.addi %mul3A_341, %add3A_342 : i32
        %dma_wait3A_344 = arith.constant 1 : i32
        %dma_wait3A_345 = arith.constant 3 : i32
        %dma_wait3A_346 = arith.constant 0 : i32
        %dma_wait3A_347 = arith.constant 0 : i32
        %dma_wait3A_348 = tpu.memref_slice %arg8[%dma_wait3A_345, %dma_wait3A_346, %dma_wait3A_347] : memref<4x64x128xf32, #tpu.memory_space<vmem>> -> memref<1x64x128xf32, #tpu.memory_space<vmem>>
        %dma_wait3A_349 = tpu.memref_squeeze %dma_wait3A_348 : memref<1x64x128xf32, #tpu.memory_space<vmem>> -> memref<64x128xf32, #tpu.memory_space<vmem>>
        %dma_wait3A_350 = arith.constant 0 : i32
        %dma_wait3A_351 = tpu.memref_slice %arg6[%dma_wait3A_344, %add3A_343, %dma_wait3A_350] : memref<2x16x64xi32, #tpu.memory_space<vmem>> -> memref<1x1x64xi32, #tpu.memory_space<vmem>>
        %dma_wait3A_352 = tpu.memref_squeeze %dma_wait3A_351 : memref<1x1x64xi32, #tpu.memory_space<vmem>> -> memref<64xi32, #tpu.memory_space<vmem>>
        %dma_wait3A_353 = arith.constant 0 : i32
        %dma_wait3A_354 = arith.constant 0 : i32
        %dma_wait3A_355 = tpu.memref_slice %arg2[%dma_wait3A_353, %dma_wait3A_354] : memref<10112x128xf32, #tpu.memory_space<hbm>> -> memref<10112x128xf32, #tpu.memory_space<hbm>>
        tpu.wait_indirect_dma semaphore(%arg13 : memref<!tpu.dma_semaphore, #tpu.memory_space<semaphore_mem>>) src(%dma_wait3A_355 : memref<10112x128xf32, #tpu.memory_space<hbm>>) dst(%dma_wait3A_349 : memref<64x128xf32, #tpu.memory_space<vmem>>)
        %dma_start3A_356 = arith.constant 3 : i32
        %dma_start3A_357 = arith.constant 1 : i32
        %dma_start3A_358 = arith.constant 0 : i32
        %dma_start3A_359 = arith.constant 0 : i32
        %dma_start3A_360 = tpu.memref_slice %arg8[%dma_start3A_356, %dma_start3A_358, %dma_start3A_359] : memref<4x64x128xf32, #tpu.memory_space<vmem>> -> memref<1x64x128xf32, #tpu.memory_space<vmem>>
        %dma_start3A_361 = tpu.memref_squeeze %dma_start3A_360 : memref<1x64x128xf32, #tpu.memory_space<vmem>> -> memref<64x128xf32, #tpu.memory_space<vmem>>
        %dma_start3A_362 = arith.constant 0 : i32
        %dma_start3A_363 = tpu.memref_slice %arg7[%dma_start3A_357, %add3A_343, %dma_start3A_362] : memref<2x16x64xi32, #tpu.memory_space<vmem>> -> memref<1x1x64xi32, #tpu.memory_space<vmem>>
        %dma_start3A_364 = tpu.memref_squeeze %dma_start3A_363 : memref<1x1x64xi32, #tpu.memory_space<vmem>> -> memref<64xi32, #tpu.memory_space<vmem>>
        %dma_start3A_365 = arith.constant 0 : i32
        %dma_start3A_366 = arith.constant 0 : i32
        %dma_start3A_367 = tpu.memref_slice %arg9[%dma_start3A_365, %dma_start3A_366] : memref<10112x128xf32, #tpu.memory_space<vmem_shared>> -> memref<10112x128xf32, #tpu.memory_space<vmem_shared>>
        tpu.enqueue_indirect_dma source(%dma_start3A_361 : memref<64x128xf32, #tpu.memory_space<vmem>>) target(%dma_start3A_367 : memref<10112x128xf32, #tpu.memory_space<vmem_shared>>) offsets(%dma_start3A_364 : memref<64xi32, #tpu.memory_space<vmem>>) semaphore(%arg17 : memref<!tpu.dma_semaphore, #tpu.memory_space<semaphore_mem>>) {add = true}
        %sub3A_368 = arith.constant 2 : i32
        %sub3A_369 = arith.subi %add3A_343, %sub3A_368 : i32
        %dma_wait3A_370 = arith.constant 1 : i32
        %dma_wait3A_371 = arith.constant 1 : i32
        %dma_wait3A_372 = arith.constant 0 : i32
        %dma_wait3A_373 = arith.constant 0 : i32
        %dma_wait3A_374 = tpu.memref_slice %arg8[%dma_wait3A_370, %dma_wait3A_372, %dma_wait3A_373] : memref<4x64x128xf32, #tpu.memory_space<vmem>> -> memref<1x64x128xf32, #tpu.memory_space<vmem>>
        %dma_wait3A_375 = tpu.memref_squeeze %dma_wait3A_374 : memref<1x64x128xf32, #tpu.memory_space<vmem>> -> memref<64x128xf32, #tpu.memory_space<vmem>>
        %dma_wait3A_376 = arith.constant 0 : i32
        %dma_wait3A_377 = tpu.memref_slice %arg7[%dma_wait3A_371, %sub3A_369, %dma_wait3A_376] : memref<2x16x64xi32, #tpu.memory_space<vmem>> -> memref<1x1x64xi32, #tpu.memory_space<vmem>>
        %dma_wait3A_378 = tpu.memref_squeeze %dma_wait3A_377 : memref<1x1x64xi32, #tpu.memory_space<vmem>> -> memref<64xi32, #tpu.memory_space<vmem>>
        %dma_wait3A_379 = arith.constant 0 : i32
        %dma_wait3A_380 = arith.constant 0 : i32
        %dma_wait3A_381 = tpu.memref_slice %arg9[%dma_wait3A_379, %dma_wait3A_380] : memref<10112x128xf32, #tpu.memory_space<vmem_shared>> -> memref<10112x128xf32, #tpu.memory_space<vmem_shared>>
        tpu.wait_indirect_dma semaphore(%arg15 : memref<!tpu.dma_semaphore, #tpu.memory_space<semaphore_mem>>) src(%dma_wait3A_375 : memref<64x128xf32, #tpu.memory_space<vmem>>) dst(%dma_wait3A_381 : memref<10112x128xf32, #tpu.memory_space<vmem_shared>>)
        %lt3A_382 = arith.constant 3 : i32
        %lt3A_383 = arith.cmpi slt, %add3A_179, %lt3A_382 : i32
        %convert_element_type3A_384 = arith.extui %lt3A_383 : i1 to i32
        %cond3A_385 = arith.constant 0 : i32
        %cond3A_386 = arith.cmpi ne, %convert_element_type3A_384, %cond3A_385 : i32
        scf.if %cond3A_386 {
          %add3A_392 = arith.constant 2 : i32
          %add3A_393 = arith.addi %add3A_343, %add3A_392 : i32
          %dma_start3A_394 = arith.constant 1 : i32
          %dma_start3A_395 = arith.constant 1 : i32
          %dma_start3A_396 = arith.constant 0 : i32
          %dma_start3A_397 = arith.constant 0 : i32
          %dma_start3A_398 = tpu.memref_slice %arg8[%dma_start3A_395, %dma_start3A_396, %dma_start3A_397] : memref<4x64x128xf32, #tpu.memory_space<vmem>> -> memref<1x64x128xf32, #tpu.memory_space<vmem>>
          %dma_start3A_399 = tpu.memref_squeeze %dma_start3A_398 : memref<1x64x128xf32, #tpu.memory_space<vmem>> -> memref<64x128xf32, #tpu.memory_space<vmem>>
          %dma_start3A_400 = arith.constant 0 : i32
          %dma_start3A_401 = tpu.memref_slice %arg6[%dma_start3A_394, %add3A_393, %dma_start3A_400] : memref<2x16x64xi32, #tpu.memory_space<vmem>> -> memref<1x1x64xi32, #tpu.memory_space<vmem>>
          %dma_start3A_402 = tpu.memref_squeeze %dma_start3A_401 : memref<1x1x64xi32, #tpu.memory_space<vmem>> -> memref<64xi32, #tpu.memory_space<vmem>>
          %dma_start3A_403 = arith.constant 0 : i32
          %dma_start3A_404 = arith.constant 0 : i32
          %dma_start3A_405 = tpu.memref_slice %arg2[%dma_start3A_403, %dma_start3A_404] : memref<10112x128xf32, #tpu.memory_space<hbm>> -> memref<10112x128xf32, #tpu.memory_space<hbm>>
          tpu.enqueue_indirect_dma source(%dma_start3A_405 : memref<10112x128xf32, #tpu.memory_space<hbm>>) target(%dma_start3A_399 : memref<64x128xf32, #tpu.memory_space<vmem>>) offsets(%dma_start3A_402 : memref<64xi32, #tpu.memory_space<vmem>>) semaphore(%arg11 : memref<!tpu.dma_semaphore, #tpu.memory_space<semaphore_mem>>)
        } else {
        }
        %eq3A_387 = arith.constant 3 : i32
        %eq3A_388 = arith.cmpi eq, %add3A_179, %eq3A_387 : i32
        %convert_element_type3A_389 = arith.extui %eq3A_388 : i1 to i32
        %cond3A_390 = arith.constant 0 : i32
        %cond3A_391 = arith.cmpi ne, %convert_element_type3A_389, %cond3A_390 : i32
        scf.if %cond3A_391 {
          %dma_start3A_392 = arith.constant 0 : i32
          %dma_start3A_393 = arith.constant 1 : i32
          %dma_start3A_394 = arith.constant 1 : i32
          %dma_start3A_395 = arith.constant 0 : i32
          %dma_start3A_396 = arith.constant 0 : i32
          %dma_start3A_397 = tpu.memref_slice %arg8[%dma_start3A_394, %dma_start3A_395, %dma_start3A_396] : memref<4x64x128xf32, #tpu.memory_space<vmem>> -> memref<1x64x128xf32, #tpu.memory_space<vmem>>
          %dma_start3A_398 = tpu.memref_squeeze %dma_start3A_397 : memref<1x64x128xf32, #tpu.memory_space<vmem>> -> memref<64x128xf32, #tpu.memory_space<vmem>>
          %dma_start3A_399 = arith.constant 0 : i32
          %dma_start3A_400 = tpu.memref_slice %arg6[%dma_start3A_392, %dma_start3A_393, %dma_start3A_399] : memref<2x16x64xi32, #tpu.memory_space<vmem>> -> memref<1x1x64xi32, #tpu.memory_space<vmem>>
          %dma_start3A_401 = tpu.memref_squeeze %dma_start3A_400 : memref<1x1x64xi32, #tpu.memory_space<vmem>> -> memref<64xi32, #tpu.memory_space<vmem>>
          %dma_start3A_402 = arith.constant 0 : i32
          %dma_start3A_403 = arith.constant 0 : i32
          %dma_start3A_404 = tpu.memref_slice %arg2[%dma_start3A_402, %dma_start3A_403] : memref<10112x128xf32, #tpu.memory_space<hbm>> -> memref<10112x128xf32, #tpu.memory_space<hbm>>
          tpu.enqueue_indirect_dma source(%dma_start3A_404 : memref<10112x128xf32, #tpu.memory_space<hbm>>) target(%dma_start3A_398 : memref<64x128xf32, #tpu.memory_space<vmem>>) offsets(%dma_start3A_401 : memref<64xi32, #tpu.memory_space<vmem>>) semaphore(%arg11 : memref<!tpu.dma_semaphore, #tpu.memory_space<semaphore_mem>>)
        } else {
        }
      }
      %scan3A_174 = arith.constant 4 : i32
    }
    %scan3A_98 = arith.constant 5 : i32
    %dma_wait3A_99 = arith.constant 0 : i32
    %dma_wait3A_100 = arith.constant 0 : i32
    %dma_wait3A_101 = arith.constant 0 : i32
    %dma_wait3A_102 = arith.constant 0 : i32
    %dma_wait3A_103 = arith.constant 0 : i32
    %dma_wait3A_104 = tpu.memref_slice %arg8[%dma_wait3A_101, %dma_wait3A_102, %dma_wait3A_103] : memref<4x64x128xf32, #tpu.memory_space<vmem>> -> memref<1x64x128xf32, #tpu.memory_space<vmem>>
    %dma_wait3A_105 = tpu.memref_squeeze %dma_wait3A_104 : memref<1x64x128xf32, #tpu.memory_space<vmem>> -> memref<64x128xf32, #tpu.memory_space<vmem>>
    %dma_wait3A_106 = arith.constant 0 : i32
    %dma_wait3A_107 = tpu.memref_slice %arg6[%dma_wait3A_99, %dma_wait3A_100, %dma_wait3A_106] : memref<2x16x64xi32, #tpu.memory_space<vmem>> -> memref<1x1x64xi32, #tpu.memory_space<vmem>>
    %dma_wait3A_108 = tpu.memref_squeeze %dma_wait3A_107 : memref<1x1x64xi32, #tpu.memory_space<vmem>> -> memref<64xi32, #tpu.memory_space<vmem>>
    %dma_wait3A_109 = arith.constant 0 : i32
    %dma_wait3A_110 = arith.constant 0 : i32
    %dma_wait3A_111 = tpu.memref_slice %arg2[%dma_wait3A_109, %dma_wait3A_110] : memref<10112x128xf32, #tpu.memory_space<hbm>> -> memref<10112x128xf32, #tpu.memory_space<hbm>>
    tpu.wait_indirect_dma semaphore(%arg10 : memref<!tpu.dma_semaphore, #tpu.memory_space<semaphore_mem>>) src(%dma_wait3A_111 : memref<10112x128xf32, #tpu.memory_space<hbm>>) dst(%dma_wait3A_105 : memref<64x128xf32, #tpu.memory_space<vmem>>)
    %dma_wait3A_112 = arith.constant 0 : i32
    %dma_wait3A_113 = arith.constant 1 : i32
    %dma_wait3A_114 = arith.constant 1 : i32
    %dma_wait3A_115 = arith.constant 0 : i32
    %dma_wait3A_116 = arith.constant 0 : i32
    %dma_wait3A_117 = tpu.memref_slice %arg8[%dma_wait3A_114, %dma_wait3A_115, %dma_wait3A_116] : memref<4x64x128xf32, #tpu.memory_space<vmem>> -> memref<1x64x128xf32, #tpu.memory_space<vmem>>
    %dma_wait3A_118 = tpu.memref_squeeze %dma_wait3A_117 : memref<1x64x128xf32, #tpu.memory_space<vmem>> -> memref<64x128xf32, #tpu.memory_space<vmem>>
    %dma_wait3A_119 = arith.constant 0 : i32
    %dma_wait3A_120 = tpu.memref_slice %arg6[%dma_wait3A_112, %dma_wait3A_113, %dma_wait3A_119] : memref<2x16x64xi32, #tpu.memory_space<vmem>> -> memref<1x1x64xi32, #tpu.memory_space<vmem>>
    %dma_wait3A_121 = tpu.memref_squeeze %dma_wait3A_120 : memref<1x1x64xi32, #tpu.memory_space<vmem>> -> memref<64xi32, #tpu.memory_space<vmem>>
    %dma_wait3A_122 = arith.constant 0 : i32
    %dma_wait3A_123 = arith.constant 0 : i32
    %dma_wait3A_124 = tpu.memref_slice %arg2[%dma_wait3A_122, %dma_wait3A_123] : memref<10112x128xf32, #tpu.memory_space<hbm>> -> memref<10112x128xf32, #tpu.memory_space<hbm>>
    tpu.wait_indirect_dma semaphore(%arg11 : memref<!tpu.dma_semaphore, #tpu.memory_space<semaphore_mem>>) src(%dma_wait3A_124 : memref<10112x128xf32, #tpu.memory_space<hbm>>) dst(%dma_wait3A_118 : memref<64x128xf32, #tpu.memory_space<vmem>>)
    %dma_wait3A_125 = arith.constant 2 : i32
    %dma_wait3A_126 = arith.constant 1 : i32
    %dma_wait3A_127 = arith.constant 14 : i32
    %dma_wait3A_128 = arith.constant 0 : i32
    %dma_wait3A_129 = arith.constant 0 : i32
    %dma_wait3A_130 = tpu.memref_slice %arg8[%dma_wait3A_125, %dma_wait3A_128, %dma_wait3A_129] : memref<4x64x128xf32, #tpu.memory_space<vmem>> -> memref<1x64x128xf32, #tpu.memory_space<vmem>>
    %dma_wait3A_131 = tpu.memref_squeeze %dma_wait3A_130 : memref<1x64x128xf32, #tpu.memory_space<vmem>> -> memref<64x128xf32, #tpu.memory_space<vmem>>
    %dma_wait3A_132 = arith.constant 0 : i32
    %dma_wait3A_133 = tpu.memref_slice %arg7[%dma_wait3A_126, %dma_wait3A_127, %dma_wait3A_132] : memref<2x16x64xi32, #tpu.memory_space<vmem>> -> memref<1x1x64xi32, #tpu.memory_space<vmem>>
    %dma_wait3A_134 = tpu.memref_squeeze %dma_wait3A_133 : memref<1x1x64xi32, #tpu.memory_space<vmem>> -> memref<64xi32, #tpu.memory_space<vmem>>
    %dma_wait3A_135 = arith.constant 0 : i32
    %dma_wait3A_136 = arith.constant 0 : i32
    %dma_wait3A_137 = tpu.memref_slice %arg9[%dma_wait3A_135, %dma_wait3A_136] : memref<10112x128xf32, #tpu.memory_space<vmem_shared>> -> memref<10112x128xf32, #tpu.memory_space<vmem_shared>>
    tpu.wait_indirect_dma semaphore(%arg16 : memref<!tpu.dma_semaphore, #tpu.memory_space<semaphore_mem>>) src(%dma_wait3A_131 : memref<64x128xf32, #tpu.memory_space<vmem>>) dst(%dma_wait3A_137 : memref<10112x128xf32, #tpu.memory_space<vmem_shared>>)
    %dma_wait3A_138 = arith.constant 3 : i32
    %dma_wait3A_139 = arith.constant 1 : i32
    %dma_wait3A_140 = arith.constant 15 : i32
    %dma_wait3A_141 = arith.constant 0 : i32
    %dma_wait3A_142 = arith.constant 0 : i32
    %dma_wait3A_143 = tpu.memref_slice %arg8[%dma_wait3A_138, %dma_wait3A_141, %dma_wait3A_142] : memref<4x64x128xf32, #tpu.memory_space<vmem>> -> memref<1x64x128xf32, #tpu.memory_space<vmem>>
    %dma_wait3A_144 = tpu.memref_squeeze %dma_wait3A_143 : memref<1x64x128xf32, #tpu.memory_space<vmem>> -> memref<64x128xf32, #tpu.memory_space<vmem>>
    %dma_wait3A_145 = arith.constant 0 : i32
    %dma_wait3A_146 = tpu.memref_slice %arg7[%dma_wait3A_139, %dma_wait3A_140, %dma_wait3A_145] : memref<2x16x64xi32, #tpu.memory_space<vmem>> -> memref<1x1x64xi32, #tpu.memory_space<vmem>>
    %dma_wait3A_147 = tpu.memref_squeeze %dma_wait3A_146 : memref<1x1x64xi32, #tpu.memory_space<vmem>> -> memref<64xi32, #tpu.memory_space<vmem>>
    %dma_wait3A_148 = arith.constant 0 : i32
    %dma_wait3A_149 = arith.constant 0 : i32
    %dma_wait3A_150 = tpu.memref_slice %arg9[%dma_wait3A_148, %dma_wait3A_149] : memref<10112x128xf32, #tpu.memory_space<vmem_shared>> -> memref<10112x128xf32, #tpu.memory_space<vmem_shared>>
    tpu.wait_indirect_dma semaphore(%arg17 : memref<!tpu.dma_semaphore, #tpu.memory_space<semaphore_mem>>) src(%dma_wait3A_144 : memref<64x128xf32, #tpu.memory_space<vmem>>) dst(%dma_wait3A_150 : memref<10112x128xf32, #tpu.memory_space<vmem_shared>>)
    %barrier3A_151 = arith.constant 0 : index
    tpu.barrier barrier_id(%barrier3A_151)
    "tpu.region"() ({
      %run_scoped3A = tpu.sem_alloc : memref<!tpu.dma_semaphore, #tpu.memory_space<semaphore_mem>>
      %dma_start3A_152 = arith.constant 0 : i32
      %dma_start3A_153 = tpu.memref_slice %arg5[%arg0, %mul3A_2, %dma_start3A_152] : memref<2x10112x128xf32, #tpu.memory_space<hbm>> -> memref<1x632x128xf32, #tpu.memory_space<hbm>>
      %dma_start3A_154 = tpu.memref_squeeze %dma_start3A_153 : memref<1x632x128xf32, #tpu.memory_space<hbm>> -> memref<632x128xf32, #tpu.memory_space<hbm>>
      %dma_start3A_155 = arith.constant 0 : i32
      %dma_start3A_156 = tpu.memref_slice %arg9[%mul3A_2, %dma_start3A_155] : memref<10112x128xf32, #tpu.memory_space<vmem_shared>> -> memref<632x128xf32, #tpu.memory_space<vmem_shared>>
      tpu.enqueue_dma source(%dma_start3A_156 : memref<632x128xf32, #tpu.memory_space<vmem_shared>>) target(%dma_start3A_154 : memref<632x128xf32, #tpu.memory_space<hbm>>) target_semaphore(%run_scoped3A : memref<!tpu.dma_semaphore, #tpu.memory_space<semaphore_mem>>)
      %dma_wait3A_157 = arith.constant 0 : i32
      %dma_wait3A_158 = tpu.memref_slice %arg5[%arg0, %mul3A_2, %dma_wait3A_157] : memref<2x10112x128xf32, #tpu.memory_space<hbm>> -> memref<1x632x128xf32, #tpu.memory_space<hbm>>
      %dma_wait3A_159 = tpu.memref_squeeze %dma_wait3A_158 : memref<1x632x128xf32, #tpu.memory_space<hbm>> -> memref<632x128xf32, #tpu.memory_space<hbm>>
      %dma_wait3A_160 = arith.constant 0 : i32
      %dma_wait3A_161 = tpu.memref_slice %arg9[%mul3A_2, %dma_wait3A_160] : memref<10112x128xf32, #tpu.memory_space<vmem_shared>> -> memref<632x128xf32, #tpu.memory_space<vmem_shared>>
      tpu.wait_dma2 semaphore(%run_scoped3A : memref<!tpu.dma_semaphore, #tpu.memory_space<semaphore_mem>>) src(%dma_wait3A_161 : memref<632x128xf32, #tpu.memory_space<vmem_shared>>) dst(%dma_wait3A_159 : memref<632x128xf32, #tpu.memory_space<hbm>>)
      tpu.yield
    }) : () -> ()
    return
  }
}

#map = affine_map<(d0, d1) -> (0, 0)>
#map1 = affine_map<(d0, d1) -> (0, 0, 0)>
module attributes {stable_mosaic.version = 14 : i64} {
  func.func @body(%arg0: i32, %arg1: i32, %arg2: memref<10112x128xf32, #tpu.memory_space<hbm>>, %arg3: memref<32x176x64xi32, #tpu.memory_space<hbm>>, %arg4: memref<32x176x64xi32, #tpu.memory_space<hbm>>, %arg5: memref<2x10112x128xf32, #tpu.memory_space<hbm>>, %arg6: memref<2x16x64xi32, #tpu.memory_space<vmem>>, %arg7: memref<2x16x64xi32, #tpu.memory_space<vmem>>, %arg8: memref<4x64x128xf32, #tpu.memory_space<vmem>>, %arg9: memref<10112x128xf32, #tpu.memory_space<vmem_shared>>, %arg10: memref<!tpu.dma_semaphore, #tpu.memory_space<semaphore_mem>>, %arg11: memref<!tpu.dma_semaphore, #tpu.memory_space<semaphore_mem>>, %arg12: memref<!tpu.dma_semaphore, #tpu.memory_space<semaphore_mem>>, %arg13: memref<!tpu.dma_semaphore, #tpu.memory_space<semaphore_mem>>, %arg14: memref<!tpu.dma_semaphore, #tpu.memory_space<semaphore_mem>>, %arg15: memref<!tpu.dma_semaphore, #tpu.memory_space<semaphore_mem>>, %arg16: memref<!tpu.dma_semaphore, #tpu.memory_space<semaphore_mem>>, %arg17: memref<!tpu.dma_semaphore, #tpu.memory_space<semaphore_mem>>, %arg18: memref<!tpu.dma_semaphore, #tpu.memory_space<semaphore_mem>>, %arg19: memref<!tpu.dma_semaphore, #tpu.memory_space<semaphore_mem>>) attributes {dimension_semantics = [#tpu.dimension_semantics<core_parallel>, #tpu.dimension_semantics<subcore_parallel>], iteration_bounds = array<i64: 2, 16>, scalar_prefetch = 0 : i64, scratch_operands = 14 : i64, tpu.core_type = #tpu.core_type<sc_vector_subcore>, window_params = [{transform_indices = #map}, {transform_indices = #map1}, {transform_indices = #map1}, {transform_indices = #map1}]} {
    %mul3A = arith.constant 16 : i32
    %mul3A_0 = arith.muli %arg0, %mul3A : i32
    %add3A = arith.addi %mul3A_0, %arg1 : i32
    %mul3A_1 = arith.constant 632 : i32
    %mul3A_2 = arith.muli %arg1, %mul3A_1 : i32
    "tpu.region"() ({
      %run_scoped3A = tpu.sem_alloc : memref<!tpu.dma_semaphore, #tpu.memory_space<semaphore_mem>>
      %dma_start3A_152 = arith.constant 0 : i32
      %dma_start3A_153 = tpu.memref_slice %arg9[%mul3A_2, %dma_start3A_152] : memref<10112x128xf32, #tpu.memory_space<vmem_shared>> -> memref<632x128xf32, #tpu.memory_space<vmem_shared>>
      %dma_start3A_154 = arith.constant 0 : i32
      %dma_start3A_155 = tpu.memref_slice %arg2[%mul3A_2, %dma_start3A_154] : memref<10112x128xf32, #tpu.memory_space<hbm>> -> memref<632x128xf32, #tpu.memory_space<hbm>>
      tpu.enqueue_dma source(%dma_start3A_155 : memref<632x128xf32, #tpu.memory_space<hbm>>) target(%dma_start3A_153 : memref<632x128xf32, #tpu.memory_space<vmem_shared>>) target_semaphore(%run_scoped3A : memref<!tpu.dma_semaphore, #tpu.memory_space<semaphore_mem>>)
      %dma_wait3A_156 = arith.constant 0 : i32
      %dma_wait3A_157 = tpu.memref_slice %arg9[%mul3A_2, %dma_wait3A_156] : memref<10112x128xf32, #tpu.memory_space<vmem_shared>> -> memref<632x128xf32, #tpu.memory_space<vmem_shared>>
      %dma_wait3A_158 = arith.constant 0 : i32
      %dma_wait3A_159 = tpu.memref_slice %arg2[%mul3A_2, %dma_wait3A_158] : memref<10112x128xf32, #tpu.memory_space<hbm>> -> memref<632x128xf32, #tpu.memory_space<hbm>>
      tpu.wait_dma2 semaphore(%run_scoped3A : memref<!tpu.dma_semaphore, #tpu.memory_space<semaphore_mem>>) src(%dma_wait3A_159 : memref<632x128xf32, #tpu.memory_space<hbm>>) dst(%dma_wait3A_157 : memref<632x128xf32, #tpu.memory_space<vmem_shared>>)
      tpu.yield
    }) : () -> ()
    %dma_start3A = arith.constant 0 : i32
    %dma_start3A_3 = arith.constant 0 : i32
    %dma_start3A_4 = arith.constant 0 : i32
    %dma_start3A_5 = tpu.memref_slice %arg6[%dma_start3A, %dma_start3A_3, %dma_start3A_4] : memref<2x16x64xi32, #tpu.memory_space<vmem>> -> memref<1x16x64xi32, #tpu.memory_space<vmem>>
    %dma_start3A_6 = tpu.memref_squeeze %dma_start3A_5 : memref<1x16x64xi32, #tpu.memory_space<vmem>> -> memref<16x64xi32, #tpu.memory_space<vmem>>
    %dma_start3A_7 = arith.constant 0 : i32
    %dma_start3A_8 = arith.constant 0 : i32
    %dma_start3A_9 = tpu.memref_slice %arg3[%add3A, %dma_start3A_7, %dma_start3A_8] : memref<32x176x64xi32, #tpu.memory_space<hbm>> -> memref<1x16x64xi32, #tpu.memory_space<hbm>>
    %dma_start3A_10 = tpu.memref_squeeze %dma_start3A_9 : memref<1x16x64xi32, #tpu.memory_space<hbm>> -> memref<16x64xi32, #tpu.memory_space<hbm>>
    %dma_start3A_11 = arith.constant 0 : i32
    %dma_start3A_12 = arith.constant 0 : i32
    %dma_start3A_13 = tpu.memref_slice %arg6[%dma_start3A, %dma_start3A_11, %dma_start3A_12] : memref<2x16x64xi32, #tpu.memory_space<vmem>> -> memref<1x16x64xi32, #tpu.memory_space<vmem>>
    %dma_start3A_14 = tpu.memref_squeeze %dma_start3A_13 : memref<1x16x64xi32, #tpu.memory_space<vmem>> -> memref<16x64xi32, #tpu.memory_space<vmem>>
    %dma_start3A_15 = arith.constant 0 : i32
    %dma_start3A_16 = arith.constant 0 : i32
    %dma_start3A_17 = tpu.memref_slice %arg3[%add3A, %dma_start3A_15, %dma_start3A_16] : memref<32x176x64xi32, #tpu.memory_space<hbm>> -> memref<1x16x64xi32, #tpu.memory_space<hbm>>
    %dma_start3A_18 = tpu.memref_squeeze %dma_start3A_17 : memref<1x16x64xi32, #tpu.memory_space<hbm>> -> memref<16x64xi32, #tpu.memory_space<hbm>>
    tpu.enqueue_dma source(%dma_start3A_18 : memref<16x64xi32, #tpu.memory_space<hbm>>) target(%dma_start3A_14 : memref<16x64xi32, #tpu.memory_space<vmem>>) target_semaphore(%arg18 : memref<!tpu.dma_semaphore, #tpu.memory_space<semaphore_mem>>)
    %dma_start3A_19 = arith.constant 0 : i32
    %dma_start3A_20 = arith.constant 0 : i32
    %dma_start3A_21 = arith.constant 0 : i32
    %dma_start3A_22 = tpu.memref_slice %arg7[%dma_start3A_19, %dma_start3A_20, %dma_start3A_21] : memref<2x16x64xi32, #tpu.memory_space<vmem>> -> memref<1x16x64xi32, #tpu.memory_space<vmem>>
    %dma_start3A_23 = tpu.memref_squeeze %dma_start3A_22 : memref<1x16x64xi32, #tpu.memory_space<vmem>> -> memref<16x64xi32, #tpu.memory_space<vmem>>
    %dma_start3A_24 = arith.constant 0 : i32
    %dma_start3A_25 = arith.constant 0 : i32
    %dma_start3A_26 = tpu.memref_slice %arg4[%add3A, %dma_start3A_24, %dma_start3A_25] : memref<32x176x64xi32, #tpu.memory_space<hbm>> -> memref<1x16x64xi32, #tpu.memory_space<hbm>>
    %dma_start3A_27 = tpu.memref_squeeze %dma_start3A_26 : memref<1x16x64xi32, #tpu.memory_space<hbm>> -> memref<16x64xi32, #tpu.memory_space<hbm>>
    %dma_start3A_28 = arith.constant 0 : i32
    %dma_start3A_29 = arith.constant 0 : i32
    %dma_start3A_30 = tpu.memref_slice %arg7[%dma_start3A_19, %dma_start3A_28, %dma_start3A_29] : memref<2x16x64xi32, #tpu.memory_space<vmem>> -> memref<1x16x64xi32, #tpu.memory_space<vmem>>
    %dma_start3A_31 = tpu.memref_squeeze %dma_start3A_30 : memref<1x16x64xi32, #tpu.memory_space<vmem>> -> memref<16x64xi32, #tpu.memory_space<vmem>>
    %dma_start3A_32 = arith.constant 0 : i32
    %dma_start3A_33 = arith.constant 0 : i32
    %dma_start3A_34 = tpu.memref_slice %arg4[%add3A, %dma_start3A_32, %dma_start3A_33] : memref<32x176x64xi32, #tpu.memory_space<hbm>> -> memref<1x16x64xi32, #tpu.memory_space<hbm>>
    %dma_start3A_35 = tpu.memref_squeeze %dma_start3A_34 : memref<1x16x64xi32, #tpu.memory_space<hbm>> -> memref<16x64xi32, #tpu.memory_space<hbm>>
    tpu.enqueue_dma source(%dma_start3A_35 : memref<16x64xi32, #tpu.memory_space<hbm>>) target(%dma_start3A_31 : memref<16x64xi32, #tpu.memory_space<vmem>>) target_semaphore(%arg18 : memref<!tpu.dma_semaphore, #tpu.memory_space<semaphore_mem>>)
    %barrier3A = arith.constant 0 : index
    tpu.barrier barrier_id(%barrier3A)
    %dma_wait3A = arith.constant 0 : i32
    %dma_wait3A_36 = arith.constant 0 : i32
    %dma_wait3A_37 = arith.constant 0 : i32
    %dma_wait3A_38 = tpu.memref_slice %arg6[%dma_wait3A, %dma_wait3A_36, %dma_wait3A_37] : memref<2x16x64xi32, #tpu.memory_space<vmem>> -> memref<1x16x64xi32, #tpu.memory_space<vmem>>
    %dma_wait3A_39 = tpu.memref_squeeze %dma_wait3A_38 : memref<1x16x64xi32, #tpu.memory_space<vmem>> -> memref<16x64xi32, #tpu.memory_space<vmem>>
    %dma_wait3A_40 = arith.constant 0 : i32
    %dma_wait3A_41 = arith.constant 0 : i32
    %dma_wait3A_42 = tpu.memref_slice %arg3[%add3A, %dma_wait3A_40, %dma_wait3A_41] : memref<32x176x64xi32, #tpu.memory_space<hbm>> -> memref<1x16x64xi32, #tpu.memory_space<hbm>>
    %dma_wait3A_43 = tpu.memref_squeeze %dma_wait3A_42 : memref<1x16x64xi32, #tpu.memory_space<hbm>> -> memref<16x64xi32, #tpu.memory_space<hbm>>
    %dma_wait3A_44 = arith.constant 0 : i32
    %dma_wait3A_45 = arith.constant 0 : i32
    %dma_wait3A_46 = tpu.memref_slice %arg6[%dma_wait3A, %dma_wait3A_44, %dma_wait3A_45] : memref<2x16x64xi32, #tpu.memory_space<vmem>> -> memref<1x16x64xi32, #tpu.memory_space<vmem>>
    %dma_wait3A_47 = tpu.memref_squeeze %dma_wait3A_46 : memref<1x16x64xi32, #tpu.memory_space<vmem>> -> memref<16x64xi32, #tpu.memory_space<vmem>>
    %dma_wait3A_48 = arith.constant 0 : i32
    %dma_wait3A_49 = arith.constant 0 : i32
    %dma_wait3A_50 = tpu.memref_slice %arg3[%add3A, %dma_wait3A_48, %dma_wait3A_49] : memref<32x176x64xi32, #tpu.memory_space<hbm>> -> memref<1x16x64xi32, #tpu.memory_space<hbm>>
    %dma_wait3A_51 = tpu.memref_squeeze %dma_wait3A_50 : memref<1x16x64xi32, #tpu.memory_space<hbm>> -> memref<16x64xi32, #tpu.memory_space<hbm>>
    tpu.wait_dma2 semaphore(%arg18 : memref<!tpu.dma_semaphore, #tpu.memory_space<semaphore_mem>>) src(%dma_wait3A_51 : memref<16x64xi32, #tpu.memory_space<hbm>>) dst(%dma_wait3A_47 : memref<16x64xi32, #tpu.memory_space<vmem>>)
    %dma_wait3A_52 = arith.constant 0 : i32
    %dma_wait3A_53 = arith.constant 0 : i32
    %dma_wait3A_54 = arith.constant 0 : i32
    %dma_wait3A_55 = tpu.memref_slice %arg7[%dma_wait3A_52, %dma_wait3A_53, %dma_wait3A_54] : memref<2x16x64xi32, #tpu.memory_space<vmem>> -> memref<1x16x64xi32, #tpu.memory_space<vmem>>
    %dma_wait3A_56 = tpu.memref_squeeze %dma_wait3A_55 : memref<1x16x64xi32, #tpu.memory_space<vmem>> -> memref<16x64xi32, #tpu.memory_space<vmem>>
    %dma_wait3A_57 = arith.constant 0 : i32
    %dma_wait3A_58 = arith.constant 0 : i32
    %dma_wait3A_59 = tpu.memref_slice %arg4[%add3A, %dma_wait3A_57, %dma_wait3A_58] : memref<32x176x64xi32, #tpu.memory_space<hbm>> -> memref<1x16x64xi32, #tpu.memory_space<hbm>>
    %dma_wait3A_60 = tpu.memref_squeeze %dma_wait3A_59 : memref<1x16x64xi32, #tpu.memory_space<hbm>> -> memref<16x64xi32, #tpu.memory_space<hbm>>
    %dma_wait3A_61 = arith.constant 0 : i32
    %dma_wait3A_62 = arith.constant 0 : i32
    %dma_wait3A_63 = tpu.memref_slice %arg7[%dma_wait3A_52, %dma_wait3A_61, %dma_wait3A_62] : memref<2x16x64xi32, #tpu.memory_space<vmem>> -> memref<1x16x64xi32, #tpu.memory_space<vmem>>
    %dma_wait3A_64 = tpu.memref_squeeze %dma_wait3A_63 : memref<1x16x64xi32, #tpu.memory_space<vmem>> -> memref<16x64xi32, #tpu.memory_space<vmem>>
    %dma_wait3A_65 = arith.constant 0 : i32
    %dma_wait3A_66 = arith.constant 0 : i32
    %dma_wait3A_67 = tpu.memref_slice %arg4[%add3A, %dma_wait3A_65, %dma_wait3A_66] : memref<32x176x64xi32, #tpu.memory_space<hbm>> -> memref<1x16x64xi32, #tpu.memory_space<hbm>>
    %dma_wait3A_68 = tpu.memref_squeeze %dma_wait3A_67 : memref<1x16x64xi32, #tpu.memory_space<hbm>> -> memref<16x64xi32, #tpu.memory_space<hbm>>
    tpu.wait_dma2 semaphore(%arg18 : memref<!tpu.dma_semaphore, #tpu.memory_space<semaphore_mem>>) src(%dma_wait3A_68 : memref<16x64xi32, #tpu.memory_space<hbm>>) dst(%dma_wait3A_64 : memref<16x64xi32, #tpu.memory_space<vmem>>)
    %dma_start3A_69 = arith.constant 0 : i32
    %dma_start3A_70 = arith.constant 0 : i32
    %dma_start3A_71 = arith.constant 0 : i32
    %dma_start3A_72 = arith.constant 0 : i32
    %dma_start3A_73 = arith.constant 0 : i32
    %dma_start3A_74 = tpu.memref_slice %arg8[%dma_start3A_71, %dma_start3A_72, %dma_start3A_73] : memref<4x64x128xf32, #tpu.memory_space<vmem>> -> memref<1x64x128xf32, #tpu.memory_space<vmem>>
    %dma_start3A_75 = tpu.memref_squeeze %dma_start3A_74 : memref<1x64x128xf32, #tpu.memory_space<vmem>> -> memref<64x128xf32, #tpu.memory_space<vmem>>
    %dma_start3A_76 = arith.constant 0 : i32
    %dma_start3A_77 = tpu.memref_slice %arg6[%dma_start3A_69, %dma_start3A_70, %dma_start3A_76] : memref<2x16x64xi32, #tpu.memory_space<vmem>> -> memref<1x1x64xi32, #tpu.memory_space<vmem>>
    %dma_start3A_78 = tpu.memref_squeeze %dma_start3A_77 : memref<1x1x64xi32, #tpu.memory_space<vmem>> -> memref<64xi32, #tpu.memory_space<vmem>>
    %dma_start3A_79 = arith.constant 0 : i32
    %dma_start3A_80 = arith.constant 0 : i32
    %dma_start3A_81 = tpu.memref_slice %arg2[%dma_start3A_79, %dma_start3A_80] : memref<10112x128xf32, #tpu.memory_space<hbm>> -> memref<10112x128xf32, #tpu.memory_space<hbm>>
    tpu.enqueue_indirect_dma source(%dma_start3A_81 : memref<10112x128xf32, #tpu.memory_space<hbm>>) target(%dma_start3A_75 : memref<64x128xf32, #tpu.memory_space<vmem>>) offsets(%dma_start3A_78 : memref<64xi32, #tpu.memory_space<vmem>>) semaphore(%arg10 : memref<!tpu.dma_semaphore, #tpu.memory_space<semaphore_mem>>)
    %dma_start3A_82 = arith.constant 0 : i32
    %dma_start3A_83 = arith.constant 1 : i32
    %dma_start3A_84 = arith.constant 1 : i32
    %dma_start3A_85 = arith.constant 0 : i32
    %dma_start3A_86 = arith.constant 0 : i32
    %dma_start3A_87 = tpu.memref_slice %arg8[%dma_start3A_84, %dma_start3A_85, %dma_start3A_86] : memref<4x64x128xf32, #tpu.memory_space<vmem>> -> memref<1x64x128xf32, #tpu.memory_space<vmem>>
    %dma_start3A_88 = tpu.memref_squeeze %dma_start3A_87 : memref<1x64x128xf32, #tpu.memory_space<vmem>> -> memref<64x128xf32, #tpu.memory_space<vmem>>
    %dma_start3A_89 = arith.constant 0 : i32
    %dma_start3A_90 = tpu.memref_slice %arg6[%dma_start3A_82, %dma_start3A_83, %dma_start3A_89] : memref<2x16x64xi32, #tpu.memory_space<vmem>> -> memref<1x1x64xi32, #tpu.memory_space<vmem>>
    %dma_start3A_91 = tpu.memref_squeeze %dma_start3A_90 : memref<1x1x64xi32, #tpu.memory_space<vmem>> -> memref<64xi32, #tpu.memory_space<vmem>>
    %dma_start3A_92 = arith.constant 0 : i32
    %dma_start3A_93 = arith.constant 0 : i32
    %dma_start3A_94 = tpu.memref_slice %arg2[%dma_start3A_92, %dma_start3A_93] : memref<10112x128xf32, #tpu.memory_space<hbm>> -> memref<10112x128xf32, #tpu.memory_space<hbm>>
    tpu.enqueue_indirect_dma source(%dma_start3A_94 : memref<10112x128xf32, #tpu.memory_space<hbm>>) target(%dma_start3A_88 : memref<64x128xf32, #tpu.memory_space<vmem>>) offsets(%dma_start3A_91 : memref<64xi32, #tpu.memory_space<vmem>>) semaphore(%arg11 : memref<!tpu.dma_semaphore, #tpu.memory_space<semaphore_mem>>)
    %scan3A = arith.constant 0 : i32
    %scan3A_95 = arith.constant 5 : i32
    %scan3A_96 = arith.addi %scan3A, %scan3A_95 : i32
    %scan3A_97 = arith.constant 1 : i32
    scf.for %scan3A_152 = %scan3A to %scan3A_96 step %scan3A_97  : i32 {
      %mul3A_153 = arith.constant 1 : i32
      %mul3A_154 = arith.muli %scan3A_152, %mul3A_153 : i32
      %add3A_155 = arith.constant 0 : i32
      %add3A_156 = arith.addi %add3A_155, %mul3A_154 : i32
      %mul3A_157 = arith.constant 2 : i32
      %mul3A_158 = arith.muli %add3A_156, %mul3A_157 : i32
      %add3A_159 = arith.constant 0 : i32
      %add3A_160 = arith.addi %mul3A_158, %add3A_159 : i32
      %scan3A_161 = arith.constant 0 : i32
      %scan3A_162 = arith.constant 4 : i32
      %scan3A_163 = arith.addi %scan3A_161, %scan3A_162 : i32
      %scan3A_164 = arith.constant 1 : i32
      scf.for %scan3A_175 = %scan3A_161 to %scan3A_163 step %scan3A_164  : i32 {
        %mul3A_176 = arith.constant 1 : i32
        %mul3A_177 = arith.muli %scan3A_175, %mul3A_176 : i32
        %add3A_178 = arith.constant 0 : i32
        %add3A_179 = arith.addi %add3A_178, %mul3A_177 : i32
        %mul3A_180 = arith.constant 4 : i32
        %mul3A_181 = arith.muli %add3A_179, %mul3A_180 : i32
        %add3A_182 = arith.constant 0 : i32
        %add3A_183 = arith.addi %mul3A_181, %add3A_182 : i32
        %dma_wait3A_184 = arith.constant 0 : i32
        %dma_wait3A_185 = arith.constant 0 : i32
        %dma_wait3A_186 = arith.constant 0 : i32
        %dma_wait3A_187 = arith.constant 0 : i32
        %dma_wait3A_188 = tpu.memref_slice %arg8[%dma_wait3A_185, %dma_wait3A_186, %dma_wait3A_187] : memref<4x64x128xf32, #tpu.memory_space<vmem>> -> memref<1x64x128xf32, #tpu.memory_space<vmem>>
        %dma_wait3A_189 = tpu.memref_squeeze %dma_wait3A_188 : memref<1x64x128xf32, #tpu.memory_space<vmem>> -> memref<64x128xf32, #tpu.memory_space<vmem>>
        %dma_wait3A_190 = arith.constant 0 : i32
        %dma_wait3A_191 = tpu.memref_slice %arg6[%dma_wait3A_184, %add3A_183, %dma_wait3A_190] : memref<2x16x64xi32, #tpu.memory_space<vmem>> -> memref<1x1x64xi32, #tpu.memory_space<vmem>>
        %dma_wait3A_192 = tpu.memref_squeeze %dma_wait3A_191 : memref<1x1x64xi32, #tpu.memory_space<vmem>> -> memref<64xi32, #tpu.memory_space<vmem>>
        %dma_wait3A_193 = arith.constant 0 : i32
        %dma_wait3A_194 = arith.constant 0 : i32
        %dma_wait3A_195 = tpu.memref_slice %arg2[%dma_wait3A_193, %dma_wait3A_194] : memref<10112x128xf32, #tpu.memory_space<hbm>> -> memref<10112x128xf32, #tpu.memory_space<hbm>>
        tpu.wait_indirect_dma semaphore(%arg10 : memref<!tpu.dma_semaphore, #tpu.memory_space<semaphore_mem>>) src(%dma_wait3A_195 : memref<10112x128xf32, #tpu.memory_space<hbm>>) dst(%dma_wait3A_189 : memref<64x128xf32, #tpu.memory_space<vmem>>)
        %dma_start3A_196 = arith.constant 0 : i32
        %dma_start3A_197 = arith.constant 0 : i32
        %dma_start3A_198 = arith.constant 0 : i32
        %dma_start3A_199 = arith.constant 0 : i32
        %dma_start3A_200 = tpu.memref_slice %arg8[%dma_start3A_196, %dma_start3A_198, %dma_start3A_199] : memref<4x64x128xf32, #tpu.memory_space<vmem>> -> memref<1x64x128xf32, #tpu.memory_space<vmem>>
        %dma_start3A_201 = tpu.memref_squeeze %dma_start3A_200 : memref<1x64x128xf32, #tpu.memory_space<vmem>> -> memref<64x128xf32, #tpu.memory_space<vmem>>
        %dma_start3A_202 = arith.constant 0 : i32
        %dma_start3A_203 = tpu.memref_slice %arg7[%dma_start3A_197, %add3A_183, %dma_start3A_202] : memref<2x16x64xi32, #tpu.memory_space<vmem>> -> memref<1x1x64xi32, #tpu.memory_space<vmem>>
        %dma_start3A_204 = tpu.memref_squeeze %dma_start3A_203 : memref<1x1x64xi32, #tpu.memory_space<vmem>> -> memref<64xi32, #tpu.memory_space<vmem>>
        %dma_start3A_205 = arith.constant 0 : i32
        %dma_start3A_206 = arith.constant 0 : i32
        %dma_start3A_207 = tpu.memref_slice %arg9[%dma_start3A_205, %dma_start3A_206] : memref<10112x128xf32, #tpu.memory_space<vmem_shared>> -> memref<10112x128xf32, #tpu.memory_space<vmem_shared>>
        tpu.enqueue_indirect_dma source(%dma_start3A_201 : memref<64x128xf32, #tpu.memory_space<vmem>>) target(%dma_start3A_207 : memref<10112x128xf32, #tpu.memory_space<vmem_shared>>) offsets(%dma_start3A_204 : memref<64xi32, #tpu.memory_space<vmem>>) semaphore(%arg14 : memref<!tpu.dma_semaphore, #tpu.memory_space<semaphore_mem>>) {add = true}
        %gt3A = arith.constant 0 : i32
        %gt3A_208 = arith.cmpi sgt, %add3A_179, %gt3A : i32
        %convert_element_type3A = arith.extui %gt3A_208 : i1 to i32
        %cond3A = arith.constant 0 : i32
        %cond3A_209 = arith.cmpi ne, %convert_element_type3A, %cond3A : i32
        scf.if %cond3A_209 {
          %sub3A_397 = arith.constant 2 : i32
          %sub3A_398 = arith.subi %add3A_183, %sub3A_397 : i32
          %dma_wait3A_399 = arith.constant 2 : i32
          %dma_wait3A_400 = arith.constant 0 : i32
          %dma_wait3A_401 = arith.constant 0 : i32
          %dma_wait3A_402 = arith.constant 0 : i32
          %dma_wait3A_403 = tpu.memref_slice %arg8[%dma_wait3A_399, %dma_wait3A_401, %dma_wait3A_402] : memref<4x64x128xf32, #tpu.memory_space<vmem>> -> memref<1x64x128xf32, #tpu.memory_space<vmem>>
          %dma_wait3A_404 = tpu.memref_squeeze %dma_wait3A_403 : memref<1x64x128xf32, #tpu.memory_space<vmem>> -> memref<64x128xf32, #tpu.memory_space<vmem>>
          %dma_wait3A_405 = arith.constant 0 : i32
          %dma_wait3A_406 = tpu.memref_slice %arg7[%dma_wait3A_400, %sub3A_398, %dma_wait3A_405] : memref<2x16x64xi32, #tpu.memory_space<vmem>> -> memref<1x1x64xi32, #tpu.memory_space<vmem>>
          %dma_wait3A_407 = tpu.memref_squeeze %dma_wait3A_406 : memref<1x1x64xi32, #tpu.memory_space<vmem>> -> memref<64xi32, #tpu.memory_space<vmem>>
          %dma_wait3A_408 = arith.constant 0 : i32
          %dma_wait3A_409 = arith.constant 0 : i32
          %dma_wait3A_410 = tpu.memref_slice %arg9[%dma_wait3A_408, %dma_wait3A_409] : memref<10112x128xf32, #tpu.memory_space<vmem_shared>> -> memref<10112x128xf32, #tpu.memory_space<vmem_shared>>
          tpu.wait_indirect_dma semaphore(%arg16 : memref<!tpu.dma_semaphore, #tpu.memory_space<semaphore_mem>>) src(%dma_wait3A_404 : memref<64x128xf32, #tpu.memory_space<vmem>>) dst(%dma_wait3A_410 : memref<10112x128xf32, #tpu.memory_space<vmem_shared>>)
        } else {
        }
        %eq3A = arith.constant 0 : i32
        %eq3A_210 = arith.cmpi eq, %add3A_179, %eq3A : i32
        %gt3A_211 = arith.constant 0 : i32
        %gt3A_212 = arith.cmpi sgt, %add3A_156, %gt3A_211 : i32
        %and3A = arith.andi %eq3A_210, %gt3A_212 : i1
        %convert_element_type3A_213 = arith.extui %and3A : i1 to i32
        %cond3A_214 = arith.constant 0 : i32
        %cond3A_215 = arith.cmpi ne, %convert_element_type3A_213, %cond3A_214 : i32
        scf.if %cond3A_215 {
          %dma_wait3A_397 = arith.constant 2 : i32
          %dma_wait3A_398 = arith.constant 1 : i32
          %dma_wait3A_399 = arith.constant 14 : i32
          %dma_wait3A_400 = arith.constant 0 : i32
          %dma_wait3A_401 = arith.constant 0 : i32
          %dma_wait3A_402 = tpu.memref_slice %arg8[%dma_wait3A_397, %dma_wait3A_400, %dma_wait3A_401] : memref<4x64x128xf32, #tpu.memory_space<vmem>> -> memref<1x64x128xf32, #tpu.memory_space<vmem>>
          %dma_wait3A_403 = tpu.memref_squeeze %dma_wait3A_402 : memref<1x64x128xf32, #tpu.memory_space<vmem>> -> memref<64x128xf32, #tpu.memory_space<vmem>>
          %dma_wait3A_404 = arith.constant 0 : i32
          %dma_wait3A_405 = tpu.memref_slice %arg7[%dma_wait3A_398, %dma_wait3A_399, %dma_wait3A_404] : memref<2x16x64xi32, #tpu.memory_space<vmem>> -> memref<1x1x64xi32, #tpu.memory_space<vmem>>
          %dma_wait3A_406 = tpu.memref_squeeze %dma_wait3A_405 : memref<1x1x64xi32, #tpu.memory_space<vmem>> -> memref<64xi32, #tpu.memory_space<vmem>>
          %dma_wait3A_407 = arith.constant 0 : i32
          %dma_wait3A_408 = arith.constant 0 : i32
          %dma_wait3A_409 = tpu.memref_slice %arg9[%dma_wait3A_407, %dma_wait3A_408] : memref<10112x128xf32, #tpu.memory_space<vmem_shared>> -> memref<10112x128xf32, #tpu.memory_space<vmem_shared>>
          tpu.wait_indirect_dma semaphore(%arg16 : memref<!tpu.dma_semaphore, #tpu.memory_space<semaphore_mem>>) src(%dma_wait3A_403 : memref<64x128xf32, #tpu.memory_space<vmem>>) dst(%dma_wait3A_409 : memref<10112x128xf32, #tpu.memory_space<vmem_shared>>)
        } else {
        }
        %add3A_216 = arith.constant 2 : i32
        %add3A_217 = arith.addi %add3A_183, %add3A_216 : i32
        %dma_start3A_218 = arith.constant 0 : i32
        %dma_start3A_219 = arith.constant 2 : i32
        %dma_start3A_220 = arith.constant 0 : i32
        %dma_start3A_221 = arith.constant 0 : i32
        %dma_start3A_222 = tpu.memref_slice %arg8[%dma_start3A_219, %dma_start3A_220, %dma_start3A_221] : memref<4x64x128xf32, #tpu.memory_space<vmem>> -> memref<1x64x128xf32, #tpu.memory_space<vmem>>
        %dma_start3A_223 = tpu.memref_squeeze %dma_start3A_222 : memref<1x64x128xf32, #tpu.memory_space<vmem>> -> memref<64x128xf32, #tpu.memory_space<vmem>>
        %dma_start3A_224 = arith.constant 0 : i32
        %dma_start3A_225 = tpu.memref_slice %arg6[%dma_start3A_218, %add3A_217, %dma_start3A_224] : memref<2x16x64xi32, #tpu.memory_space<vmem>> -> memref<1x1x64xi32, #tpu.memory_space<vmem>>
        %dma_start3A_226 = tpu.memref_squeeze %dma_start3A_225 : memref<1x1x64xi32, #tpu.memory_space<vmem>> -> memref<64xi32, #tpu.memory_space<vmem>>
        %dma_start3A_227 = arith.constant 0 : i32
        %dma_start3A_228 = arith.constant 0 : i32
        %dma_start3A_229 = tpu.memref_slice %arg2[%dma_start3A_227, %dma_start3A_228] : memref<10112x128xf32, #tpu.memory_space<hbm>> -> memref<10112x128xf32, #tpu.memory_space<hbm>>
        tpu.enqueue_indirect_dma source(%dma_start3A_229 : memref<10112x128xf32, #tpu.memory_space<hbm>>) target(%dma_start3A_223 : memref<64x128xf32, #tpu.memory_space<vmem>>) offsets(%dma_start3A_226 : memref<64xi32, #tpu.memory_space<vmem>>) semaphore(%arg12 : memref<!tpu.dma_semaphore, #tpu.memory_space<semaphore_mem>>)
        %mul3A_230 = arith.constant 4 : i32
        %mul3A_231 = arith.muli %add3A_179, %mul3A_230 : i32
        %add3A_232 = arith.constant 1 : i32
        %add3A_233 = arith.addi %mul3A_231, %add3A_232 : i32
        %dma_wait3A_234 = arith.constant 0 : i32
        %dma_wait3A_235 = arith.constant 1 : i32
        %dma_wait3A_236 = arith.constant 0 : i32
        %dma_wait3A_237 = arith.constant 0 : i32
        %dma_wait3A_238 = tpu.memref_slice %arg8[%dma_wait3A_235, %dma_wait3A_236, %dma_wait3A_237] : memref<4x64x128xf32, #tpu.memory_space<vmem>> -> memref<1x64x128xf32, #tpu.memory_space<vmem>>
        %dma_wait3A_239 = tpu.memref_squeeze %dma_wait3A_238 : memref<1x64x128xf32, #tpu.memory_space<vmem>> -> memref<64x128xf32, #tpu.memory_space<vmem>>
        %dma_wait3A_240 = arith.constant 0 : i32
        %dma_wait3A_241 = tpu.memref_slice %arg6[%dma_wait3A_234, %add3A_233, %dma_wait3A_240] : memref<2x16x64xi32, #tpu.memory_space<vmem>> -> memref<1x1x64xi32, #tpu.memory_space<vmem>>
        %dma_wait3A_242 = tpu.memref_squeeze %dma_wait3A_241 : memref<1x1x64xi32, #tpu.memory_space<vmem>> -> memref<64xi32, #tpu.memory_space<vmem>>
        %dma_wait3A_243 = arith.constant 0 : i32
        %dma_wait3A_244 = arith.constant 0 : i32
        %dma_wait3A_245 = tpu.memref_slice %arg2[%dma_wait3A_243, %dma_wait3A_244] : memref<10112x128xf32, #tpu.memory_space<hbm>> -> memref<10112x128xf32, #tpu.memory_space<hbm>>
        tpu.wait_indirect_dma semaphore(%arg11 : memref<!tpu.dma_semaphore, #tpu.memory_space<semaphore_mem>>) src(%dma_wait3A_245 : memref<10112x128xf32, #tpu.memory_space<hbm>>) dst(%dma_wait3A_239 : memref<64x128xf32, #tpu.memory_space<vmem>>)
        %dma_start3A_246 = arith.constant 1 : i32
        %dma_start3A_247 = arith.constant 0 : i32
        %dma_start3A_248 = arith.constant 0 : i32
        %dma_start3A_249 = arith.constant 0 : i32
        %dma_start3A_250 = tpu.memref_slice %arg8[%dma_start3A_246, %dma_start3A_248, %dma_start3A_249] : memref<4x64x128xf32, #tpu.memory_space<vmem>> -> memref<1x64x128xf32, #tpu.memory_space<vmem>>
        %dma_start3A_251 = tpu.memref_squeeze %dma_start3A_250 : memref<1x64x128xf32, #tpu.memory_space<vmem>> -> memref<64x128xf32, #tpu.memory_space<vmem>>
        %dma_start3A_252 = arith.constant 0 : i32
        %dma_start3A_253 = tpu.memref_slice %arg7[%dma_start3A_247, %add3A_233, %dma_start3A_252] : memref<2x16x64xi32, #tpu.memory_space<vmem>> -> memref<1x1x64xi32, #tpu.memory_space<vmem>>
        %dma_start3A_254 = tpu.memref_squeeze %dma_start3A_253 : memref<1x1x64xi32, #tpu.memory_space<vmem>> -> memref<64xi32, #tpu.memory_space<vmem>>
        %dma_start3A_255 = arith.constant 0 : i32
        %dma_start3A_256 = arith.constant 0 : i32
        %dma_start3A_257 = tpu.memref_slice %arg9[%dma_start3A_255, %dma_start3A_256] : memref<10112x128xf32, #tpu.memory_space<vmem_shared>> -> memref<10112x128xf32, #tpu.memory_space<vmem_shared>>
        tpu.enqueue_indirect_dma source(%dma_start3A_251 : memref<64x128xf32, #tpu.memory_space<vmem>>) target(%dma_start3A_257 : memref<10112x128xf32, #tpu.memory_space<vmem_shared>>) offsets(%dma_start3A_254 : memref<64xi32, #tpu.memory_space<vmem>>) semaphore(%arg15 : memref<!tpu.dma_semaphore, #tpu.memory_space<semaphore_mem>>) {add = true}
        %gt3A_258 = arith.constant 0 : i32
        %gt3A_259 = arith.cmpi sgt, %add3A_179, %gt3A_258 : i32
        %convert_element_type3A_260 = arith.extui %gt3A_259 : i1 to i32
        %cond3A_261 = arith.constant 0 : i32
        %cond3A_262 = arith.cmpi ne, %convert_element_type3A_260, %cond3A_261 : i32
        scf.if %cond3A_262 {
          %sub3A_397 = arith.constant 2 : i32
          %sub3A_398 = arith.subi %add3A_233, %sub3A_397 : i32
          %dma_wait3A_399 = arith.constant 3 : i32
          %dma_wait3A_400 = arith.constant 0 : i32
          %dma_wait3A_401 = arith.constant 0 : i32
          %dma_wait3A_402 = arith.constant 0 : i32
          %dma_wait3A_403 = tpu.memref_slice %arg8[%dma_wait3A_399, %dma_wait3A_401, %dma_wait3A_402] : memref<4x64x128xf32, #tpu.memory_space<vmem>> -> memref<1x64x128xf32, #tpu.memory_space<vmem>>
          %dma_wait3A_404 = tpu.memref_squeeze %dma_wait3A_403 : memref<1x64x128xf32, #tpu.memory_space<vmem>> -> memref<64x128xf32, #tpu.memory_space<vmem>>
          %dma_wait3A_405 = arith.constant 0 : i32
          %dma_wait3A_406 = tpu.memref_slice %arg7[%dma_wait3A_400, %sub3A_398, %dma_wait3A_405] : memref<2x16x64xi32, #tpu.memory_space<vmem>> -> memref<1x1x64xi32, #tpu.memory_space<vmem>>
          %dma_wait3A_407 = tpu.memref_squeeze %dma_wait3A_406 : memref<1x1x64xi32, #tpu.memory_space<vmem>> -> memref<64xi32, #tpu.memory_space<vmem>>
          %dma_wait3A_408 = arith.constant 0 : i32
          %dma_wait3A_409 = arith.constant 0 : i32
          %dma_wait3A_410 = tpu.memref_slice %arg9[%dma_wait3A_408, %dma_wait3A_409] : memref<10112x128xf32, #tpu.memory_space<vmem_shared>> -> memref<10112x128xf32, #tpu.memory_space<vmem_shared>>
          tpu.wait_indirect_dma semaphore(%arg17 : memref<!tpu.dma_semaphore, #tpu.memory_space<semaphore_mem>>) src(%dma_wait3A_404 : memref<64x128xf32, #tpu.memory_space<vmem>>) dst(%dma_wait3A_410 : memref<10112x128xf32, #tpu.memory_space<vmem_shared>>)
        } else {
        }
        %eq3A_263 = arith.constant 0 : i32
        %eq3A_264 = arith.cmpi eq, %add3A_179, %eq3A_263 : i32
        %gt3A_265 = arith.constant 0 : i32
        %gt3A_266 = arith.cmpi sgt, %add3A_156, %gt3A_265 : i32
        %and3A_267 = arith.andi %eq3A_264, %gt3A_266 : i1
        %convert_element_type3A_268 = arith.extui %and3A_267 : i1 to i32
        %cond3A_269 = arith.constant 0 : i32
        %cond3A_270 = arith.cmpi ne, %convert_element_type3A_268, %cond3A_269 : i32
        scf.if %cond3A_270 {
          %dma_wait3A_397 = arith.constant 3 : i32
          %dma_wait3A_398 = arith.constant 1 : i32
          %dma_wait3A_399 = arith.constant 15 : i32
          %dma_wait3A_400 = arith.constant 0 : i32
          %dma_wait3A_401 = arith.constant 0 : i32
          %dma_wait3A_402 = tpu.memref_slice %arg8[%dma_wait3A_397, %dma_wait3A_400, %dma_wait3A_401] : memref<4x64x128xf32, #tpu.memory_space<vmem>> -> memref<1x64x128xf32, #tpu.memory_space<vmem>>
          %dma_wait3A_403 = tpu.memref_squeeze %dma_wait3A_402 : memref<1x64x128xf32, #tpu.memory_space<vmem>> -> memref<64x128xf32, #tpu.memory_space<vmem>>
          %dma_wait3A_404 = arith.constant 0 : i32
          %dma_wait3A_405 = tpu.memref_slice %arg7[%dma_wait3A_398, %dma_wait3A_399, %dma_wait3A_404] : memref<2x16x64xi32, #tpu.memory_space<vmem>> -> memref<1x1x64xi32, #tpu.memory_space<vmem>>
          %dma_wait3A_406 = tpu.memref_squeeze %dma_wait3A_405 : memref<1x1x64xi32, #tpu.memory_space<vmem>> -> memref<64xi32, #tpu.memory_space<vmem>>
          %dma_wait3A_407 = arith.constant 0 : i32
          %dma_wait3A_408 = arith.constant 0 : i32
          %dma_wait3A_409 = tpu.memref_slice %arg9[%dma_wait3A_407, %dma_wait3A_408] : memref<10112x128xf32, #tpu.memory_space<vmem_shared>> -> memref<10112x128xf32, #tpu.memory_space<vmem_shared>>
          tpu.wait_indirect_dma semaphore(%arg17 : memref<!tpu.dma_semaphore, #tpu.memory_space<semaphore_mem>>) src(%dma_wait3A_403 : memref<64x128xf32, #tpu.memory_space<vmem>>) dst(%dma_wait3A_409 : memref<10112x128xf32, #tpu.memory_space<vmem_shared>>)
        } else {
        }
        %eq3A_271 = arith.constant 0 : i32
        %eq3A_272 = arith.cmpi eq, %add3A_179, %eq3A_271 : i32
        %convert_element_type3A_273 = arith.extui %eq3A_272 : i1 to i32
        %cond3A_274 = arith.constant 0 : i32
        %cond3A_275 = arith.cmpi ne, %convert_element_type3A_273, %cond3A_274 : i32
        scf.if %cond3A_275 {
          %add3A_397 = arith.constant 1 : i32
          %add3A_398 = arith.addi %add3A_160, %add3A_397 : i32
          %mul3A_399 = arith.constant 16 : i32
          %mul3A_400 = arith.muli %add3A_398, %mul3A_399 : i32
          %dma_start3A_401 = arith.constant 1 : i32
          %dma_start3A_402 = arith.constant 0 : i32
          %dma_start3A_403 = arith.constant 0 : i32
          %dma_start3A_404 = tpu.memref_slice %arg6[%dma_start3A_401, %dma_start3A_402, %dma_start3A_403] : memref<2x16x64xi32, #tpu.memory_space<vmem>> -> memref<1x16x64xi32, #tpu.memory_space<vmem>>
          %dma_start3A_405 = tpu.memref_squeeze %dma_start3A_404 : memref<1x16x64xi32, #tpu.memory_space<vmem>> -> memref<16x64xi32, #tpu.memory_space<vmem>>
          %dma_start3A_406 = arith.constant 0 : i32
          %dma_start3A_407 = tpu.memref_slice %arg3[%add3A, %mul3A_400, %dma_start3A_406] : memref<32x176x64xi32, #tpu.memory_space<hbm>> -> memref<1x16x64xi32, #tpu.memory_space<hbm>>
          %dma_start3A_408 = tpu.memref_squeeze %dma_start3A_407 : memref<1x16x64xi32, #tpu.memory_space<hbm>> -> memref<16x64xi32, #tpu.memory_space<hbm>>
          %dma_start3A_409 = arith.constant 0 : i32
          %dma_start3A_410 = arith.constant 0 : i32
          %dma_start3A_411 = tpu.memref_slice %arg6[%dma_start3A_401, %dma_start3A_409, %dma_start3A_410] : memref<2x16x64xi32, #tpu.memory_space<vmem>> -> memref<1x16x64xi32, #tpu.memory_space<vmem>>
          %dma_start3A_412 = tpu.memref_squeeze %dma_start3A_411 : memref<1x16x64xi32, #tpu.memory_space<vmem>> -> memref<16x64xi32, #tpu.memory_space<vmem>>
          %dma_start3A_413 = arith.constant 0 : i32
          %dma_start3A_414 = tpu.memref_slice %arg3[%add3A, %mul3A_400, %dma_start3A_413] : memref<32x176x64xi32, #tpu.memory_space<hbm>> -> memref<1x16x64xi32, #tpu.memory_space<hbm>>
          %dma_start3A_415 = tpu.memref_squeeze %dma_start3A_414 : memref<1x16x64xi32, #tpu.memory_space<hbm>> -> memref<16x64xi32, #tpu.memory_space<hbm>>
          tpu.enqueue_dma source(%dma_start3A_415 : memref<16x64xi32, #tpu.memory_space<hbm>>) target(%dma_start3A_412 : memref<16x64xi32, #tpu.memory_space<vmem>>) target_semaphore(%arg19 : memref<!tpu.dma_semaphore, #tpu.memory_space<semaphore_mem>>)
          %dma_start3A_416 = arith.constant 1 : i32
          %dma_start3A_417 = arith.constant 0 : i32
          %dma_start3A_418 = arith.constant 0 : i32
          %dma_start3A_419 = tpu.memref_slice %arg7[%dma_start3A_416, %dma_start3A_417, %dma_start3A_418] : memref<2x16x64xi32, #tpu.memory_space<vmem>> -> memref<1x16x64xi32, #tpu.memory_space<vmem>>
          %dma_start3A_420 = tpu.memref_squeeze %dma_start3A_419 : memref<1x16x64xi32, #tpu.memory_space<vmem>> -> memref<16x64xi32, #tpu.memory_space<vmem>>
          %dma_start3A_421 = arith.constant 0 : i32
          %dma_start3A_422 = tpu.memref_slice %arg4[%add3A, %mul3A_400, %dma_start3A_421] : memref<32x176x64xi32, #tpu.memory_space<hbm>> -> memref<1x16x64xi32, #tpu.memory_space<hbm>>
          %dma_start3A_423 = tpu.memref_squeeze %dma_start3A_422 : memref<1x16x64xi32, #tpu.memory_space<hbm>> -> memref<16x64xi32, #tpu.memory_space<hbm>>
          %dma_start3A_424 = arith.constant 0 : i32
          %dma_start3A_425 = arith.constant 0 : i32
          %dma_start3A_426 = tpu.memref_slice %arg7[%dma_start3A_416, %dma_start3A_424, %dma_start3A_425] : memref<2x16x64xi32, #tpu.memory_space<vmem>> -> memref<1x16x64xi32, #tpu.memory_space<vmem>>
          %dma_start3A_427 = tpu.memref_squeeze %dma_start3A_426 : memref<1x16x64xi32, #tpu.memory_space<vmem>> -> memref<16x64xi32, #tpu.memory_space<vmem>>
          %dma_start3A_428 = arith.constant 0 : i32
          %dma_start3A_429 = tpu.memref_slice %arg4[%add3A, %mul3A_400, %dma_start3A_428] : memref<32x176x64xi32, #tpu.memory_space<hbm>> -> memref<1x16x64xi32, #tpu.memory_space<hbm>>
          %dma_start3A_430 = tpu.memref_squeeze %dma_start3A_429 : memref<1x16x64xi32, #tpu.memory_space<hbm>> -> memref<16x64xi32, #tpu.memory_space<hbm>>
          tpu.enqueue_dma source(%dma_start3A_430 : memref<16x64xi32, #tpu.memory_space<hbm>>) target(%dma_start3A_427 : memref<16x64xi32, #tpu.memory_space<vmem>>) target_semaphore(%arg19 : memref<!tpu.dma_semaphore, #tpu.memory_space<semaphore_mem>>)
        } else {
        }
        %eq3A_276 = arith.constant 3 : i32
        %eq3A_277 = arith.cmpi eq, %add3A_179, %eq3A_276 : i32
        %convert_element_type3A_278 = arith.extui %eq3A_277 : i1 to i32
        %cond3A_279 = arith.constant 0 : i32
        %cond3A_280 = arith.cmpi ne, %convert_element_type3A_278, %cond3A_279 : i32
        scf.if %cond3A_280 {
          %add3A_397 = arith.constant 1 : i32
          %add3A_398 = arith.addi %add3A_160, %add3A_397 : i32
          %mul3A_399 = arith.constant 16 : i32
          %mul3A_400 = arith.muli %add3A_398, %mul3A_399 : i32
          %dma_wait3A_401 = arith.constant 1 : i32
          %dma_wait3A_402 = arith.constant 0 : i32
          %dma_wait3A_403 = arith.constant 0 : i32
          %dma_wait3A_404 = tpu.memref_slice %arg6[%dma_wait3A_401, %dma_wait3A_402, %dma_wait3A_403] : memref<2x16x64xi32, #tpu.memory_space<vmem>> -> memref<1x16x64xi32, #tpu.memory_space<vmem>>
          %dma_wait3A_405 = tpu.memref_squeeze %dma_wait3A_404 : memref<1x16x64xi32, #tpu.memory_space<vmem>> -> memref<16x64xi32, #tpu.memory_space<vmem>>
          %dma_wait3A_406 = arith.constant 0 : i32
          %dma_wait3A_407 = tpu.memref_slice %arg3[%add3A, %mul3A_400, %dma_wait3A_406] : memref<32x176x64xi32, #tpu.memory_space<hbm>> -> memref<1x16x64xi32, #tpu.memory_space<hbm>>
          %dma_wait3A_408 = tpu.memref_squeeze %dma_wait3A_407 : memref<1x16x64xi32, #tpu.memory_space<hbm>> -> memref<16x64xi32, #tpu.memory_space<hbm>>
          %dma_wait3A_409 = arith.constant 0 : i32
          %dma_wait3A_410 = arith.constant 0 : i32
          %dma_wait3A_411 = tpu.memref_slice %arg6[%dma_wait3A_401, %dma_wait3A_409, %dma_wait3A_410] : memref<2x16x64xi32, #tpu.memory_space<vmem>> -> memref<1x16x64xi32, #tpu.memory_space<vmem>>
          %dma_wait3A_412 = tpu.memref_squeeze %dma_wait3A_411 : memref<1x16x64xi32, #tpu.memory_space<vmem>> -> memref<16x64xi32, #tpu.memory_space<vmem>>
          %dma_wait3A_413 = arith.constant 0 : i32
          %dma_wait3A_414 = tpu.memref_slice %arg3[%add3A, %mul3A_400, %dma_wait3A_413] : memref<32x176x64xi32, #tpu.memory_space<hbm>> -> memref<1x16x64xi32, #tpu.memory_space<hbm>>
          %dma_wait3A_415 = tpu.memref_squeeze %dma_wait3A_414 : memref<1x16x64xi32, #tpu.memory_space<hbm>> -> memref<16x64xi32, #tpu.memory_space<hbm>>
          tpu.wait_dma2 semaphore(%arg19 : memref<!tpu.dma_semaphore, #tpu.memory_space<semaphore_mem>>) src(%dma_wait3A_415 : memref<16x64xi32, #tpu.memory_space<hbm>>) dst(%dma_wait3A_412 : memref<16x64xi32, #tpu.memory_space<vmem>>)
          %dma_wait3A_416 = arith.constant 1 : i32
          %dma_wait3A_417 = arith.constant 0 : i32
          %dma_wait3A_418 = arith.constant 0 : i32
          %dma_wait3A_419 = tpu.memref_slice %arg7[%dma_wait3A_416, %dma_wait3A_417, %dma_wait3A_418] : memref<2x16x64xi32, #tpu.memory_space<vmem>> -> memref<1x16x64xi32, #tpu.memory_space<vmem>>
          %dma_wait3A_420 = tpu.memref_squeeze %dma_wait3A_419 : memref<1x16x64xi32, #tpu.memory_space<vmem>> -> memref<16x64xi32, #tpu.memory_space<vmem>>
          %dma_wait3A_421 = arith.constant 0 : i32
          %dma_wait3A_422 = tpu.memref_slice %arg4[%add3A, %mul3A_400, %dma_wait3A_421] : memref<32x176x64xi32, #tpu.memory_space<hbm>> -> memref<1x16x64xi32, #tpu.memory_space<hbm>>
          %dma_wait3A_423 = tpu.memref_squeeze %dma_wait3A_422 : memref<1x16x64xi32, #tpu.memory_space<hbm>> -> memref<16x64xi32, #tpu.memory_space<hbm>>
          %dma_wait3A_424 = arith.constant 0 : i32
          %dma_wait3A_425 = arith.constant 0 : i32
          %dma_wait3A_426 = tpu.memref_slice %arg7[%dma_wait3A_416, %dma_wait3A_424, %dma_wait3A_425] : memref<2x16x64xi32, #tpu.memory_space<vmem>> -> memref<1x16x64xi32, #tpu.memory_space<vmem>>
          %dma_wait3A_427 = tpu.memref_squeeze %dma_wait3A_426 : memref<1x16x64xi32, #tpu.memory_space<vmem>> -> memref<16x64xi32, #tpu.memory_space<vmem>>
          %dma_wait3A_428 = arith.constant 0 : i32
          %dma_wait3A_429 = tpu.memref_slice %arg4[%add3A, %mul3A_400, %dma_wait3A_428] : memref<32x176x64xi32, #tpu.memory_space<hbm>> -> memref<1x16x64xi32, #tpu.memory_space<hbm>>
          %dma_wait3A_430 = tpu.memref_squeeze %dma_wait3A_429 : memref<1x16x64xi32, #tpu.memory_space<hbm>> -> memref<16x64xi32, #tpu.memory_space<hbm>>
          tpu.wait_dma2 semaphore(%arg19 : memref<!tpu.dma_semaphore, #tpu.memory_space<semaphore_mem>>) src(%dma_wait3A_430 : memref<16x64xi32, #tpu.memory_space<hbm>>) dst(%dma_wait3A_427 : memref<16x64xi32, #tpu.memory_space<vmem>>)
        } else {
        }
        %add3A_281 = arith.constant 2 : i32
        %add3A_282 = arith.addi %add3A_233, %add3A_281 : i32
        %dma_start3A_283 = arith.constant 0 : i32
        %dma_start3A_284 = arith.constant 3 : i32
        %dma_start3A_285 = arith.constant 0 : i32
        %dma_start3A_286 = arith.constant 0 : i32
        %dma_start3A_287 = tpu.memref_slice %arg8[%dma_start3A_284, %dma_start3A_285, %dma_start3A_286] : memref<4x64x128xf32, #tpu.memory_space<vmem>> -> memref<1x64x128xf32, #tpu.memory_space<vmem>>
        %dma_start3A_288 = tpu.memref_squeeze %dma_start3A_287 : memref<1x64x128xf32, #tpu.memory_space<vmem>> -> memref<64x128xf32, #tpu.memory_space<vmem>>
        %dma_start3A_289 = arith.constant 0 : i32
        %dma_start3A_290 = tpu.memref_slice %arg6[%dma_start3A_283, %add3A_282, %dma_start3A_289] : memref<2x16x64xi32, #tpu.memory_space<vmem>> -> memref<1x1x64xi32, #tpu.memory_space<vmem>>
        %dma_start3A_291 = tpu.memref_squeeze %dma_start3A_290 : memref<1x1x64xi32, #tpu.memory_space<vmem>> -> memref<64xi32, #tpu.memory_space<vmem>>
        %dma_start3A_292 = arith.constant 0 : i32
        %dma_start3A_293 = arith.constant 0 : i32
        %dma_start3A_294 = tpu.memref_slice %arg2[%dma_start3A_292, %dma_start3A_293] : memref<10112x128xf32, #tpu.memory_space<hbm>> -> memref<10112x128xf32, #tpu.memory_space<hbm>>
        tpu.enqueue_indirect_dma source(%dma_start3A_294 : memref<10112x128xf32, #tpu.memory_space<hbm>>) target(%dma_start3A_288 : memref<64x128xf32, #tpu.memory_space<vmem>>) offsets(%dma_start3A_291 : memref<64xi32, #tpu.memory_space<vmem>>) semaphore(%arg13 : memref<!tpu.dma_semaphore, #tpu.memory_space<semaphore_mem>>)
        %mul3A_295 = arith.constant 4 : i32
        %mul3A_296 = arith.muli %add3A_179, %mul3A_295 : i32
        %add3A_297 = arith.constant 2 : i32
        %add3A_298 = arith.addi %mul3A_296, %add3A_297 : i32
        %dma_wait3A_299 = arith.constant 0 : i32
        %dma_wait3A_300 = arith.constant 2 : i32
        %dma_wait3A_301 = arith.constant 0 : i32
        %dma_wait3A_302 = arith.constant 0 : i32
        %dma_wait3A_303 = tpu.memref_slice %arg8[%dma_wait3A_300, %dma_wait3A_301, %dma_wait3A_302] : memref<4x64x128xf32, #tpu.memory_space<vmem>> -> memref<1x64x128xf32, #tpu.memory_space<vmem>>
        %dma_wait3A_304 = tpu.memref_squeeze %dma_wait3A_303 : memref<1x64x128xf32, #tpu.memory_space<vmem>> -> memref<64x128xf32, #tpu.memory_space<vmem>>
        %dma_wait3A_305 = arith.constant 0 : i32
        %dma_wait3A_306 = tpu.memref_slice %arg6[%dma_wait3A_299, %add3A_298, %dma_wait3A_305] : memref<2x16x64xi32, #tpu.memory_space<vmem>> -> memref<1x1x64xi32, #tpu.memory_space<vmem>>
        %dma_wait3A_307 = tpu.memref_squeeze %dma_wait3A_306 : memref<1x1x64xi32, #tpu.memory_space<vmem>> -> memref<64xi32, #tpu.memory_space<vmem>>
        %dma_wait3A_308 = arith.constant 0 : i32
        %dma_wait3A_309 = arith.constant 0 : i32
        %dma_wait3A_310 = tpu.memref_slice %arg2[%dma_wait3A_308, %dma_wait3A_309] : memref<10112x128xf32, #tpu.memory_space<hbm>> -> memref<10112x128xf32, #tpu.memory_space<hbm>>
        tpu.wait_indirect_dma semaphore(%arg12 : memref<!tpu.dma_semaphore, #tpu.memory_space<semaphore_mem>>) src(%dma_wait3A_310 : memref<10112x128xf32, #tpu.memory_space<hbm>>) dst(%dma_wait3A_304 : memref<64x128xf32, #tpu.memory_space<vmem>>)
        %dma_start3A_311 = arith.constant 2 : i32
        %dma_start3A_312 = arith.constant 0 : i32
        %dma_start3A_313 = arith.constant 0 : i32
        %dma_start3A_314 = arith.constant 0 : i32
        %dma_start3A_315 = tpu.memref_slice %arg8[%dma_start3A_311, %dma_start3A_313, %dma_start3A_314] : memref<4x64x128xf32, #tpu.memory_space<vmem>> -> memref<1x64x128xf32, #tpu.memory_space<vmem>>
        %dma_start3A_316 = tpu.memref_squeeze %dma_start3A_315 : memref<1x64x128xf32, #tpu.memory_space<vmem>> -> memref<64x128xf32, #tpu.memory_space<vmem>>
        %dma_start3A_317 = arith.constant 0 : i32
        %dma_start3A_318 = tpu.memref_slice %arg7[%dma_start3A_312, %add3A_298, %dma_start3A_317] : memref<2x16x64xi32, #tpu.memory_space<vmem>> -> memref<1x1x64xi32, #tpu.memory_space<vmem>>
        %dma_start3A_319 = tpu.memref_squeeze %dma_start3A_318 : memref<1x1x64xi32, #tpu.memory_space<vmem>> -> memref<64xi32, #tpu.memory_space<vmem>>
        %dma_start3A_320 = arith.constant 0 : i32
        %dma_start3A_321 = arith.constant 0 : i32
        %dma_start3A_322 = tpu.memref_slice %arg9[%dma_start3A_320, %dma_start3A_321] : memref<10112x128xf32, #tpu.memory_space<vmem_shared>> -> memref<10112x128xf32, #tpu.memory_space<vmem_shared>>
        tpu.enqueue_indirect_dma source(%dma_start3A_316 : memref<64x128xf32, #tpu.memory_space<vmem>>) target(%dma_start3A_322 : memref<10112x128xf32, #tpu.memory_space<vmem_shared>>) offsets(%dma_start3A_319 : memref<64xi32, #tpu.memory_space<vmem>>) semaphore(%arg16 : memref<!tpu.dma_semaphore, #tpu.memory_space<semaphore_mem>>) {add = true}
        %sub3A = arith.constant 2 : i32
        %sub3A_323 = arith.subi %add3A_298, %sub3A : i32
        %dma_wait3A_324 = arith.constant 0 : i32
        %dma_wait3A_325 = arith.constant 0 : i32
        %dma_wait3A_326 = arith.constant 0 : i32
        %dma_wait3A_327 = arith.constant 0 : i32
        %dma_wait3A_328 = tpu.memref_slice %arg8[%dma_wait3A_324, %dma_wait3A_326, %dma_wait3A_327] : memref<4x64x128xf32, #tpu.memory_space<vmem>> -> memref<1x64x128xf32, #tpu.memory_space<vmem>>
        %dma_wait3A_329 = tpu.memref_squeeze %dma_wait3A_328 : memref<1x64x128xf32, #tpu.memory_space<vmem>> -> memref<64x128xf32, #tpu.memory_space<vmem>>
        %dma_wait3A_330 = arith.constant 0 : i32
        %dma_wait3A_331 = tpu.memref_slice %arg7[%dma_wait3A_325, %sub3A_323, %dma_wait3A_330] : memref<2x16x64xi32, #tpu.memory_space<vmem>> -> memref<1x1x64xi32, #tpu.memory_space<vmem>>
        %dma_wait3A_332 = tpu.memref_squeeze %dma_wait3A_331 : memref<1x1x64xi32, #tpu.memory_space<vmem>> -> memref<64xi32, #tpu.memory_space<vmem>>
        %dma_wait3A_333 = arith.constant 0 : i32
        %dma_wait3A_334 = arith.constant 0 : i32
        %dma_wait3A_335 = tpu.memref_slice %arg9[%dma_wait3A_333, %dma_wait3A_334] : memref<10112x128xf32, #tpu.memory_space<vmem_shared>> -> memref<10112x128xf32, #tpu.memory_space<vmem_shared>>
        tpu.wait_indirect_dma semaphore(%arg14 : memref<!tpu.dma_semaphore, #tpu.memory_space<semaphore_mem>>) src(%dma_wait3A_329 : memref<64x128xf32, #tpu.memory_space<vmem>>) dst(%dma_wait3A_335 : memref<10112x128xf32, #tpu.memory_space<vmem_shared>>)
        %lt3A = arith.constant 3 : i32
        %lt3A_336 = arith.cmpi slt, %add3A_179, %lt3A : i32
        %convert_element_type3A_337 = arith.extui %lt3A_336 : i1 to i32
        %cond3A_338 = arith.constant 0 : i32
        %cond3A_339 = arith.cmpi ne, %convert_element_type3A_337, %cond3A_338 : i32
        scf.if %cond3A_339 {
          %add3A_397 = arith.constant 2 : i32
          %add3A_398 = arith.addi %add3A_298, %add3A_397 : i32
          %dma_start3A_399 = arith.constant 0 : i32
          %dma_start3A_400 = arith.constant 0 : i32
          %dma_start3A_401 = arith.constant 0 : i32
          %dma_start3A_402 = arith.constant 0 : i32
          %dma_start3A_403 = tpu.memref_slice %arg8[%dma_start3A_400, %dma_start3A_401, %dma_start3A_402] : memref<4x64x128xf32, #tpu.memory_space<vmem>> -> memref<1x64x128xf32, #tpu.memory_space<vmem>>
          %dma_start3A_404 = tpu.memref_squeeze %dma_start3A_403 : memref<1x64x128xf32, #tpu.memory_space<vmem>> -> memref<64x128xf32, #tpu.memory_space<vmem>>
          %dma_start3A_405 = arith.constant 0 : i32
          %dma_start3A_406 = tpu.memref_slice %arg6[%dma_start3A_399, %add3A_398, %dma_start3A_405] : memref<2x16x64xi32, #tpu.memory_space<vmem>> -> memref<1x1x64xi32, #tpu.memory_space<vmem>>
          %dma_start3A_407 = tpu.memref_squeeze %dma_start3A_406 : memref<1x1x64xi32, #tpu.memory_space<vmem>> -> memref<64xi32, #tpu.memory_space<vmem>>
          %dma_start3A_408 = arith.constant 0 : i32
          %dma_start3A_409 = arith.constant 0 : i32
          %dma_start3A_410 = tpu.memref_slice %arg2[%dma_start3A_408, %dma_start3A_409] : memref<10112x128xf32, #tpu.memory_space<hbm>> -> memref<10112x128xf32, #tpu.memory_space<hbm>>
          tpu.enqueue_indirect_dma source(%dma_start3A_410 : memref<10112x128xf32, #tpu.memory_space<hbm>>) target(%dma_start3A_404 : memref<64x128xf32, #tpu.memory_space<vmem>>) offsets(%dma_start3A_407 : memref<64xi32, #tpu.memory_space<vmem>>) semaphore(%arg10 : memref<!tpu.dma_semaphore, #tpu.memory_space<semaphore_mem>>)
        } else {
        }
        %eq3A_340 = arith.constant 3 : i32
        %eq3A_341 = arith.cmpi eq, %add3A_179, %eq3A_340 : i32
        %convert_element_type3A_342 = arith.extui %eq3A_341 : i1 to i32
        %cond3A_343 = arith.constant 0 : i32
        %cond3A_344 = arith.cmpi ne, %convert_element_type3A_342, %cond3A_343 : i32
        scf.if %cond3A_344 {
          %dma_start3A_397 = arith.constant 1 : i32
          %dma_start3A_398 = arith.constant 0 : i32
          %dma_start3A_399 = arith.constant 0 : i32
          %dma_start3A_400 = arith.constant 0 : i32
          %dma_start3A_401 = arith.constant 0 : i32
          %dma_start3A_402 = tpu.memref_slice %arg8[%dma_start3A_399, %dma_start3A_400, %dma_start3A_401] : memref<4x64x128xf32, #tpu.memory_space<vmem>> -> memref<1x64x128xf32, #tpu.memory_space<vmem>>
          %dma_start3A_403 = tpu.memref_squeeze %dma_start3A_402 : memref<1x64x128xf32, #tpu.memory_space<vmem>> -> memref<64x128xf32, #tpu.memory_space<vmem>>
          %dma_start3A_404 = arith.constant 0 : i32
          %dma_start3A_405 = tpu.memref_slice %arg6[%dma_start3A_397, %dma_start3A_398, %dma_start3A_404] : memref<2x16x64xi32, #tpu.memory_space<vmem>> -> memref<1x1x64xi32, #tpu.memory_space<vmem>>
          %dma_start3A_406 = tpu.memref_squeeze %dma_start3A_405 : memref<1x1x64xi32, #tpu.memory_space<vmem>> -> memref<64xi32, #tpu.memory_space<vmem>>
          %dma_start3A_407 = arith.constant 0 : i32
          %dma_start3A_408 = arith.constant 0 : i32
          %dma_start3A_409 = tpu.memref_slice %arg2[%dma_start3A_407, %dma_start3A_408] : memref<10112x128xf32, #tpu.memory_space<hbm>> -> memref<10112x128xf32, #tpu.memory_space<hbm>>
          tpu.enqueue_indirect_dma source(%dma_start3A_409 : memref<10112x128xf32, #tpu.memory_space<hbm>>) target(%dma_start3A_403 : memref<64x128xf32, #tpu.memory_space<vmem>>) offsets(%dma_start3A_406 : memref<64xi32, #tpu.memory_space<vmem>>) semaphore(%arg10 : memref<!tpu.dma_semaphore, #tpu.memory_space<semaphore_mem>>)
        } else {
        }
        %mul3A_345 = arith.constant 4 : i32
        %mul3A_346 = arith.muli %add3A_179, %mul3A_345 : i32
        %add3A_347 = arith.constant 3 : i32
        %add3A_348 = arith.addi %mul3A_346, %add3A_347 : i32
        %dma_wait3A_349 = arith.constant 0 : i32
        %dma_wait3A_350 = arith.constant 3 : i32
        %dma_wait3A_351 = arith.constant 0 : i32
        %dma_wait3A_352 = arith.constant 0 : i32
        %dma_wait3A_353 = tpu.memref_slice %arg8[%dma_wait3A_350, %dma_wait3A_351, %dma_wait3A_352] : memref<4x64x128xf32, #tpu.memory_space<vmem>> -> memref<1x64x128xf32, #tpu.memory_space<vmem>>
        %dma_wait3A_354 = tpu.memref_squeeze %dma_wait3A_353 : memref<1x64x128xf32, #tpu.memory_space<vmem>> -> memref<64x128xf32, #tpu.memory_space<vmem>>
        %dma_wait3A_355 = arith.constant 0 : i32
        %dma_wait3A_356 = tpu.memref_slice %arg6[%dma_wait3A_349, %add3A_348, %dma_wait3A_355] : memref<2x16x64xi32, #tpu.memory_space<vmem>> -> memref<1x1x64xi32, #tpu.memory_space<vmem>>
        %dma_wait3A_357 = tpu.memref_squeeze %dma_wait3A_356 : memref<1x1x64xi32, #tpu.memory_space<vmem>> -> memref<64xi32, #tpu.memory_space<vmem>>
        %dma_wait3A_358 = arith.constant 0 : i32
        %dma_wait3A_359 = arith.constant 0 : i32
        %dma_wait3A_360 = tpu.memref_slice %arg2[%dma_wait3A_358, %dma_wait3A_359] : memref<10112x128xf32, #tpu.memory_space<hbm>> -> memref<10112x128xf32, #tpu.memory_space<hbm>>
        tpu.wait_indirect_dma semaphore(%arg13 : memref<!tpu.dma_semaphore, #tpu.memory_space<semaphore_mem>>) src(%dma_wait3A_360 : memref<10112x128xf32, #tpu.memory_space<hbm>>) dst(%dma_wait3A_354 : memref<64x128xf32, #tpu.memory_space<vmem>>)
        %dma_start3A_361 = arith.constant 3 : i32
        %dma_start3A_362 = arith.constant 0 : i32
        %dma_start3A_363 = arith.constant 0 : i32
        %dma_start3A_364 = arith.constant 0 : i32
        %dma_start3A_365 = tpu.memref_slice %arg8[%dma_start3A_361, %dma_start3A_363, %dma_start3A_364] : memref<4x64x128xf32, #tpu.memory_space<vmem>> -> memref<1x64x128xf32, #tpu.memory_space<vmem>>
        %dma_start3A_366 = tpu.memref_squeeze %dma_start3A_365 : memref<1x64x128xf32, #tpu.memory_space<vmem>> -> memref<64x128xf32, #tpu.memory_space<vmem>>
        %dma_start3A_367 = arith.constant 0 : i32
        %dma_start3A_368 = tpu.memref_slice %arg7[%dma_start3A_362, %add3A_348, %dma_start3A_367] : memref<2x16x64xi32, #tpu.memory_space<vmem>> -> memref<1x1x64xi32, #tpu.memory_space<vmem>>
        %dma_start3A_369 = tpu.memref_squeeze %dma_start3A_368 : memref<1x1x64xi32, #tpu.memory_space<vmem>> -> memref<64xi32, #tpu.memory_space<vmem>>
        %dma_start3A_370 = arith.constant 0 : i32
        %dma_start3A_371 = arith.constant 0 : i32
        %dma_start3A_372 = tpu.memref_slice %arg9[%dma_start3A_370, %dma_start3A_371] : memref<10112x128xf32, #tpu.memory_space<vmem_shared>> -> memref<10112x128xf32, #tpu.memory_space<vmem_shared>>
        tpu.enqueue_indirect_dma source(%dma_start3A_366 : memref<64x128xf32, #tpu.memory_space<vmem>>) target(%dma_start3A_372 : memref<10112x128xf32, #tpu.memory_space<vmem_shared>>) offsets(%dma_start3A_369 : memref<64xi32, #tpu.memory_space<vmem>>) semaphore(%arg17 : memref<!tpu.dma_semaphore, #tpu.memory_space<semaphore_mem>>) {add = true}
        %sub3A_373 = arith.constant 2 : i32
        %sub3A_374 = arith.subi %add3A_348, %sub3A_373 : i32
        %dma_wait3A_375 = arith.constant 1 : i32
        %dma_wait3A_376 = arith.constant 0 : i32
        %dma_wait3A_377 = arith.constant 0 : i32
        %dma_wait3A_378 = arith.constant 0 : i32
        %dma_wait3A_379 = tpu.memref_slice %arg8[%dma_wait3A_375, %dma_wait3A_377, %dma_wait3A_378] : memref<4x64x128xf32, #tpu.memory_space<vmem>> -> memref<1x64x128xf32, #tpu.memory_space<vmem>>
        %dma_wait3A_380 = tpu.memref_squeeze %dma_wait3A_379 : memref<1x64x128xf32, #tpu.memory_space<vmem>> -> memref<64x128xf32, #tpu.memory_space<vmem>>
        %dma_wait3A_381 = arith.constant 0 : i32
        %dma_wait3A_382 = tpu.memref_slice %arg7[%dma_wait3A_376, %sub3A_374, %dma_wait3A_381] : memref<2x16x64xi32, #tpu.memory_space<vmem>> -> memref<1x1x64xi32, #tpu.memory_space<vmem>>
        %dma_wait3A_383 = tpu.memref_squeeze %dma_wait3A_382 : memref<1x1x64xi32, #tpu.memory_space<vmem>> -> memref<64xi32, #tpu.memory_space<vmem>>
        %dma_wait3A_384 = arith.constant 0 : i32
        %dma_wait3A_385 = arith.constant 0 : i32
        %dma_wait3A_386 = tpu.memref_slice %arg9[%dma_wait3A_384, %dma_wait3A_385] : memref<10112x128xf32, #tpu.memory_space<vmem_shared>> -> memref<10112x128xf32, #tpu.memory_space<vmem_shared>>
        tpu.wait_indirect_dma semaphore(%arg15 : memref<!tpu.dma_semaphore, #tpu.memory_space<semaphore_mem>>) src(%dma_wait3A_380 : memref<64x128xf32, #tpu.memory_space<vmem>>) dst(%dma_wait3A_386 : memref<10112x128xf32, #tpu.memory_space<vmem_shared>>)
        %lt3A_387 = arith.constant 3 : i32
        %lt3A_388 = arith.cmpi slt, %add3A_179, %lt3A_387 : i32
        %convert_element_type3A_389 = arith.extui %lt3A_388 : i1 to i32
        %cond3A_390 = arith.constant 0 : i32
        %cond3A_391 = arith.cmpi ne, %convert_element_type3A_389, %cond3A_390 : i32
        scf.if %cond3A_391 {
          %add3A_397 = arith.constant 2 : i32
          %add3A_398 = arith.addi %add3A_348, %add3A_397 : i32
          %dma_start3A_399 = arith.constant 0 : i32
          %dma_start3A_400 = arith.constant 1 : i32
          %dma_start3A_401 = arith.constant 0 : i32
          %dma_start3A_402 = arith.constant 0 : i32
          %dma_start3A_403 = tpu.memref_slice %arg8[%dma_start3A_400, %dma_start3A_401, %dma_start3A_402] : memref<4x64x128xf32, #tpu.memory_space<vmem>> -> memref<1x64x128xf32, #tpu.memory_space<vmem>>
          %dma_start3A_404 = tpu.memref_squeeze %dma_start3A_403 : memref<1x64x128xf32, #tpu.memory_space<vmem>> -> memref<64x128xf32, #tpu.memory_space<vmem>>
          %dma_start3A_405 = arith.constant 0 : i32
          %dma_start3A_406 = tpu.memref_slice %arg6[%dma_start3A_399, %add3A_398, %dma_start3A_405] : memref<2x16x64xi32, #tpu.memory_space<vmem>> -> memref<1x1x64xi32, #tpu.memory_space<vmem>>
          %dma_start3A_407 = tpu.memref_squeeze %dma_start3A_406 : memref<1x1x64xi32, #tpu.memory_space<vmem>> -> memref<64xi32, #tpu.memory_space<vmem>>
          %dma_start3A_408 = arith.constant 0 : i32
          %dma_start3A_409 = arith.constant 0 : i32
          %dma_start3A_410 = tpu.memref_slice %arg2[%dma_start3A_408, %dma_start3A_409] : memref<10112x128xf32, #tpu.memory_space<hbm>> -> memref<10112x128xf32, #tpu.memory_space<hbm>>
          tpu.enqueue_indirect_dma source(%dma_start3A_410 : memref<10112x128xf32, #tpu.memory_space<hbm>>) target(%dma_start3A_404 : memref<64x128xf32, #tpu.memory_space<vmem>>) offsets(%dma_start3A_407 : memref<64xi32, #tpu.memory_space<vmem>>) semaphore(%arg11 : memref<!tpu.dma_semaphore, #tpu.memory_space<semaphore_mem>>)
        } else {
        }
        %eq3A_392 = arith.constant 3 : i32
        %eq3A_393 = arith.cmpi eq, %add3A_179, %eq3A_392 : i32
        %convert_element_type3A_394 = arith.extui %eq3A_393 : i1 to i32
        %cond3A_395 = arith.constant 0 : i32
        %cond3A_396 = arith.cmpi ne, %convert_element_type3A_394, %cond3A_395 : i32
        scf.if %cond3A_396 {
          %dma_start3A_397 = arith.constant 1 : i32
          %dma_start3A_398 = arith.constant 1 : i32
          %dma_start3A_399 = arith.constant 1 : i32
          %dma_start3A_400 = arith.constant 0 : i32
          %dma_start3A_401 = arith.constant 0 : i32
          %dma_start3A_402 = tpu.memref_slice %arg8[%dma_start3A_399, %dma_start3A_400, %dma_start3A_401] : memref<4x64x128xf32, #tpu.memory_space<vmem>> -> memref<1x64x128xf32, #tpu.memory_space<vmem>>
          %dma_start3A_403 = tpu.memref_squeeze %dma_start3A_402 : memref<1x64x128xf32, #tpu.memory_space<vmem>> -> memref<64x128xf32, #tpu.memory_space<vmem>>
          %dma_start3A_404 = arith.constant 0 : i32
          %dma_start3A_405 = tpu.memref_slice %arg6[%dma_start3A_397, %dma_start3A_398, %dma_start3A_404] : memref<2x16x64xi32, #tpu.memory_space<vmem>> -> memref<1x1x64xi32, #tpu.memory_space<vmem>>
          %dma_start3A_406 = tpu.memref_squeeze %dma_start3A_405 : memref<1x1x64xi32, #tpu.memory_space<vmem>> -> memref<64xi32, #tpu.memory_space<vmem>>
          %dma_start3A_407 = arith.constant 0 : i32
          %dma_start3A_408 = arith.constant 0 : i32
          %dma_start3A_409 = tpu.memref_slice %arg2[%dma_start3A_407, %dma_start3A_408] : memref<10112x128xf32, #tpu.memory_space<hbm>> -> memref<10112x128xf32, #tpu.memory_space<hbm>>
          tpu.enqueue_indirect_dma source(%dma_start3A_409 : memref<10112x128xf32, #tpu.memory_space<hbm>>) target(%dma_start3A_403 : memref<64x128xf32, #tpu.memory_space<vmem>>) offsets(%dma_start3A_406 : memref<64xi32, #tpu.memory_space<vmem>>) semaphore(%arg11 : memref<!tpu.dma_semaphore, #tpu.memory_space<semaphore_mem>>)
        } else {
        }
      }
      %scan3A_165 = arith.constant 4 : i32
      %mul3A_166 = arith.constant 2 : i32
      %mul3A_167 = arith.muli %add3A_156, %mul3A_166 : i32
      %add3A_168 = arith.constant 1 : i32
      %add3A_169 = arith.addi %mul3A_167, %add3A_168 : i32
      %scan3A_170 = arith.constant 0 : i32
      %scan3A_171 = arith.constant 4 : i32
      %scan3A_172 = arith.addi %scan3A_170, %scan3A_171 : i32
      %scan3A_173 = arith.constant 1 : i32
      scf.for %scan3A_175 = %scan3A_170 to %scan3A_172 step %scan3A_173  : i32 {
        %mul3A_176 = arith.constant 1 : i32
        %mul3A_177 = arith.muli %scan3A_175, %mul3A_176 : i32
        %add3A_178 = arith.constant 0 : i32
        %add3A_179 = arith.addi %add3A_178, %mul3A_177 : i32
        %mul3A_180 = arith.constant 4 : i32
        %mul3A_181 = arith.muli %add3A_179, %mul3A_180 : i32
        %add3A_182 = arith.constant 0 : i32
        %add3A_183 = arith.addi %mul3A_181, %add3A_182 : i32
        %dma_wait3A_184 = arith.constant 1 : i32
        %dma_wait3A_185 = arith.constant 0 : i32
        %dma_wait3A_186 = arith.constant 0 : i32
        %dma_wait3A_187 = arith.constant 0 : i32
        %dma_wait3A_188 = tpu.memref_slice %arg8[%dma_wait3A_185, %dma_wait3A_186, %dma_wait3A_187] : memref<4x64x128xf32, #tpu.memory_space<vmem>> -> memref<1x64x128xf32, #tpu.memory_space<vmem>>
        %dma_wait3A_189 = tpu.memref_squeeze %dma_wait3A_188 : memref<1x64x128xf32, #tpu.memory_space<vmem>> -> memref<64x128xf32, #tpu.memory_space<vmem>>
        %dma_wait3A_190 = arith.constant 0 : i32
        %dma_wait3A_191 = tpu.memref_slice %arg6[%dma_wait3A_184, %add3A_183, %dma_wait3A_190] : memref<2x16x64xi32, #tpu.memory_space<vmem>> -> memref<1x1x64xi32, #tpu.memory_space<vmem>>
        %dma_wait3A_192 = tpu.memref_squeeze %dma_wait3A_191 : memref<1x1x64xi32, #tpu.memory_space<vmem>> -> memref<64xi32, #tpu.memory_space<vmem>>
        %dma_wait3A_193 = arith.constant 0 : i32
        %dma_wait3A_194 = arith.constant 0 : i32
        %dma_wait3A_195 = tpu.memref_slice %arg2[%dma_wait3A_193, %dma_wait3A_194] : memref<10112x128xf32, #tpu.memory_space<hbm>> -> memref<10112x128xf32, #tpu.memory_space<hbm>>
        tpu.wait_indirect_dma semaphore(%arg10 : memref<!tpu.dma_semaphore, #tpu.memory_space<semaphore_mem>>) src(%dma_wait3A_195 : memref<10112x128xf32, #tpu.memory_space<hbm>>) dst(%dma_wait3A_189 : memref<64x128xf32, #tpu.memory_space<vmem>>)
        %dma_start3A_196 = arith.constant 0 : i32
        %dma_start3A_197 = arith.constant 1 : i32
        %dma_start3A_198 = arith.constant 0 : i32
        %dma_start3A_199 = arith.constant 0 : i32
        %dma_start3A_200 = tpu.memref_slice %arg8[%dma_start3A_196, %dma_start3A_198, %dma_start3A_199] : memref<4x64x128xf32, #tpu.memory_space<vmem>> -> memref<1x64x128xf32, #tpu.memory_space<vmem>>
        %dma_start3A_201 = tpu.memref_squeeze %dma_start3A_200 : memref<1x64x128xf32, #tpu.memory_space<vmem>> -> memref<64x128xf32, #tpu.memory_space<vmem>>
        %dma_start3A_202 = arith.constant 0 : i32
        %dma_start3A_203 = tpu.memref_slice %arg7[%dma_start3A_197, %add3A_183, %dma_start3A_202] : memref<2x16x64xi32, #tpu.memory_space<vmem>> -> memref<1x1x64xi32, #tpu.memory_space<vmem>>
        %dma_start3A_204 = tpu.memref_squeeze %dma_start3A_203 : memref<1x1x64xi32, #tpu.memory_space<vmem>> -> memref<64xi32, #tpu.memory_space<vmem>>
        %dma_start3A_205 = arith.constant 0 : i32
        %dma_start3A_206 = arith.constant 0 : i32
        %dma_start3A_207 = tpu.memref_slice %arg9[%dma_start3A_205, %dma_start3A_206] : memref<10112x128xf32, #tpu.memory_space<vmem_shared>> -> memref<10112x128xf32, #tpu.memory_space<vmem_shared>>
        tpu.enqueue_indirect_dma source(%dma_start3A_201 : memref<64x128xf32, #tpu.memory_space<vmem>>) target(%dma_start3A_207 : memref<10112x128xf32, #tpu.memory_space<vmem_shared>>) offsets(%dma_start3A_204 : memref<64xi32, #tpu.memory_space<vmem>>) semaphore(%arg14 : memref<!tpu.dma_semaphore, #tpu.memory_space<semaphore_mem>>) {add = true}
        %gt3A = arith.constant 0 : i32
        %gt3A_208 = arith.cmpi sgt, %add3A_179, %gt3A : i32
        %convert_element_type3A = arith.extui %gt3A_208 : i1 to i32
        %cond3A = arith.constant 0 : i32
        %cond3A_209 = arith.cmpi ne, %convert_element_type3A, %cond3A : i32
        scf.if %cond3A_209 {
          %sub3A_392 = arith.constant 2 : i32
          %sub3A_393 = arith.subi %add3A_183, %sub3A_392 : i32
          %dma_wait3A_394 = arith.constant 2 : i32
          %dma_wait3A_395 = arith.constant 1 : i32
          %dma_wait3A_396 = arith.constant 0 : i32
          %dma_wait3A_397 = arith.constant 0 : i32
          %dma_wait3A_398 = tpu.memref_slice %arg8[%dma_wait3A_394, %dma_wait3A_396, %dma_wait3A_397] : memref<4x64x128xf32, #tpu.memory_space<vmem>> -> memref<1x64x128xf32, #tpu.memory_space<vmem>>
          %dma_wait3A_399 = tpu.memref_squeeze %dma_wait3A_398 : memref<1x64x128xf32, #tpu.memory_space<vmem>> -> memref<64x128xf32, #tpu.memory_space<vmem>>
          %dma_wait3A_400 = arith.constant 0 : i32
          %dma_wait3A_401 = tpu.memref_slice %arg7[%dma_wait3A_395, %sub3A_393, %dma_wait3A_400] : memref<2x16x64xi32, #tpu.memory_space<vmem>> -> memref<1x1x64xi32, #tpu.memory_space<vmem>>
          %dma_wait3A_402 = tpu.memref_squeeze %dma_wait3A_401 : memref<1x1x64xi32, #tpu.memory_space<vmem>> -> memref<64xi32, #tpu.memory_space<vmem>>
          %dma_wait3A_403 = arith.constant 0 : i32
          %dma_wait3A_404 = arith.constant 0 : i32
          %dma_wait3A_405 = tpu.memref_slice %arg9[%dma_wait3A_403, %dma_wait3A_404] : memref<10112x128xf32, #tpu.memory_space<vmem_shared>> -> memref<10112x128xf32, #tpu.memory_space<vmem_shared>>
          tpu.wait_indirect_dma semaphore(%arg16 : memref<!tpu.dma_semaphore, #tpu.memory_space<semaphore_mem>>) src(%dma_wait3A_399 : memref<64x128xf32, #tpu.memory_space<vmem>>) dst(%dma_wait3A_405 : memref<10112x128xf32, #tpu.memory_space<vmem_shared>>)
        } else {
        }
        %eq3A = arith.constant 0 : i32
        %eq3A_210 = arith.cmpi eq, %add3A_179, %eq3A : i32
        %convert_element_type3A_211 = arith.extui %eq3A_210 : i1 to i32
        %cond3A_212 = arith.constant 0 : i32
        %cond3A_213 = arith.cmpi ne, %convert_element_type3A_211, %cond3A_212 : i32
        scf.if %cond3A_213 {
          %dma_wait3A_392 = arith.constant 2 : i32
          %dma_wait3A_393 = arith.constant 0 : i32
          %dma_wait3A_394 = arith.constant 14 : i32
          %dma_wait3A_395 = arith.constant 0 : i32
          %dma_wait3A_396 = arith.constant 0 : i32
          %dma_wait3A_397 = tpu.memref_slice %arg8[%dma_wait3A_392, %dma_wait3A_395, %dma_wait3A_396] : memref<4x64x128xf32, #tpu.memory_space<vmem>> -> memref<1x64x128xf32, #tpu.memory_space<vmem>>
          %dma_wait3A_398 = tpu.memref_squeeze %dma_wait3A_397 : memref<1x64x128xf32, #tpu.memory_space<vmem>> -> memref<64x128xf32, #tpu.memory_space<vmem>>
          %dma_wait3A_399 = arith.constant 0 : i32
          %dma_wait3A_400 = tpu.memref_slice %arg7[%dma_wait3A_393, %dma_wait3A_394, %dma_wait3A_399] : memref<2x16x64xi32, #tpu.memory_space<vmem>> -> memref<1x1x64xi32, #tpu.memory_space<vmem>>
          %dma_wait3A_401 = tpu.memref_squeeze %dma_wait3A_400 : memref<1x1x64xi32, #tpu.memory_space<vmem>> -> memref<64xi32, #tpu.memory_space<vmem>>
          %dma_wait3A_402 = arith.constant 0 : i32
          %dma_wait3A_403 = arith.constant 0 : i32
          %dma_wait3A_404 = tpu.memref_slice %arg9[%dma_wait3A_402, %dma_wait3A_403] : memref<10112x128xf32, #tpu.memory_space<vmem_shared>> -> memref<10112x128xf32, #tpu.memory_space<vmem_shared>>
          tpu.wait_indirect_dma semaphore(%arg16 : memref<!tpu.dma_semaphore, #tpu.memory_space<semaphore_mem>>) src(%dma_wait3A_398 : memref<64x128xf32, #tpu.memory_space<vmem>>) dst(%dma_wait3A_404 : memref<10112x128xf32, #tpu.memory_space<vmem_shared>>)
        } else {
        }
        %add3A_214 = arith.constant 2 : i32
        %add3A_215 = arith.addi %add3A_183, %add3A_214 : i32
        %dma_start3A_216 = arith.constant 1 : i32
        %dma_start3A_217 = arith.constant 2 : i32
        %dma_start3A_218 = arith.constant 0 : i32
        %dma_start3A_219 = arith.constant 0 : i32
        %dma_start3A_220 = tpu.memref_slice %arg8[%dma_start3A_217, %dma_start3A_218, %dma_start3A_219] : memref<4x64x128xf32, #tpu.memory_space<vmem>> -> memref<1x64x128xf32, #tpu.memory_space<vmem>>
        %dma_start3A_221 = tpu.memref_squeeze %dma_start3A_220 : memref<1x64x128xf32, #tpu.memory_space<vmem>> -> memref<64x128xf32, #tpu.memory_space<vmem>>
        %dma_start3A_222 = arith.constant 0 : i32
        %dma_start3A_223 = tpu.memref_slice %arg6[%dma_start3A_216, %add3A_215, %dma_start3A_222] : memref<2x16x64xi32, #tpu.memory_space<vmem>> -> memref<1x1x64xi32, #tpu.memory_space<vmem>>
        %dma_start3A_224 = tpu.memref_squeeze %dma_start3A_223 : memref<1x1x64xi32, #tpu.memory_space<vmem>> -> memref<64xi32, #tpu.memory_space<vmem>>
        %dma_start3A_225 = arith.constant 0 : i32
        %dma_start3A_226 = arith.constant 0 : i32
        %dma_start3A_227 = tpu.memref_slice %arg2[%dma_start3A_225, %dma_start3A_226] : memref<10112x128xf32, #tpu.memory_space<hbm>> -> memref<10112x128xf32, #tpu.memory_space<hbm>>
        tpu.enqueue_indirect_dma source(%dma_start3A_227 : memref<10112x128xf32, #tpu.memory_space<hbm>>) target(%dma_start3A_221 : memref<64x128xf32, #tpu.memory_space<vmem>>) offsets(%dma_start3A_224 : memref<64xi32, #tpu.memory_space<vmem>>) semaphore(%arg12 : memref<!tpu.dma_semaphore, #tpu.memory_space<semaphore_mem>>)
        %mul3A_228 = arith.constant 4 : i32
        %mul3A_229 = arith.muli %add3A_179, %mul3A_228 : i32
        %add3A_230 = arith.constant 1 : i32
        %add3A_231 = arith.addi %mul3A_229, %add3A_230 : i32
        %dma_wait3A_232 = arith.constant 1 : i32
        %dma_wait3A_233 = arith.constant 1 : i32
        %dma_wait3A_234 = arith.constant 0 : i32
        %dma_wait3A_235 = arith.constant 0 : i32
        %dma_wait3A_236 = tpu.memref_slice %arg8[%dma_wait3A_233, %dma_wait3A_234, %dma_wait3A_235] : memref<4x64x128xf32, #tpu.memory_space<vmem>> -> memref<1x64x128xf32, #tpu.memory_space<vmem>>
        %dma_wait3A_237 = tpu.memref_squeeze %dma_wait3A_236 : memref<1x64x128xf32, #tpu.memory_space<vmem>> -> memref<64x128xf32, #tpu.memory_space<vmem>>
        %dma_wait3A_238 = arith.constant 0 : i32
        %dma_wait3A_239 = tpu.memref_slice %arg6[%dma_wait3A_232, %add3A_231, %dma_wait3A_238] : memref<2x16x64xi32, #tpu.memory_space<vmem>> -> memref<1x1x64xi32, #tpu.memory_space<vmem>>
        %dma_wait3A_240 = tpu.memref_squeeze %dma_wait3A_239 : memref<1x1x64xi32, #tpu.memory_space<vmem>> -> memref<64xi32, #tpu.memory_space<vmem>>
        %dma_wait3A_241 = arith.constant 0 : i32
        %dma_wait3A_242 = arith.constant 0 : i32
        %dma_wait3A_243 = tpu.memref_slice %arg2[%dma_wait3A_241, %dma_wait3A_242] : memref<10112x128xf32, #tpu.memory_space<hbm>> -> memref<10112x128xf32, #tpu.memory_space<hbm>>
        tpu.wait_indirect_dma semaphore(%arg11 : memref<!tpu.dma_semaphore, #tpu.memory_space<semaphore_mem>>) src(%dma_wait3A_243 : memref<10112x128xf32, #tpu.memory_space<hbm>>) dst(%dma_wait3A_237 : memref<64x128xf32, #tpu.memory_space<vmem>>)
        %dma_start3A_244 = arith.constant 1 : i32
        %dma_start3A_245 = arith.constant 1 : i32
        %dma_start3A_246 = arith.constant 0 : i32
        %dma_start3A_247 = arith.constant 0 : i32
        %dma_start3A_248 = tpu.memref_slice %arg8[%dma_start3A_244, %dma_start3A_246, %dma_start3A_247] : memref<4x64x128xf32, #tpu.memory_space<vmem>> -> memref<1x64x128xf32, #tpu.memory_space<vmem>>
        %dma_start3A_249 = tpu.memref_squeeze %dma_start3A_248 : memref<1x64x128xf32, #tpu.memory_space<vmem>> -> memref<64x128xf32, #tpu.memory_space<vmem>>
        %dma_start3A_250 = arith.constant 0 : i32
        %dma_start3A_251 = tpu.memref_slice %arg7[%dma_start3A_245, %add3A_231, %dma_start3A_250] : memref<2x16x64xi32, #tpu.memory_space<vmem>> -> memref<1x1x64xi32, #tpu.memory_space<vmem>>
        %dma_start3A_252 = tpu.memref_squeeze %dma_start3A_251 : memref<1x1x64xi32, #tpu.memory_space<vmem>> -> memref<64xi32, #tpu.memory_space<vmem>>
        %dma_start3A_253 = arith.constant 0 : i32
        %dma_start3A_254 = arith.constant 0 : i32
        %dma_start3A_255 = tpu.memref_slice %arg9[%dma_start3A_253, %dma_start3A_254] : memref<10112x128xf32, #tpu.memory_space<vmem_shared>> -> memref<10112x128xf32, #tpu.memory_space<vmem_shared>>
        tpu.enqueue_indirect_dma source(%dma_start3A_249 : memref<64x128xf32, #tpu.memory_space<vmem>>) target(%dma_start3A_255 : memref<10112x128xf32, #tpu.memory_space<vmem_shared>>) offsets(%dma_start3A_252 : memref<64xi32, #tpu.memory_space<vmem>>) semaphore(%arg15 : memref<!tpu.dma_semaphore, #tpu.memory_space<semaphore_mem>>) {add = true}
        %gt3A_256 = arith.constant 0 : i32
        %gt3A_257 = arith.cmpi sgt, %add3A_179, %gt3A_256 : i32
        %convert_element_type3A_258 = arith.extui %gt3A_257 : i1 to i32
        %cond3A_259 = arith.constant 0 : i32
        %cond3A_260 = arith.cmpi ne, %convert_element_type3A_258, %cond3A_259 : i32
        scf.if %cond3A_260 {
          %sub3A_392 = arith.constant 2 : i32
          %sub3A_393 = arith.subi %add3A_231, %sub3A_392 : i32
          %dma_wait3A_394 = arith.constant 3 : i32
          %dma_wait3A_395 = arith.constant 1 : i32
          %dma_wait3A_396 = arith.constant 0 : i32
          %dma_wait3A_397 = arith.constant 0 : i32
          %dma_wait3A_398 = tpu.memref_slice %arg8[%dma_wait3A_394, %dma_wait3A_396, %dma_wait3A_397] : memref<4x64x128xf32, #tpu.memory_space<vmem>> -> memref<1x64x128xf32, #tpu.memory_space<vmem>>
          %dma_wait3A_399 = tpu.memref_squeeze %dma_wait3A_398 : memref<1x64x128xf32, #tpu.memory_space<vmem>> -> memref<64x128xf32, #tpu.memory_space<vmem>>
          %dma_wait3A_400 = arith.constant 0 : i32
          %dma_wait3A_401 = tpu.memref_slice %arg7[%dma_wait3A_395, %sub3A_393, %dma_wait3A_400] : memref<2x16x64xi32, #tpu.memory_space<vmem>> -> memref<1x1x64xi32, #tpu.memory_space<vmem>>
          %dma_wait3A_402 = tpu.memref_squeeze %dma_wait3A_401 : memref<1x1x64xi32, #tpu.memory_space<vmem>> -> memref<64xi32, #tpu.memory_space<vmem>>
          %dma_wait3A_403 = arith.constant 0 : i32
          %dma_wait3A_404 = arith.constant 0 : i32
          %dma_wait3A_405 = tpu.memref_slice %arg9[%dma_wait3A_403, %dma_wait3A_404] : memref<10112x128xf32, #tpu.memory_space<vmem_shared>> -> memref<10112x128xf32, #tpu.memory_space<vmem_shared>>
          tpu.wait_indirect_dma semaphore(%arg17 : memref<!tpu.dma_semaphore, #tpu.memory_space<semaphore_mem>>) src(%dma_wait3A_399 : memref<64x128xf32, #tpu.memory_space<vmem>>) dst(%dma_wait3A_405 : memref<10112x128xf32, #tpu.memory_space<vmem_shared>>)
        } else {
        }
        %eq3A_261 = arith.constant 0 : i32
        %eq3A_262 = arith.cmpi eq, %add3A_179, %eq3A_261 : i32
        %convert_element_type3A_263 = arith.extui %eq3A_262 : i1 to i32
        %cond3A_264 = arith.constant 0 : i32
        %cond3A_265 = arith.cmpi ne, %convert_element_type3A_263, %cond3A_264 : i32
        scf.if %cond3A_265 {
          %dma_wait3A_392 = arith.constant 3 : i32
          %dma_wait3A_393 = arith.constant 0 : i32
          %dma_wait3A_394 = arith.constant 15 : i32
          %dma_wait3A_395 = arith.constant 0 : i32
          %dma_wait3A_396 = arith.constant 0 : i32
          %dma_wait3A_397 = tpu.memref_slice %arg8[%dma_wait3A_392, %dma_wait3A_395, %dma_wait3A_396] : memref<4x64x128xf32, #tpu.memory_space<vmem>> -> memref<1x64x128xf32, #tpu.memory_space<vmem>>
          %dma_wait3A_398 = tpu.memref_squeeze %dma_wait3A_397 : memref<1x64x128xf32, #tpu.memory_space<vmem>> -> memref<64x128xf32, #tpu.memory_space<vmem>>
          %dma_wait3A_399 = arith.constant 0 : i32
          %dma_wait3A_400 = tpu.memref_slice %arg7[%dma_wait3A_393, %dma_wait3A_394, %dma_wait3A_399] : memref<2x16x64xi32, #tpu.memory_space<vmem>> -> memref<1x1x64xi32, #tpu.memory_space<vmem>>
          %dma_wait3A_401 = tpu.memref_squeeze %dma_wait3A_400 : memref<1x1x64xi32, #tpu.memory_space<vmem>> -> memref<64xi32, #tpu.memory_space<vmem>>
          %dma_wait3A_402 = arith.constant 0 : i32
          %dma_wait3A_403 = arith.constant 0 : i32
          %dma_wait3A_404 = tpu.memref_slice %arg9[%dma_wait3A_402, %dma_wait3A_403] : memref<10112x128xf32, #tpu.memory_space<vmem_shared>> -> memref<10112x128xf32, #tpu.memory_space<vmem_shared>>
          tpu.wait_indirect_dma semaphore(%arg17 : memref<!tpu.dma_semaphore, #tpu.memory_space<semaphore_mem>>) src(%dma_wait3A_398 : memref<64x128xf32, #tpu.memory_space<vmem>>) dst(%dma_wait3A_404 : memref<10112x128xf32, #tpu.memory_space<vmem_shared>>)
        } else {
        }
        %eq3A_266 = arith.constant 0 : i32
        %eq3A_267 = arith.cmpi eq, %add3A_179, %eq3A_266 : i32
        %convert_element_type3A_268 = arith.extui %eq3A_267 : i1 to i32
        %cond3A_269 = arith.constant 0 : i32
        %cond3A_270 = arith.cmpi ne, %convert_element_type3A_268, %cond3A_269 : i32
        scf.if %cond3A_270 {
          %add3A_392 = arith.constant 1 : i32
          %add3A_393 = arith.addi %add3A_169, %add3A_392 : i32
          %mul3A_394 = arith.constant 16 : i32
          %mul3A_395 = arith.muli %add3A_393, %mul3A_394 : i32
          %dma_start3A_396 = arith.constant 0 : i32
          %dma_start3A_397 = arith.constant 0 : i32
          %dma_start3A_398 = arith.constant 0 : i32
          %dma_start3A_399 = tpu.memref_slice %arg6[%dma_start3A_396, %dma_start3A_397, %dma_start3A_398] : memref<2x16x64xi32, #tpu.memory_space<vmem>> -> memref<1x16x64xi32, #tpu.memory_space<vmem>>
          %dma_start3A_400 = tpu.memref_squeeze %dma_start3A_399 : memref<1x16x64xi32, #tpu.memory_space<vmem>> -> memref<16x64xi32, #tpu.memory_space<vmem>>
          %dma_start3A_401 = arith.constant 0 : i32
          %dma_start3A_402 = tpu.memref_slice %arg3[%add3A, %mul3A_395, %dma_start3A_401] : memref<32x176x64xi32, #tpu.memory_space<hbm>> -> memref<1x16x64xi32, #tpu.memory_space<hbm>>
          %dma_start3A_403 = tpu.memref_squeeze %dma_start3A_402 : memref<1x16x64xi32, #tpu.memory_space<hbm>> -> memref<16x64xi32, #tpu.memory_space<hbm>>
          %dma_start3A_404 = arith.constant 0 : i32
          %dma_start3A_405 = arith.constant 0 : i32
          %dma_start3A_406 = tpu.memref_slice %arg6[%dma_start3A_396, %dma_start3A_404, %dma_start3A_405] : memref<2x16x64xi32, #tpu.memory_space<vmem>> -> memref<1x16x64xi32, #tpu.memory_space<vmem>>
          %dma_start3A_407 = tpu.memref_squeeze %dma_start3A_406 : memref<1x16x64xi32, #tpu.memory_space<vmem>> -> memref<16x64xi32, #tpu.memory_space<vmem>>
          %dma_start3A_408 = arith.constant 0 : i32
          %dma_start3A_409 = tpu.memref_slice %arg3[%add3A, %mul3A_395, %dma_start3A_408] : memref<32x176x64xi32, #tpu.memory_space<hbm>> -> memref<1x16x64xi32, #tpu.memory_space<hbm>>
          %dma_start3A_410 = tpu.memref_squeeze %dma_start3A_409 : memref<1x16x64xi32, #tpu.memory_space<hbm>> -> memref<16x64xi32, #tpu.memory_space<hbm>>
          tpu.enqueue_dma source(%dma_start3A_410 : memref<16x64xi32, #tpu.memory_space<hbm>>) target(%dma_start3A_407 : memref<16x64xi32, #tpu.memory_space<vmem>>) target_semaphore(%arg18 : memref<!tpu.dma_semaphore, #tpu.memory_space<semaphore_mem>>)
          %dma_start3A_411 = arith.constant 0 : i32
          %dma_start3A_412 = arith.constant 0 : i32
          %dma_start3A_413 = arith.constant 0 : i32
          %dma_start3A_414 = tpu.memref_slice %arg7[%dma_start3A_411, %dma_start3A_412, %dma_start3A_413] : memref<2x16x64xi32, #tpu.memory_space<vmem>> -> memref<1x16x64xi32, #tpu.memory_space<vmem>>
          %dma_start3A_415 = tpu.memref_squeeze %dma_start3A_414 : memref<1x16x64xi32, #tpu.memory_space<vmem>> -> memref<16x64xi32, #tpu.memory_space<vmem>>
          %dma_start3A_416 = arith.constant 0 : i32
          %dma_start3A_417 = tpu.memref_slice %arg4[%add3A, %mul3A_395, %dma_start3A_416] : memref<32x176x64xi32, #tpu.memory_space<hbm>> -> memref<1x16x64xi32, #tpu.memory_space<hbm>>
          %dma_start3A_418 = tpu.memref_squeeze %dma_start3A_417 : memref<1x16x64xi32, #tpu.memory_space<hbm>> -> memref<16x64xi32, #tpu.memory_space<hbm>>
          %dma_start3A_419 = arith.constant 0 : i32
          %dma_start3A_420 = arith.constant 0 : i32
          %dma_start3A_421 = tpu.memref_slice %arg7[%dma_start3A_411, %dma_start3A_419, %dma_start3A_420] : memref<2x16x64xi32, #tpu.memory_space<vmem>> -> memref<1x16x64xi32, #tpu.memory_space<vmem>>
          %dma_start3A_422 = tpu.memref_squeeze %dma_start3A_421 : memref<1x16x64xi32, #tpu.memory_space<vmem>> -> memref<16x64xi32, #tpu.memory_space<vmem>>
          %dma_start3A_423 = arith.constant 0 : i32
          %dma_start3A_424 = tpu.memref_slice %arg4[%add3A, %mul3A_395, %dma_start3A_423] : memref<32x176x64xi32, #tpu.memory_space<hbm>> -> memref<1x16x64xi32, #tpu.memory_space<hbm>>
          %dma_start3A_425 = tpu.memref_squeeze %dma_start3A_424 : memref<1x16x64xi32, #tpu.memory_space<hbm>> -> memref<16x64xi32, #tpu.memory_space<hbm>>
          tpu.enqueue_dma source(%dma_start3A_425 : memref<16x64xi32, #tpu.memory_space<hbm>>) target(%dma_start3A_422 : memref<16x64xi32, #tpu.memory_space<vmem>>) target_semaphore(%arg18 : memref<!tpu.dma_semaphore, #tpu.memory_space<semaphore_mem>>)
        } else {
        }
        %eq3A_271 = arith.constant 3 : i32
        %eq3A_272 = arith.cmpi eq, %add3A_179, %eq3A_271 : i32
        %convert_element_type3A_273 = arith.extui %eq3A_272 : i1 to i32
        %cond3A_274 = arith.constant 0 : i32
        %cond3A_275 = arith.cmpi ne, %convert_element_type3A_273, %cond3A_274 : i32
        scf.if %cond3A_275 {
          %add3A_392 = arith.constant 1 : i32
          %add3A_393 = arith.addi %add3A_169, %add3A_392 : i32
          %mul3A_394 = arith.constant 16 : i32
          %mul3A_395 = arith.muli %add3A_393, %mul3A_394 : i32
          %dma_wait3A_396 = arith.constant 0 : i32
          %dma_wait3A_397 = arith.constant 0 : i32
          %dma_wait3A_398 = arith.constant 0 : i32
          %dma_wait3A_399 = tpu.memref_slice %arg6[%dma_wait3A_396, %dma_wait3A_397, %dma_wait3A_398] : memref<2x16x64xi32, #tpu.memory_space<vmem>> -> memref<1x16x64xi32, #tpu.memory_space<vmem>>
          %dma_wait3A_400 = tpu.memref_squeeze %dma_wait3A_399 : memref<1x16x64xi32, #tpu.memory_space<vmem>> -> memref<16x64xi32, #tpu.memory_space<vmem>>
          %dma_wait3A_401 = arith.constant 0 : i32
          %dma_wait3A_402 = tpu.memref_slice %arg3[%add3A, %mul3A_395, %dma_wait3A_401] : memref<32x176x64xi32, #tpu.memory_space<hbm>> -> memref<1x16x64xi32, #tpu.memory_space<hbm>>
          %dma_wait3A_403 = tpu.memref_squeeze %dma_wait3A_402 : memref<1x16x64xi32, #tpu.memory_space<hbm>> -> memref<16x64xi32, #tpu.memory_space<hbm>>
          %dma_wait3A_404 = arith.constant 0 : i32
          %dma_wait3A_405 = arith.constant 0 : i32
          %dma_wait3A_406 = tpu.memref_slice %arg6[%dma_wait3A_396, %dma_wait3A_404, %dma_wait3A_405] : memref<2x16x64xi32, #tpu.memory_space<vmem>> -> memref<1x16x64xi32, #tpu.memory_space<vmem>>
          %dma_wait3A_407 = tpu.memref_squeeze %dma_wait3A_406 : memref<1x16x64xi32, #tpu.memory_space<vmem>> -> memref<16x64xi32, #tpu.memory_space<vmem>>
          %dma_wait3A_408 = arith.constant 0 : i32
          %dma_wait3A_409 = tpu.memref_slice %arg3[%add3A, %mul3A_395, %dma_wait3A_408] : memref<32x176x64xi32, #tpu.memory_space<hbm>> -> memref<1x16x64xi32, #tpu.memory_space<hbm>>
          %dma_wait3A_410 = tpu.memref_squeeze %dma_wait3A_409 : memref<1x16x64xi32, #tpu.memory_space<hbm>> -> memref<16x64xi32, #tpu.memory_space<hbm>>
          tpu.wait_dma2 semaphore(%arg18 : memref<!tpu.dma_semaphore, #tpu.memory_space<semaphore_mem>>) src(%dma_wait3A_410 : memref<16x64xi32, #tpu.memory_space<hbm>>) dst(%dma_wait3A_407 : memref<16x64xi32, #tpu.memory_space<vmem>>)
          %dma_wait3A_411 = arith.constant 0 : i32
          %dma_wait3A_412 = arith.constant 0 : i32
          %dma_wait3A_413 = arith.constant 0 : i32
          %dma_wait3A_414 = tpu.memref_slice %arg7[%dma_wait3A_411, %dma_wait3A_412, %dma_wait3A_413] : memref<2x16x64xi32, #tpu.memory_space<vmem>> -> memref<1x16x64xi32, #tpu.memory_space<vmem>>
          %dma_wait3A_415 = tpu.memref_squeeze %dma_wait3A_414 : memref<1x16x64xi32, #tpu.memory_space<vmem>> -> memref<16x64xi32, #tpu.memory_space<vmem>>
          %dma_wait3A_416 = arith.constant 0 : i32
          %dma_wait3A_417 = tpu.memref_slice %arg4[%add3A, %mul3A_395, %dma_wait3A_416] : memref<32x176x64xi32, #tpu.memory_space<hbm>> -> memref<1x16x64xi32, #tpu.memory_space<hbm>>
          %dma_wait3A_418 = tpu.memref_squeeze %dma_wait3A_417 : memref<1x16x64xi32, #tpu.memory_space<hbm>> -> memref<16x64xi32, #tpu.memory_space<hbm>>
          %dma_wait3A_419 = arith.constant 0 : i32
          %dma_wait3A_420 = arith.constant 0 : i32
          %dma_wait3A_421 = tpu.memref_slice %arg7[%dma_wait3A_411, %dma_wait3A_419, %dma_wait3A_420] : memref<2x16x64xi32, #tpu.memory_space<vmem>> -> memref<1x16x64xi32, #tpu.memory_space<vmem>>
          %dma_wait3A_422 = tpu.memref_squeeze %dma_wait3A_421 : memref<1x16x64xi32, #tpu.memory_space<vmem>> -> memref<16x64xi32, #tpu.memory_space<vmem>>
          %dma_wait3A_423 = arith.constant 0 : i32
          %dma_wait3A_424 = tpu.memref_slice %arg4[%add3A, %mul3A_395, %dma_wait3A_423] : memref<32x176x64xi32, #tpu.memory_space<hbm>> -> memref<1x16x64xi32, #tpu.memory_space<hbm>>
          %dma_wait3A_425 = tpu.memref_squeeze %dma_wait3A_424 : memref<1x16x64xi32, #tpu.memory_space<hbm>> -> memref<16x64xi32, #tpu.memory_space<hbm>>
          tpu.wait_dma2 semaphore(%arg18 : memref<!tpu.dma_semaphore, #tpu.memory_space<semaphore_mem>>) src(%dma_wait3A_425 : memref<16x64xi32, #tpu.memory_space<hbm>>) dst(%dma_wait3A_422 : memref<16x64xi32, #tpu.memory_space<vmem>>)
        } else {
        }
        %add3A_276 = arith.constant 2 : i32
        %add3A_277 = arith.addi %add3A_231, %add3A_276 : i32
        %dma_start3A_278 = arith.constant 1 : i32
        %dma_start3A_279 = arith.constant 3 : i32
        %dma_start3A_280 = arith.constant 0 : i32
        %dma_start3A_281 = arith.constant 0 : i32
        %dma_start3A_282 = tpu.memref_slice %arg8[%dma_start3A_279, %dma_start3A_280, %dma_start3A_281] : memref<4x64x128xf32, #tpu.memory_space<vmem>> -> memref<1x64x128xf32, #tpu.memory_space<vmem>>
        %dma_start3A_283 = tpu.memref_squeeze %dma_start3A_282 : memref<1x64x128xf32, #tpu.memory_space<vmem>> -> memref<64x128xf32, #tpu.memory_space<vmem>>
        %dma_start3A_284 = arith.constant 0 : i32
        %dma_start3A_285 = tpu.memref_slice %arg6[%dma_start3A_278, %add3A_277, %dma_start3A_284] : memref<2x16x64xi32, #tpu.memory_space<vmem>> -> memref<1x1x64xi32, #tpu.memory_space<vmem>>
        %dma_start3A_286 = tpu.memref_squeeze %dma_start3A_285 : memref<1x1x64xi32, #tpu.memory_space<vmem>> -> memref<64xi32, #tpu.memory_space<vmem>>
        %dma_start3A_287 = arith.constant 0 : i32
        %dma_start3A_288 = arith.constant 0 : i32
        %dma_start3A_289 = tpu.memref_slice %arg2[%dma_start3A_287, %dma_start3A_288] : memref<10112x128xf32, #tpu.memory_space<hbm>> -> memref<10112x128xf32, #tpu.memory_space<hbm>>
        tpu.enqueue_indirect_dma source(%dma_start3A_289 : memref<10112x128xf32, #tpu.memory_space<hbm>>) target(%dma_start3A_283 : memref<64x128xf32, #tpu.memory_space<vmem>>) offsets(%dma_start3A_286 : memref<64xi32, #tpu.memory_space<vmem>>) semaphore(%arg13 : memref<!tpu.dma_semaphore, #tpu.memory_space<semaphore_mem>>)
        %mul3A_290 = arith.constant 4 : i32
        %mul3A_291 = arith.muli %add3A_179, %mul3A_290 : i32
        %add3A_292 = arith.constant 2 : i32
        %add3A_293 = arith.addi %mul3A_291, %add3A_292 : i32
        %dma_wait3A_294 = arith.constant 1 : i32
        %dma_wait3A_295 = arith.constant 2 : i32
        %dma_wait3A_296 = arith.constant 0 : i32
        %dma_wait3A_297 = arith.constant 0 : i32
        %dma_wait3A_298 = tpu.memref_slice %arg8[%dma_wait3A_295, %dma_wait3A_296, %dma_wait3A_297] : memref<4x64x128xf32, #tpu.memory_space<vmem>> -> memref<1x64x128xf32, #tpu.memory_space<vmem>>
        %dma_wait3A_299 = tpu.memref_squeeze %dma_wait3A_298 : memref<1x64x128xf32, #tpu.memory_space<vmem>> -> memref<64x128xf32, #tpu.memory_space<vmem>>
        %dma_wait3A_300 = arith.constant 0 : i32
        %dma_wait3A_301 = tpu.memref_slice %arg6[%dma_wait3A_294, %add3A_293, %dma_wait3A_300] : memref<2x16x64xi32, #tpu.memory_space<vmem>> -> memref<1x1x64xi32, #tpu.memory_space<vmem>>
        %dma_wait3A_302 = tpu.memref_squeeze %dma_wait3A_301 : memref<1x1x64xi32, #tpu.memory_space<vmem>> -> memref<64xi32, #tpu.memory_space<vmem>>
        %dma_wait3A_303 = arith.constant 0 : i32
        %dma_wait3A_304 = arith.constant 0 : i32
        %dma_wait3A_305 = tpu.memref_slice %arg2[%dma_wait3A_303, %dma_wait3A_304] : memref<10112x128xf32, #tpu.memory_space<hbm>> -> memref<10112x128xf32, #tpu.memory_space<hbm>>
        tpu.wait_indirect_dma semaphore(%arg12 : memref<!tpu.dma_semaphore, #tpu.memory_space<semaphore_mem>>) src(%dma_wait3A_305 : memref<10112x128xf32, #tpu.memory_space<hbm>>) dst(%dma_wait3A_299 : memref<64x128xf32, #tpu.memory_space<vmem>>)
        %dma_start3A_306 = arith.constant 2 : i32
        %dma_start3A_307 = arith.constant 1 : i32
        %dma_start3A_308 = arith.constant 0 : i32
        %dma_start3A_309 = arith.constant 0 : i32
        %dma_start3A_310 = tpu.memref_slice %arg8[%dma_start3A_306, %dma_start3A_308, %dma_start3A_309] : memref<4x64x128xf32, #tpu.memory_space<vmem>> -> memref<1x64x128xf32, #tpu.memory_space<vmem>>
        %dma_start3A_311 = tpu.memref_squeeze %dma_start3A_310 : memref<1x64x128xf32, #tpu.memory_space<vmem>> -> memref<64x128xf32, #tpu.memory_space<vmem>>
        %dma_start3A_312 = arith.constant 0 : i32
        %dma_start3A_313 = tpu.memref_slice %arg7[%dma_start3A_307, %add3A_293, %dma_start3A_312] : memref<2x16x64xi32, #tpu.memory_space<vmem>> -> memref<1x1x64xi32, #tpu.memory_space<vmem>>
        %dma_start3A_314 = tpu.memref_squeeze %dma_start3A_313 : memref<1x1x64xi32, #tpu.memory_space<vmem>> -> memref<64xi32, #tpu.memory_space<vmem>>
        %dma_start3A_315 = arith.constant 0 : i32
        %dma_start3A_316 = arith.constant 0 : i32
        %dma_start3A_317 = tpu.memref_slice %arg9[%dma_start3A_315, %dma_start3A_316] : memref<10112x128xf32, #tpu.memory_space<vmem_shared>> -> memref<10112x128xf32, #tpu.memory_space<vmem_shared>>
        tpu.enqueue_indirect_dma source(%dma_start3A_311 : memref<64x128xf32, #tpu.memory_space<vmem>>) target(%dma_start3A_317 : memref<10112x128xf32, #tpu.memory_space<vmem_shared>>) offsets(%dma_start3A_314 : memref<64xi32, #tpu.memory_space<vmem>>) semaphore(%arg16 : memref<!tpu.dma_semaphore, #tpu.memory_space<semaphore_mem>>) {add = true}
        %sub3A = arith.constant 2 : i32
        %sub3A_318 = arith.subi %add3A_293, %sub3A : i32
        %dma_wait3A_319 = arith.constant 0 : i32
        %dma_wait3A_320 = arith.constant 1 : i32
        %dma_wait3A_321 = arith.constant 0 : i32
        %dma_wait3A_322 = arith.constant 0 : i32
        %dma_wait3A_323 = tpu.memref_slice %arg8[%dma_wait3A_319, %dma_wait3A_321, %dma_wait3A_322] : memref<4x64x128xf32, #tpu.memory_space<vmem>> -> memref<1x64x128xf32, #tpu.memory_space<vmem>>
        %dma_wait3A_324 = tpu.memref_squeeze %dma_wait3A_323 : memref<1x64x128xf32, #tpu.memory_space<vmem>> -> memref<64x128xf32, #tpu.memory_space<vmem>>
        %dma_wait3A_325 = arith.constant 0 : i32
        %dma_wait3A_326 = tpu.memref_slice %arg7[%dma_wait3A_320, %sub3A_318, %dma_wait3A_325] : memref<2x16x64xi32, #tpu.memory_space<vmem>> -> memref<1x1x64xi32, #tpu.memory_space<vmem>>
        %dma_wait3A_327 = tpu.memref_squeeze %dma_wait3A_326 : memref<1x1x64xi32, #tpu.memory_space<vmem>> -> memref<64xi32, #tpu.memory_space<vmem>>
        %dma_wait3A_328 = arith.constant 0 : i32
        %dma_wait3A_329 = arith.constant 0 : i32
        %dma_wait3A_330 = tpu.memref_slice %arg9[%dma_wait3A_328, %dma_wait3A_329] : memref<10112x128xf32, #tpu.memory_space<vmem_shared>> -> memref<10112x128xf32, #tpu.memory_space<vmem_shared>>
        tpu.wait_indirect_dma semaphore(%arg14 : memref<!tpu.dma_semaphore, #tpu.memory_space<semaphore_mem>>) src(%dma_wait3A_324 : memref<64x128xf32, #tpu.memory_space<vmem>>) dst(%dma_wait3A_330 : memref<10112x128xf32, #tpu.memory_space<vmem_shared>>)
        %lt3A = arith.constant 3 : i32
        %lt3A_331 = arith.cmpi slt, %add3A_179, %lt3A : i32
        %convert_element_type3A_332 = arith.extui %lt3A_331 : i1 to i32
        %cond3A_333 = arith.constant 0 : i32
        %cond3A_334 = arith.cmpi ne, %convert_element_type3A_332, %cond3A_333 : i32
        scf.if %cond3A_334 {
          %add3A_392 = arith.constant 2 : i32
          %add3A_393 = arith.addi %add3A_293, %add3A_392 : i32
          %dma_start3A_394 = arith.constant 1 : i32
          %dma_start3A_395 = arith.constant 0 : i32
          %dma_start3A_396 = arith.constant 0 : i32
          %dma_start3A_397 = arith.constant 0 : i32
          %dma_start3A_398 = tpu.memref_slice %arg8[%dma_start3A_395, %dma_start3A_396, %dma_start3A_397] : memref<4x64x128xf32, #tpu.memory_space<vmem>> -> memref<1x64x128xf32, #tpu.memory_space<vmem>>
          %dma_start3A_399 = tpu.memref_squeeze %dma_start3A_398 : memref<1x64x128xf32, #tpu.memory_space<vmem>> -> memref<64x128xf32, #tpu.memory_space<vmem>>
          %dma_start3A_400 = arith.constant 0 : i32
          %dma_start3A_401 = tpu.memref_slice %arg6[%dma_start3A_394, %add3A_393, %dma_start3A_400] : memref<2x16x64xi32, #tpu.memory_space<vmem>> -> memref<1x1x64xi32, #tpu.memory_space<vmem>>
          %dma_start3A_402 = tpu.memref_squeeze %dma_start3A_401 : memref<1x1x64xi32, #tpu.memory_space<vmem>> -> memref<64xi32, #tpu.memory_space<vmem>>
          %dma_start3A_403 = arith.constant 0 : i32
          %dma_start3A_404 = arith.constant 0 : i32
          %dma_start3A_405 = tpu.memref_slice %arg2[%dma_start3A_403, %dma_start3A_404] : memref<10112x128xf32, #tpu.memory_space<hbm>> -> memref<10112x128xf32, #tpu.memory_space<hbm>>
          tpu.enqueue_indirect_dma source(%dma_start3A_405 : memref<10112x128xf32, #tpu.memory_space<hbm>>) target(%dma_start3A_399 : memref<64x128xf32, #tpu.memory_space<vmem>>) offsets(%dma_start3A_402 : memref<64xi32, #tpu.memory_space<vmem>>) semaphore(%arg10 : memref<!tpu.dma_semaphore, #tpu.memory_space<semaphore_mem>>)
        } else {
        }
        %eq3A_335 = arith.constant 3 : i32
        %eq3A_336 = arith.cmpi eq, %add3A_179, %eq3A_335 : i32
        %convert_element_type3A_337 = arith.extui %eq3A_336 : i1 to i32
        %cond3A_338 = arith.constant 0 : i32
        %cond3A_339 = arith.cmpi ne, %convert_element_type3A_337, %cond3A_338 : i32
        scf.if %cond3A_339 {
          %dma_start3A_392 = arith.constant 0 : i32
          %dma_start3A_393 = arith.constant 0 : i32
          %dma_start3A_394 = arith.constant 0 : i32
          %dma_start3A_395 = arith.constant 0 : i32
          %dma_start3A_396 = arith.constant 0 : i32
          %dma_start3A_397 = tpu.memref_slice %arg8[%dma_start3A_394, %dma_start3A_395, %dma_start3A_396] : memref<4x64x128xf32, #tpu.memory_space<vmem>> -> memref<1x64x128xf32, #tpu.memory_space<vmem>>
          %dma_start3A_398 = tpu.memref_squeeze %dma_start3A_397 : memref<1x64x128xf32, #tpu.memory_space<vmem>> -> memref<64x128xf32, #tpu.memory_space<vmem>>
          %dma_start3A_399 = arith.constant 0 : i32
          %dma_start3A_400 = tpu.memref_slice %arg6[%dma_start3A_392, %dma_start3A_393, %dma_start3A_399] : memref<2x16x64xi32, #tpu.memory_space<vmem>> -> memref<1x1x64xi32, #tpu.memory_space<vmem>>
          %dma_start3A_401 = tpu.memref_squeeze %dma_start3A_400 : memref<1x1x64xi32, #tpu.memory_space<vmem>> -> memref<64xi32, #tpu.memory_space<vmem>>
          %dma_start3A_402 = arith.constant 0 : i32
          %dma_start3A_403 = arith.constant 0 : i32
          %dma_start3A_404 = tpu.memref_slice %arg2[%dma_start3A_402, %dma_start3A_403] : memref<10112x128xf32, #tpu.memory_space<hbm>> -> memref<10112x128xf32, #tpu.memory_space<hbm>>
          tpu.enqueue_indirect_dma source(%dma_start3A_404 : memref<10112x128xf32, #tpu.memory_space<hbm>>) target(%dma_start3A_398 : memref<64x128xf32, #tpu.memory_space<vmem>>) offsets(%dma_start3A_401 : memref<64xi32, #tpu.memory_space<vmem>>) semaphore(%arg10 : memref<!tpu.dma_semaphore, #tpu.memory_space<semaphore_mem>>)
        } else {
        }
        %mul3A_340 = arith.constant 4 : i32
        %mul3A_341 = arith.muli %add3A_179, %mul3A_340 : i32
        %add3A_342 = arith.constant 3 : i32
        %add3A_343 = arith.addi %mul3A_341, %add3A_342 : i32
        %dma_wait3A_344 = arith.constant 1 : i32
        %dma_wait3A_345 = arith.constant 3 : i32
        %dma_wait3A_346 = arith.constant 0 : i32
        %dma_wait3A_347 = arith.constant 0 : i32
        %dma_wait3A_348 = tpu.memref_slice %arg8[%dma_wait3A_345, %dma_wait3A_346, %dma_wait3A_347] : memref<4x64x128xf32, #tpu.memory_space<vmem>> -> memref<1x64x128xf32, #tpu.memory_space<vmem>>
        %dma_wait3A_349 = tpu.memref_squeeze %dma_wait3A_348 : memref<1x64x128xf32, #tpu.memory_space<vmem>> -> memref<64x128xf32, #tpu.memory_space<vmem>>
        %dma_wait3A_350 = arith.constant 0 : i32
        %dma_wait3A_351 = tpu.memref_slice %arg6[%dma_wait3A_344, %add3A_343, %dma_wait3A_350] : memref<2x16x64xi32, #tpu.memory_space<vmem>> -> memref<1x1x64xi32, #tpu.memory_space<vmem>>
        %dma_wait3A_352 = tpu.memref_squeeze %dma_wait3A_351 : memref<1x1x64xi32, #tpu.memory_space<vmem>> -> memref<64xi32, #tpu.memory_space<vmem>>
        %dma_wait3A_353 = arith.constant 0 : i32
        %dma_wait3A_354 = arith.constant 0 : i32
        %dma_wait3A_355 = tpu.memref_slice %arg2[%dma_wait3A_353, %dma_wait3A_354] : memref<10112x128xf32, #tpu.memory_space<hbm>> -> memref<10112x128xf32, #tpu.memory_space<hbm>>
        tpu.wait_indirect_dma semaphore(%arg13 : memref<!tpu.dma_semaphore, #tpu.memory_space<semaphore_mem>>) src(%dma_wait3A_355 : memref<10112x128xf32, #tpu.memory_space<hbm>>) dst(%dma_wait3A_349 : memref<64x128xf32, #tpu.memory_space<vmem>>)
        %dma_start3A_356 = arith.constant 3 : i32
        %dma_start3A_357 = arith.constant 1 : i32
        %dma_start3A_358 = arith.constant 0 : i32
        %dma_start3A_359 = arith.constant 0 : i32
        %dma_start3A_360 = tpu.memref_slice %arg8[%dma_start3A_356, %dma_start3A_358, %dma_start3A_359] : memref<4x64x128xf32, #tpu.memory_space<vmem>> -> memref<1x64x128xf32, #tpu.memory_space<vmem>>
        %dma_start3A_361 = tpu.memref_squeeze %dma_start3A_360 : memref<1x64x128xf32, #tpu.memory_space<vmem>> -> memref<64x128xf32, #tpu.memory_space<vmem>>
        %dma_start3A_362 = arith.constant 0 : i32
        %dma_start3A_363 = tpu.memref_slice %arg7[%dma_start3A_357, %add3A_343, %dma_start3A_362] : memref<2x16x64xi32, #tpu.memory_space<vmem>> -> memref<1x1x64xi32, #tpu.memory_space<vmem>>
        %dma_start3A_364 = tpu.memref_squeeze %dma_start3A_363 : memref<1x1x64xi32, #tpu.memory_space<vmem>> -> memref<64xi32, #tpu.memory_space<vmem>>
        %dma_start3A_365 = arith.constant 0 : i32
        %dma_start3A_366 = arith.constant 0 : i32
        %dma_start3A_367 = tpu.memref_slice %arg9[%dma_start3A_365, %dma_start3A_366] : memref<10112x128xf32, #tpu.memory_space<vmem_shared>> -> memref<10112x128xf32, #tpu.memory_space<vmem_shared>>
        tpu.enqueue_indirect_dma source(%dma_start3A_361 : memref<64x128xf32, #tpu.memory_space<vmem>>) target(%dma_start3A_367 : memref<10112x128xf32, #tpu.memory_space<vmem_shared>>) offsets(%dma_start3A_364 : memref<64xi32, #tpu.memory_space<vmem>>) semaphore(%arg17 : memref<!tpu.dma_semaphore, #tpu.memory_space<semaphore_mem>>) {add = true}
        %sub3A_368 = arith.constant 2 : i32
        %sub3A_369 = arith.subi %add3A_343, %sub3A_368 : i32
        %dma_wait3A_370 = arith.constant 1 : i32
        %dma_wait3A_371 = arith.constant 1 : i32
        %dma_wait3A_372 = arith.constant 0 : i32
        %dma_wait3A_373 = arith.constant 0 : i32
        %dma_wait3A_374 = tpu.memref_slice %arg8[%dma_wait3A_370, %dma_wait3A_372, %dma_wait3A_373] : memref<4x64x128xf32, #tpu.memory_space<vmem>> -> memref<1x64x128xf32, #tpu.memory_space<vmem>>
        %dma_wait3A_375 = tpu.memref_squeeze %dma_wait3A_374 : memref<1x64x128xf32, #tpu.memory_space<vmem>> -> memref<64x128xf32, #tpu.memory_space<vmem>>
        %dma_wait3A_376 = arith.constant 0 : i32
        %dma_wait3A_377 = tpu.memref_slice %arg7[%dma_wait3A_371, %sub3A_369, %dma_wait3A_376] : memref<2x16x64xi32, #tpu.memory_space<vmem>> -> memref<1x1x64xi32, #tpu.memory_space<vmem>>
        %dma_wait3A_378 = tpu.memref_squeeze %dma_wait3A_377 : memref<1x1x64xi32, #tpu.memory_space<vmem>> -> memref<64xi32, #tpu.memory_space<vmem>>
        %dma_wait3A_379 = arith.constant 0 : i32
        %dma_wait3A_380 = arith.constant 0 : i32
        %dma_wait3A_381 = tpu.memref_slice %arg9[%dma_wait3A_379, %dma_wait3A_380] : memref<10112x128xf32, #tpu.memory_space<vmem_shared>> -> memref<10112x128xf32, #tpu.memory_space<vmem_shared>>
        tpu.wait_indirect_dma semaphore(%arg15 : memref<!tpu.dma_semaphore, #tpu.memory_space<semaphore_mem>>) src(%dma_wait3A_375 : memref<64x128xf32, #tpu.memory_space<vmem>>) dst(%dma_wait3A_381 : memref<10112x128xf32, #tpu.memory_space<vmem_shared>>)
        %lt3A_382 = arith.constant 3 : i32
        %lt3A_383 = arith.cmpi slt, %add3A_179, %lt3A_382 : i32
        %convert_element_type3A_384 = arith.extui %lt3A_383 : i1 to i32
        %cond3A_385 = arith.constant 0 : i32
        %cond3A_386 = arith.cmpi ne, %convert_element_type3A_384, %cond3A_385 : i32
        scf.if %cond3A_386 {
          %add3A_392 = arith.constant 2 : i32
          %add3A_393 = arith.addi %add3A_343, %add3A_392 : i32
          %dma_start3A_394 = arith.constant 1 : i32
          %dma_start3A_395 = arith.constant 1 : i32
          %dma_start3A_396 = arith.constant 0 : i32
          %dma_start3A_397 = arith.constant 0 : i32
          %dma_start3A_398 = tpu.memref_slice %arg8[%dma_start3A_395, %dma_start3A_396, %dma_start3A_397] : memref<4x64x128xf32, #tpu.memory_space<vmem>> -> memref<1x64x128xf32, #tpu.memory_space<vmem>>
          %dma_start3A_399 = tpu.memref_squeeze %dma_start3A_398 : memref<1x64x128xf32, #tpu.memory_space<vmem>> -> memref<64x128xf32, #tpu.memory_space<vmem>>
          %dma_start3A_400 = arith.constant 0 : i32
          %dma_start3A_401 = tpu.memref_slice %arg6[%dma_start3A_394, %add3A_393, %dma_start3A_400] : memref<2x16x64xi32, #tpu.memory_space<vmem>> -> memref<1x1x64xi32, #tpu.memory_space<vmem>>
          %dma_start3A_402 = tpu.memref_squeeze %dma_start3A_401 : memref<1x1x64xi32, #tpu.memory_space<vmem>> -> memref<64xi32, #tpu.memory_space<vmem>>
          %dma_start3A_403 = arith.constant 0 : i32
          %dma_start3A_404 = arith.constant 0 : i32
          %dma_start3A_405 = tpu.memref_slice %arg2[%dma_start3A_403, %dma_start3A_404] : memref<10112x128xf32, #tpu.memory_space<hbm>> -> memref<10112x128xf32, #tpu.memory_space<hbm>>
          tpu.enqueue_indirect_dma source(%dma_start3A_405 : memref<10112x128xf32, #tpu.memory_space<hbm>>) target(%dma_start3A_399 : memref<64x128xf32, #tpu.memory_space<vmem>>) offsets(%dma_start3A_402 : memref<64xi32, #tpu.memory_space<vmem>>) semaphore(%arg11 : memref<!tpu.dma_semaphore, #tpu.memory_space<semaphore_mem>>)
        } else {
        }
        %eq3A_387 = arith.constant 3 : i32
        %eq3A_388 = arith.cmpi eq, %add3A_179, %eq3A_387 : i32
        %convert_element_type3A_389 = arith.extui %eq3A_388 : i1 to i32
        %cond3A_390 = arith.constant 0 : i32
        %cond3A_391 = arith.cmpi ne, %convert_element_type3A_389, %cond3A_390 : i32
        scf.if %cond3A_391 {
          %dma_start3A_392 = arith.constant 0 : i32
          %dma_start3A_393 = arith.constant 1 : i32
          %dma_start3A_394 = arith.constant 1 : i32
          %dma_start3A_395 = arith.constant 0 : i32
          %dma_start3A_396 = arith.constant 0 : i32
          %dma_start3A_397 = tpu.memref_slice %arg8[%dma_start3A_394, %dma_start3A_395, %dma_start3A_396] : memref<4x64x128xf32, #tpu.memory_space<vmem>> -> memref<1x64x128xf32, #tpu.memory_space<vmem>>
          %dma_start3A_398 = tpu.memref_squeeze %dma_start3A_397 : memref<1x64x128xf32, #tpu.memory_space<vmem>> -> memref<64x128xf32, #tpu.memory_space<vmem>>
          %dma_start3A_399 = arith.constant 0 : i32
          %dma_start3A_400 = tpu.memref_slice %arg6[%dma_start3A_392, %dma_start3A_393, %dma_start3A_399] : memref<2x16x64xi32, #tpu.memory_space<vmem>> -> memref<1x1x64xi32, #tpu.memory_space<vmem>>
          %dma_start3A_401 = tpu.memref_squeeze %dma_start3A_400 : memref<1x1x64xi32, #tpu.memory_space<vmem>> -> memref<64xi32, #tpu.memory_space<vmem>>
          %dma_start3A_402 = arith.constant 0 : i32
          %dma_start3A_403 = arith.constant 0 : i32
          %dma_start3A_404 = tpu.memref_slice %arg2[%dma_start3A_402, %dma_start3A_403] : memref<10112x128xf32, #tpu.memory_space<hbm>> -> memref<10112x128xf32, #tpu.memory_space<hbm>>
          tpu.enqueue_indirect_dma source(%dma_start3A_404 : memref<10112x128xf32, #tpu.memory_space<hbm>>) target(%dma_start3A_398 : memref<64x128xf32, #tpu.memory_space<vmem>>) offsets(%dma_start3A_401 : memref<64xi32, #tpu.memory_space<vmem>>) semaphore(%arg11 : memref<!tpu.dma_semaphore, #tpu.memory_space<semaphore_mem>>)
        } else {
        }
      }
      %scan3A_174 = arith.constant 4 : i32
    }
    %scan3A_98 = arith.constant 5 : i32
    %dma_wait3A_99 = arith.constant 0 : i32
    %dma_wait3A_100 = arith.constant 0 : i32
    %dma_wait3A_101 = arith.constant 0 : i32
    %dma_wait3A_102 = arith.constant 0 : i32
    %dma_wait3A_103 = arith.constant 0 : i32
    %dma_wait3A_104 = tpu.memref_slice %arg8[%dma_wait3A_101, %dma_wait3A_102, %dma_wait3A_103] : memref<4x64x128xf32, #tpu.memory_space<vmem>> -> memref<1x64x128xf32, #tpu.memory_space<vmem>>
    %dma_wait3A_105 = tpu.memref_squeeze %dma_wait3A_104 : memref<1x64x128xf32, #tpu.memory_space<vmem>> -> memref<64x128xf32, #tpu.memory_space<vmem>>
    %dma_wait3A_106 = arith.constant 0 : i32
    %dma_wait3A_107 = tpu.memref_slice %arg6[%dma_wait3A_99, %dma_wait3A_100, %dma_wait3A_106] : memref<2x16x64xi32, #tpu.memory_space<vmem>> -> memref<1x1x64xi32, #tpu.memory_space<vmem>>
    %dma_wait3A_108 = tpu.memref_squeeze %dma_wait3A_107 : memref<1x1x64xi32, #tpu.memory_space<vmem>> -> memref<64xi32, #tpu.memory_space<vmem>>
    %dma_wait3A_109 = arith.constant 0 : i32
    %dma_wait3A_110 = arith.constant 0 : i32
    %dma_wait3A_111 = tpu.memref_slice %arg2[%dma_wait3A_109, %dma_wait3A_110] : memref<10112x128xf32, #tpu.memory_space<hbm>> -> memref<10112x128xf32, #tpu.memory_space<hbm>>
    tpu.wait_indirect_dma semaphore(%arg10 : memref<!tpu.dma_semaphore, #tpu.memory_space<semaphore_mem>>) src(%dma_wait3A_111 : memref<10112x128xf32, #tpu.memory_space<hbm>>) dst(%dma_wait3A_105 : memref<64x128xf32, #tpu.memory_space<vmem>>)
    %dma_wait3A_112 = arith.constant 0 : i32
    %dma_wait3A_113 = arith.constant 1 : i32
    %dma_wait3A_114 = arith.constant 1 : i32
    %dma_wait3A_115 = arith.constant 0 : i32
    %dma_wait3A_116 = arith.constant 0 : i32
    %dma_wait3A_117 = tpu.memref_slice %arg8[%dma_wait3A_114, %dma_wait3A_115, %dma_wait3A_116] : memref<4x64x128xf32, #tpu.memory_space<vmem>> -> memref<1x64x128xf32, #tpu.memory_space<vmem>>
    %dma_wait3A_118 = tpu.memref_squeeze %dma_wait3A_117 : memref<1x64x128xf32, #tpu.memory_space<vmem>> -> memref<64x128xf32, #tpu.memory_space<vmem>>
    %dma_wait3A_119 = arith.constant 0 : i32
    %dma_wait3A_120 = tpu.memref_slice %arg6[%dma_wait3A_112, %dma_wait3A_113, %dma_wait3A_119] : memref<2x16x64xi32, #tpu.memory_space<vmem>> -> memref<1x1x64xi32, #tpu.memory_space<vmem>>
    %dma_wait3A_121 = tpu.memref_squeeze %dma_wait3A_120 : memref<1x1x64xi32, #tpu.memory_space<vmem>> -> memref<64xi32, #tpu.memory_space<vmem>>
    %dma_wait3A_122 = arith.constant 0 : i32
    %dma_wait3A_123 = arith.constant 0 : i32
    %dma_wait3A_124 = tpu.memref_slice %arg2[%dma_wait3A_122, %dma_wait3A_123] : memref<10112x128xf32, #tpu.memory_space<hbm>> -> memref<10112x128xf32, #tpu.memory_space<hbm>>
    tpu.wait_indirect_dma semaphore(%arg11 : memref<!tpu.dma_semaphore, #tpu.memory_space<semaphore_mem>>) src(%dma_wait3A_124 : memref<10112x128xf32, #tpu.memory_space<hbm>>) dst(%dma_wait3A_118 : memref<64x128xf32, #tpu.memory_space<vmem>>)
    %dma_wait3A_125 = arith.constant 2 : i32
    %dma_wait3A_126 = arith.constant 1 : i32
    %dma_wait3A_127 = arith.constant 14 : i32
    %dma_wait3A_128 = arith.constant 0 : i32
    %dma_wait3A_129 = arith.constant 0 : i32
    %dma_wait3A_130 = tpu.memref_slice %arg8[%dma_wait3A_125, %dma_wait3A_128, %dma_wait3A_129] : memref<4x64x128xf32, #tpu.memory_space<vmem>> -> memref<1x64x128xf32, #tpu.memory_space<vmem>>
    %dma_wait3A_131 = tpu.memref_squeeze %dma_wait3A_130 : memref<1x64x128xf32, #tpu.memory_space<vmem>> -> memref<64x128xf32, #tpu.memory_space<vmem>>
    %dma_wait3A_132 = arith.constant 0 : i32
    %dma_wait3A_133 = tpu.memref_slice %arg7[%dma_wait3A_126, %dma_wait3A_127, %dma_wait3A_132] : memref<2x16x64xi32, #tpu.memory_space<vmem>> -> memref<1x1x64xi32, #tpu.memory_space<vmem>>
    %dma_wait3A_134 = tpu.memref_squeeze %dma_wait3A_133 : memref<1x1x64xi32, #tpu.memory_space<vmem>> -> memref<64xi32, #tpu.memory_space<vmem>>
    %dma_wait3A_135 = arith.constant 0 : i32
    %dma_wait3A_136 = arith.constant 0 : i32
    %dma_wait3A_137 = tpu.memref_slice %arg9[%dma_wait3A_135, %dma_wait3A_136] : memref<10112x128xf32, #tpu.memory_space<vmem_shared>> -> memref<10112x128xf32, #tpu.memory_space<vmem_shared>>
    tpu.wait_indirect_dma semaphore(%arg16 : memref<!tpu.dma_semaphore, #tpu.memory_space<semaphore_mem>>) src(%dma_wait3A_131 : memref<64x128xf32, #tpu.memory_space<vmem>>) dst(%dma_wait3A_137 : memref<10112x128xf32, #tpu.memory_space<vmem_shared>>)
    %dma_wait3A_138 = arith.constant 3 : i32
    %dma_wait3A_139 = arith.constant 1 : i32
    %dma_wait3A_140 = arith.constant 15 : i32
    %dma_wait3A_141 = arith.constant 0 : i32
    %dma_wait3A_142 = arith.constant 0 : i32
    %dma_wait3A_143 = tpu.memref_slice %arg8[%dma_wait3A_138, %dma_wait3A_141, %dma_wait3A_142] : memref<4x64x128xf32, #tpu.memory_space<vmem>> -> memref<1x64x128xf32, #tpu.memory_space<vmem>>
    %dma_wait3A_144 = tpu.memref_squeeze %dma_wait3A_143 : memref<1x64x128xf32, #tpu.memory_space<vmem>> -> memref<64x128xf32, #tpu.memory_space<vmem>>
    %dma_wait3A_145 = arith.constant 0 : i32
    %dma_wait3A_146 = tpu.memref_slice %arg7[%dma_wait3A_139, %dma_wait3A_140, %dma_wait3A_145] : memref<2x16x64xi32, #tpu.memory_space<vmem>> -> memref<1x1x64xi32, #tpu.memory_space<vmem>>
    %dma_wait3A_147 = tpu.memref_squeeze %dma_wait3A_146 : memref<1x1x64xi32, #tpu.memory_space<vmem>> -> memref<64xi32, #tpu.memory_space<vmem>>
    %dma_wait3A_148 = arith.constant 0 : i32
    %dma_wait3A_149 = arith.constant 0 : i32
    %dma_wait3A_150 = tpu.memref_slice %arg9[%dma_wait3A_148, %dma_wait3A_149] : memref<10112x128xf32, #tpu.memory_space<vmem_shared>> -> memref<10112x128xf32, #tpu.memory_space<vmem_shared>>
    tpu.wait_indirect_dma semaphore(%arg17 : memref<!tpu.dma_semaphore, #tpu.memory_space<semaphore_mem>>) src(%dma_wait3A_144 : memref<64x128xf32, #tpu.memory_space<vmem>>) dst(%dma_wait3A_150 : memref<10112x128xf32, #tpu.memory_space<vmem_shared>>)
    %barrier3A_151 = arith.constant 0 : index
    tpu.barrier barrier_id(%barrier3A_151)
    "tpu.region"() ({
      %run_scoped3A = tpu.sem_alloc : memref<!tpu.dma_semaphore, #tpu.memory_space<semaphore_mem>>
      %dma_start3A_152 = arith.constant 0 : i32
      %dma_start3A_153 = tpu.memref_slice %arg5[%arg0, %mul3A_2, %dma_start3A_152] : memref<2x10112x128xf32, #tpu.memory_space<hbm>> -> memref<1x632x128xf32, #tpu.memory_space<hbm>>
      %dma_start3A_154 = tpu.memref_squeeze %dma_start3A_153 : memref<1x632x128xf32, #tpu.memory_space<hbm>> -> memref<632x128xf32, #tpu.memory_space<hbm>>
      %dma_start3A_155 = arith.constant 0 : i32
      %dma_start3A_156 = tpu.memref_slice %arg9[%mul3A_2, %dma_start3A_155] : memref<10112x128xf32, #tpu.memory_space<vmem_shared>> -> memref<632x128xf32, #tpu.memory_space<vmem_shared>>
      tpu.enqueue_dma source(%dma_start3A_156 : memref<632x128xf32, #tpu.memory_space<vmem_shared>>) target(%dma_start3A_154 : memref<632x128xf32, #tpu.memory_space<hbm>>) target_semaphore(%run_scoped3A : memref<!tpu.dma_semaphore, #tpu.memory_space<semaphore_mem>>)
      %dma_wait3A_157 = arith.constant 0 : i32
      %dma_wait3A_158 = tpu.memref_slice %arg5[%arg0, %mul3A_2, %dma_wait3A_157] : memref<2x10112x128xf32, #tpu.memory_space<hbm>> -> memref<1x632x128xf32, #tpu.memory_space<hbm>>
      %dma_wait3A_159 = tpu.memref_squeeze %dma_wait3A_158 : memref<1x632x128xf32, #tpu.memory_space<hbm>> -> memref<632x128xf32, #tpu.memory_space<hbm>>
      %dma_wait3A_160 = arith.constant 0 : i32
      %dma_wait3A_161 = tpu.memref_slice %arg9[%mul3A_2, %dma_wait3A_160] : memref<10112x128xf32, #tpu.memory_space<vmem_shared>> -> memref<632x128xf32, #tpu.memory_space<vmem_shared>>
      tpu.wait_dma2 semaphore(%run_scoped3A : memref<!tpu.dma_semaphore, #tpu.memory_space<semaphore_mem>>) src(%dma_wait3A_161 : memref<632x128xf32, #tpu.memory_space<vmem_shared>>) dst(%dma_wait3A_159 : memref<632x128xf32, #tpu.memory_space<hbm>>)
      tpu.yield
    }) : () -> ()
    return
  }
}

#map = affine_map<(d0, d1) -> (0, 0, 0)>
#map1 = affine_map<(d0, d1) -> (0, 0)>
module attributes {stable_mosaic.version = 14 : i64} {
  func.func @body(%arg0: i32, %arg1: i32, %arg2: memref<32x176x64xi32, #tpu.memory_space<hbm>>, %arg3: memref<32x10112xf32, #tpu.memory_space<hbm>>, %arg4: memref<160x64xi32, #tpu.memory_space<vmem>>, %arg5: memref<10112xf32, #tpu.memory_space<vmem>>) attributes {dimension_semantics = [#tpu.dimension_semantics<core_parallel>, #tpu.dimension_semantics<subcore_parallel>], iteration_bounds = array<i64: 2, 16>, scalar_prefetch = 0 : i64, scratch_operands = 2 : i64, tpu.core_type = #tpu.core_type<sc_vector_subcore>, window_params = [{transform_indices = #map}, {transform_indices = #map1}]} {
    %mul3A = arith.constant 16 : i32
    %mul3A_0 = arith.muli %arg0, %mul3A : i32
    %add3A = arith.addi %mul3A_0, %arg1 : i32
    "tpu.region"() ({
      %run_scoped3A = tpu.sem_alloc : memref<!tpu.dma_semaphore, #tpu.memory_space<semaphore_mem>>
      %dma_start3A = arith.constant 0 : i32
      %dma_start3A_11 = arith.constant 0 : i32
      %dma_start3A_12 = tpu.memref_slice %arg2[%add3A, %dma_start3A, %dma_start3A_11] : memref<32x176x64xi32, #tpu.memory_space<hbm>> -> memref<1x160x64xi32, #tpu.memory_space<hbm>>
      %dma_start3A_13 = tpu.memref_squeeze %dma_start3A_12 : memref<1x160x64xi32, #tpu.memory_space<hbm>> -> memref<160x64xi32, #tpu.memory_space<hbm>>
      %dma_start3A_14 = arith.constant 0 : i32
      %dma_start3A_15 = arith.constant 0 : i32
      %dma_start3A_16 = tpu.memref_slice %arg2[%add3A, %dma_start3A_14, %dma_start3A_15] : memref<32x176x64xi32, #tpu.memory_space<hbm>> -> memref<1x160x64xi32, #tpu.memory_space<hbm>>
      %dma_start3A_17 = tpu.memref_squeeze %dma_start3A_16 : memref<1x160x64xi32, #tpu.memory_space<hbm>> -> memref<160x64xi32, #tpu.memory_space<hbm>>
      tpu.enqueue_dma source(%dma_start3A_17 : memref<160x64xi32, #tpu.memory_space<hbm>>) target(%arg4 : memref<160x64xi32, #tpu.memory_space<vmem>>) target_semaphore(%run_scoped3A : memref<!tpu.dma_semaphore, #tpu.memory_space<semaphore_mem>>)
      %dma_wait3A = arith.constant 0 : i32
      %dma_wait3A_18 = arith.constant 0 : i32
      %dma_wait3A_19 = tpu.memref_slice %arg2[%add3A, %dma_wait3A, %dma_wait3A_18] : memref<32x176x64xi32, #tpu.memory_space<hbm>> -> memref<1x160x64xi32, #tpu.memory_space<hbm>>
      %dma_wait3A_20 = tpu.memref_squeeze %dma_wait3A_19 : memref<1x160x64xi32, #tpu.memory_space<hbm>> -> memref<160x64xi32, #tpu.memory_space<hbm>>
      %dma_wait3A_21 = arith.constant 0 : i32
      %dma_wait3A_22 = arith.constant 0 : i32
      %dma_wait3A_23 = tpu.memref_slice %arg2[%add3A, %dma_wait3A_21, %dma_wait3A_22] : memref<32x176x64xi32, #tpu.memory_space<hbm>> -> memref<1x160x64xi32, #tpu.memory_space<hbm>>
      %dma_wait3A_24 = tpu.memref_squeeze %dma_wait3A_23 : memref<1x160x64xi32, #tpu.memory_space<hbm>> -> memref<160x64xi32, #tpu.memory_space<hbm>>
      tpu.wait_dma2 semaphore(%run_scoped3A : memref<!tpu.dma_semaphore, #tpu.memory_space<semaphore_mem>>) src(%dma_wait3A_24 : memref<160x64xi32, #tpu.memory_space<hbm>>) dst(%arg4 : memref<160x64xi32, #tpu.memory_space<vmem>>)
      tpu.yield
    }) : () -> ()
    %scan3A = arith.constant 0 : i32
    %scan3A_1 = arith.constant 632 : i32
    %scan3A_2 = arith.addi %scan3A, %scan3A_1 : i32
    %scan3A_3 = arith.constant 1 : i32
    scf.for %scan3A_11 = %scan3A to %scan3A_2 step %scan3A_3  : i32 {
      %mul3A_12 = arith.constant 1 : i32
      %mul3A_13 = arith.muli %scan3A_11, %mul3A_12 : i32
      %add3A_14 = arith.constant 0 : i32
      %add3A_15 = arith.addi %add3A_14, %mul3A_13 : i32
      %broadcast_in_dim3A_16 = arith.constant 0.000000e+00 : f32
      %broadcast_in_dim3A_17 = vector.broadcast %broadcast_in_dim3A_16 : f32 to vector<16xf32>
      %mul3A_18 = arith.constant 16 : i32
      %mul3A_19 = arith.muli %add3A_15, %mul3A_18 : i32
      %swap3A = arith.index_cast %mul3A_19 : i32 to index
      %swap3A_20 = tpu.vector_load %arg5[%swap3A] {strides = array<i32>} : memref<10112xf32, #tpu.memory_space<vmem>>, vector<16xf32>,
      tpu.vector_store %arg5[%swap3A], %broadcast_in_dim3A_17 {strides = array<i32>} : memref<10112xf32, #tpu.memory_space<vmem>>, vector<16xf32>,
    }
    %scan3A_4 = arith.constant 632 : i32
    %broadcast_in_dim3A = arith.constant 1.000000e+00 : f32
    %broadcast_in_dim3A_5 = vector.broadcast %broadcast_in_dim3A : f32 to vector<16xf32>
    %scan3A_6 = arith.constant 0 : i32
    %scan3A_7 = arith.constant 160 : i32
    %scan3A_8 = arith.addi %scan3A_6, %scan3A_7 : i32
    %scan3A_9 = arith.constant 1 : i32
    scf.for %scan3A_11 = %scan3A_6 to %scan3A_8 step %scan3A_9  : i32 {
      %mul3A_12 = arith.constant 1 : i32
      %mul3A_13 = arith.muli %scan3A_11, %mul3A_12 : i32
      %add3A_14 = arith.constant 0 : i32
      %add3A_15 = arith.addi %add3A_14, %mul3A_13 : i32
      %scan3A_16 = arith.constant 0 : i32
      %scan3A_17 = arith.constant 4 : i32
      %scan3A_18 = arith.addi %scan3A_16, %scan3A_17 : i32
      %scan3A_19 = arith.constant 1 : i32
      scf.for %scan3A_21 = %scan3A_16 to %scan3A_18 step %scan3A_19  : i32 {
        %mul3A_22 = arith.constant 1 : i32
        %mul3A_23 = arith.muli %scan3A_21, %mul3A_22 : i32
        %add3A_24 = arith.constant 0 : i32
        %add3A_25 = arith.addi %add3A_24, %mul3A_23 : i32
        %mul3A_26 = arith.constant 16 : i32
        %mul3A_27 = arith.muli %add3A_25, %mul3A_26 : i32
        %get3A = arith.index_cast %add3A_15 : i32 to index
        %get3A_28 = arith.index_cast %mul3A_27 : i32 to index
        %get3A_29 = tpu.vector_load %arg4[%get3A, %get3A_28] {strides = array<i32>} : memref<160x64xi32, #tpu.memory_space<vmem>>, vector<16xi32>,
        tpu.vector_store_idx %arg5[%get3A_29], %broadcast_in_dim3A_5 {add = true} : memref<10112xf32, #tpu.memory_space<vmem>>[vector<16xi32>], vector<16xf32>,
      }
      %scan3A_20 = arith.constant 4 : i32
    }
    %scan3A_10 = arith.constant 160 : i32
    "tpu.region"() ({
      %run_scoped3A = tpu.sem_alloc : memref<!tpu.dma_semaphore, #tpu.memory_space<semaphore_mem>>
      %dma_start3A = arith.constant 0 : i32
      %dma_start3A_11 = tpu.memref_slice %arg3[%add3A, %dma_start3A] : memref<32x10112xf32, #tpu.memory_space<hbm>> -> memref<1x10112xf32, #tpu.memory_space<hbm>>
      %dma_start3A_12 = tpu.memref_squeeze %dma_start3A_11 : memref<1x10112xf32, #tpu.memory_space<hbm>> -> memref<10112xf32, #tpu.memory_space<hbm>>
      %dma_start3A_13 = arith.constant 0 : i32
      %dma_start3A_14 = tpu.memref_slice %arg3[%add3A, %dma_start3A_13] : memref<32x10112xf32, #tpu.memory_space<hbm>> -> memref<1x10112xf32, #tpu.memory_space<hbm>>
      %dma_start3A_15 = tpu.memref_squeeze %dma_start3A_14 : memref<1x10112xf32, #tpu.memory_space<hbm>> -> memref<10112xf32, #tpu.memory_space<hbm>>
      tpu.enqueue_dma source(%arg5 : memref<10112xf32, #tpu.memory_space<vmem>>) target(%dma_start3A_15 : memref<10112xf32, #tpu.memory_space<hbm>>) target_semaphore(%run_scoped3A : memref<!tpu.dma_semaphore, #tpu.memory_space<semaphore_mem>>)
      %dma_wait3A = arith.constant 0 : i32
      %dma_wait3A_16 = tpu.memref_slice %arg3[%add3A, %dma_wait3A] : memref<32x10112xf32, #tpu.memory_space<hbm>> -> memref<1x10112xf32, #tpu.memory_space<hbm>>
      %dma_wait3A_17 = tpu.memref_squeeze %dma_wait3A_16 : memref<1x10112xf32, #tpu.memory_space<hbm>> -> memref<10112xf32, #tpu.memory_space<hbm>>
      %dma_wait3A_18 = arith.constant 0 : i32
      %dma_wait3A_19 = tpu.memref_slice %arg3[%add3A, %dma_wait3A_18] : memref<32x10112xf32, #tpu.memory_space<hbm>> -> memref<1x10112xf32, #tpu.memory_space<hbm>>
      %dma_wait3A_20 = tpu.memref_squeeze %dma_wait3A_19 : memref<1x10112xf32, #tpu.memory_space<hbm>> -> memref<10112xf32, #tpu.memory_space<hbm>>
      tpu.wait_dma2 semaphore(%run_scoped3A : memref<!tpu.dma_semaphore, #tpu.memory_space<semaphore_mem>>) src(%arg5 : memref<10112xf32, #tpu.memory_space<vmem>>) dst(%dma_wait3A_20 : memref<10112xf32, #tpu.memory_space<hbm>>)
      tpu.yield
    }) : () -> ()
    return
  }
}

module attributes {stable_mosaic.version = 14 : i64} {
  func.func @_tc_layer1_body(%arg0: memref<2x10112x128xf32, #tpu.memory_space<vmem>>, %arg1: memref<32x10112xf32, #tpu.memory_space<vmem>>, %arg2: memref<10112x128xf32, #tpu.memory_space<vmem>>, %arg3: memref<128x128xf32, #tpu.memory_space<vmem>>, %arg4: memref<128xf32, #tpu.memory_space<vmem>>, %arg5: memref<10112x128xf32, #tpu.memory_space<vmem>>) attributes {dimension_semantics = [], scalar_prefetch = 0 : i64, scratch_operands = 0 : i64, tpu.core_type = #tpu.core_type<tc>} {
    %get3A = arith.constant 0 : index
    %get3A_0 = arith.constant 0 : index
    %get3A_1 = vector.load %arg1[%get3A, %get3A_0] : memref<32x10112xf32, #tpu.memory_space<vmem>>, vector<32x10112xf32>
    %reduce_sum3A = arith.constant dense<0.000000e+00> : vector<10112xf32>
    %reduce_sum3A_2 = vector.multi_reduction <add>, %get3A_1, %reduce_sum3A [0] : vector<32x10112xf32> to vector<10112xf32>
    %broadcast_in_dim3A = vector.shape_cast %reduce_sum3A_2 : vector<10112xf32> to vector<10112x1xf32>
    %get3A_3 = arith.constant 0 : index
    %get3A_4 = arith.constant 0 : index
    %get3A_5 = arith.constant 0 : index
    %get3A_6 = vector.load %arg0[%get3A_3, %get3A_4, %get3A_5] : memref<2x10112x128xf32, #tpu.memory_space<vmem>>, vector<1x10112x128xf32>
    %get3A_7 = vector.shape_cast %get3A_6 : vector<1x10112x128xf32> to vector<10112x128xf32>
    %get3A_8 = arith.constant 1 : index
    %get3A_9 = arith.constant 0 : index
    %get3A_10 = arith.constant 0 : index
    %get3A_11 = vector.load %arg0[%get3A_8, %get3A_9, %get3A_10] : memref<2x10112x128xf32, #tpu.memory_space<vmem>>, vector<1x10112x128xf32>
    %get3A_12 = vector.shape_cast %get3A_11 : vector<1x10112x128xf32> to vector<10112x128xf32>
    %add3A = arith.addf %get3A_7, %get3A_12 : vector<10112x128xf32>
    %get3A_13 = arith.constant 0 : index
    %get3A_14 = arith.constant 0 : index
    %get3A_15 = vector.load %arg2[%get3A_13, %get3A_14] : memref<10112x128xf32, #tpu.memory_space<vmem>>, vector<10112x128xf32>
    %sub3A = arith.subf %add3A, %get3A_15 : vector<10112x128xf32>
    %add3A_16 = arith.constant 1.000000e+00 : f32
    %add3A_17 = vector.broadcast %add3A_16 : f32 to vector<10112x1xf32>
    %add3A_18 = arith.addf %broadcast_in_dim3A, %add3A_17 : vector<10112x1xf32>
    %div3A = vector.broadcast %add3A_18 : vector<10112x1xf32> to vector<10112x128xf32>
    %div3A_19 = arith.divf %sub3A, %div3A : vector<10112x128xf32>
    %get3A_20 = arith.constant 0 : index
    %get3A_21 = arith.constant 0 : index
    %get3A_22 = vector.load %arg3[%get3A_20, %get3A_21] : memref<128x128xf32, #tpu.memory_space<vmem>>, vector<128x128xf32>
    %dot_general3A = arith.constant dense<0.000000e+00> : vector<10112x128xf32>
    %dot_general3A_23 = tpu.matmul %div3A_19, %get3A_22, %dot_general3A {dimension_numbers = #tpu.dot_dimension_numbers<[1], [0], [0], [1], [0, 0, 1, 1], [], []>, transpose_lhs_hint = false} : vector<10112x128xf32>, vector<128x128xf32>, vector<10112x128xf32> -> vector<10112x128xf32>
    %get3A_24 = arith.constant 0 : index
    %get3A_25 = vector.load %arg4[%get3A_24] : memref<128xf32, #tpu.memory_space<vmem>>, vector<128xf32>
    %broadcast_in_dim3A_26 = vector.shape_cast %get3A_25 : vector<128xf32> to vector<1x128xf32>
    %add3A_27 = vector.broadcast %broadcast_in_dim3A_26 : vector<1x128xf32> to vector<10112x128xf32>
    %add3A_28 = arith.addf %dot_general3A_23, %add3A_27 : vector<10112x128xf32>
    %max3A = arith.constant 0.000000e+00 : f32
    %max3A_29 = vector.broadcast %max3A : f32 to vector<10112x128xf32>
    %max3A_30 = arith.maximumf %add3A_28, %max3A_29 : vector<10112x128xf32>
    %swap3A = arith.constant 0 : index
    %swap3A_31 = arith.constant 0 : index
    %swap3A_32 = vector.load %arg5[%swap3A, %swap3A_31] : memref<10112x128xf32, #tpu.memory_space<vmem>>, vector<10112x128xf32>
    tpu.vector_store %arg5[%swap3A, %swap3A_31], %max3A_30 {strides = array<i32>} : memref<10112x128xf32, #tpu.memory_space<vmem>>, vector<10112x128xf32>,
    return
  }
}

module attributes {stable_mosaic.version = 14 : i64} {
  func.func @_tc_layer2_body(%arg0: memref<2x10112x128xf32, #tpu.memory_space<vmem>>, %arg1: memref<32x10112xf32, #tpu.memory_space<vmem>>, %arg2: memref<10112x128xf32, #tpu.memory_space<vmem>>, %arg3: memref<128x128xf32, #tpu.memory_space<vmem>>, %arg4: memref<128xf32, #tpu.memory_space<vmem>>, %arg5: memref<128x128xf32, #tpu.memory_space<vmem>>, %arg6: memref<128xf32, #tpu.memory_space<vmem>>, %arg7: memref<10112x128xf32, #tpu.memory_space<vmem>>, %arg8: memref<10112x128xf32, #tpu.memory_space<vmem>>) attributes {dimension_semantics = [], scalar_prefetch = 0 : i64, scratch_operands = 0 : i64, tpu.core_type = #tpu.core_type<tc>} {
    %get3A = arith.constant 0 : index
    %get3A_0 = arith.constant 0 : index
    %get3A_1 = vector.load %arg1[%get3A, %get3A_0] : memref<32x10112xf32, #tpu.memory_space<vmem>>, vector<32x10112xf32>
    %reduce_sum3A = arith.constant dense<0.000000e+00> : vector<10112xf32>
    %reduce_sum3A_2 = vector.multi_reduction <add>, %get3A_1, %reduce_sum3A [0] : vector<32x10112xf32> to vector<10112xf32>
    %broadcast_in_dim3A = vector.shape_cast %reduce_sum3A_2 : vector<10112xf32> to vector<10112x1xf32>
    %get3A_3 = arith.constant 0 : index
    %get3A_4 = arith.constant 0 : index
    %get3A_5 = arith.constant 0 : index
    %get3A_6 = vector.load %arg0[%get3A_3, %get3A_4, %get3A_5] : memref<2x10112x128xf32, #tpu.memory_space<vmem>>, vector<1x10112x128xf32>
    %get3A_7 = vector.shape_cast %get3A_6 : vector<1x10112x128xf32> to vector<10112x128xf32>
    %get3A_8 = arith.constant 1 : index
    %get3A_9 = arith.constant 0 : index
    %get3A_10 = arith.constant 0 : index
    %get3A_11 = vector.load %arg0[%get3A_8, %get3A_9, %get3A_10] : memref<2x10112x128xf32, #tpu.memory_space<vmem>>, vector<1x10112x128xf32>
    %get3A_12 = vector.shape_cast %get3A_11 : vector<1x10112x128xf32> to vector<10112x128xf32>
    %add3A = arith.addf %get3A_7, %get3A_12 : vector<10112x128xf32>
    %get3A_13 = arith.constant 0 : index
    %get3A_14 = arith.constant 0 : index
    %get3A_15 = vector.load %arg2[%get3A_13, %get3A_14] : memref<10112x128xf32, #tpu.memory_space<vmem>>, vector<10112x128xf32>
    %sub3A = arith.subf %add3A, %get3A_15 : vector<10112x128xf32>
    %add3A_16 = arith.constant 1.000000e+00 : f32
    %add3A_17 = vector.broadcast %add3A_16 : f32 to vector<10112x1xf32>
    %add3A_18 = arith.addf %broadcast_in_dim3A, %add3A_17 : vector<10112x1xf32>
    %div3A = vector.broadcast %add3A_18 : vector<10112x1xf32> to vector<10112x128xf32>
    %div3A_19 = arith.divf %sub3A, %div3A : vector<10112x128xf32>
    %get3A_20 = arith.constant 0 : index
    %get3A_21 = arith.constant 0 : index
    %get3A_22 = vector.load %arg3[%get3A_20, %get3A_21] : memref<128x128xf32, #tpu.memory_space<vmem>>, vector<128x128xf32>
    %dot_general3A = arith.constant dense<0.000000e+00> : vector<10112x128xf32>
    %dot_general3A_23 = tpu.matmul %div3A_19, %get3A_22, %dot_general3A {dimension_numbers = #tpu.dot_dimension_numbers<[1], [0], [0], [1], [0, 0, 1, 1], [], []>, transpose_lhs_hint = false} : vector<10112x128xf32>, vector<128x128xf32>, vector<10112x128xf32> -> vector<10112x128xf32>
    %get3A_24 = arith.constant 0 : index
    %get3A_25 = vector.load %arg4[%get3A_24] : memref<128xf32, #tpu.memory_space<vmem>>, vector<128xf32>
    %broadcast_in_dim3A_26 = vector.shape_cast %get3A_25 : vector<128xf32> to vector<1x128xf32>
    %add3A_27 = vector.broadcast %broadcast_in_dim3A_26 : vector<1x128xf32> to vector<10112x128xf32>
    %add3A_28 = arith.addf %dot_general3A_23, %add3A_27 : vector<10112x128xf32>
    %swap3A = arith.constant 0 : index
    %swap3A_29 = arith.constant 0 : index
    %swap3A_30 = vector.load %arg7[%swap3A, %swap3A_29] : memref<10112x128xf32, #tpu.memory_space<vmem>>, vector<10112x128xf32>
    tpu.vector_store %arg7[%swap3A, %swap3A_29], %add3A_28 {strides = array<i32>} : memref<10112x128xf32, #tpu.memory_space<vmem>>, vector<10112x128xf32>,
    %get3A_31 = arith.constant 0 : index
    %get3A_32 = arith.constant 0 : index
    %get3A_33 = vector.load %arg5[%get3A_31, %get3A_32] : memref<128x128xf32, #tpu.memory_space<vmem>>, vector<128x128xf32>
    %dot_general3A_34 = arith.constant dense<0.000000e+00> : vector<10112x128xf32>
    %dot_general3A_35 = tpu.matmul %add3A_28, %get3A_33, %dot_general3A_34 {dimension_numbers = #tpu.dot_dimension_numbers<[1], [0], [0], [1], [0, 0, 1, 1], [], []>, transpose_lhs_hint = false} : vector<10112x128xf32>, vector<128x128xf32>, vector<10112x128xf32> -> vector<10112x128xf32>
    %get3A_36 = arith.constant 0 : index
    %get3A_37 = vector.load %arg6[%get3A_36] : memref<128xf32, #tpu.memory_space<vmem>>, vector<128xf32>
    %broadcast_in_dim3A_38 = vector.shape_cast %get3A_37 : vector<128xf32> to vector<1x128xf32>
    %add3A_39 = vector.broadcast %broadcast_in_dim3A_38 : vector<1x128xf32> to vector<10112x128xf32>
    %add3A_40 = arith.addf %dot_general3A_35, %add3A_39 : vector<10112x128xf32>
    %reduce_max3A = arith.constant dense<0xFF800000> : vector<10112xf32>
    %reduce_max3A_41 = vector.multi_reduction <maximumf>, %add3A_40, %reduce_max3A [1] : vector<10112x128xf32> to vector<10112xf32>
    %broadcast_in_dim3A_42 = vector.shape_cast %reduce_max3A_41 : vector<10112xf32> to vector<10112x1xf32>
    %sub3A_43 = vector.broadcast %broadcast_in_dim3A_42 : vector<10112x1xf32> to vector<10112x128xf32>
    %sub3A_44 = arith.subf %add3A_40, %sub3A_43 : vector<10112x128xf32>
    %exp3A = math.exp %sub3A_44 : vector<10112x128xf32>
    %reduce_sum3A_45 = arith.constant dense<0.000000e+00> : vector<10112xf32>
    %reduce_sum3A_46 = vector.multi_reduction <add>, %exp3A, %reduce_sum3A_45 [1] : vector<10112x128xf32> to vector<10112xf32>
    %broadcast_in_dim3A_47 = vector.shape_cast %reduce_sum3A_46 : vector<10112xf32> to vector<10112x1xf32>
    %log3A = math.log %broadcast_in_dim3A_47 : vector<10112x1xf32>
    %sub3A_48 = vector.broadcast %broadcast_in_dim3A_42 : vector<10112x1xf32> to vector<10112x128xf32>
    %sub3A_49 = arith.subf %add3A_40, %sub3A_48 : vector<10112x128xf32>
    %sub3A_50 = vector.broadcast %log3A : vector<10112x1xf32> to vector<10112x128xf32>
    %sub3A_51 = arith.subf %sub3A_49, %sub3A_50 : vector<10112x128xf32>
    %swap3A_52 = arith.constant 0 : index
    %swap3A_53 = arith.constant 0 : index
    %swap3A_54 = vector.load %arg8[%swap3A_52, %swap3A_53] : memref<10112x128xf32, #tpu.memory_space<vmem>>, vector<10112x128xf32>
    tpu.vector_store %arg8[%swap3A_52, %swap3A_53], %sub3A_51 {strides = array<i32>} : memref<10112x128xf32, #tpu.memory_space<vmem>>, vector<10112x128xf32>,
    return
  }
}

module attributes {stable_mosaic.version = 14 : i64} {
  func.func @_tc_dec_body(%arg0: memref<10240x128xf32, #tpu.memory_space<vmem>>, %arg1: memref<10112x128xf32, #tpu.memory_space<vmem>>, %arg2: memref<128x128xf32, #tpu.memory_space<vmem>>, %arg3: memref<128xf32, #tpu.memory_space<vmem>>, %arg4: memref<1x1xf32, #tpu.memory_space<vmem>>) attributes {dimension_semantics = [], scalar_prefetch = 0 : i64, scratch_operands = 0 : i64, tpu.core_type = #tpu.core_type<tc>} {
    %get3A = arith.constant 0 : index
    %get3A_0 = arith.constant 0 : index
    %get3A_1 = vector.load %arg0[%get3A, %get3A_0] : memref<10240x128xf32, #tpu.memory_space<vmem>>, vector<10112x128xf32>
    %get3A_2 = arith.constant 0 : index
    %get3A_3 = arith.constant 0 : index
    %get3A_4 = vector.load %arg2[%get3A_2, %get3A_3] : memref<128x128xf32, #tpu.memory_space<vmem>>, vector<128x128xf32>
    %dot_general3A = arith.constant dense<0.000000e+00> : vector<10112x128xf32>
    %dot_general3A_5 = tpu.matmul %get3A_1, %get3A_4, %dot_general3A {dimension_numbers = #tpu.dot_dimension_numbers<[1], [0], [0], [1], [0, 0, 1, 1], [], []>, transpose_lhs_hint = false} : vector<10112x128xf32>, vector<128x128xf32>, vector<10112x128xf32> -> vector<10112x128xf32>
    %get3A_6 = arith.constant 0 : index
    %get3A_7 = vector.load %arg3[%get3A_6] : memref<128xf32, #tpu.memory_space<vmem>>, vector<128xf32>
    %broadcast_in_dim3A = vector.shape_cast %get3A_7 : vector<128xf32> to vector<1x128xf32>
    %add3A = vector.broadcast %broadcast_in_dim3A : vector<1x128xf32> to vector<10112x128xf32>
    %add3A_8 = arith.addf %dot_general3A_5, %add3A : vector<10112x128xf32>
    %get3A_9 = arith.constant 0 : index
    %get3A_10 = arith.constant 0 : index
    %get3A_11 = vector.load %arg1[%get3A_9, %get3A_10] : memref<10112x128xf32, #tpu.memory_space<vmem>>, vector<10112x128xf32>
    %mul3A = arith.mulf %add3A_8, %get3A_11 : vector<10112x128xf32>
    %iota3A = tpu.iota {dimensions = array<i32: 0>} : vector<10112x128xi32>
    %lt3A = arith.constant 10000 : i32
    %lt3A_12 = vector.broadcast %lt3A : i32 to vector<10112x128xi32>
    %lt3A_13 = arith.cmpi slt, %iota3A, %lt3A_12 : vector<10112x128xi32>
    %jit3A = arith.constant 0.000000e+00 : f32
    %broadcast_in_dim3A_14 = vector.broadcast %jit3A : f32 to vector<10112x128xf32>
    %select_n3A = arith.select %lt3A_13, %mul3A, %broadcast_in_dim3A_14 : vector<10112x128xi1>, vector<10112x128xf32>
    %reduce_sum3A = vector.shape_cast %select_n3A : vector<10112x128xf32> to vector<1x10112x128xf32>
    %reduce_sum3A_15 = arith.constant dense<0.000000e+00> : vector<1xf32>
    %reduce_sum3A_16 = vector.multi_reduction <add>, %reduce_sum3A, %reduce_sum3A_15 [1, 2] : vector<1x10112x128xf32> to vector<1xf32>
    %reduce_sum3A_17 = vector.shape_cast %reduce_sum3A_16 : vector<1xf32> to vector<1x1x1xf32>
    %reduce_sum3A_18 = vector.extract %reduce_sum3A_17[0, 0, 0] : f32 from vector<1x1x1xf32>
    %neg3A = arith.constant 0.000000e+00 : f32
    %neg3A_19 = arith.subf %neg3A, %reduce_sum3A_18 : f32
    %div3A = arith.constant 1.000000e+04 : f32
    %div3A_20 = arith.divf %neg3A_19, %div3A : f32
    %broadcast_in_dim3A_21 = vector.broadcast %div3A_20 : f32 to vector<1x1xf32>
    %swap3A = arith.constant 0 : index
    %swap3A_22 = arith.constant 0 : index
    %swap3A_23 = vector.load %arg4[%swap3A, %swap3A_22] : memref<1x1xf32, #tpu.memory_space<vmem>>, vector<1x1xf32>
    tpu.vector_store %arg4[%swap3A, %swap3A_22], %broadcast_in_dim3A_21 {strides = array<i32>} : memref<1x1xf32, #tpu.memory_space<vmem>>, vector<1x1xf32>,
    return
  }
}

</mosaic_0001>

<sc_bundles>
// kernel: kernel.12.cloned.1.call-start
scs
__scs_entry_jumppad:
0x0: {  	(pc) =	sbr.rel $0x88, $3  }
0x1: {  	(tag) =	ssettag $0x0;
	lr =	simm.s32 $0x1  }
0x2: {  	[smem:$0x3F98] =	sst lr;
	_ =	strace $0xD0000000  }
0x3: {  	_ = 	snop  }
0x4: {  	_ = 	snop  }
0x5: {  	_ = 	snop  }
0x6: {  	_ = 	snop  }
0x7: {  	_ = 	snop  }
__scs_overlays_trampoline_lowered:
0x8: {  	[smem:$0x3FA7] =	sst s0  }
0x9: {  	[smem:$0x3FA8] =	sst s1  }
0xa: {  	[smem:$0x3FA9] =	sst s2  }
0xb: {  	[smem:$0x3FAA] =	sst s3  }
0xc: {  	[smem:$0x3FAB] =	sst s4  }
0xd: {  	[smem:$0x3FAC] =	sst s5  }
0xe: {  	[smem:$0x3FAD] =	sst s6  }
0xf: {  	[smem:$0x3FAE] =	sst s7  }
0x10: {  	[smem:$0x3FAF] =	sst s8  }
0x11: {  	[smem:$0x3FB0] =	sst s9;
	s0 =	simm.s32 @!p0 $0x0  }
0x12: {  	s1 =	sld [smem:$0x3F96];
	s0 =	simm.s32 @p0 $0x1  }
0x13: {  	[smem:$0x3FB1] =	sst s0;
	s0 =	simm.s32 @!p1 $0x0  }
0x14: {  	s2 =	sld [smem:$0x3F95];
	s0 =	simm.s32 @p1 $0x1  }
0x15: {  	[smem:$0x3FB2] =	sst s0;
	s0 =	simm.s32 @!p2 $0x0  }
0x16: {  	s3 =	sld [smem:$0x3FDB];
	s0 =	simm.s32 @p2 $0x1  }
0x17: {  	s4 =	simm.s32 $0x1BF5;
	[smem:$0x3FB4] =	sst s0  }
0x18: {  	s0 =	sld [smem:$0x3F97];
	_ =	swait.ge [sflag:s4], $0x0  }
0x19: {  	s7 =	sld [smem:$0x3F98]  }
0x1a: {  	s8 =	sadd.s32 $0xFFFFE003, lr  }
0x1b: {  	s9 =	sadd.s32 $0xFFFFFEF7, lr;
	s5 =	simm.s32 $0xFFFFFFFF;
	p2 =	slt.u32 s8, $0xFFFFF086  }
0x1c: {  	p1 =	slt.u32 s9, $0xF7A;
	s5 =	simm.s32 @!p2 $0x0  }
0x1d: {  	s5 =	simm.s32 @p1 $0x1;
	p0 =	seq.s32 s7, s2  }
0x1e: {  	s7 =	smul.u32 @!p0 $0xF7A, s2;
	p2 =	seq.s32 @!p0 s5, $0x0  }
0x1f: {  	s9 =	smul.u32 $0xF7A, s1;
	s8 =	simm.s32 @!p0 $0x1BF5;
	p2 =	por !p2, p0  }
0x20: {  	[sflag:s8] =	ssyncset.s32 @!p0 $0xFFFFF086;
	s6 =	sadd.s32 @!p0 s3, s7;
	s7 =	simm.s32 @!p0 $0x108  }
0x21: {  	s3 =	sadd.s32 s3, s9;
	s6 =	sadd.s32 @!p0 $0x88, s6;
	s7 =	simm.s32 @p2 $0x1082  }
0x22: {  	[simem:s7], [sflag:s8] =	dma.local @!p0 [hbm:s6], $0xF7A  }
0x23: {  	s9 =	sor.u32 $0xD0000000, s2;
	s6 =	simm.s32 $0x108;
	_ =	swait.ge @!p0 [sflag:s8], $0x0  }
0x24: {  	s3 =	sadd.s32 $0x88, s3;
	s6 =	simm.s32 @!p1 $0x1082;
	[sflag:s4] =	ssyncset.s32 $0xFFFFF086  }
0x25: {  	[simem:s6], [sflag:s4] =	dma.local [hbm:s3], $0xF7A  }
0x26: {  	[smem:$0x3F98] =	sst s1;
	(tag) =	ssettag s2;
	_ =	strace s9  }
0x27: {  	s1 =	sld [smem:$0x3FA8]  }
0x28: {  	s2 =	sld [smem:$0x3FA9]  }
0x29: {  	s4 =	sld [smem:$0x3FAB]  }
0x2a: {  	p0 =	seq.s32 s5, $0x0;
	s5 =	sld [smem:$0x3FAC]  }
0x2b: {  	s6 =	sld [smem:$0x3FAD]  }
0x2c: {  	s7 =	sld [smem:$0x3FAE]  }
0x2d: {  	s3 =	simm.s32 $0x108;
	s8 =	sld [smem:$0x3FAF]  }
0x2e: {  	s3 =	simm.s32 @!p0 $0x1082;
	s9 =	sld [smem:$0x3FB0]  }
0x2f: {  	lr =	sadd.s32 s0, s3;
	s0 =	sld [smem:$0x3FA7]  }
0x30: {  	s3 =	sld [smem:$0x3FAA]  }
0x31: {  	[smem:$0x3FB3] =	sst s10  }
0x32: {  	s10 =	sld [smem:$0x3FB1];
	_ =	sdelay $0x3  }
0x33: {  	p0 =	seq.s32 s10, $0x1;
	s10 =	sld [smem:$0x3FB3];
	_ =	sdelay $0x3  }
0x34: {  	[smem:$0x3FB3] =	sst s10  }
0x35: {  	s10 =	sld [smem:$0x3FB2];
	_ =	sdelay $0x3  }
0x36: {  	p1 =	seq.s32 s10, $0x1;
	s10 =	sld [smem:$0x3FB3];
	_ =	sdelay $0x3  }
0x37: {  	[smem:$0x3FB3] =	sst s10  }
0x38: {  	s10 =	sld [smem:$0x3FB4]  }
0x39: {  	_ = 	snop;
	(pc) =	sbr.ind lr, $3  }
0x3a: {  	_ = 	snop  }
0x3b: {  	_ = 	snop  }
0x3c: {  	p2 =	seq.s32 s10, $0x1;
	s10 =	sld [smem:$0x3FB3]  }
0x3d: {  	_ =	shalt  }
0x3e: {  	_ =	shalt  }
0x3f: {  	_ =	shalt  }
0x40: {  	_ =	shalt  }
0x41: {  	_ =	shalt  }
0x42: {  	_ =	shalt  }
0x43: {  	_ =	shalt  }
0x44: {  	_ =	shalt  }
0x45: {  	_ =	shalt  }
0x46: {  	_ =	shalt  }
0x47: {  	_ =	shalt  }
0x48: {  	_ =	shalt  }
0x49: {  	_ =	shalt  }
0x4a: {  	_ =	shalt  }
0x4b: {  	_ =	shalt  }
0x4c: {  	_ =	shalt  }
0x4d: {  	_ =	shalt  }
0x4e: {  	_ =	shalt  }
0x4f: {  	_ =	shalt  }
0x50: {  	_ =	shalt  }
0x51: {  	_ =	shalt  }
0x52: {  	_ =	shalt  }
0x53: {  	_ =	shalt  }
0x54: {  	_ =	shalt  }
0x55: {  	_ =	shalt  }
0x56: {  	_ =	shalt  }
0x57: {  	_ =	shalt  }
0x58: {  	_ =	shalt  }
0x59: {  	_ =	shalt  }
0x5a: {  	_ =	shalt  }
0x5b: {  	_ =	shalt  }
0x5c: {  	_ =	shalt  }
0x5d: {  	_ =	shalt  }
0x5e: {  	_ =	shalt  }
0x5f: {  	_ =	shalt  }
0x60: {  	_ =	shalt  }
0x61: {  	_ =	shalt  }
0x62: {  	_ =	shalt  }
0x63: {  	_ =	shalt  }
0x64: {  	_ =	shalt  }
0x65: {  	_ =	shalt  }
0x66: {  	_ =	shalt  }
0x67: {  	_ =	shalt  }
0x68: {  	_ =	shalt  }
0x69: {  	_ =	shalt  }
0x6a: {  	_ =	shalt  }
0x6b: {  	_ =	shalt  }
0x6c: {  	_ =	shalt  }
0x6d: {  	_ =	shalt  }
0x6e: {  	_ =	shalt  }
0x6f: {  	_ =	shalt  }
0x70: {  	_ =	shalt  }
0x71: {  	_ =	shalt  }
0x72: {  	_ =	shalt  }
0x73: {  	_ =	shalt  }
0x74: {  	_ =	shalt  }
0x75: {  	_ =	shalt  }
0x76: {  	_ =	shalt  }
0x77: {  	_ =	shalt  }
0x78: {  	_ =	shalt  }
0x79: {  	_ =	shalt  }
0x7a: {  	_ =	shalt  }
0x7b: {  	_ =	shalt  }
0x7c: {  	_ =	shalt  }
0x7d: {  	_ =	shalt  }
0x7e: {  	_ =	shalt  }
0x7f: {  	_ =	shalt  }
0x80: {  	_ =	shalt  }
0x81: {  	_ =	shalt  }
0x82: {  	_ =	shalt  }
0x83: {  	_ =	shalt  }
0x84: {  	_ =	shalt  }
0x85: {  	_ =	shalt  }
0x86: {  	_ =	shalt  }
0x87: {  	_ =	shalt  }
.Lfunc_end0:
.L_simem_size_0:
called_computation.1_lowered:
.L_overlay_start_0:
0x88: {  	s2 =	sld [smem:$0x3FD9]  }
0x89: {  	s3 =	sld [smem:$0x3FFE];
	_ =	sdelay $0x1  }
0x8a: {  	s1 =	srdreg.scid  }
0x8b: {  	s0 =	sand.u32 $0x1, s1  }
0x8c: {  	s14 =	sshll.u32 s0, $0xA;
	s2 =	sadd.s32 s3, s2  }
0x8d: {  	s2 =	sadd.s32 s2, s14  }
0x8e: {  	[smem:$0x3FBF] =	sst s2  }
0x8f: {  	_ = 	snop  }
0x90: {  	s2 =	sld [smem:$0x3FD0];
	_ =	sdelay $0x2  }
0x91: {  	s15 =	simm.s32 $0xB;
	s4 =	simm.s32 $0x10  }
0x92: {  	[smem:s4], [sflag:s15] =	dma.local [hbm:s2], $0x1  }
0x93: {  	_ =	swait.eq [sflag:s15], $0x1  }
0x94: {  	[sflag:s15] =	ssyncset.done $0x0  }
0x95: {  	[sflag:s15] =	ssyncadd.s32 $0xFFFFFFFF  }
0x96: {  	s16 =	sld [smem:$0x10];
	(tm) =	ssettm $0x1  }
0x97: {  	s17 =	sld [smem:$0x3FFB];
	_ =	sdelay $0x3  }
0x98: {  	_ =	strace s17  }
0x99: {  	s3 =	sld [smem:$0x3FFC];
	_ =	sdelay $0x3  }
0x9a: {  	_ =	strace s3  }
0x9b: {  	s3 =	sld [smem:$0x3FFD];
	_ =	sdelay $0x3  }
0x9c: {  	_ =	strace s3  }
0x9d: {  	_ =	strace $0x8FFFFFFF  }
0x9e: {  	s18 =	sld [smem:$0x3FDB];
	_ =	sdelay $0x1  }
0x9f: {  	s19 =	simm.s32 $_scs_section_size  }
0xa0: {  	s5 =	simm.s32 $_size__tile_overlayer_lowered;
	s6 =	simm.s32 $_tile_overlayer_lowered  }
0xa1: {  	s22 =	simm.s32 $0x1BFF;
	s21 =	sshll.u32 s6, $0x1;
	s3 =	sadd.s32 s19, s18  }
0xa2: {  	s7 =	simm.s32 $0x0;
	s20 =	sshll.u32 s5, $0x1;
	s5 =	sadd.s32 s21, s3  }
0xa3: {  	[timem:s7], [sflag:s22] =	dma.local [hbm:s5], s20  }
0xa4: {  	_ =	swait.ge [sflag:s22], s20  }
0xa5: {  	s4 =	ssub.s32 $0x0, s20;
	[sflag:s22] =	ssyncset.done $0x0  }
0xa6: {  	[sflag:s22] =	ssyncadd.s32 s4;
	_ =	sdelay $0x1  }
0xa7: {  	s23 =	simm.s32 $0x1B8B  }
0xa8: {  	_ =	swait.ge [sflag:s23], $0x1  }
0xa9: {  	[sflag:s23] =	ssyncset.done $0x0  }
0xaa: {  	s25 =	simm.s32 $0x1B8E;
	s24 =	sld [smem:$0x3FFE];
	[sflag:s23] =	ssyncadd.s32 $0xFFFFFFFF  }
0xab: {  	s26 =	simm.s32 $execute0_lowered;
	[smem:$0x3FD2] =	sst s25  }
0xac: {  	s5 =	sshll.u32 s26, $0x1;
	_ =	strace $0x80000046;
	[dreg:$0x1] =	wrdreg $0xFFFFFFFF  }
0xad: {  	s28 =	simm.s32 $_size_execute0_lowered;
	s3 =	sadd.s32 s3, s5;
	[dreg:$0x0] =	wrdreg $0x0  }
0xae: {  	s5 =	sshll.u32 s28, $0x1;
	[dreg:$0x2] =	wrdreg s3  }
0xaf: {  	[dreg:$0x3] =	wrdreg s5  }
0xb0: {  	[dreg:$0x4] =	wrdreg $0xC0  }
0xb1: {  	_ =	task [dreg:s7], $0x5FFFF  }
0xb2: {  	[dreg:$0x1] =	wrdreg $0xFFFFFFFF  }
0xb3: {  	[dreg:$0x0] =	wrdreg $0x60  }
0xb4: {  	[dreg:$0x2] =	wrdreg s24  }
0xb5: {  	[dreg:$0x3] =	wrdreg s16  }
0xb6: {  	[dreg:$0x4] =	wrdreg $0xA0000  }
0xb7: {  	[dreg:$0x5] =	wrdreg $0xA  }
0xb8: {  	_ =	task.clear_ibuf [dreg:s7], $0x6FFFF;
	_ =	strace $0x90000046  }
0xb9: {  	s29 =	simm.s32 $0xA;
	_ =	strace $0x80000048  }
0xba: {  	_ =	swait.ge [sflag:s29], $0x1  }
0xbb: {  	[sflag:s29] =	ssyncadd.s32 $0xFFFFFFFF  }
0xbc: {  	_ =	strace $0x90000048  }
0xbd: {  	_ =	sfence  }
0xbe: {  	s30 =	sld [smem:$0x0];
	_ =	sdelay $0x2  }
0xbf: {  	s31 =	sshll.u32 s1, $0xD;
	s1 =	sshrl.u32 s1, $0x2  }
0xc0: {  	s3 =	sand.u32 $0x4000, s31;
	s1 =	sadd.s32 s1, s30  }
0xc1: {  	s0 =	sor.u32 s3, s0;
	s1 =	sshll.u32 s1, $0x11  }
0xc2: {  	s0 =	sor.u32 s1, s0  }
0xc3: {  	s0 =	sadd.s32 $0x8F2B, s0  }
0xc4: {  	[sflag:s0] =	ssyncadd.remote.s32 $0x1  }
0xc5: {  	_ =	sfence.sel $0xFFFF  }
0xc6: {  	[dreg:$0x0] =	wrdreg $0xFFFFFFFF;
	(pc) =	sbr.abs _section_cstart, $3  }
0xc7: {  	[dreg:$0x1] =	wrdreg $0xFFFFFFFF  }
0xc8: {  	_ =	task.clear_ibuf [dreg:s7], $0x2FFFF;
	_ =	strace $0x9FFFFFFF  }
0xc9: {  	(tm) =	ssettm $0x7FFFFFFF  }
tec
execute0_lowered:
.L_overlay_start_1:
0x0: {  	(tag) =	ssettag $0x1  }
0x1: {  	s0 =	rddreg [dreg:$0x0]  }
0x2: {  	s2 =	rddreg [dreg:$0x1]  }
0x3: {  	s3 =	rddreg [dreg:$0x2]  }
0x4: {  	s1 =	srdreg.scid;
	s11 =	stileid.u32;
	s4 =	simm.s32 $0x0  }
0x5: {  	s14 =	simm.s32 $0xB;
	s18 =	simm.s32 $0x9;
	s19 =	simm.s32 $0x40  }
0x6: {  	s28 =	simm.s32 $0x800;
	s29 =	simm.s32 $0x1800;
	s30 =	simm.s32 $0x8000  }
0x7: {  	s31 =	simm.s32 $0x3;
	s15 =	simm.s32 $0x0;
	s1 =	sand.u32 $0x1, s1  }
0x8: {  	s7 =	smul.u32 $0x13C00, s11;
	[smem:$0x7FF] =	sst s4;
	s5 =	sadd.s32 $0x19600, s0  }
0x9: {  	s6 =	sadd.s32 $0x3600, s0;
	s9 =	smul.u32 $0x4F000, s11;
	s22 =	sshll.u32 s11, $0x6  }
0xa: {  	s8 =	smul.u32 $0x13C000, s1;
	_ =	strace $0x80000047;
	s10 =	sshll.u32 s1, $0x4  }
0xb: {  	s1 =	ssub.s32 $0x2, s1;
	s13 =	sor.u32 $0x1C0B, s22;
	s22 =	simm.s32 $0x4000  }
0xc: {  	s20 =	sor.u32 s11, s10;
	s21 =	sshrl.u32 s1, $0x1;
	s9 =	sshrl.u32 s9, $0x2  }
0xd: {  	[dreg:$0x5] =	wrdreg s13;
	s8 =	sadd.s32 s7, s8;
	s1 =	ssub.s32 s1, s21  }
0xe: {  	s9 =	sadd.s32 s9, s3;
	s7 =	sshrl.u32 s7, $0x3;
	s8 =	sshrl.u32 s8, $0x3  }
0xf: {  	s7 =	sadd.s32 s5, s7;
	s26 =	smax.u32 s1, $0x1;
	s10 =	sshrl.u32 s9, $0x3  }
0x10: {  	s1 =	simm.s32 $0x4;
	s9 =	simm.s32 $0x7;
	[dreg:$0x4] =	wrdreg s7  }
0x11: {  	s0 =	sadd.s32 s8, s0;
	s8 =	smul.u32 $0x5800, s20;
	[dreg:$0x9] =	wrdreg s26  }
0x12: {  	s20 =	simm.s32 $0x2000;
	s26 =	simm.s32 $0x8;
	s7 =	simm.s32 $0x6  }
.Ltmp0:
0x13: {  	[dreg:$0xa] =	wrdreg s10;
	s0 =	sadd.s32 $0x40E00, s0;
	(pc) =	sbr.rel .LBB2_1-.Ltmp0, $4  }
0x14: {  	s23 =	sshrl.u32 s8, $0x3;
	s11 =	sadd.s32 $0x800, s8;
	s12 =	sadd.s32 $0x1000, s8  }
0x15: {  	[dreg:$0x8] =	wrdreg s0;
	s0 =	simm.s32 $0x5;
	s24 =	sadd.s32 s2, s23  }
0x16: {  	s25 =	sadd.s32 s6, s23;
	s23 =	simm.s32 $0x1;
	[dreg:$0x6] =	wrdreg s24  }
0x17: {  	[dreg:$0x7] =	wrdreg s25;
	s24 =	simm.s32 $0x6000;
	s25 =	simm.s32 $0x2  }
.LBB2_11:
0x18: {  	_ =	swait.ge [sflag:s23], $0x2000  }
0x19: {  	[sflag:s23] =	ssyncset.done $0x0  }
0x1a: {  	[sflag:s23] =	ssyncadd.s32 $0xFFFFE000  }
0x1b: {  	_ =	swait.ge [sflag:s25], $0x2000  }
0x1c: {  	[sflag:s25] =	ssyncset.done $0x0  }
0x1d: {  	[sflag:s25] =	ssyncadd.s32 $0xFFFFE000  }
0x1e: {  	_ =	swait.ge [sflag:s9], $0x2000  }
0x1f: {  	[sflag:s9] =	ssyncset.done $0x0  }
0x20: {  	[sflag:s9] =	ssyncadd.s32 $0xFFFFE000  }
0x21: {  	_ =	swait.ge [sflag:s26], $0x2000  }
0x22: {  	[sflag:s26] =	ssyncset.done $0x0  }
0x23: {  	[sflag:s26] =	ssyncadd.s32 $0xFFFFE000  }
0x24: {  	[bflag:$0x0] =	sbarrier.arrive $0xFFFF  }
0x25: {  	s13 =	rddreg [dreg:$0x5]  }
0x26: {  	s8 =	rddreg [dreg:$0x8]  }
0x27: {  	s14 =	simm.s32 $0xB;
	s10 =	rddreg [dreg:$0xa]  }
0x28: {  	[hbm:s8], [sflag:s13] =	dma.local [spmem:s10], $0x2780  }
0x29: {  	_ =	swait.ge [sflag:s14], $0x2780  }
0x2a: {  	s15 =	rddreg [dreg:$0xb]  }
0x2b: {  	s21 =	rddreg [dreg:$0x9];
	s15 =	sadd.s32 $0x1, s15  }
0x2c: {  	p0 =	sne.s32 s15, s21  }
.Ltmp1:
0x2d: {  	_ = 	snop;
	(pc) =	sbr.rel @!p0 .LBB2_12-.Ltmp1, $3  }
0x2e: {  	_ =	sdelay $0x1  }
0x2f: {  	[sflag:s14] =	ssyncset.done $0x0  }
0x30: {  	[sflag:s14] =	ssyncadd.s32 $0xFFFFD880  }
.LBB2_1:
0x31: {  	[dreg:$0xb] =	wrdreg s15  }
0x32: {  	s8 =	rddreg [dreg:$0x4]  }
0x33: {  	[spmem:s10], [sflag:s13] =	dma.local [hbm:s8], $0x2780  }
0x34: {  	_ =	swait.ge [sflag:s14], $0x2780  }
0x35: {  	[sflag:s14] =	ssyncset.done $0x0  }
0x36: {  	s15 =	rddreg [dreg:$0x6];
	[sflag:s14] =	ssyncadd.s32 $0xFFFFD880  }
0x37: {  	[tilespmem:s4], [sflag:$0x9] =	stream.linear.gather [hbm4b:s15+s4], $0x800, $0x38;
	[tilespmem:$0x1DC00] =	vst v63  }
0x38: {  	s17 =	simm.s32 $0x1000;
	s16 =	rddreg [dreg:$0x7]  }
0x39: {  	[tilespmem:s17], [sflag:$0x9] =	stream.linear.gather [hbm4b:s16+s4], $0x800, $0x38;
	[tilespmem:$0x1DC00] =	vst v63  }
0x3a: {  	[bflag:$0x0] =	sbarrier.arrive $0xFFFF  }
0x3b: {  	_ =	swait.ge [sflag:s18], $0x800  }
0x3c: {  	[sflag:s18] =	ssyncset.done $0x0  }
0x3d: {  	[sflag:s18] =	ssyncadd.s32 $0xFFFFF800  }
0x3e: {  	_ =	swait.ge [sflag:s18], $0x800  }
.Ltmp2:
0x3f: {  	[sflag:s18] =	ssyncset.done $0x0;
	(pc) =	sbr.rel .LBB2_2-.Ltmp2, $4  }
0x40: {  	[sflag:s18] =	ssyncadd.s32 $0xFFFFF800  }
0x41: {  	[tilespmem:s20], [sflag:$0x1] =	stream.indirect.gather [hbm4b:s5+s19], $0x80, s4, s19, $0xb8;
	[tilespmem:$0x1DC00] =	vst v63  }
0x42: {  	s21 =	simm.s32 $0x80;
	s16 =	simm.s32 $0x0  }
0x43: {  	[tilespmem:s22], [sflag:$0x2] =	stream.indirect.gather [hbm4b:s5+s19], $0x80, s21, s19, $0xb8;
	[tilespmem:$0x1DC00] =	vst v63  }
.LBB2_10:
0x44: {  	_ =	swait.ge [sflag:s23], $0x2000  }
0x45: {  	[sflag:s23] =	ssyncset.done $0x0  }
0x46: {  	[sflag:s23] =	ssyncadd.s32 $0xFFFFE000  }
0x47: {  	[spmem:s3] =	stream.indirect.scatter.add.f32 [tilespmem:s20], [sflag:$0x5], $0x80, s29, s19, $0xb8;
	[tilespmem:$0x1DC00] =	vst v63  }
0x48: {  	_ =	swait.ge [sflag:s9], $0x2000  }
0x49: {  	[sflag:s9] =	ssyncset.done $0x0  }
0x4a: {  	s8 =	simm.s32 $0x900;
	[sflag:s9] =	ssyncadd.s32 $0xFFFFE000  }
0x4b: {  	[tilespmem:s24], [sflag:$0x3] =	stream.indirect.gather [hbm4b:s5+s19], $0x80, s8, s19, $0xb8;
	[tilespmem:$0x1DC00] =	vst v63  }
0x4c: {  	_ =	swait.ge [sflag:s25], $0x2000  }
0x4d: {  	[sflag:s25] =	ssyncset.done $0x0  }
0x4e: {  	s21 =	simm.s32 $0x1880;
	[sflag:s25] =	ssyncadd.s32 $0xFFFFE000  }
0x4f: {  	[spmem:s3] =	stream.indirect.scatter.add.f32 [tilespmem:s22], [sflag:$0x6], $0x80, s21, s19, $0xb8;
	[tilespmem:$0x1DC00] =	vst v63  }
0x50: {  	s10 =	sadd.s32 s17, s12;
	_ =	swait.ge [sflag:s26], $0x2000  }
0x51: {  	s8 =	sshrl.u32 s10, $0x3;
	[sflag:s26] =	ssyncset.done $0x0  }
0x52: {  	s10 =	sadd.s32 s2, s8;
	[sflag:s26] =	ssyncadd.s32 $0xFFFFE000  }
0x53: {  	[tilespmem:s4], [sflag:$0x9] =	stream.linear.gather [hbm4b:s10+s4], $0x800, $0x38;
	[tilespmem:$0x1DC00] =	vst v63  }
0x54: {  	s13 =	simm.s32 $0x1000;
	s8 =	sadd.s32 s6, s8  }
0x55: {  	[tilespmem:s13], [sflag:$0x9] =	stream.linear.gather [hbm4b:s8+s4], $0x800, $0x38;
	[tilespmem:$0x1DC00] =	vst v63  }
0x56: {  	s14 =	simm.s32 $0x980  }
0x57: {  	[tilespmem:s30], [sflag:$0x4] =	stream.indirect.gather [hbm4b:s5+s19], $0x80, s14, s19, $0xb8;
	[tilespmem:$0x1DC00] =	vst v63  }
0x58: {  	_ =	swait.ge [sflag:s31], $0x2000  }
0x59: {  	[sflag:s31] =	ssyncset.done $0x0  }
0x5a: {  	s15 =	simm.s32 $0x1900;
	[sflag:s31] =	ssyncadd.s32 $0xFFFFE000  }
0x5b: {  	[spmem:s3] =	stream.indirect.scatter.add.f32 [tilespmem:s24], [sflag:$0x7], $0x80, s15, s19, $0xb8;
	[tilespmem:$0x1DC00] =	vst v63  }
0x5c: {  	_ =	swait.ge [sflag:s0], $0x2000  }
0x5d: {  	[sflag:s0] =	ssyncset.done $0x0  }
0x5e: {  	s17 =	simm.s32 $0xA00;
	[sflag:s0] =	ssyncadd.s32 $0xFFFFE000  }
0x5f: {  	[tilespmem:s20], [sflag:$0x1] =	stream.indirect.gather [hbm4b:s5+s19], $0x80, s17, s19, $0xb8;
	[tilespmem:$0x1DC00] =	vst v63  }
0x60: {  	_ =	swait.ge [sflag:s1], $0x2000  }
0x61: {  	[sflag:s1] =	ssyncset.done $0x0  }
0x62: {  	s21 =	simm.s32 $0x1980;
	[sflag:s1] =	ssyncadd.s32 $0xFFFFE000  }
0x63: {  	[spmem:s3] =	stream.indirect.scatter.add.f32 [tilespmem:s30], [sflag:$0x8], $0x80, s21, s19, $0xb8;
	[tilespmem:$0x1DC00] =	vst v63  }
0x64: {  	_ =	swait.ge [sflag:s7], $0x2000  }
0x65: {  	[sflag:s7] =	ssyncset.done $0x0  }
0x66: {  	s10 =	simm.s32 $0xA80;
	[sflag:s7] =	ssyncadd.s32 $0xFFFFE000  }
0x67: {  	[tilespmem:s22], [sflag:$0x2] =	stream.indirect.gather [hbm4b:s5+s19], $0x80, s10, s19, $0xb8;
	[tilespmem:$0x1DC00] =	vst v63  }
0x68: {  	_ =	swait.ge [sflag:s23], $0x2000  }
0x69: {  	[sflag:s23] =	ssyncset.done $0x0  }
0x6a: {  	s13 =	simm.s32 $0x1A00;
	[sflag:s23] =	ssyncadd.s32 $0xFFFFE000  }
0x6b: {  	[spmem:s3] =	stream.indirect.scatter.add.f32 [tilespmem:s20], [sflag:$0x5], $0x80, s13, s19, $0xb8;
	[tilespmem:$0x1DC00] =	vst v63  }
0x6c: {  	_ =	swait.ge [sflag:s9], $0x2000  }
0x6d: {  	[sflag:s9] =	ssyncset.done $0x0  }
0x6e: {  	s14 =	simm.s32 $0xB00;
	[sflag:s9] =	ssyncadd.s32 $0xFFFFE000  }
0x6f: {  	[tilespmem:s24], [sflag:$0x3] =	stream.indirect.gather [hbm4b:s5+s19], $0x80, s14, s19, $0xb8;
	[tilespmem:$0x1DC00] =	vst v63  }
0x70: {  	_ =	swait.ge [sflag:s25], $0x2000  }
0x71: {  	[sflag:s25] =	ssyncset.done $0x0  }
0x72: {  	s15 =	simm.s32 $0x1A80;
	[sflag:s25] =	ssyncadd.s32 $0xFFFFE000  }
0x73: {  	[spmem:s3] =	stream.indirect.scatter.add.f32 [tilespmem:s22], [sflag:$0x6], $0x80, s15, s19, $0xb8;
	[tilespmem:$0x1DC00] =	vst v63  }
0x74: {  	_ =	swait.ge [sflag:s26], $0x2000  }
0x75: {  	[sflag:s26] =	ssyncset.done $0x0  }
0x76: {  	s17 =	simm.s32 $0xB80;
	[sflag:s26] =	ssyncadd.s32 $0xFFFFE000  }
0x77: {  	[tilespmem:s30], [sflag:$0x4] =	stream.indirect.gather [hbm4b:s5+s19], $0x80, s17, s19, $0xb8;
	[tilespmem:$0x1DC00] =	vst v63  }
0x78: {  	_ =	swait.ge [sflag:s31], $0x2000  }
0x79: {  	[sflag:s31] =	ssyncset.done $0x0  }
0x7a: {  	s21 =	simm.s32 $0x1B00;
	[sflag:s31] =	ssyncadd.s32 $0xFFFFE000  }
0x7b: {  	[spmem:s3] =	stream.indirect.scatter.add.f32 [tilespmem:s24], [sflag:$0x7], $0x80, s21, s19, $0xb8;
	[tilespmem:$0x1DC00] =	vst v63  }
0x7c: {  	_ =	swait.ge [sflag:s0], $0x2000  }
0x7d: {  	[sflag:s0] =	ssyncset.done $0x0  }
0x7e: {  	s10 =	simm.s32 $0xC00;
	[sflag:s0] =	ssyncadd.s32 $0xFFFFE000  }
0x7f: {  	[tilespmem:s20], [sflag:$0x1] =	stream.indirect.gather [hbm4b:s5+s19], $0x80, s10, s19, $0xb8;
	[tilespmem:$0x1DC00] =	vst v63  }
0x80: {  	_ =	swait.ge [sflag:s1], $0x2000  }
0x81: {  	[sflag:s1] =	ssyncset.done $0x0  }
0x82: {  	s13 =	simm.s32 $0x1B80;
	[sflag:s1] =	ssyncadd.s32 $0xFFFFE000  }
0x83: {  	[spmem:s3] =	stream.indirect.scatter.add.f32 [tilespmem:s30], [sflag:$0x8], $0x80, s13, s19, $0xb8;
	[tilespmem:$0x1DC00] =	vst v63  }
0x84: {  	_ =	swait.ge [sflag:s7], $0x2000  }
0x85: {  	[sflag:s7] =	ssyncset.done $0x0  }
0x86: {  	s14 =	simm.s32 $0xC80;
	[sflag:s7] =	ssyncadd.s32 $0xFFFFE000  }
0x87: {  	[tilespmem:s22], [sflag:$0x2] =	stream.indirect.gather [hbm4b:s5+s19], $0x80, s14, s19, $0xb8;
	[tilespmem:$0x1DC00] =	vst v63  }
0x88: {  	_ =	swait.ge [sflag:s23], $0x2000  }
0x89: {  	[sflag:s23] =	ssyncset.done $0x0  }
0x8a: {  	s15 =	simm.s32 $0x1C00;
	[sflag:s23] =	ssyncadd.s32 $0xFFFFE000  }
0x8b: {  	[spmem:s3] =	stream.indirect.scatter.add.f32 [tilespmem:s20], [sflag:$0x5], $0x80, s15, s19, $0xb8;
	[tilespmem:$0x1DC00] =	vst v63  }
0x8c: {  	_ =	swait.ge [sflag:s9], $0x2000  }
0x8d: {  	[sflag:s9] =	ssyncset.done $0x0  }
0x8e: {  	s17 =	simm.s32 $0xD00;
	[sflag:s9] =	ssyncadd.s32 $0xFFFFE000  }
0x8f: {  	[tilespmem:s24], [sflag:$0x3] =	stream.indirect.gather [hbm4b:s5+s19], $0x80, s17, s19, $0xb8;
	[tilespmem:$0x1DC00] =	vst v63  }
0x90: {  	_ =	swait.ge [sflag:s25], $0x2000  }
0x91: {  	[sflag:s25] =	ssyncset.done $0x0  }
0x92: {  	s21 =	simm.s32 $0x1C80;
	[sflag:s25] =	ssyncadd.s32 $0xFFFFE000  }
0x93: {  	[spmem:s3] =	stream.indirect.scatter.add.f32 [tilespmem:s22], [sflag:$0x6], $0x80, s21, s19, $0xb8;
	[tilespmem:$0x1DC00] =	vst v63  }
0x94: {  	_ =	swait.ge [sflag:s26], $0x2000  }
0x95: {  	[sflag:s26] =	ssyncset.done $0x0  }
0x96: {  	s10 =	simm.s32 $0xD80;
	[sflag:s26] =	ssyncadd.s32 $0xFFFFE000  }
0x97: {  	[tilespmem:s30], [sflag:$0x4] =	stream.indirect.gather [hbm4b:s5+s19], $0x80, s10, s19, $0xb8;
	[tilespmem:$0x1DC00] =	vst v63  }
0x98: {  	_ =	swait.ge [sflag:s31], $0x2000  }
0x99: {  	[sflag:s31] =	ssyncset.done $0x0  }
0x9a: {  	s13 =	simm.s32 $0x1D00;
	[sflag:s31] =	ssyncadd.s32 $0xFFFFE000  }
0x9b: {  	[spmem:s3] =	stream.indirect.scatter.add.f32 [tilespmem:s24], [sflag:$0x7], $0x80, s13, s19, $0xb8;
	[tilespmem:$0x1DC00] =	vst v63  }
0x9c: {  	_ =	swait.ge [sflag:s0], $0x2000  }
0x9d: {  	[sflag:s0] =	ssyncset.done $0x0  }
0x9e: {  	s14 =	simm.s32 $0xE00;
	[sflag:s0] =	ssyncadd.s32 $0xFFFFE000  }
0x9f: {  	[tilespmem:s20], [sflag:$0x1] =	stream.indirect.gather [hbm4b:s5+s19], $0x80, s14, s19, $0xb8;
	[tilespmem:$0x1DC00] =	vst v63  }
0xa0: {  	_ =	swait.ge [sflag:s1], $0x2000  }
0xa1: {  	[sflag:s1] =	ssyncset.done $0x0  }
0xa2: {  	s15 =	simm.s32 $0x1D80;
	[sflag:s1] =	ssyncadd.s32 $0xFFFFE000  }
0xa3: {  	[spmem:s3] =	stream.indirect.scatter.add.f32 [tilespmem:s30], [sflag:$0x8], $0x80, s15, s19, $0xb8;
	[tilespmem:$0x1DC00] =	vst v63  }
0xa4: {  	_ =	swait.ge [sflag:s7], $0x2000  }
0xa5: {  	[sflag:s7] =	ssyncset.done $0x0  }
0xa6: {  	s17 =	simm.s32 $0xE80;
	[sflag:s7] =	ssyncadd.s32 $0xFFFFE000  }
0xa7: {  	[tilespmem:s22], [sflag:$0x2] =	stream.indirect.gather [hbm4b:s5+s19], $0x80, s17, s19, $0xb8;
	[tilespmem:$0x1DC00] =	vst v63  }
0xa8: {  	_ =	swait.ge [sflag:s23], $0x2000  }
0xa9: {  	[sflag:s23] =	ssyncset.done $0x0  }
0xaa: {  	s21 =	simm.s32 $0x1E00;
	[sflag:s23] =	ssyncadd.s32 $0xFFFFE000  }
0xab: {  	[spmem:s3] =	stream.indirect.scatter.add.f32 [tilespmem:s20], [sflag:$0x5], $0x80, s21, s19, $0xb8;
	[tilespmem:$0x1DC00] =	vst v63  }
0xac: {  	_ =	swait.ge [sflag:s9], $0x2000  }
0xad: {  	[sflag:s9] =	ssyncset.done $0x0  }
0xae: {  	s10 =	simm.s32 $0xF00;
	[sflag:s9] =	ssyncadd.s32 $0xFFFFE000  }
0xaf: {  	[tilespmem:s24], [sflag:$0x3] =	stream.indirect.gather [hbm4b:s5+s19], $0x80, s10, s19, $0xb8;
	[tilespmem:$0x1DC00] =	vst v63  }
0xb0: {  	_ =	swait.ge [sflag:s25], $0x2000  }
0xb1: {  	[sflag:s25] =	ssyncset.done $0x0  }
0xb2: {  	s13 =	simm.s32 $0x1E80;
	[sflag:s25] =	ssyncadd.s32 $0xFFFFE000  }
0xb3: {  	[spmem:s3] =	stream.indirect.scatter.add.f32 [tilespmem:s22], [sflag:$0x6], $0x80, s13, s19, $0xb8;
	[tilespmem:$0x1DC00] =	vst v63  }
0xb4: {  	_ =	swait.ge [sflag:s26], $0x2000  }
0xb5: {  	[sflag:s26] =	ssyncset.done $0x0  }
0xb6: {  	[sflag:s26] =	ssyncadd.s32 $0xFFFFE000  }
0xb7: {  	_ =	swait.ge [sflag:s18], $0x800  }
0xb8: {  	[sflag:s18] =	ssyncset.done $0x0  }
0xb9: {  	[sflag:s18] =	ssyncadd.s32 $0xFFFFF800  }
0xba: {  	_ =	swait.ge [sflag:s18], $0x800  }
0xbb: {  	[sflag:s18] =	ssyncset.done $0x0  }
0xbc: {  	s14 =	simm.s32 $0xF80;
	[sflag:s18] =	ssyncadd.s32 $0xFFFFF800  }
0xbd: {  	[tilespmem:s30], [sflag:$0x4] =	stream.indirect.gather [hbm4b:s5+s19], $0x80, s14, s19, $0xb8;
	[tilespmem:$0x1DC00] =	vst v63  }
0xbe: {  	_ =	swait.ge [sflag:s31], $0x2000  }
0xbf: {  	[sflag:s31] =	ssyncset.done $0x0  }
0xc0: {  	s15 =	simm.s32 $0x1F00;
	[sflag:s31] =	ssyncadd.s32 $0xFFFFE000  }
0xc1: {  	[spmem:s3] =	stream.indirect.scatter.add.f32 [tilespmem:s24], [sflag:$0x7], $0x80, s15, s19, $0xb8;
	[tilespmem:$0x1DC00] =	vst v63  }
0xc2: {  	_ =	swait.ge [sflag:s0], $0x2000  }
0xc3: {  	[sflag:s0] =	ssyncset.done $0x0  }
0xc4: {  	[sflag:s0] =	ssyncadd.s32 $0xFFFFE000  }
0xc5: {  	[tilespmem:s20], [sflag:$0x1] =	stream.indirect.gather [hbm4b:s5+s19], $0x80, s4, s19, $0xb8;
	[tilespmem:$0x1DC00] =	vst v63  }
0xc6: {  	_ =	swait.ge [sflag:s1], $0x2000  }
0xc7: {  	s16 =	sadd.s32 $0x1, s16;
	[sflag:s1] =	ssyncset.done $0x0  }
0xc8: {  	p0 =	sne.s32 s16, $0x5;
	s17 =	simm.s32 $0x1F80;
	[sflag:s1] =	ssyncadd.s32 $0xFFFFE000  }
0xc9: {  	[spmem:s3] =	stream.indirect.scatter.add.f32 [tilespmem:s30], [sflag:$0x8], $0x80, s17, s19, $0xb8;
	[tilespmem:$0x1DC00] =	vst v63  }
.Ltmp3:
0xca: {  	_ = 	snop;
	(pc) =	sbr.rel @!p0 .LBB2_11-.Ltmp3, $4  }
0xcb: {  	_ =	swait.ge [sflag:s7], $0x2000  }
0xcc: {  	[sflag:s7] =	ssyncset.done $0x0  }
0xcd: {  	s21 =	simm.s32 $0x80;
	[sflag:s7] =	ssyncadd.s32 $0xFFFFE000  }
0xce: {  	[tilespmem:s22], [sflag:$0x2] =	stream.indirect.gather [hbm4b:s5+s19], $0x80, s21, s19, $0xb8;
	[tilespmem:$0x1DC00] =	vst v63  }
.LBB2_2:
.Ltmp4:
0xcf: {  	(pc) =	sbr.rel .LBB2_3-.Ltmp4, $4  }
0xd0: {  	s17 =	sshll.u32 s16, $0xC  }
0xd1: {  	s8 =	sadd.s32 s17, s11  }
0xd2: {  	s13 =	simm.s32 $0x0;
	s8 =	sshrl.u32 s8, $0x3  }
0xd3: {  	s14 =	simm.s32 $0x0;
	s21 =	sadd.s32 s2, s8;
	s10 =	sadd.s32 s6, s8  }
.LBB2_8:
0xd4: {  	p1 =	sne.s32 s13, $0x1800  }
0xd5: {  	s15 =	simm.s32 @!p1 $0xA  }
0xd6: {  	_ =	swait.ge @!p1 [sflag:s15], $0x800  }
0xd7: {  	[sflag:s15] =	ssyncset.done @!p1 $0x0  }
0xd8: {  	[sflag:s15] =	ssyncadd.s32 @!p1 $0xFFFFF800  }
0xd9: {  	_ =	swait.ge @!p1 [sflag:s15], $0x800  }
0xda: {  	p0 =	por $0x0, $0x0;
	p2 =	por @!p1 $0x1, $0x1;
	[sflag:s15] =	ssyncset.done @!p1 $0x0  }
0xdb: {  	p0 =	por @!p1 p2, p2;
	[sflag:s15] =	ssyncadd.s32 @!p1 $0xFFFFF800  }
.LBB2_9:
0xdc: {  	s15 =	sadd.s32 $0x180, s8  }
0xdd: {  	[tilespmem:s30], [sflag:$0x4] =	stream.indirect.gather [hbm4b:s5+s19], $0x80, s15, s19, $0xb8;
	[tilespmem:$0x1DC00] =	vst v63  }
0xde: {  	_ =	swait.ge [sflag:s31], $0x2000  }
0xdf: {  	[sflag:s31] =	ssyncset.done $0x0  }
0xe0: {  	s15 =	sadd.s32 $0x1100, s8;
	[sflag:s31] =	ssyncadd.s32 $0xFFFFE000  }
0xe1: {  	[spmem:s3] =	stream.indirect.scatter.add.f32 [tilespmem:s24], [sflag:$0x7], $0x80, s15, s19, $0xb8;
	[tilespmem:$0x1DC00] =	vst v63  }
0xe2: {  	_ =	swait.ge [sflag:s0], $0x2000  }
0xe3: {  	s15 =	sadd.s32 $0x200, s8;
	[sflag:s0] =	ssyncset.done $0x0  }
0xe4: {  	s15 =	simm.s32 @p0 $0x800;
	[sflag:s0] =	ssyncadd.s32 $0xFFFFE000  }
0xe5: {  	[tilespmem:s20], [sflag:$0x1] =	stream.indirect.gather [hbm4b:s5+s19], $0x80, s15, s19, $0xb8;
	[tilespmem:$0x1DC00] =	vst v63  }
0xe6: {  	s13 =	sadd.s32 $0x800, s13;
	_ =	swait.ge [sflag:s1], $0x2000  }
0xe7: {  	s15 =	sadd.s32 $0x1180, s8;
	s8 =	sadd.s32 $0x280, s8;
	[sflag:s1] =	ssyncset.done $0x0  }
0xe8: {  	s8 =	simm.s32 @p0 $0x880;
	p0 =	sne.s32 s13, $0x2000;
	[sflag:s1] =	ssyncadd.s32 $0xFFFFE000  }
0xe9: {  	[spmem:s3] =	stream.indirect.scatter.add.f32 [tilespmem:s30], [sflag:$0x8], $0x80, s15, s19, $0xb8;
	[tilespmem:$0x1DC00] =	vst v63  }
.Ltmp5:
0xea: {  	_ = 	snop;
	(pc) =	sbr.rel @!p0 .LBB2_10-.Ltmp5, $4  }
0xeb: {  	_ =	swait.ge [sflag:s7], $0x2000  }
0xec: {  	[sflag:s7] =	ssyncset.done $0x0  }
0xed: {  	s14 =	sadd.s32 $0x1, s14;
	[sflag:s7] =	ssyncadd.s32 $0xFFFFE000  }
0xee: {  	[tilespmem:s22], [sflag:$0x2] =	stream.indirect.gather [hbm4b:s5+s19], $0x80, s8, s19, $0xb8;
	[tilespmem:$0x1DC00] =	vst v63  }
.LBB2_3:
0xef: {  	_ =	swait.ge [sflag:s23], $0x2000  }
0xf0: {  	s8 =	sshra.s32 s13, $0x2;
	[sflag:s23] =	ssyncset.done $0x0  }
0xf1: {  	s15 =	sadd.s32 $0x1000, s8;
	[sflag:s23] =	ssyncadd.s32 $0xFFFFE000  }
0xf2: {  	[spmem:s3] =	stream.indirect.scatter.add.f32 [tilespmem:s20], [sflag:$0x5], $0x80, s15, s19, $0xb8;
	[tilespmem:$0x1DC00] =	vst v63  }
0xf3: {  	s15 =	sor.u32 s16, s14  }
0xf4: {  	p0 =	seq.s32 s15, $0x0  }
0xf5: {  	s15 =	simm.s32 @!p0 $0x7  }
0xf6: {  	_ =	swait.ge @!p0 [sflag:s15], $0x2000  }
0xf7: {  	[sflag:s15] =	ssyncset.done @!p0 $0x0  }
0xf8: {  	p3 =	sne.s32 s13, $0x0;
	[sflag:s15] =	ssyncadd.s32 @!p0 $0xFFFFE000;
	s15 =	sadd.s32 $0x100, s8  }
0xf9: {  	[tilespmem:s24], [sflag:$0x3] =	stream.indirect.gather [hbm4b:s5+s19], $0x80, s15, s19, $0xb8;
	[tilespmem:$0x1DC00] =	vst v63  }
.Ltmp6:
0xfa: {  	_ = 	snop;
	(pc) =	sbr.rel @!p3 .LBB2_4-.Ltmp6, $4  }
0xfb: {  	_ =	swait.ge [sflag:s25], $0x2000  }
0xfc: {  	p2 =	seq.s32 s13, $0x0;
	p1 =	por $0x0, $0x0;
	[sflag:s25] =	ssyncset.done $0x0  }
0xfd: {  	p1 =	por @!p0 p2, p2;
	s15 =	sadd.s32 $0x1080, s8;
	[sflag:s25] =	ssyncadd.s32 $0xFFFFE000  }
0xfe: {  	[spmem:s3] =	stream.indirect.scatter.add.f32 [tilespmem:s22], [sflag:$0x6], $0x80, s15, s19, $0xb8;
	[tilespmem:$0x1DC00] =	vst v63  }
.Ltmp7:
0xff: {  	(pc) =	sbr.rel @!p1 .LBB2_8-.Ltmp7, $4  }
.Ltmp8:
0x100: {  	(pc) =	sbr.rel @p1 .LBB2_6-.Ltmp8, $4  }
0x101: {  	_ =	swait.ge [sflag:s26], $0x2000  }
0x102: {  	[sflag:s26] =	ssyncset.done $0x0  }
0x103: {  	[sflag:s26] =	ssyncadd.s32 $0xFFFFE000  }
0x104: {  	_ = 	snop  }
.LBB2_4:
.Ltmp9:
0x105: {  	(pc) =	sbr.rel @!p1 .LBB2_7-.Ltmp9, $1  }
0x106: {  	_ =	sdelay $0x3  }
.LBB2_6:
0x107: {  	_ =	swait.ge [sflag:s26], $0x2000  }
0x108: {  	[sflag:s26] =	ssyncset.done $0x0  }
0x109: {  	[sflag:s26] =	ssyncadd.s32 $0xFFFFE000  }
.LBB2_7:
.Ltmp10:
0x10a: {  	(pc) =	sbr.rel .LBB2_9-.Ltmp10, $4  }
0x10b: {  	_ = 	snop  }
0x10c: {  	[tilespmem:s28], [sflag:$0xA] =	stream.linear.gather [hbm4b:s21+s4], $0x800, $0x38;
	[tilespmem:$0x1DC00] =	vst v63  }
0x10d: {  	p0 =	seq.s32 s13, $0x1800  }
0x10e: {  	[tilespmem:s29], [sflag:$0xA] =	stream.linear.gather [hbm4b:s10+s4], $0x800, $0x38;
	[tilespmem:$0x1DC00] =	vst v63  }
.LBB2_12:
0x10f: {  	_ =	sfence.sel $0x180000  }
0x110: {  	[bflag:$0x0] =	sbarrier.arrive $0xFFFF  }
0x111: {  	_ =	strace $0x90000047  }
0x112: {  	s0 =	stileid.u32;
	[bflag:$0x2] =	sbarrier.arrive $0xFFFF  }
0x113: {  	p0 =	sne.s32 s0, $0x0;
	s0 =	rddreg [dreg:$0x3]  }
0x114: {  	s0 =	sadd.s32 @!p0 $0x100000, s0  }
0x115: {  	[sflag:s0] =	ssyncadd.tile.s32 @!p0 $0x1;
	_ =	shalt  }
.Lfunc_end2:
_tile_overlayer_lowered:
.L_overlay_start_2:
0x116: {  	(tag) =	ssettag $0x2  }
0x117: {  	s0 =	rddreg [dreg:$0x0];
	s2 =	stileid.u32  }
0x118: {  	s1 =	rddreg [dreg:$0x1];
	p0 =	sne.s32 s2, $0x0  }
0x119: {  	s3 =	rddreg [dreg:$0x2];
	[bflag:$0x3] =	sbarrier.arrive $0xFFFF;
	s2 =	simm.s32 @!p0 $0x1C0B  }
0x11a: {  	[timem:s3], [sflag:s2] =	dma.local @!p0 [hbm:s0], s1  }
0x11b: {  	s0 =	simm.s32 @!p0 $0xB  }
0x11c: {  	_ =	swait.ge @!p0 [sflag:s0], s1  }
0x11d: {  	s1 =	ssub.s32 @!p0 $0x0, s1;
	[sflag:s0] =	ssyncset.done @!p0 $0x0  }
0x11e: {  	[sflag:s0] =	ssyncadd.s32 @!p0 s1  }
0x11f: {  	[bflag:$0x3] =	sbarrier.arrive $0xFFFF  }
0x120: {  	_ =	shalt  }

// kernel: kernel.15.cloned.1.call-start
scs
__scs_entry_jumppad:
0x0: {  	(pc) =	sbr.rel $0x88, $3  }
0x1: {  	(tag) =	ssettag $0x0;
	lr =	simm.s32 $0x1  }
0x2: {  	[smem:$0x3F98] =	sst lr;
	_ =	strace $0xD0000000  }
0x3: {  	_ = 	snop  }
0x4: {  	_ = 	snop  }
0x5: {  	_ = 	snop  }
0x6: {  	_ = 	snop  }
0x7: {  	_ = 	snop  }
__scs_overlays_trampoline_lowered:
0x8: {  	[smem:$0x3FA7] =	sst s0  }
0x9: {  	[smem:$0x3FA8] =	sst s1  }
0xa: {  	[smem:$0x3FA9] =	sst s2  }
0xb: {  	[smem:$0x3FAA] =	sst s3  }
0xc: {  	[smem:$0x3FAB] =	sst s4  }
0xd: {  	[smem:$0x3FAC] =	sst s5  }
0xe: {  	[smem:$0x3FAD] =	sst s6  }
0xf: {  	[smem:$0x3FAE] =	sst s7  }
0x10: {  	[smem:$0x3FAF] =	sst s8  }
0x11: {  	[smem:$0x3FB0] =	sst s9;
	s0 =	simm.s32 @!p0 $0x0  }
0x12: {  	s1 =	sld [smem:$0x3F96];
	s0 =	simm.s32 @p0 $0x1  }
0x13: {  	[smem:$0x3FB1] =	sst s0;
	s0 =	simm.s32 @!p1 $0x0  }
0x14: {  	s2 =	sld [smem:$0x3F95];
	s0 =	simm.s32 @p1 $0x1  }
0x15: {  	[smem:$0x3FB2] =	sst s0;
	s0 =	simm.s32 @!p2 $0x0  }
0x16: {  	s3 =	sld [smem:$0x3FDB];
	s0 =	simm.s32 @p2 $0x1  }
0x17: {  	s4 =	simm.s32 $0x1BF5;
	[smem:$0x3FB4] =	sst s0  }
0x18: {  	s0 =	sld [smem:$0x3F97];
	_ =	swait.ge [sflag:s4], $0x0  }
0x19: {  	s7 =	sld [smem:$0x3F98]  }
0x1a: {  	s8 =	sadd.s32 $0xFFFFE003, lr  }
0x1b: {  	s9 =	sadd.s32 $0xFFFFFEF7, lr;
	s5 =	simm.s32 $0xFFFFFFFF;
	p2 =	slt.u32 s8, $0xFFFFF086  }
0x1c: {  	p1 =	slt.u32 s9, $0xF7A;
	s5 =	simm.s32 @!p2 $0x0  }
0x1d: {  	s5 =	simm.s32 @p1 $0x1;
	p0 =	seq.s32 s7, s2  }
0x1e: {  	s7 =	smul.u32 @!p0 $0xF7A, s2;
	p2 =	seq.s32 @!p0 s5, $0x0  }
0x1f: {  	s9 =	smul.u32 $0xF7A, s1;
	s8 =	simm.s32 @!p0 $0x1BF5;
	p2 =	por !p2, p0  }
0x20: {  	[sflag:s8] =	ssyncset.s32 @!p0 $0xFFFFF086;
	s6 =	sadd.s32 @!p0 s3, s7;
	s7 =	simm.s32 @!p0 $0x108  }
0x21: {  	s3 =	sadd.s32 s3, s9;
	s6 =	sadd.s32 @!p0 $0x88, s6;
	s7 =	simm.s32 @p2 $0x1082  }
0x22: {  	[simem:s7], [sflag:s8] =	dma.local @!p0 [hbm:s6], $0xF7A  }
0x23: {  	s9 =	sor.u32 $0xD0000000, s2;
	s6 =	simm.s32 $0x108;
	_ =	swait.ge @!p0 [sflag:s8], $0x0  }
0x24: {  	s3 =	sadd.s32 $0x88, s3;
	s6 =	simm.s32 @!p1 $0x1082;
	[sflag:s4] =	ssyncset.s32 $0xFFFFF086  }
0x25: {  	[simem:s6], [sflag:s4] =	dma.local [hbm:s3], $0xF7A  }
0x26: {  	[smem:$0x3F98] =	sst s1;
	(tag) =	ssettag s2;
	_ =	strace s9  }
0x27: {  	s1 =	sld [smem:$0x3FA8]  }
0x28: {  	s2 =	sld [smem:$0x3FA9]  }
0x29: {  	s4 =	sld [smem:$0x3FAB]  }
0x2a: {  	p0 =	seq.s32 s5, $0x0;
	s5 =	sld [smem:$0x3FAC]  }
0x2b: {  	s6 =	sld [smem:$0x3FAD]  }
0x2c: {  	s7 =	sld [smem:$0x3FAE]  }
0x2d: {  	s3 =	simm.s32 $0x108;
	s8 =	sld [smem:$0x3FAF]  }
0x2e: {  	s3 =	simm.s32 @!p0 $0x1082;
	s9 =	sld [smem:$0x3FB0]  }
0x2f: {  	lr =	sadd.s32 s0, s3;
	s0 =	sld [smem:$0x3FA7]  }
0x30: {  	s3 =	sld [smem:$0x3FAA]  }
0x31: {  	[smem:$0x3FB3] =	sst s10  }
0x32: {  	s10 =	sld [smem:$0x3FB1];
	_ =	sdelay $0x3  }
0x33: {  	p0 =	seq.s32 s10, $0x1;
	s10 =	sld [smem:$0x3FB3];
	_ =	sdelay $0x3  }
0x34: {  	[smem:$0x3FB3] =	sst s10  }
0x35: {  	s10 =	sld [smem:$0x3FB2];
	_ =	sdelay $0x3  }
0x36: {  	p1 =	seq.s32 s10, $0x1;
	s10 =	sld [smem:$0x3FB3];
	_ =	sdelay $0x3  }
0x37: {  	[smem:$0x3FB3] =	sst s10  }
0x38: {  	s10 =	sld [smem:$0x3FB4]  }
0x39: {  	_ = 	snop;
	(pc) =	sbr.ind lr, $3  }
0x3a: {  	_ = 	snop  }
0x3b: {  	_ = 	snop  }
0x3c: {  	p2 =	seq.s32 s10, $0x1;
	s10 =	sld [smem:$0x3FB3]  }
0x3d: {  	_ =	shalt  }
0x3e: {  	_ =	shalt  }
0x3f: {  	_ =	shalt  }
0x40: {  	_ =	shalt  }
0x41: {  	_ =	shalt  }
0x42: {  	_ =	shalt  }
0x43: {  	_ =	shalt  }
0x44: {  	_ =	shalt  }
0x45: {  	_ =	shalt  }
0x46: {  	_ =	shalt  }
0x47: {  	_ =	shalt  }
0x48: {  	_ =	shalt  }
0x49: {  	_ =	shalt  }
0x4a: {  	_ =	shalt  }
0x4b: {  	_ =	shalt  }
0x4c: {  	_ =	shalt  }
0x4d: {  	_ =	shalt  }
0x4e: {  	_ =	shalt  }
0x4f: {  	_ =	shalt  }
0x50: {  	_ =	shalt  }
0x51: {  	_ =	shalt  }
0x52: {  	_ =	shalt  }
0x53: {  	_ =	shalt  }
0x54: {  	_ =	shalt  }
0x55: {  	_ =	shalt  }
0x56: {  	_ =	shalt  }
0x57: {  	_ =	shalt  }
0x58: {  	_ =	shalt  }
0x59: {  	_ =	shalt  }
0x5a: {  	_ =	shalt  }
0x5b: {  	_ =	shalt  }
0x5c: {  	_ =	shalt  }
0x5d: {  	_ =	shalt  }
0x5e: {  	_ =	shalt  }
0x5f: {  	_ =	shalt  }
0x60: {  	_ =	shalt  }
0x61: {  	_ =	shalt  }
0x62: {  	_ =	shalt  }
0x63: {  	_ =	shalt  }
0x64: {  	_ =	shalt  }
0x65: {  	_ =	shalt  }
0x66: {  	_ =	shalt  }
0x67: {  	_ =	shalt  }
0x68: {  	_ =	shalt  }
0x69: {  	_ =	shalt  }
0x6a: {  	_ =	shalt  }
0x6b: {  	_ =	shalt  }
0x6c: {  	_ =	shalt  }
0x6d: {  	_ =	shalt  }
0x6e: {  	_ =	shalt  }
0x6f: {  	_ =	shalt  }
0x70: {  	_ =	shalt  }
0x71: {  	_ =	shalt  }
0x72: {  	_ =	shalt  }
0x73: {  	_ =	shalt  }
0x74: {  	_ =	shalt  }
0x75: {  	_ =	shalt  }
0x76: {  	_ =	shalt  }
0x77: {  	_ =	shalt  }
0x78: {  	_ =	shalt  }
0x79: {  	_ =	shalt  }
0x7a: {  	_ =	shalt  }
0x7b: {  	_ =	shalt  }
0x7c: {  	_ =	shalt  }
0x7d: {  	_ =	shalt  }
0x7e: {  	_ =	shalt  }
0x7f: {  	_ =	shalt  }
0x80: {  	_ =	shalt  }
0x81: {  	_ =	shalt  }
0x82: {  	_ =	shalt  }
0x83: {  	_ =	shalt  }
0x84: {  	_ =	shalt  }
0x85: {  	_ =	shalt  }
0x86: {  	_ =	shalt  }
0x87: {  	_ =	shalt  }
.Lfunc_end0:
.L_simem_size_0:
called_computation.2_lowered:
.L_overlay_start_0:
0x88: {  	s2 =	sld [smem:$0x3FD9]  }
0x89: {  	s3 =	sld [smem:$0x3FFE];
	_ =	sdelay $0x1  }
0x8a: {  	s1 =	srdreg.scid  }
0x8b: {  	s0 =	sand.u32 $0x1, s1  }
0x8c: {  	s14 =	sshll.u32 s0, $0xA;
	s2 =	sadd.s32 s3, s2  }
0x8d: {  	s2 =	sadd.s32 s2, s14  }
0x8e: {  	[smem:$0x3FBF] =	sst s2  }
0x8f: {  	_ = 	snop  }
0x90: {  	s2 =	sld [smem:$0x3FD0];
	_ =	sdelay $0x2  }
0x91: {  	s15 =	simm.s32 $0xB;
	s4 =	simm.s32 $0x10  }
0x92: {  	[smem:s4], [sflag:s15] =	dma.local [hbm:s2], $0x1  }
0x93: {  	_ =	swait.eq [sflag:s15], $0x1  }
0x94: {  	[sflag:s15] =	ssyncset.done $0x0  }
0x95: {  	[sflag:s15] =	ssyncadd.s32 $0xFFFFFFFF  }
0x96: {  	s16 =	sld [smem:$0x10];
	(tm) =	ssettm $0x1  }
0x97: {  	s17 =	sld [smem:$0x3FFB];
	_ =	sdelay $0x3  }
0x98: {  	_ =	strace s17  }
0x99: {  	s3 =	sld [smem:$0x3FFC];
	_ =	sdelay $0x3  }
0x9a: {  	_ =	strace s3  }
0x9b: {  	s3 =	sld [smem:$0x3FFD];
	_ =	sdelay $0x3  }
0x9c: {  	_ =	strace s3  }
0x9d: {  	_ =	strace $0x8FFFFFFF  }
0x9e: {  	s18 =	sld [smem:$0x3FDB];
	_ =	sdelay $0x1  }
0x9f: {  	s19 =	simm.s32 $_scs_section_size  }
0xa0: {  	s5 =	simm.s32 $_size__tile_overlayer_lowered;
	s6 =	simm.s32 $_tile_overlayer_lowered  }
0xa1: {  	s22 =	simm.s32 $0x1BFF;
	s21 =	sshll.u32 s6, $0x1;
	s3 =	sadd.s32 s19, s18  }
0xa2: {  	s7 =	simm.s32 $0x0;
	s20 =	sshll.u32 s5, $0x1;
	s5 =	sadd.s32 s21, s3  }
0xa3: {  	[timem:s7], [sflag:s22] =	dma.local [hbm:s5], s20  }
0xa4: {  	_ =	swait.ge [sflag:s22], s20  }
0xa5: {  	s4 =	ssub.s32 $0x0, s20;
	[sflag:s22] =	ssyncset.done $0x0  }
0xa6: {  	[sflag:s22] =	ssyncadd.s32 s4;
	_ =	sdelay $0x1  }
0xa7: {  	s23 =	simm.s32 $0x1B8B  }
0xa8: {  	_ =	swait.ge [sflag:s23], $0x1  }
0xa9: {  	[sflag:s23] =	ssyncset.done $0x0  }
0xaa: {  	s25 =	simm.s32 $0x1B8E;
	s24 =	sld [smem:$0x3FFE];
	[sflag:s23] =	ssyncadd.s32 $0xFFFFFFFF  }
0xab: {  	s26 =	simm.s32 $execute0_lowered;
	[smem:$0x3FD2] =	sst s25  }
0xac: {  	s5 =	sshll.u32 s26, $0x1;
	_ =	strace $0x8000004C;
	[dreg:$0x1] =	wrdreg $0xFFFFFFFF  }
0xad: {  	s28 =	simm.s32 $_size_execute0_lowered;
	s3 =	sadd.s32 s3, s5;
	[dreg:$0x0] =	wrdreg $0x0  }
0xae: {  	s5 =	sshll.u32 s28, $0x1;
	[dreg:$0x2] =	wrdreg s3  }
0xaf: {  	[dreg:$0x3] =	wrdreg s5  }
0xb0: {  	[dreg:$0x4] =	wrdreg $0xC0  }
0xb1: {  	_ =	task [dreg:s7], $0x5FFFF  }
0xb2: {  	[dreg:$0x1] =	wrdreg $0xFFFFFFFF  }
0xb3: {  	[dreg:$0x0] =	wrdreg $0x60  }
0xb4: {  	[dreg:$0x2] =	wrdreg s24  }
0xb5: {  	[dreg:$0x3] =	wrdreg s16  }
0xb6: {  	[dreg:$0x4] =	wrdreg $0xA0000  }
0xb7: {  	[dreg:$0x5] =	wrdreg $0x9  }
0xb8: {  	_ =	task.clear_ibuf [dreg:s7], $0x6FFFF;
	_ =	strace $0x9000004C  }
0xb9: {  	s29 =	simm.s32 $0x9;
	_ =	strace $0x8000004E  }
0xba: {  	_ =	swait.ge [sflag:s29], $0x1  }
0xbb: {  	[sflag:s29] =	ssyncadd.s32 $0xFFFFFFFF  }
0xbc: {  	_ =	strace $0x9000004E  }
0xbd: {  	_ =	sfence  }
0xbe: {  	s30 =	sld [smem:$0x0];
	_ =	sdelay $0x2  }
0xbf: {  	s31 =	sshll.u32 s1, $0xD;
	s1 =	sshrl.u32 s1, $0x2  }
0xc0: {  	s3 =	sand.u32 $0x4000, s31;
	s1 =	sadd.s32 s1, s30  }
0xc1: {  	s0 =	sor.u32 s3, s0;
	s1 =	sshll.u32 s1, $0x11  }
0xc2: {  	s0 =	sor.u32 s1, s0  }
0xc3: {  	s0 =	sadd.s32 $0x8F2B, s0  }
0xc4: {  	[sflag:s0] =	ssyncadd.remote.s32 $0x1  }
0xc5: {  	_ =	sfence.sel $0xFFFF  }
0xc6: {  	[dreg:$0x0] =	wrdreg $0xFFFFFFFF;
	(pc) =	sbr.abs _section_cstart, $3  }
0xc7: {  	[dreg:$0x1] =	wrdreg $0xFFFFFFFF  }
0xc8: {  	_ =	task.clear_ibuf [dreg:s7], $0x2FFFF;
	_ =	strace $0x9FFFFFFF  }
0xc9: {  	(tm) =	ssettm $0x7FFFFFFF  }
tec
execute0_lowered:
.L_overlay_start_1:
0x0: {  	(tag) =	ssettag $0x1  }
0x1: {  	s0 =	rddreg [dreg:$0x0]  }
0x2: {  	s2 =	rddreg [dreg:$0x1]  }
0x3: {  	s3 =	rddreg [dreg:$0x2]  }
0x4: {  	s1 =	srdreg.scid;
	s11 =	stileid.u32;
	s4 =	simm.s32 $0x0  }
0x5: {  	s14 =	simm.s32 $0xB;
	s18 =	simm.s32 $0x9;
	s19 =	simm.s32 $0x40  }
0x6: {  	s28 =	simm.s32 $0x800;
	s29 =	simm.s32 $0x1800;
	s30 =	simm.s32 $0x8000  }
0x7: {  	s31 =	simm.s32 $0x3;
	s15 =	simm.s32 $0x0;
	s1 =	sand.u32 $0x1, s1  }
0x8: {  	s7 =	smul.u32 $0x13C00, s11;
	[smem:$0x7FF] =	sst s4;
	s5 =	sadd.s32 $0x19600, s0  }
0x9: {  	s6 =	sadd.s32 $0x3600, s0;
	s9 =	smul.u32 $0x4F000, s11;
	s22 =	sshll.u32 s11, $0x6  }
0xa: {  	s8 =	smul.u32 $0x13C000, s1;
	_ =	strace $0x8000004D;
	s10 =	sshll.u32 s1, $0x4  }
0xb: {  	s1 =	ssub.s32 $0x2, s1;
	s13 =	sor.u32 $0x1C0B, s22;
	s22 =	simm.s32 $0x4000  }
0xc: {  	s20 =	sor.u32 s11, s10;
	s21 =	sshrl.u32 s1, $0x1;
	s9 =	sshrl.u32 s9, $0x2  }
0xd: {  	[dreg:$0x5] =	wrdreg s13;
	s8 =	sadd.s32 s7, s8;
	s1 =	ssub.s32 s1, s21  }
0xe: {  	s9 =	sadd.s32 s9, s3;
	s7 =	sshrl.u32 s7, $0x3;
	s8 =	sshrl.u32 s8, $0x3  }
0xf: {  	s7 =	sadd.s32 s5, s7;
	s26 =	smax.u32 s1, $0x1;
	s10 =	sshrl.u32 s9, $0x3  }
0x10: {  	s1 =	simm.s32 $0x4;
	s9 =	simm.s32 $0x7;
	[dreg:$0x4] =	wrdreg s7  }
0x11: {  	s0 =	sadd.s32 s8, s0;
	s8 =	smul.u32 $0x5800, s20;
	[dreg:$0x9] =	wrdreg s26  }
0x12: {  	s20 =	simm.s32 $0x2000;
	s26 =	simm.s32 $0x8;
	s7 =	simm.s32 $0x6  }
.Ltmp0:
0x13: {  	[dreg:$0xa] =	wrdreg s10;
	s0 =	sadd.s32 $0x40E00, s0;
	(pc) =	sbr.rel .LBB2_1-.Ltmp0, $4  }
0x14: {  	s23 =	sshrl.u32 s8, $0x3;
	s11 =	sadd.s32 $0x800, s8;
	s12 =	sadd.s32 $0x1000, s8  }
0x15: {  	[dreg:$0x8] =	wrdreg s0;
	s0 =	simm.s32 $0x5;
	s24 =	sadd.s32 s2, s23  }
0x16: {  	s25 =	sadd.s32 s6, s23;
	s23 =	simm.s32 $0x1;
	[dreg:$0x6] =	wrdreg s24  }
0x17: {  	[dreg:$0x7] =	wrdreg s25;
	s24 =	simm.s32 $0x6000;
	s25 =	simm.s32 $0x2  }
.LBB2_11:
0x18: {  	_ =	swait.ge [sflag:s23], $0x2000  }
0x19: {  	[sflag:s23] =	ssyncset.done $0x0  }
0x1a: {  	[sflag:s23] =	ssyncadd.s32 $0xFFFFE000  }
0x1b: {  	_ =	swait.ge [sflag:s25], $0x2000  }
0x1c: {  	[sflag:s25] =	ssyncset.done $0x0  }
0x1d: {  	[sflag:s25] =	ssyncadd.s32 $0xFFFFE000  }
0x1e: {  	_ =	swait.ge [sflag:s9], $0x2000  }
0x1f: {  	[sflag:s9] =	ssyncset.done $0x0  }
0x20: {  	[sflag:s9] =	ssyncadd.s32 $0xFFFFE000  }
0x21: {  	_ =	swait.ge [sflag:s26], $0x2000  }
0x22: {  	[sflag:s26] =	ssyncset.done $0x0  }
0x23: {  	[sflag:s26] =	ssyncadd.s32 $0xFFFFE000  }
0x24: {  	[bflag:$0x0] =	sbarrier.arrive $0xFFFF  }
0x25: {  	s13 =	rddreg [dreg:$0x5]  }
0x26: {  	s8 =	rddreg [dreg:$0x8]  }
0x27: {  	s14 =	simm.s32 $0xB;
	s10 =	rddreg [dreg:$0xa]  }
0x28: {  	[hbm:s8], [sflag:s13] =	dma.local [spmem:s10], $0x2780  }
0x29: {  	_ =	swait.ge [sflag:s14], $0x2780  }
0x2a: {  	s15 =	rddreg [dreg:$0xb]  }
0x2b: {  	s21 =	rddreg [dreg:$0x9];
	s15 =	sadd.s32 $0x1, s15  }
0x2c: {  	p0 =	sne.s32 s15, s21  }
.Ltmp1:
0x2d: {  	_ = 	snop;
	(pc) =	sbr.rel @!p0 .LBB2_12-.Ltmp1, $3  }
0x2e: {  	_ =	sdelay $0x1  }
0x2f: {  	[sflag:s14] =	ssyncset.done $0x0  }
0x30: {  	[sflag:s14] =	ssyncadd.s32 $0xFFFFD880  }
.LBB2_1:
0x31: {  	[dreg:$0xb] =	wrdreg s15  }
0x32: {  	s8 =	rddreg [dreg:$0x4]  }
0x33: {  	[spmem:s10], [sflag:s13] =	dma.local [hbm:s8], $0x2780  }
0x34: {  	_ =	swait.ge [sflag:s14], $0x2780  }
0x35: {  	[sflag:s14] =	ssyncset.done $0x0  }
0x36: {  	s15 =	rddreg [dreg:$0x6];
	[sflag:s14] =	ssyncadd.s32 $0xFFFFD880  }
0x37: {  	[tilespmem:s4], [sflag:$0x9] =	stream.linear.gather [hbm4b:s15+s4], $0x800, $0x38;
	[tilespmem:$0x1DC00] =	vst v63  }
0x38: {  	s17 =	simm.s32 $0x1000;
	s16 =	rddreg [dreg:$0x7]  }
0x39: {  	[tilespmem:s17], [sflag:$0x9] =	stream.linear.gather [hbm4b:s16+s4], $0x800, $0x38;
	[tilespmem:$0x1DC00] =	vst v63  }
0x3a: {  	[bflag:$0x0] =	sbarrier.arrive $0xFFFF  }
0x3b: {  	_ =	swait.ge [sflag:s18], $0x800  }
0x3c: {  	[sflag:s18] =	ssyncset.done $0x0  }
0x3d: {  	[sflag:s18] =	ssyncadd.s32 $0xFFFFF800  }
0x3e: {  	_ =	swait.ge [sflag:s18], $0x800  }
.Ltmp2:
0x3f: {  	[sflag:s18] =	ssyncset.done $0x0;
	(pc) =	sbr.rel .LBB2_2-.Ltmp2, $4  }
0x40: {  	[sflag:s18] =	ssyncadd.s32 $0xFFFFF800  }
0x41: {  	[tilespmem:s20], [sflag:$0x1] =	stream.indirect.gather [hbm4b:s5+s19], $0x80, s4, s19, $0xb8;
	[tilespmem:$0x1DC00] =	vst v63  }
0x42: {  	s21 =	simm.s32 $0x80;
	s16 =	simm.s32 $0x0  }
0x43: {  	[tilespmem:s22], [sflag:$0x2] =	stream.indirect.gather [hbm4b:s5+s19], $0x80, s21, s19, $0xb8;
	[tilespmem:$0x1DC00] =	vst v63  }
.LBB2_10:
0x44: {  	_ =	swait.ge [sflag:s23], $0x2000  }
0x45: {  	[sflag:s23] =	ssyncset.done $0x0  }
0x46: {  	[sflag:s23] =	ssyncadd.s32 $0xFFFFE000  }
0x47: {  	[spmem:s3] =	stream.indirect.scatter.add.f32 [tilespmem:s20], [sflag:$0x5], $0x80, s29, s19, $0xb8;
	[tilespmem:$0x1DC00] =	vst v63  }
0x48: {  	_ =	swait.ge [sflag:s9], $0x2000  }
0x49: {  	[sflag:s9] =	ssyncset.done $0x0  }
0x4a: {  	s8 =	simm.s32 $0x900;
	[sflag:s9] =	ssyncadd.s32 $0xFFFFE000  }
0x4b: {  	[tilespmem:s24], [sflag:$0x3] =	stream.indirect.gather [hbm4b:s5+s19], $0x80, s8, s19, $0xb8;
	[tilespmem:$0x1DC00] =	vst v63  }
0x4c: {  	_ =	swait.ge [sflag:s25], $0x2000  }
0x4d: {  	[sflag:s25] =	ssyncset.done $0x0  }
0x4e: {  	s21 =	simm.s32 $0x1880;
	[sflag:s25] =	ssyncadd.s32 $0xFFFFE000  }
0x4f: {  	[spmem:s3] =	stream.indirect.scatter.add.f32 [tilespmem:s22], [sflag:$0x6], $0x80, s21, s19, $0xb8;
	[tilespmem:$0x1DC00] =	vst v63  }
0x50: {  	s10 =	sadd.s32 s17, s12;
	_ =	swait.ge [sflag:s26], $0x2000  }
0x51: {  	s8 =	sshrl.u32 s10, $0x3;
	[sflag:s26] =	ssyncset.done $0x0  }
0x52: {  	s10 =	sadd.s32 s2, s8;
	[sflag:s26] =	ssyncadd.s32 $0xFFFFE000  }
0x53: {  	[tilespmem:s4], [sflag:$0x9] =	stream.linear.gather [hbm4b:s10+s4], $0x800, $0x38;
	[tilespmem:$0x1DC00] =	vst v63  }
0x54: {  	s13 =	simm.s32 $0x1000;
	s8 =	sadd.s32 s6, s8  }
0x55: {  	[tilespmem:s13], [sflag:$0x9] =	stream.linear.gather [hbm4b:s8+s4], $0x800, $0x38;
	[tilespmem:$0x1DC00] =	vst v63  }
0x56: {  	s14 =	simm.s32 $0x980  }
0x57: {  	[tilespmem:s30], [sflag:$0x4] =	stream.indirect.gather [hbm4b:s5+s19], $0x80, s14, s19, $0xb8;
	[tilespmem:$0x1DC00] =	vst v63  }
0x58: {  	_ =	swait.ge [sflag:s31], $0x2000  }
0x59: {  	[sflag:s31] =	ssyncset.done $0x0  }
0x5a: {  	s15 =	simm.s32 $0x1900;
	[sflag:s31] =	ssyncadd.s32 $0xFFFFE000  }
0x5b: {  	[spmem:s3] =	stream.indirect.scatter.add.f32 [tilespmem:s24], [sflag:$0x7], $0x80, s15, s19, $0xb8;
	[tilespmem:$0x1DC00] =	vst v63  }
0x5c: {  	_ =	swait.ge [sflag:s0], $0x2000  }
0x5d: {  	[sflag:s0] =	ssyncset.done $0x0  }
0x5e: {  	s17 =	simm.s32 $0xA00;
	[sflag:s0] =	ssyncadd.s32 $0xFFFFE000  }
0x5f: {  	[tilespmem:s20], [sflag:$0x1] =	stream.indirect.gather [hbm4b:s5+s19], $0x80, s17, s19, $0xb8;
	[tilespmem:$0x1DC00] =	vst v63  }
0x60: {  	_ =	swait.ge [sflag:s1], $0x2000  }
0x61: {  	[sflag:s1] =	ssyncset.done $0x0  }
0x62: {  	s21 =	simm.s32 $0x1980;
	[sflag:s1] =	ssyncadd.s32 $0xFFFFE000  }
0x63: {  	[spmem:s3] =	stream.indirect.scatter.add.f32 [tilespmem:s30], [sflag:$0x8], $0x80, s21, s19, $0xb8;
	[tilespmem:$0x1DC00] =	vst v63  }
0x64: {  	_ =	swait.ge [sflag:s7], $0x2000  }
0x65: {  	[sflag:s7] =	ssyncset.done $0x0  }
0x66: {  	s10 =	simm.s32 $0xA80;
	[sflag:s7] =	ssyncadd.s32 $0xFFFFE000  }
0x67: {  	[tilespmem:s22], [sflag:$0x2] =	stream.indirect.gather [hbm4b:s5+s19], $0x80, s10, s19, $0xb8;
	[tilespmem:$0x1DC00] =	vst v63  }
0x68: {  	_ =	swait.ge [sflag:s23], $0x2000  }
0x69: {  	[sflag:s23] =	ssyncset.done $0x0  }
0x6a: {  	s13 =	simm.s32 $0x1A00;
	[sflag:s23] =	ssyncadd.s32 $0xFFFFE000  }
0x6b: {  	[spmem:s3] =	stream.indirect.scatter.add.f32 [tilespmem:s20], [sflag:$0x5], $0x80, s13, s19, $0xb8;
	[tilespmem:$0x1DC00] =	vst v63  }
0x6c: {  	_ =	swait.ge [sflag:s9], $0x2000  }
0x6d: {  	[sflag:s9] =	ssyncset.done $0x0  }
0x6e: {  	s14 =	simm.s32 $0xB00;
	[sflag:s9] =	ssyncadd.s32 $0xFFFFE000  }
0x6f: {  	[tilespmem:s24], [sflag:$0x3] =	stream.indirect.gather [hbm4b:s5+s19], $0x80, s14, s19, $0xb8;
	[tilespmem:$0x1DC00] =	vst v63  }
0x70: {  	_ =	swait.ge [sflag:s25], $0x2000  }
0x71: {  	[sflag:s25] =	ssyncset.done $0x0  }
0x72: {  	s15 =	simm.s32 $0x1A80;
	[sflag:s25] =	ssyncadd.s32 $0xFFFFE000  }
0x73: {  	[spmem:s3] =	stream.indirect.scatter.add.f32 [tilespmem:s22], [sflag:$0x6], $0x80, s15, s19, $0xb8;
	[tilespmem:$0x1DC00] =	vst v63  }
0x74: {  	_ =	swait.ge [sflag:s26], $0x2000  }
0x75: {  	[sflag:s26] =	ssyncset.done $0x0  }
0x76: {  	s17 =	simm.s32 $0xB80;
	[sflag:s26] =	ssyncadd.s32 $0xFFFFE000  }
0x77: {  	[tilespmem:s30], [sflag:$0x4] =	stream.indirect.gather [hbm4b:s5+s19], $0x80, s17, s19, $0xb8;
	[tilespmem:$0x1DC00] =	vst v63  }
0x78: {  	_ =	swait.ge [sflag:s31], $0x2000  }
0x79: {  	[sflag:s31] =	ssyncset.done $0x0  }
0x7a: {  	s21 =	simm.s32 $0x1B00;
	[sflag:s31] =	ssyncadd.s32 $0xFFFFE000  }
0x7b: {  	[spmem:s3] =	stream.indirect.scatter.add.f32 [tilespmem:s24], [sflag:$0x7], $0x80, s21, s19, $0xb8;
	[tilespmem:$0x1DC00] =	vst v63  }
0x7c: {  	_ =	swait.ge [sflag:s0], $0x2000  }
0x7d: {  	[sflag:s0] =	ssyncset.done $0x0  }
0x7e: {  	s10 =	simm.s32 $0xC00;
	[sflag:s0] =	ssyncadd.s32 $0xFFFFE000  }
0x7f: {  	[tilespmem:s20], [sflag:$0x1] =	stream.indirect.gather [hbm4b:s5+s19], $0x80, s10, s19, $0xb8;
	[tilespmem:$0x1DC00] =	vst v63  }
0x80: {  	_ =	swait.ge [sflag:s1], $0x2000  }
0x81: {  	[sflag:s1] =	ssyncset.done $0x0  }
0x82: {  	s13 =	simm.s32 $0x1B80;
	[sflag:s1] =	ssyncadd.s32 $0xFFFFE000  }
0x83: {  	[spmem:s3] =	stream.indirect.scatter.add.f32 [tilespmem:s30], [sflag:$0x8], $0x80, s13, s19, $0xb8;
	[tilespmem:$0x1DC00] =	vst v63  }
0x84: {  	_ =	swait.ge [sflag:s7], $0x2000  }
0x85: {  	[sflag:s7] =	ssyncset.done $0x0  }
0x86: {  	s14 =	simm.s32 $0xC80;
	[sflag:s7] =	ssyncadd.s32 $0xFFFFE000  }
0x87: {  	[tilespmem:s22], [sflag:$0x2] =	stream.indirect.gather [hbm4b:s5+s19], $0x80, s14, s19, $0xb8;
	[tilespmem:$0x1DC00] =	vst v63  }
0x88: {  	_ =	swait.ge [sflag:s23], $0x2000  }
0x89: {  	[sflag:s23] =	ssyncset.done $0x0  }
0x8a: {  	s15 =	simm.s32 $0x1C00;
	[sflag:s23] =	ssyncadd.s32 $0xFFFFE000  }
0x8b: {  	[spmem:s3] =	stream.indirect.scatter.add.f32 [tilespmem:s20], [sflag:$0x5], $0x80, s15, s19, $0xb8;
	[tilespmem:$0x1DC00] =	vst v63  }
0x8c: {  	_ =	swait.ge [sflag:s9], $0x2000  }
0x8d: {  	[sflag:s9] =	ssyncset.done $0x0  }
0x8e: {  	s17 =	simm.s32 $0xD00;
	[sflag:s9] =	ssyncadd.s32 $0xFFFFE000  }
0x8f: {  	[tilespmem:s24], [sflag:$0x3] =	stream.indirect.gather [hbm4b:s5+s19], $0x80, s17, s19, $0xb8;
	[tilespmem:$0x1DC00] =	vst v63  }
0x90: {  	_ =	swait.ge [sflag:s25], $0x2000  }
0x91: {  	[sflag:s25] =	ssyncset.done $0x0  }
0x92: {  	s21 =	simm.s32 $0x1C80;
	[sflag:s25] =	ssyncadd.s32 $0xFFFFE000  }
0x93: {  	[spmem:s3] =	stream.indirect.scatter.add.f32 [tilespmem:s22], [sflag:$0x6], $0x80, s21, s19, $0xb8;
	[tilespmem:$0x1DC00] =	vst v63  }
0x94: {  	_ =	swait.ge [sflag:s26], $0x2000  }
0x95: {  	[sflag:s26] =	ssyncset.done $0x0  }
0x96: {  	s10 =	simm.s32 $0xD80;
	[sflag:s26] =	ssyncadd.s32 $0xFFFFE000  }
0x97: {  	[tilespmem:s30], [sflag:$0x4] =	stream.indirect.gather [hbm4b:s5+s19], $0x80, s10, s19, $0xb8;
	[tilespmem:$0x1DC00] =	vst v63  }
0x98: {  	_ =	swait.ge [sflag:s31], $0x2000  }
0x99: {  	[sflag:s31] =	ssyncset.done $0x0  }
0x9a: {  	s13 =	simm.s32 $0x1D00;
	[sflag:s31] =	ssyncadd.s32 $0xFFFFE000  }
0x9b: {  	[spmem:s3] =	stream.indirect.scatter.add.f32 [tilespmem:s24], [sflag:$0x7], $0x80, s13, s19, $0xb8;
	[tilespmem:$0x1DC00] =	vst v63  }
0x9c: {  	_ =	swait.ge [sflag:s0], $0x2000  }
0x9d: {  	[sflag:s0] =	ssyncset.done $0x0  }
0x9e: {  	s14 =	simm.s32 $0xE00;
	[sflag:s0] =	ssyncadd.s32 $0xFFFFE000  }
0x9f: {  	[tilespmem:s20], [sflag:$0x1] =	stream.indirect.gather [hbm4b:s5+s19], $0x80, s14, s19, $0xb8;
	[tilespmem:$0x1DC00] =	vst v63  }
0xa0: {  	_ =	swait.ge [sflag:s1], $0x2000  }
0xa1: {  	[sflag:s1] =	ssyncset.done $0x0  }
0xa2: {  	s15 =	simm.s32 $0x1D80;
	[sflag:s1] =	ssyncadd.s32 $0xFFFFE000  }
0xa3: {  	[spmem:s3] =	stream.indirect.scatter.add.f32 [tilespmem:s30], [sflag:$0x8], $0x80, s15, s19, $0xb8;
	[tilespmem:$0x1DC00] =	vst v63  }
0xa4: {  	_ =	swait.ge [sflag:s7], $0x2000  }
0xa5: {  	[sflag:s7] =	ssyncset.done $0x0  }
0xa6: {  	s17 =	simm.s32 $0xE80;
	[sflag:s7] =	ssyncadd.s32 $0xFFFFE000  }
0xa7: {  	[tilespmem:s22], [sflag:$0x2] =	stream.indirect.gather [hbm4b:s5+s19], $0x80, s17, s19, $0xb8;
	[tilespmem:$0x1DC00] =	vst v63  }
0xa8: {  	_ =	swait.ge [sflag:s23], $0x2000  }
0xa9: {  	[sflag:s23] =	ssyncset.done $0x0  }
0xaa: {  	s21 =	simm.s32 $0x1E00;
	[sflag:s23] =	ssyncadd.s32 $0xFFFFE000  }
0xab: {  	[spmem:s3] =	stream.indirect.scatter.add.f32 [tilespmem:s20], [sflag:$0x5], $0x80, s21, s19, $0xb8;
	[tilespmem:$0x1DC00] =	vst v63  }
0xac: {  	_ =	swait.ge [sflag:s9], $0x2000  }
0xad: {  	[sflag:s9] =	ssyncset.done $0x0  }
0xae: {  	s10 =	simm.s32 $0xF00;
	[sflag:s9] =	ssyncadd.s32 $0xFFFFE000  }
0xaf: {  	[tilespmem:s24], [sflag:$0x3] =	stream.indirect.gather [hbm4b:s5+s19], $0x80, s10, s19, $0xb8;
	[tilespmem:$0x1DC00] =	vst v63  }
0xb0: {  	_ =	swait.ge [sflag:s25], $0x2000  }
0xb1: {  	[sflag:s25] =	ssyncset.done $0x0  }
0xb2: {  	s13 =	simm.s32 $0x1E80;
	[sflag:s25] =	ssyncadd.s32 $0xFFFFE000  }
0xb3: {  	[spmem:s3] =	stream.indirect.scatter.add.f32 [tilespmem:s22], [sflag:$0x6], $0x80, s13, s19, $0xb8;
	[tilespmem:$0x1DC00] =	vst v63  }
0xb4: {  	_ =	swait.ge [sflag:s26], $0x2000  }
0xb5: {  	[sflag:s26] =	ssyncset.done $0x0  }
0xb6: {  	[sflag:s26] =	ssyncadd.s32 $0xFFFFE000  }
0xb7: {  	_ =	swait.ge [sflag:s18], $0x800  }
0xb8: {  	[sflag:s18] =	ssyncset.done $0x0  }
0xb9: {  	[sflag:s18] =	ssyncadd.s32 $0xFFFFF800  }
0xba: {  	_ =	swait.ge [sflag:s18], $0x800  }
0xbb: {  	[sflag:s18] =	ssyncset.done $0x0  }
0xbc: {  	s14 =	simm.s32 $0xF80;
	[sflag:s18] =	ssyncadd.s32 $0xFFFFF800  }
0xbd: {  	[tilespmem:s30], [sflag:$0x4] =	stream.indirect.gather [hbm4b:s5+s19], $0x80, s14, s19, $0xb8;
	[tilespmem:$0x1DC00] =	vst v63  }
0xbe: {  	_ =	swait.ge [sflag:s31], $0x2000  }
0xbf: {  	[sflag:s31] =	ssyncset.done $0x0  }
0xc0: {  	s15 =	simm.s32 $0x1F00;
	[sflag:s31] =	ssyncadd.s32 $0xFFFFE000  }
0xc1: {  	[spmem:s3] =	stream.indirect.scatter.add.f32 [tilespmem:s24], [sflag:$0x7], $0x80, s15, s19, $0xb8;
	[tilespmem:$0x1DC00] =	vst v63  }
0xc2: {  	_ =	swait.ge [sflag:s0], $0x2000  }
0xc3: {  	[sflag:s0] =	ssyncset.done $0x0  }
0xc4: {  	[sflag:s0] =	ssyncadd.s32 $0xFFFFE000  }
0xc5: {  	[tilespmem:s20], [sflag:$0x1] =	stream.indirect.gather [hbm4b:s5+s19], $0x80, s4, s19, $0xb8;
	[tilespmem:$0x1DC00] =	vst v63  }
0xc6: {  	_ =	swait.ge [sflag:s1], $0x2000  }
0xc7: {  	s16 =	sadd.s32 $0x1, s16;
	[sflag:s1] =	ssyncset.done $0x0  }
0xc8: {  	p0 =	sne.s32 s16, $0x5;
	s17 =	simm.s32 $0x1F80;
	[sflag:s1] =	ssyncadd.s32 $0xFFFFE000  }
0xc9: {  	[spmem:s3] =	stream.indirect.scatter.add.f32 [tilespmem:s30], [sflag:$0x8], $0x80, s17, s19, $0xb8;
	[tilespmem:$0x1DC00] =	vst v63  }
.Ltmp3:
0xca: {  	_ = 	snop;
	(pc) =	sbr.rel @!p0 .LBB2_11-.Ltmp3, $4  }
0xcb: {  	_ =	swait.ge [sflag:s7], $0x2000  }
0xcc: {  	[sflag:s7] =	ssyncset.done $0x0  }
0xcd: {  	s21 =	simm.s32 $0x80;
	[sflag:s7] =	ssyncadd.s32 $0xFFFFE000  }
0xce: {  	[tilespmem:s22], [sflag:$0x2] =	stream.indirect.gather [hbm4b:s5+s19], $0x80, s21, s19, $0xb8;
	[tilespmem:$0x1DC00] =	vst v63  }
.LBB2_2:
.Ltmp4:
0xcf: {  	(pc) =	sbr.rel .LBB2_3-.Ltmp4, $4  }
0xd0: {  	s17 =	sshll.u32 s16, $0xC  }
0xd1: {  	s8 =	sadd.s32 s17, s11  }
0xd2: {  	s13 =	simm.s32 $0x0;
	s8 =	sshrl.u32 s8, $0x3  }
0xd3: {  	s14 =	simm.s32 $0x0;
	s21 =	sadd.s32 s2, s8;
	s10 =	sadd.s32 s6, s8  }
.LBB2_8:
0xd4: {  	p1 =	sne.s32 s13, $0x1800  }
0xd5: {  	s15 =	simm.s32 @!p1 $0xA  }
0xd6: {  	_ =	swait.ge @!p1 [sflag:s15], $0x800  }
0xd7: {  	[sflag:s15] =	ssyncset.done @!p1 $0x0  }
0xd8: {  	[sflag:s15] =	ssyncadd.s32 @!p1 $0xFFFFF800  }
0xd9: {  	_ =	swait.ge @!p1 [sflag:s15], $0x800  }
0xda: {  	p0 =	por $0x0, $0x0;
	p2 =	por @!p1 $0x1, $0x1;
	[sflag:s15] =	ssyncset.done @!p1 $0x0  }
0xdb: {  	p0 =	por @!p1 p2, p2;
	[sflag:s15] =	ssyncadd.s32 @!p1 $0xFFFFF800  }
.LBB2_9:
0xdc: {  	s15 =	sadd.s32 $0x180, s8  }
0xdd: {  	[tilespmem:s30], [sflag:$0x4] =	stream.indirect.gather [hbm4b:s5+s19], $0x80, s15, s19, $0xb8;
	[tilespmem:$0x1DC00] =	vst v63  }
0xde: {  	_ =	swait.ge [sflag:s31], $0x2000  }
0xdf: {  	[sflag:s31] =	ssyncset.done $0x0  }
0xe0: {  	s15 =	sadd.s32 $0x1100, s8;
	[sflag:s31] =	ssyncadd.s32 $0xFFFFE000  }
0xe1: {  	[spmem:s3] =	stream.indirect.scatter.add.f32 [tilespmem:s24], [sflag:$0x7], $0x80, s15, s19, $0xb8;
	[tilespmem:$0x1DC00] =	vst v63  }
0xe2: {  	_ =	swait.ge [sflag:s0], $0x2000  }
0xe3: {  	s15 =	sadd.s32 $0x200, s8;
	[sflag:s0] =	ssyncset.done $0x0  }
0xe4: {  	s15 =	simm.s32 @p0 $0x800;
	[sflag:s0] =	ssyncadd.s32 $0xFFFFE000  }
0xe5: {  	[tilespmem:s20], [sflag:$0x1] =	stream.indirect.gather [hbm4b:s5+s19], $0x80, s15, s19, $0xb8;
	[tilespmem:$0x1DC00] =	vst v63  }
0xe6: {  	s13 =	sadd.s32 $0x800, s13;
	_ =	swait.ge [sflag:s1], $0x2000  }
0xe7: {  	s15 =	sadd.s32 $0x1180, s8;
	s8 =	sadd.s32 $0x280, s8;
	[sflag:s1] =	ssyncset.done $0x0  }
0xe8: {  	s8 =	simm.s32 @p0 $0x880;
	p0 =	sne.s32 s13, $0x2000;
	[sflag:s1] =	ssyncadd.s32 $0xFFFFE000  }
0xe9: {  	[spmem:s3] =	stream.indirect.scatter.add.f32 [tilespmem:s30], [sflag:$0x8], $0x80, s15, s19, $0xb8;
	[tilespmem:$0x1DC00] =	vst v63  }
.Ltmp5:
0xea: {  	_ = 	snop;
	(pc) =	sbr.rel @!p0 .LBB2_10-.Ltmp5, $4  }
0xeb: {  	_ =	swait.ge [sflag:s7], $0x2000  }
0xec: {  	[sflag:s7] =	ssyncset.done $0x0  }
0xed: {  	s14 =	sadd.s32 $0x1, s14;
	[sflag:s7] =	ssyncadd.s32 $0xFFFFE000  }
0xee: {  	[tilespmem:s22], [sflag:$0x2] =	stream.indirect.gather [hbm4b:s5+s19], $0x80, s8, s19, $0xb8;
	[tilespmem:$0x1DC00] =	vst v63  }
.LBB2_3:
0xef: {  	_ =	swait.ge [sflag:s23], $0x2000  }
0xf0: {  	s8 =	sshra.s32 s13, $0x2;
	[sflag:s23] =	ssyncset.done $0x0  }
0xf1: {  	s15 =	sadd.s32 $0x1000, s8;
	[sflag:s23] =	ssyncadd.s32 $0xFFFFE000  }
0xf2: {  	[spmem:s3] =	stream.indirect.scatter.add.f32 [tilespmem:s20], [sflag:$0x5], $0x80, s15, s19, $0xb8;
	[tilespmem:$0x1DC00] =	vst v63  }
0xf3: {  	s15 =	sor.u32 s16, s14  }
0xf4: {  	p0 =	seq.s32 s15, $0x0  }
0xf5: {  	s15 =	simm.s32 @!p0 $0x7  }
0xf6: {  	_ =	swait.ge @!p0 [sflag:s15], $0x2000  }
0xf7: {  	[sflag:s15] =	ssyncset.done @!p0 $0x0  }
0xf8: {  	p3 =	sne.s32 s13, $0x0;
	[sflag:s15] =	ssyncadd.s32 @!p0 $0xFFFFE000;
	s15 =	sadd.s32 $0x100, s8  }
0xf9: {  	[tilespmem:s24], [sflag:$0x3] =	stream.indirect.gather [hbm4b:s5+s19], $0x80, s15, s19, $0xb8;
	[tilespmem:$0x1DC00] =	vst v63  }
.Ltmp6:
0xfa: {  	_ = 	snop;
	(pc) =	sbr.rel @!p3 .LBB2_4-.Ltmp6, $4  }
0xfb: {  	_ =	swait.ge [sflag:s25], $0x2000  }
0xfc: {  	p2 =	seq.s32 s13, $0x0;
	p1 =	por $0x0, $0x0;
	[sflag:s25] =	ssyncset.done $0x0  }
0xfd: {  	p1 =	por @!p0 p2, p2;
	s15 =	sadd.s32 $0x1080, s8;
	[sflag:s25] =	ssyncadd.s32 $0xFFFFE000  }
0xfe: {  	[spmem:s3] =	stream.indirect.scatter.add.f32 [tilespmem:s22], [sflag:$0x6], $0x80, s15, s19, $0xb8;
	[tilespmem:$0x1DC00] =	vst v63  }
.Ltmp7:
0xff: {  	(pc) =	sbr.rel @!p1 .LBB2_8-.Ltmp7, $4  }
.Ltmp8:
0x100: {  	(pc) =	sbr.rel @p1 .LBB2_6-.Ltmp8, $4  }
0x101: {  	_ =	swait.ge [sflag:s26], $0x2000  }
0x102: {  	[sflag:s26] =	ssyncset.done $0x0  }
0x103: {  	[sflag:s26] =	ssyncadd.s32 $0xFFFFE000  }
0x104: {  	_ = 	snop  }
.LBB2_4:
.Ltmp9:
0x105: {  	(pc) =	sbr.rel @!p1 .LBB2_7-.Ltmp9, $1  }
0x106: {  	_ =	sdelay $0x3  }
.LBB2_6:
0x107: {  	_ =	swait.ge [sflag:s26], $0x2000  }
0x108: {  	[sflag:s26] =	ssyncset.done $0x0  }
0x109: {  	[sflag:s26] =	ssyncadd.s32 $0xFFFFE000  }
.LBB2_7:
.Ltmp10:
0x10a: {  	(pc) =	sbr.rel .LBB2_9-.Ltmp10, $4  }
0x10b: {  	_ = 	snop  }
0x10c: {  	[tilespmem:s28], [sflag:$0xA] =	stream.linear.gather [hbm4b:s21+s4], $0x800, $0x38;
	[tilespmem:$0x1DC00] =	vst v63  }
0x10d: {  	p0 =	seq.s32 s13, $0x1800  }
0x10e: {  	[tilespmem:s29], [sflag:$0xA] =	stream.linear.gather [hbm4b:s10+s4], $0x800, $0x38;
	[tilespmem:$0x1DC00] =	vst v63  }
.LBB2_12:
0x10f: {  	_ =	sfence.sel $0x180000  }
0x110: {  	[bflag:$0x0] =	sbarrier.arrive $0xFFFF  }
0x111: {  	_ =	strace $0x9000004D  }
0x112: {  	s0 =	stileid.u32;
	[bflag:$0x2] =	sbarrier.arrive $0xFFFF  }
0x113: {  	p0 =	sne.s32 s0, $0x0;
	s0 =	rddreg [dreg:$0x3]  }
0x114: {  	s0 =	sadd.s32 @!p0 $0x100000, s0  }
0x115: {  	[sflag:s0] =	ssyncadd.tile.s32 @!p0 $0x1;
	_ =	shalt  }
.Lfunc_end2:
_tile_overlayer_lowered:
.L_overlay_start_2:
0x116: {  	(tag) =	ssettag $0x2  }
0x117: {  	s0 =	rddreg [dreg:$0x0];
	s2 =	stileid.u32  }
0x118: {  	s1 =	rddreg [dreg:$0x1];
	p0 =	sne.s32 s2, $0x0  }
0x119: {  	s3 =	rddreg [dreg:$0x2];
	[bflag:$0x3] =	sbarrier.arrive $0xFFFF;
	s2 =	simm.s32 @!p0 $0x1C0B  }
0x11a: {  	[timem:s3], [sflag:s2] =	dma.local @!p0 [hbm:s0], s1  }
0x11b: {  	s0 =	simm.s32 @!p0 $0xB  }
0x11c: {  	_ =	swait.ge @!p0 [sflag:s0], s1  }
0x11d: {  	s1 =	ssub.s32 @!p0 $0x0, s1;
	[sflag:s0] =	ssyncset.done @!p0 $0x0  }
0x11e: {  	[sflag:s0] =	ssyncadd.s32 @!p0 s1  }
0x11f: {  	[bflag:$0x3] =	sbarrier.arrive $0xFFFF  }
0x120: {  	_ =	shalt  }

// kernel: kernel.18.cloned.1.call-start
scs
__scs_entry_jumppad:
0x0: {  	(pc) =	sbr.rel $0x88, $3  }
0x1: {  	(tag) =	ssettag $0x0;
	lr =	simm.s32 $0x1  }
0x2: {  	[smem:$0x3F98] =	sst lr;
	_ =	strace $0xD0000000  }
0x3: {  	_ = 	snop  }
0x4: {  	_ = 	snop  }
0x5: {  	_ = 	snop  }
0x6: {  	_ = 	snop  }
0x7: {  	_ = 	snop  }
__scs_overlays_trampoline_lowered:
0x8: {  	[smem:$0x3FA7] =	sst s0  }
0x9: {  	[smem:$0x3FA8] =	sst s1  }
0xa: {  	[smem:$0x3FA9] =	sst s2  }
0xb: {  	[smem:$0x3FAA] =	sst s3  }
0xc: {  	[smem:$0x3FAB] =	sst s4  }
0xd: {  	[smem:$0x3FAC] =	sst s5  }
0xe: {  	[smem:$0x3FAD] =	sst s6  }
0xf: {  	[smem:$0x3FAE] =	sst s7  }
0x10: {  	[smem:$0x3FAF] =	sst s8  }
0x11: {  	[smem:$0x3FB0] =	sst s9;
	s0 =	simm.s32 @!p0 $0x0  }
0x12: {  	s1 =	sld [smem:$0x3F96];
	s0 =	simm.s32 @p0 $0x1  }
0x13: {  	[smem:$0x3FB1] =	sst s0;
	s0 =	simm.s32 @!p1 $0x0  }
0x14: {  	s2 =	sld [smem:$0x3F95];
	s0 =	simm.s32 @p1 $0x1  }
0x15: {  	[smem:$0x3FB2] =	sst s0;
	s0 =	simm.s32 @!p2 $0x0  }
0x16: {  	s3 =	sld [smem:$0x3FDB];
	s0 =	simm.s32 @p2 $0x1  }
0x17: {  	s4 =	simm.s32 $0x1BF5;
	[smem:$0x3FB4] =	sst s0  }
0x18: {  	s0 =	sld [smem:$0x3F97];
	_ =	swait.ge [sflag:s4], $0x0  }
0x19: {  	s7 =	sld [smem:$0x3F98]  }
0x1a: {  	s8 =	sadd.s32 $0xFFFFE003, lr  }
0x1b: {  	s9 =	sadd.s32 $0xFFFFFEF7, lr;
	s5 =	simm.s32 $0xFFFFFFFF;
	p2 =	slt.u32 s8, $0xFFFFF086  }
0x1c: {  	p1 =	slt.u32 s9, $0xF7A;
	s5 =	simm.s32 @!p2 $0x0  }
0x1d: {  	s5 =	simm.s32 @p1 $0x1;
	p0 =	seq.s32 s7, s2  }
0x1e: {  	s7 =	smul.u32 @!p0 $0xF7A, s2;
	p2 =	seq.s32 @!p0 s5, $0x0  }
0x1f: {  	s9 =	smul.u32 $0xF7A, s1;
	s8 =	simm.s32 @!p0 $0x1BF5;
	p2 =	por !p2, p0  }
0x20: {  	[sflag:s8] =	ssyncset.s32 @!p0 $0xFFFFF086;
	s6 =	sadd.s32 @!p0 s3, s7;
	s7 =	simm.s32 @!p0 $0x108  }
0x21: {  	s3 =	sadd.s32 s3, s9;
	s6 =	sadd.s32 @!p0 $0x88, s6;
	s7 =	simm.s32 @p2 $0x1082  }
0x22: {  	[simem:s7], [sflag:s8] =	dma.local @!p0 [hbm:s6], $0xF7A  }
0x23: {  	s9 =	sor.u32 $0xD0000000, s2;
	s6 =	simm.s32 $0x108;
	_ =	swait.ge @!p0 [sflag:s8], $0x0  }
0x24: {  	s3 =	sadd.s32 $0x88, s3;
	s6 =	simm.s32 @!p1 $0x1082;
	[sflag:s4] =	ssyncset.s32 $0xFFFFF086  }
0x25: {  	[simem:s6], [sflag:s4] =	dma.local [hbm:s3], $0xF7A  }
0x26: {  	[smem:$0x3F98] =	sst s1;
	(tag) =	ssettag s2;
	_ =	strace s9  }
0x27: {  	s1 =	sld [smem:$0x3FA8]  }
0x28: {  	s2 =	sld [smem:$0x3FA9]  }
0x29: {  	s4 =	sld [smem:$0x3FAB]  }
0x2a: {  	p0 =	seq.s32 s5, $0x0;
	s5 =	sld [smem:$0x3FAC]  }
0x2b: {  	s6 =	sld [smem:$0x3FAD]  }
0x2c: {  	s7 =	sld [smem:$0x3FAE]  }
0x2d: {  	s3 =	simm.s32 $0x108;
	s8 =	sld [smem:$0x3FAF]  }
0x2e: {  	s3 =	simm.s32 @!p0 $0x1082;
	s9 =	sld [smem:$0x3FB0]  }
0x2f: {  	lr =	sadd.s32 s0, s3;
	s0 =	sld [smem:$0x3FA7]  }
0x30: {  	s3 =	sld [smem:$0x3FAA]  }
0x31: {  	[smem:$0x3FB3] =	sst s10  }
0x32: {  	s10 =	sld [smem:$0x3FB1];
	_ =	sdelay $0x3  }
0x33: {  	p0 =	seq.s32 s10, $0x1;
	s10 =	sld [smem:$0x3FB3];
	_ =	sdelay $0x3  }
0x34: {  	[smem:$0x3FB3] =	sst s10  }
0x35: {  	s10 =	sld [smem:$0x3FB2];
	_ =	sdelay $0x3  }
0x36: {  	p1 =	seq.s32 s10, $0x1;
	s10 =	sld [smem:$0x3FB3];
	_ =	sdelay $0x3  }
0x37: {  	[smem:$0x3FB3] =	sst s10  }
0x38: {  	s10 =	sld [smem:$0x3FB4]  }
0x39: {  	_ = 	snop;
	(pc) =	sbr.ind lr, $3  }
0x3a: {  	_ = 	snop  }
0x3b: {  	_ = 	snop  }
0x3c: {  	p2 =	seq.s32 s10, $0x1;
	s10 =	sld [smem:$0x3FB3]  }
0x3d: {  	_ =	shalt  }
0x3e: {  	_ =	shalt  }
0x3f: {  	_ =	shalt  }
0x40: {  	_ =	shalt  }
0x41: {  	_ =	shalt  }
0x42: {  	_ =	shalt  }
0x43: {  	_ =	shalt  }
0x44: {  	_ =	shalt  }
0x45: {  	_ =	shalt  }
0x46: {  	_ =	shalt  }
0x47: {  	_ =	shalt  }
0x48: {  	_ =	shalt  }
0x49: {  	_ =	shalt  }
0x4a: {  	_ =	shalt  }
0x4b: {  	_ =	shalt  }
0x4c: {  	_ =	shalt  }
0x4d: {  	_ =	shalt  }
0x4e: {  	_ =	shalt  }
0x4f: {  	_ =	shalt  }
0x50: {  	_ =	shalt  }
0x51: {  	_ =	shalt  }
0x52: {  	_ =	shalt  }
0x53: {  	_ =	shalt  }
0x54: {  	_ =	shalt  }
0x55: {  	_ =	shalt  }
0x56: {  	_ =	shalt  }
0x57: {  	_ =	shalt  }
0x58: {  	_ =	shalt  }
0x59: {  	_ =	shalt  }
0x5a: {  	_ =	shalt  }
0x5b: {  	_ =	shalt  }
0x5c: {  	_ =	shalt  }
0x5d: {  	_ =	shalt  }
0x5e: {  	_ =	shalt  }
0x5f: {  	_ =	shalt  }
0x60: {  	_ =	shalt  }
0x61: {  	_ =	shalt  }
0x62: {  	_ =	shalt  }
0x63: {  	_ =	shalt  }
0x64: {  	_ =	shalt  }
0x65: {  	_ =	shalt  }
0x66: {  	_ =	shalt  }
0x67: {  	_ =	shalt  }
0x68: {  	_ =	shalt  }
0x69: {  	_ =	shalt  }
0x6a: {  	_ =	shalt  }
0x6b: {  	_ =	shalt  }
0x6c: {  	_ =	shalt  }
0x6d: {  	_ =	shalt  }
0x6e: {  	_ =	shalt  }
0x6f: {  	_ =	shalt  }
0x70: {  	_ =	shalt  }
0x71: {  	_ =	shalt  }
0x72: {  	_ =	shalt  }
0x73: {  	_ =	shalt  }
0x74: {  	_ =	shalt  }
0x75: {  	_ =	shalt  }
0x76: {  	_ =	shalt  }
0x77: {  	_ =	shalt  }
0x78: {  	_ =	shalt  }
0x79: {  	_ =	shalt  }
0x7a: {  	_ =	shalt  }
0x7b: {  	_ =	shalt  }
0x7c: {  	_ =	shalt  }
0x7d: {  	_ =	shalt  }
0x7e: {  	_ =	shalt  }
0x7f: {  	_ =	shalt  }
0x80: {  	_ =	shalt  }
0x81: {  	_ =	shalt  }
0x82: {  	_ =	shalt  }
0x83: {  	_ =	shalt  }
0x84: {  	_ =	shalt  }
0x85: {  	_ =	shalt  }
0x86: {  	_ =	shalt  }
0x87: {  	_ =	shalt  }
.Lfunc_end0:
.L_simem_size_0:
called_computation.3_lowered:
.L_overlay_start_0:
0x88: {  	s2 =	sld [smem:$0x3FD9]  }
0x89: {  	s3 =	sld [smem:$0x3FFE];
	_ =	sdelay $0x1  }
0x8a: {  	s1 =	srdreg.scid  }
0x8b: {  	s0 =	sand.u32 $0x1, s1  }
0x8c: {  	s16 =	sshll.u32 s0, $0xA;
	s2 =	sadd.s32 s3, s2  }
0x8d: {  	s2 =	sadd.s32 s2, s16  }
0x8e: {  	[smem:$0x3FBF] =	sst s2  }
0x8f: {  	_ = 	snop  }
0x90: {  	(tm) =	ssettm $0x1  }
0x91: {  	s17 =	sld [smem:$0x3FFB];
	_ =	sdelay $0x3  }
0x92: {  	_ =	strace s17  }
0x93: {  	s2 =	sld [smem:$0x3FFC];
	_ =	sdelay $0x3  }
0x94: {  	_ =	strace s2  }
0x95: {  	s2 =	sld [smem:$0x3FFD];
	_ =	sdelay $0x3  }
0x96: {  	_ =	strace s2  }
0x97: {  	_ =	strace $0x8FFFFFFF  }
0x98: {  	s18 =	sld [smem:$0x3FDB];
	_ =	sdelay $0x1  }
0x99: {  	s19 =	simm.s32 $_scs_section_size  }
0x9a: {  	s4 =	simm.s32 $_size__tile_overlayer_lowered;
	s5 =	simm.s32 $_tile_overlayer_lowered  }
0x9b: {  	s22 =	simm.s32 $0x1BFF;
	s21 =	sshll.u32 s5, $0x1;
	s2 =	sadd.s32 s19, s18  }
0x9c: {  	s6 =	simm.s32 $0x0;
	s20 =	sshll.u32 s4, $0x1;
	s4 =	sadd.s32 s21, s2  }
0x9d: {  	[timem:s6], [sflag:s22] =	dma.local [hbm:s4], s20  }
0x9e: {  	_ =	swait.ge [sflag:s22], s20  }
0x9f: {  	s3 =	ssub.s32 $0x0, s20;
	[sflag:s22] =	ssyncset.done $0x0  }
0xa0: {  	[sflag:s22] =	ssyncadd.s32 s3;
	_ =	sdelay $0x1  }
0xa1: {  	s23 =	simm.s32 $0x1B8B  }
0xa2: {  	_ =	swait.ge [sflag:s23], $0x1  }
0xa3: {  	[sflag:s23] =	ssyncset.done $0x0  }
0xa4: {  	s25 =	simm.s32 $0x1B8E;
	s24 =	sld [smem:$0x3FFE];
	[sflag:s23] =	ssyncadd.s32 $0xFFFFFFFF  }
0xa5: {  	s26 =	simm.s32 $execute0_lowered;
	[smem:$0x3FD2] =	sst s25  }
0xa6: {  	s4 =	sshll.u32 s26, $0x1;
	_ =	strace $0x8000004F;
	[dreg:$0x1] =	wrdreg $0xFFFFFFFF  }
0xa7: {  	s28 =	simm.s32 $_size_execute0_lowered;
	s2 =	sadd.s32 s2, s4;
	[dreg:$0x0] =	wrdreg $0x0  }
0xa8: {  	s4 =	sshll.u32 s28, $0x1;
	[dreg:$0x2] =	wrdreg s2  }
0xa9: {  	[dreg:$0x3] =	wrdreg s4  }
0xaa: {  	[dreg:$0x4] =	wrdreg $0xC0  }
0xab: {  	_ =	task [dreg:s6], $0x5FFFF  }
0xac: {  	[dreg:$0x1] =	wrdreg $0xFFFFFFFF  }
0xad: {  	[dreg:$0x0] =	wrdreg $0x60  }
0xae: {  	[dreg:$0x2] =	wrdreg s24  }
0xaf: {  	[dreg:$0x3] =	wrdreg $0x9  }
0xb0: {  	_ =	task.clear_ibuf [dreg:s6], $0x4FFFF;
	_ =	strace $0x9000004F  }
0xb1: {  	s29 =	simm.s32 $0x9;
	_ =	strace $0x80000051  }
0xb2: {  	_ =	swait.ge [sflag:s29], $0x1  }
0xb3: {  	[sflag:s29] =	ssyncadd.s32 $0xFFFFFFFF  }
0xb4: {  	_ =	strace $0x90000051  }
0xb5: {  	_ =	sfence  }
0xb6: {  	s30 =	sld [smem:$0x0];
	_ =	sdelay $0x2  }
0xb7: {  	s31 =	sshll.u32 s1, $0xD;
	s1 =	sshrl.u32 s1, $0x2  }
0xb8: {  	s3 =	sand.u32 $0x4000, s31;
	s1 =	sadd.s32 s1, s30  }
0xb9: {  	s0 =	sor.u32 s3, s0;
	s1 =	sshll.u32 s1, $0x11  }
0xba: {  	s0 =	sor.u32 s1, s0  }
0xbb: {  	s0 =	sadd.s32 $0x8F2B, s0  }
0xbc: {  	[sflag:s0] =	ssyncadd.remote.s32 $0x1  }
0xbd: {  	_ =	sfence.sel $0xFFFF  }
0xbe: {  	[dreg:$0x0] =	wrdreg $0xFFFFFFFF;
	(pc) =	sbr.abs _section_cstart, $3  }
0xbf: {  	[dreg:$0x1] =	wrdreg $0xFFFFFFFF  }
0xc0: {  	_ =	task.clear_ibuf [dreg:s6], $0x2FFFF;
	_ =	strace $0x9FFFFFFF  }
0xc1: {  	(tm) =	ssettm $0x7FFFFFFF  }
tec
execute0_lowered:
.L_overlay_start_1:
0x0: {  	(tag) =	ssettag $0x1  }
0x1: {  	s0 =	srdreg.scid  }
0x2: {  	s15 =	sand.u32 $0x1, s0  }
0x3: {  	s0 =	stileid.u32;
	s1 =	sshll.u32 s15, $0x4  }
0x4: {  	s8 =	rddreg [dreg:$0x0];
	s2 =	simm.s32 $0x0;
	s6 =	sor.u32 s0, s1  }
0x5: {  	[smem:$0x7FF] =	sst s2;
	s3 =	sshll.u32 s6, $0x7  }
0x6: {  	s1 =	rddreg [dreg:$0x1];
	s3 =	sadd.s32 s3, s8  }
0x7: {  	_ =	strace $0x80000050;
	s4 =	sadd.s32 $0x8FE00, s3;
	s3 =	simm.s32 $0x1  }
0x8: {  	[tilespmem:s2], [sflag:$0x1] =	stream.linear.gather [hbm4b:s4+s2], $0x280, $0x38;
	[tilespmem:$0x2400] =	vst v63  }
0x9: {  	_ =	swait.ge [sflag:s3], $0x280  }
0xa: {  	s7 =	simm.s32 $0x400;
	s5 =	sadd.s32 $0x3600, s8;
	[sflag:s3] =	ssyncset.done $0x0  }
0xb: {  	s9 =	smul.u32 $0xA000, s6;
	s6 =	simm.s32 $0x40;
	[sflag:s3] =	ssyncadd.s32 $0xFFFFFD80  }
0xc: {  	[tilespmem:s7], [sflag:$0x1] =	stream.indirect.gather [hbm4b:s5+s6], $0x80, s2, s6, $0xb8;
	[tilespmem:$0x2400] =	vst v63  }
0xd: {  	s9 =	sshrl.u32 s9, $0x3;
	_ =	swait.ge [sflag:s3], $0x2000  }
0xe: {  	s16 =	sadd.s32 s9, s8;
	[sflag:s3] =	ssyncset.done $0x0  }
0xf: {  	s8 =	sadd.s32 $0x2AE00, s16;
	[sflag:s3] =	ssyncadd.s32 $0xFFFFE000  }
0x10: {  	[hbm4b:s8+s2] =	stream.linear.scatter [tilespmem:s7], [sflag:$0x1], $0x2000, $0x38;
	[tilespmem:$0x2400] =	vst v63  }
0x11: {  	_ =	swait.ge [sflag:s3], $0x2000  }
0x12: {  	[sflag:s3] =	ssyncset.done $0x0  }
0x13: {  	s9 =	simm.s32 $0x80;
	[sflag:s3] =	ssyncadd.s32 $0xFFFFE000  }
0x14: {  	[tilespmem:s7], [sflag:$0x1] =	stream.indirect.gather [hbm4b:s5+s6], $0x80, s9, s6, $0xb8;
	[tilespmem:$0x2400] =	vst v63  }
0x15: {  	_ =	swait.ge [sflag:s3], $0x2000  }
0x16: {  	[sflag:s3] =	ssyncset.done $0x0  }
0x17: {  	s10 =	sadd.s32 $0x2B200, s16;
	[sflag:s3] =	ssyncadd.s32 $0xFFFFE000  }
0x18: {  	[hbm4b:s10+s2] =	stream.linear.scatter [tilespmem:s7], [sflag:$0x1], $0x2000, $0x38;
	[tilespmem:$0x2400] =	vst v63  }
0x19: {  	_ =	swait.ge [sflag:s3], $0x2000  }
0x1a: {  	[sflag:s3] =	ssyncset.done $0x0  }
0x1b: {  	s11 =	simm.s32 $0x100;
	[sflag:s3] =	ssyncadd.s32 $0xFFFFE000  }
0x1c: {  	[tilespmem:s7], [sflag:$0x1] =	stream.indirect.gather [hbm4b:s5+s6], $0x80, s11, s6, $0xb8;
	[tilespmem:$0x2400] =	vst v63  }
0x1d: {  	_ =	swait.ge [sflag:s3], $0x2000  }
0x1e: {  	[sflag:s3] =	ssyncset.done $0x0  }
0x1f: {  	s12 =	sadd.s32 $0x2B600, s16;
	[sflag:s3] =	ssyncadd.s32 $0xFFFFE000  }
0x20: {  	[hbm4b:s12+s2] =	stream.linear.scatter [tilespmem:s7], [sflag:$0x1], $0x2000, $0x38;
	[tilespmem:$0x2400] =	vst v63  }
0x21: {  	_ =	swait.ge [sflag:s3], $0x2000  }
0x22: {  	[sflag:s3] =	ssyncset.done $0x0  }
0x23: {  	s13 =	simm.s32 $0x180;
	[sflag:s3] =	ssyncadd.s32 $0xFFFFE000  }
0x24: {  	[tilespmem:s7], [sflag:$0x1] =	stream.indirect.gather [hbm4b:s5+s6], $0x80, s13, s6, $0xb8;
	[tilespmem:$0x2400] =	vst v63  }
0x25: {  	_ =	swait.ge [sflag:s3], $0x2000  }
0x26: {  	[sflag:s3] =	ssyncset.done $0x0  }
0x27: {  	s17 =	ssub.s32 $0x2, s15;
	s14 =	sadd.s32 $0x2BA00, s16;
	[sflag:s3] =	ssyncadd.s32 $0xFFFFE000  }
0x28: {  	[hbm4b:s14+s2] =	stream.linear.scatter [tilespmem:s7], [sflag:$0x1], $0x2000, $0x38;
	[tilespmem:$0x2400] =	vst v63  }
0x29: {  	s18 =	sshrl.u32 s17, $0x1;
	_ =	swait.ge [sflag:s3], $0x2000  }
0x2a: {  	s17 =	ssub.s32 s17, s18;
	[sflag:s3] =	ssyncset.done $0x0  }
0x2b: {  	s15 =	simm.s32 $0x200;
	s17 =	smax.u32 s17, $0x1;
	[sflag:s3] =	ssyncadd.s32 $0xFFFFE000  }
0x2c: {  	[tilespmem:s7], [sflag:$0x1] =	stream.indirect.gather [hbm4b:s5+s6], $0x80, s15, s6, $0xb8;
	[tilespmem:$0x2400] =	vst v63  }
0x2d: {  	p0 =	sne.s32 s17, $0x1;
	_ =	swait.ge [sflag:s3], $0x2000  }
.Ltmp0:
0x2e: {  	[sflag:s3] =	ssyncset.done $0x0;
	(pc) =	sbr.rel @!p0 .LBB2_2-.Ltmp0, $4  }
0x2f: {  	s16 =	sadd.s32 $0x2BE00, s16;
	[sflag:s3] =	ssyncadd.s32 $0xFFFFE000  }
0x30: {  	[hbm4b:s16+s2] =	stream.linear.scatter [tilespmem:s7], [sflag:$0x1], $0x2000, $0x38;
	[tilespmem:$0x2400] =	vst v63  }
0x31: {  	_ =	swait.ge [sflag:s3], $0x2000  }
0x32: {  	s17 =	sadd.s32 $0xFFFFFFFF, s17;
	[sflag:s3] =	ssyncset.done $0x0  }
.LBB2_1:
0x33: {  	p0 =	sne.s32 s17, $0x1;
	s17 =	sadd.s32 $0xFFFFFFFF, s17;
	[sflag:s3] =	ssyncadd.s32 $0xFFFFE000  }
0x34: {  	[tilespmem:s2], [sflag:$0x1] =	stream.linear.gather [hbm4b:s4+s2], $0x280, $0x38;
	[tilespmem:$0x2400] =	vst v63  }
0x35: {  	_ =	swait.ge [sflag:s3], $0x280  }
0x36: {  	[sflag:s3] =	ssyncset.done $0x0  }
0x37: {  	[sflag:s3] =	ssyncadd.s32 $0xFFFFFD80  }
0x38: {  	[tilespmem:s7], [sflag:$0x1] =	stream.indirect.gather [hbm4b:s5+s6], $0x80, s2, s6, $0xb8;
	[tilespmem:$0x2400] =	vst v63  }
0x39: {  	_ =	swait.ge [sflag:s3], $0x2000  }
0x3a: {  	[sflag:s3] =	ssyncset.done $0x0  }
0x3b: {  	[sflag:s3] =	ssyncadd.s32 $0xFFFFE000  }
0x3c: {  	[hbm4b:s8+s2] =	stream.linear.scatter [tilespmem:s7], [sflag:$0x1], $0x2000, $0x38;
	[tilespmem:$0x2400] =	vst v63  }
0x3d: {  	_ =	swait.ge [sflag:s3], $0x2000  }
0x3e: {  	[sflag:s3] =	ssyncset.done $0x0  }
0x3f: {  	[sflag:s3] =	ssyncadd.s32 $0xFFFFE000  }
0x40: {  	[tilespmem:s7], [sflag:$0x1] =	stream.indirect.gather [hbm4b:s5+s6], $0x80, s9, s6, $0xb8;
	[tilespmem:$0x2400] =	vst v63  }
0x41: {  	_ =	swait.ge [sflag:s3], $0x2000  }
0x42: {  	[sflag:s3] =	ssyncset.done $0x0  }
0x43: {  	[sflag:s3] =	ssyncadd.s32 $0xFFFFE000  }
0x44: {  	[hbm4b:s10+s2] =	stream.linear.scatter [tilespmem:s7], [sflag:$0x1], $0x2000, $0x38;
	[tilespmem:$0x2400] =	vst v63  }
0x45: {  	_ =	swait.ge [sflag:s3], $0x2000  }
0x46: {  	[sflag:s3] =	ssyncset.done $0x0  }
0x47: {  	[sflag:s3] =	ssyncadd.s32 $0xFFFFE000  }
0x48: {  	[tilespmem:s7], [sflag:$0x1] =	stream.indirect.gather [hbm4b:s5+s6], $0x80, s11, s6, $0xb8;
	[tilespmem:$0x2400] =	vst v63  }
0x49: {  	_ =	swait.ge [sflag:s3], $0x2000  }
0x4a: {  	[sflag:s3] =	ssyncset.done $0x0  }
0x4b: {  	[sflag:s3] =	ssyncadd.s32 $0xFFFFE000  }
0x4c: {  	[hbm4b:s12+s2] =	stream.linear.scatter [tilespmem:s7], [sflag:$0x1], $0x2000, $0x38;
	[tilespmem:$0x2400] =	vst v63  }
0x4d: {  	_ =	swait.ge [sflag:s3], $0x2000  }
0x4e: {  	[sflag:s3] =	ssyncset.done $0x0  }
0x4f: {  	[sflag:s3] =	ssyncadd.s32 $0xFFFFE000  }
0x50: {  	[tilespmem:s7], [sflag:$0x1] =	stream.indirect.gather [hbm4b:s5+s6], $0x80, s13, s6, $0xb8;
	[tilespmem:$0x2400] =	vst v63  }
0x51: {  	_ =	swait.ge [sflag:s3], $0x2000  }
0x52: {  	[sflag:s3] =	ssyncset.done $0x0  }
0x53: {  	[sflag:s3] =	ssyncadd.s32 $0xFFFFE000  }
0x54: {  	[hbm4b:s14+s2] =	stream.linear.scatter [tilespmem:s7], [sflag:$0x1], $0x2000, $0x38;
	[tilespmem:$0x2400] =	vst v63  }
0x55: {  	_ =	swait.ge [sflag:s3], $0x2000  }
0x56: {  	[sflag:s3] =	ssyncset.done $0x0  }
0x57: {  	[sflag:s3] =	ssyncadd.s32 $0xFFFFE000  }
0x58: {  	[tilespmem:s7], [sflag:$0x1] =	stream.indirect.gather [hbm4b:s5+s6], $0x80, s15, s6, $0xb8;
	[tilespmem:$0x2400] =	vst v63  }
0x59: {  	_ =	swait.ge [sflag:s3], $0x2000  }
.Ltmp1:
0x5a: {  	[sflag:s3] =	ssyncset.done $0x0;
	(pc) =	sbr.rel @p0 .LBB2_1-.Ltmp1, $4  }
0x5b: {  	[sflag:s3] =	ssyncadd.s32 $0xFFFFE000  }
0x5c: {  	[hbm4b:s16+s2] =	stream.linear.scatter [tilespmem:s7], [sflag:$0x1], $0x2000, $0x38;
	[tilespmem:$0x2400] =	vst v63  }
0x5d: {  	_ =	swait.ge [sflag:s3], $0x2000  }
0x5e: {  	[sflag:s3] =	ssyncset.done $0x0  }
.LBB2_2:
0x5f: {  	[sflag:s3] =	ssyncadd.s32 $0xFFFFE000  }
0x60: {  	_ =	sfence.sel $0x180000  }
0x61: {  	[bflag:$0x0] =	sbarrier.arrive $0xFFFF  }
0x62: {  	p0 =	sne.s32 s0, $0x0;
	_ =	strace $0x90000050  }
0x63: {  	s0 =	sadd.s32 @!p0 $0x100000, s1;
	[bflag:$0x2] =	sbarrier.arrive $0xFFFF  }
0x64: {  	[sflag:s0] =	ssyncadd.tile.s32 @!p0 $0x1;
	_ =	shalt  }
.Lfunc_end2:
_tile_overlayer_lowered:
.L_overlay_start_2:
0x65: {  	(tag) =	ssettag $0x2  }
0x66: {  	s0 =	rddreg [dreg:$0x0];
	s2 =	stileid.u32  }
0x67: {  	s1 =	rddreg [dreg:$0x1];
	p0 =	sne.s32 s2, $0x0  }
0x68: {  	s3 =	rddreg [dreg:$0x2];
	[bflag:$0x3] =	sbarrier.arrive $0xFFFF;
	s2 =	simm.s32 @!p0 $0x1C01  }
0x69: {  	[timem:s3], [sflag:s2] =	dma.local @!p0 [hbm:s0], s1  }
0x6a: {  	s0 =	simm.s32 @!p0 $0x1  }
0x6b: {  	_ =	swait.ge @!p0 [sflag:s0], s1  }
0x6c: {  	s1 =	ssub.s32 @!p0 $0x0, s1;
	[sflag:s0] =	ssyncset.done @!p0 $0x0  }
0x6d: {  	[sflag:s0] =	ssyncadd.s32 @!p0 s1  }
0x6e: {  	[bflag:$0x3] =	sbarrier.arrive $0xFFFF  }
0x6f: {  	_ =	shalt  }

// kernel: kernel.9.cloned.1.call-start
scs
__scs_entry_jumppad:
0x0: {  	(pc) =	sbr.rel $0x88, $3  }
0x1: {  	(tag) =	ssettag $0x0;
	lr =	simm.s32 $0x1  }
0x2: {  	[smem:$0x3F98] =	sst lr;
	_ =	strace $0xD0000000  }
0x3: {  	_ = 	snop  }
0x4: {  	_ = 	snop  }
0x5: {  	_ = 	snop  }
0x6: {  	_ = 	snop  }
0x7: {  	_ = 	snop  }
__scs_overlays_trampoline_lowered:
0x8: {  	[smem:$0x3FA7] =	sst s0  }
0x9: {  	[smem:$0x3FA8] =	sst s1  }
0xa: {  	[smem:$0x3FA9] =	sst s2  }
0xb: {  	[smem:$0x3FAA] =	sst s3  }
0xc: {  	[smem:$0x3FAB] =	sst s4  }
0xd: {  	[smem:$0x3FAC] =	sst s5  }
0xe: {  	[smem:$0x3FAD] =	sst s6  }
0xf: {  	[smem:$0x3FAE] =	sst s7  }
0x10: {  	[smem:$0x3FAF] =	sst s8  }
0x11: {  	[smem:$0x3FB0] =	sst s9;
	s0 =	simm.s32 @!p0 $0x0  }
0x12: {  	s1 =	sld [smem:$0x3F96];
	s0 =	simm.s32 @p0 $0x1  }
0x13: {  	[smem:$0x3FB1] =	sst s0;
	s0 =	simm.s32 @!p1 $0x0  }
0x14: {  	s2 =	sld [smem:$0x3F95];
	s0 =	simm.s32 @p1 $0x1  }
0x15: {  	[smem:$0x3FB2] =	sst s0;
	s0 =	simm.s32 @!p2 $0x0  }
0x16: {  	s3 =	sld [smem:$0x3FDB];
	s0 =	simm.s32 @p2 $0x1  }
0x17: {  	s4 =	simm.s32 $0x1BF5;
	[smem:$0x3FB4] =	sst s0  }
0x18: {  	s0 =	sld [smem:$0x3F97];
	_ =	swait.ge [sflag:s4], $0x0  }
0x19: {  	s7 =	sld [smem:$0x3F98]  }
0x1a: {  	s8 =	sadd.s32 $0xFFFFE003, lr  }
0x1b: {  	s9 =	sadd.s32 $0xFFFFFEF7, lr;
	s5 =	simm.s32 $0xFFFFFFFF;
	p2 =	slt.u32 s8, $0xFFFFF086  }
0x1c: {  	p1 =	slt.u32 s9, $0xF7A;
	s5 =	simm.s32 @!p2 $0x0  }
0x1d: {  	s5 =	simm.s32 @p1 $0x1;
	p0 =	seq.s32 s7, s2  }
0x1e: {  	s7 =	smul.u32 @!p0 $0xF7A, s2;
	p2 =	seq.s32 @!p0 s5, $0x0  }
0x1f: {  	s9 =	smul.u32 $0xF7A, s1;
	s8 =	simm.s32 @!p0 $0x1BF5;
	p2 =	por !p2, p0  }
0x20: {  	[sflag:s8] =	ssyncset.s32 @!p0 $0xFFFFF086;
	s6 =	sadd.s32 @!p0 s3, s7;
	s7 =	simm.s32 @!p0 $0x108  }
0x21: {  	s3 =	sadd.s32 s3, s9;
	s6 =	sadd.s32 @!p0 $0x88, s6;
	s7 =	simm.s32 @p2 $0x1082  }
0x22: {  	[simem:s7], [sflag:s8] =	dma.local @!p0 [hbm:s6], $0xF7A  }
0x23: {  	s9 =	sor.u32 $0xD0000000, s2;
	s6 =	simm.s32 $0x108;
	_ =	swait.ge @!p0 [sflag:s8], $0x0  }
0x24: {  	s3 =	sadd.s32 $0x88, s3;
	s6 =	simm.s32 @!p1 $0x1082;
	[sflag:s4] =	ssyncset.s32 $0xFFFFF086  }
0x25: {  	[simem:s6], [sflag:s4] =	dma.local [hbm:s3], $0xF7A  }
0x26: {  	[smem:$0x3F98] =	sst s1;
	(tag) =	ssettag s2;
	_ =	strace s9  }
0x27: {  	s1 =	sld [smem:$0x3FA8]  }
0x28: {  	s2 =	sld [smem:$0x3FA9]  }
0x29: {  	s4 =	sld [smem:$0x3FAB]  }
0x2a: {  	p0 =	seq.s32 s5, $0x0;
	s5 =	sld [smem:$0x3FAC]  }
0x2b: {  	s6 =	sld [smem:$0x3FAD]  }
0x2c: {  	s7 =	sld [smem:$0x3FAE]  }
0x2d: {  	s3 =	simm.s32 $0x108;
	s8 =	sld [smem:$0x3FAF]  }
0x2e: {  	s3 =	simm.s32 @!p0 $0x1082;
	s9 =	sld [smem:$0x3FB0]  }
0x2f: {  	lr =	sadd.s32 s0, s3;
	s0 =	sld [smem:$0x3FA7]  }
0x30: {  	s3 =	sld [smem:$0x3FAA]  }
0x31: {  	[smem:$0x3FB3] =	sst s10  }
0x32: {  	s10 =	sld [smem:$0x3FB1];
	_ =	sdelay $0x3  }
0x33: {  	p0 =	seq.s32 s10, $0x1;
	s10 =	sld [smem:$0x3FB3];
	_ =	sdelay $0x3  }
0x34: {  	[smem:$0x3FB3] =	sst s10  }
0x35: {  	s10 =	sld [smem:$0x3FB2];
	_ =	sdelay $0x3  }
0x36: {  	p1 =	seq.s32 s10, $0x1;
	s10 =	sld [smem:$0x3FB3];
	_ =	sdelay $0x3  }
0x37: {  	[smem:$0x3FB3] =	sst s10  }
0x38: {  	s10 =	sld [smem:$0x3FB4]  }
0x39: {  	_ = 	snop;
	(pc) =	sbr.ind lr, $3  }
0x3a: {  	_ = 	snop  }
0x3b: {  	_ = 	snop  }
0x3c: {  	p2 =	seq.s32 s10, $0x1;
	s10 =	sld [smem:$0x3FB3]  }
0x3d: {  	_ =	shalt  }
0x3e: {  	_ =	shalt  }
0x3f: {  	_ =	shalt  }
0x40: {  	_ =	shalt  }
0x41: {  	_ =	shalt  }
0x42: {  	_ =	shalt  }
0x43: {  	_ =	shalt  }
0x44: {  	_ =	shalt  }
0x45: {  	_ =	shalt  }
0x46: {  	_ =	shalt  }
0x47: {  	_ =	shalt  }
0x48: {  	_ =	shalt  }
0x49: {  	_ =	shalt  }
0x4a: {  	_ =	shalt  }
0x4b: {  	_ =	shalt  }
0x4c: {  	_ =	shalt  }
0x4d: {  	_ =	shalt  }
0x4e: {  	_ =	shalt  }
0x4f: {  	_ =	shalt  }
0x50: {  	_ =	shalt  }
0x51: {  	_ =	shalt  }
0x52: {  	_ =	shalt  }
0x53: {  	_ =	shalt  }
0x54: {  	_ =	shalt  }
0x55: {  	_ =	shalt  }
0x56: {  	_ =	shalt  }
0x57: {  	_ =	shalt  }
0x58: {  	_ =	shalt  }
0x59: {  	_ =	shalt  }
0x5a: {  	_ =	shalt  }
0x5b: {  	_ =	shalt  }
0x5c: {  	_ =	shalt  }
0x5d: {  	_ =	shalt  }
0x5e: {  	_ =	shalt  }
0x5f: {  	_ =	shalt  }
0x60: {  	_ =	shalt  }
0x61: {  	_ =	shalt  }
0x62: {  	_ =	shalt  }
0x63: {  	_ =	shalt  }
0x64: {  	_ =	shalt  }
0x65: {  	_ =	shalt  }
0x66: {  	_ =	shalt  }
0x67: {  	_ =	shalt  }
0x68: {  	_ =	shalt  }
0x69: {  	_ =	shalt  }
0x6a: {  	_ =	shalt  }
0x6b: {  	_ =	shalt  }
0x6c: {  	_ =	shalt  }
0x6d: {  	_ =	shalt  }
0x6e: {  	_ =	shalt  }
0x6f: {  	_ =	shalt  }
0x70: {  	_ =	shalt  }
0x71: {  	_ =	shalt  }
0x72: {  	_ =	shalt  }
0x73: {  	_ =	shalt  }
0x74: {  	_ =	shalt  }
0x75: {  	_ =	shalt  }
0x76: {  	_ =	shalt  }
0x77: {  	_ =	shalt  }
0x78: {  	_ =	shalt  }
0x79: {  	_ =	shalt  }
0x7a: {  	_ =	shalt  }
0x7b: {  	_ =	shalt  }
0x7c: {  	_ =	shalt  }
0x7d: {  	_ =	shalt  }
0x7e: {  	_ =	shalt  }
0x7f: {  	_ =	shalt  }
0x80: {  	_ =	shalt  }
0x81: {  	_ =	shalt  }
0x82: {  	_ =	shalt  }
0x83: {  	_ =	shalt  }
0x84: {  	_ =	shalt  }
0x85: {  	_ =	shalt  }
0x86: {  	_ =	shalt  }
0x87: {  	_ =	shalt  }
.Lfunc_end0:
.L_simem_size_0:
called_computation_lowered:
.L_overlay_start_0:
0x88: {  	s2 =	sld [smem:$0x3FD9]  }
0x89: {  	s3 =	sld [smem:$0x3FFE];
	_ =	sdelay $0x1  }
0x8a: {  	s1 =	srdreg.scid  }
0x8b: {  	s0 =	sand.u32 $0x1, s1  }
0x8c: {  	s17 =	sshll.u32 s0, $0xA;
	s2 =	sadd.s32 s3, s2  }
0x8d: {  	s2 =	sadd.s32 s2, s17  }
0x8e: {  	[smem:$0x3FBF] =	sst s2  }
0x8f: {  	_ = 	snop  }
0x90: {  	(tm) =	ssettm $0x1  }
0x91: {  	s18 =	sld [smem:$0x3FFB];
	_ =	sdelay $0x3  }
0x92: {  	_ =	strace s18  }
0x93: {  	s2 =	sld [smem:$0x3FFC];
	_ =	sdelay $0x3  }
0x94: {  	_ =	strace s2  }
0x95: {  	s2 =	sld [smem:$0x3FFD];
	_ =	sdelay $0x3  }
0x96: {  	_ =	strace s2  }
0x97: {  	_ =	strace $0x8FFFFFFF  }
0x98: {  	s19 =	sld [smem:$0x3FDB];
	_ =	sdelay $0x1  }
0x99: {  	s20 =	simm.s32 $_scs_section_size  }
0x9a: {  	s4 =	simm.s32 $_size__tile_overlayer_lowered;
	s5 =	simm.s32 $_tile_overlayer_lowered  }
0x9b: {  	s6 =	simm.s32 $0x1BFF;
	s21 =	sshll.u32 s5, $0x1;
	s3 =	sadd.s32 s20, s19  }
0x9c: {  	s22 =	simm.s32 $0x0;
	s4 =	sshll.u32 s4, $0x1;
	s5 =	sadd.s32 s21, s3  }
0x9d: {  	[timem:s22], [sflag:s6] =	dma.local [hbm:s5], s4  }
0x9e: {  	_ =	swait.ge [sflag:s6], s4  }
0x9f: {  	s4 =	ssub.s32 $0x0, s4;
	[sflag:s6] =	ssyncset.done $0x0  }
0xa0: {  	[sflag:s6] =	ssyncadd.s32 s4;
	_ =	sdelay $0x1  }
0xa1: {  	s23 =	simm.s32 $0x1B8B  }
0xa2: {  	_ =	swait.ge [sflag:s23], $0x1  }
0xa3: {  	[sflag:s23] =	ssyncset.done $0x0  }
0xa4: {  	[sflag:s23] =	ssyncadd.s32 $0xFFFFFFFF  }
0xa5: {  	s4 =	sld [smem:$0x0]  }
0xa6: {  	s5 =	sand.u32 $0xFFFFFFFE, s1  }
0xa7: {  	p0 =	sne.s32 s1, s5  }
0xa8: {  	s5 =	sshll.u32 @p0 s5, $0xE  }
0xa9: {  	s5 =	sadd.s32 @p0 $0x11B8D, s5;
	s6 =	sshll.u32 @p0 s4, $0x11  }
0xaa: {  	s5 =	sor.u32 @p0 s6, s5  }
0xab: {  	[sflag:s5] =	ssyncadd.remote.s32 @p0 $0x1;
	_ =	sdelay $0x1  }
0xac: {  	s5 =	simm.s32 @p0 $0x1B8D  }
0xad: {  	_ =	swait.eq @p0 [sflag:s5], $0x1  }
0xae: {  	[sflag:s5] =	ssyncadd.s32 @p0 $0xFFFFFFFF  }
0xaf: {  	s6 =	sshll.u32 @!p0 s1, $0xE  }
0xb0: {  	s6 =	sor.u32 @!p0 $0x4000, s6;
	s5 =	simm.s32 @!p0 $0x1B8D  }
0xb1: {  	s4 =	sshll.u32 @!p0 s4, $0x11;
	s6 =	sadd.s32 @!p0 $0x11B8D, s6;
	_ =	swait.eq @!p0 [sflag:s5], $0x1  }
0xb2: {  	s4 =	sor.u32 @!p0 s4, s6;
	[sflag:s5] =	ssyncadd.s32 @!p0 $0xFFFFFFFF  }
0xb3: {  	s25 =	simm.s32 $0x1B8E;
	s24 =	sld [smem:$0x3FFE];
	[sflag:s4] =	ssyncadd.remote.s32 @!p0 $0x1  }
0xb4: {  	s26 =	simm.s32 $execute0_lowered;
	[smem:$0x3FD2] =	sst s25  }
0xb5: {  	s5 =	sshll.u32 s26, $0x1;
	_ =	strace $0x80000049;
	[dreg:$0x1] =	wrdreg $0xFFFFFFFF  }
0xb6: {  	s28 =	simm.s32 $_size_execute0_lowered;
	s3 =	sadd.s32 s3, s5;
	[dreg:$0x0] =	wrdreg $0x0  }
0xb7: {  	s5 =	sshll.u32 s28, $0x1;
	[dreg:$0x2] =	wrdreg s3  }
0xb8: {  	[dreg:$0x3] =	wrdreg s5  }
0xb9: {  	[dreg:$0x4] =	wrdreg $0xC0  }
0xba: {  	_ =	task [dreg:s22], $0x5FFFF  }
0xbb: {  	[dreg:$0x1] =	wrdreg $0xFFFFFFFF  }
0xbc: {  	[dreg:$0x0] =	wrdreg $0x60  }
0xbd: {  	[dreg:$0x2] =	wrdreg s24  }
0xbe: {  	[dreg:$0x3] =	wrdreg $0x9  }
0xbf: {  	_ =	task.clear_ibuf [dreg:s22], $0x4FFFF;
	_ =	strace $0x90000049  }
0xc0: {  	s29 =	simm.s32 $0x9;
	_ =	strace $0x8000004B  }
0xc1: {  	_ =	swait.ge [sflag:s29], $0x1  }
0xc2: {  	[sflag:s29] =	ssyncadd.s32 $0xFFFFFFFF  }
0xc3: {  	_ =	strace $0x9000004B  }
0xc4: {  	_ =	sfence  }
0xc5: {  	s30 =	sld [smem:$0x0];
	_ =	sdelay $0x2  }
0xc6: {  	s31 =	sshll.u32 s1, $0xD;
	s1 =	sshrl.u32 s1, $0x2  }
0xc7: {  	s4 =	sand.u32 $0x4000, s31;
	s1 =	sadd.s32 s1, s30  }
0xc8: {  	s0 =	sor.u32 s4, s0;
	s1 =	sshll.u32 s1, $0x11  }
0xc9: {  	s0 =	sor.u32 s1, s0  }
0xca: {  	s0 =	sadd.s32 $0x8F2B, s0  }
0xcb: {  	[sflag:s0] =	ssyncadd.remote.s32 $0x1  }
0xcc: {  	_ =	sfence.sel $0xFFFF  }
0xcd: {  	[dreg:$0x0] =	wrdreg $0xFFFFFFFF;
	(pc) =	sbr.abs _section_cstart, $3  }
0xce: {  	[dreg:$0x1] =	wrdreg $0xFFFFFFFF  }
0xcf: {  	_ =	task.clear_ibuf [dreg:s22], $0x2FFFF;
	_ =	strace $0x9FFFFFFF  }
0xd0: {  	(tm) =	ssettm $0x7FFFFFFF  }
0xd1: {  	_ =	shalt  }
tec
execute0_lowered:
.L_overlay_start_1:
0x0: {  	(tag) =	ssettag $0x1  }
0x1: {  	s0 =	srdreg.scid  }
0x2: {  	s5 =	rddreg [dreg:$0x0];
	s3 =	sand.u32 $0x1, s0  }
0x3: {  	s2 =	simm.s32 $0x0;
	s0 =	stileid.u32;
	s1 =	sshll.u32 s3, $0x4  }
0x4: {  	s8 =	simm.s32 $0x80;
	s9 =	simm.s32 $0x400;
	s4 =	sor.u32 s0, s1  }
0x5: {  	s10 =	simm.s32 $0x0;
	[smem:$0x7FF] =	sst s2;
	s1 =	sshrl.u32 s4, $0x3  }
0x6: {  	s7 =	sshll.u32 s0, $0x7;
	s3 =	ssub.s32 $0x2, s3;
	s6 =	smul.u32 $0x13C00, s1  }
0x7: {  	s7 =	sand.u32 $0x380, s7;
	s31 =	sshrl.u32 s3, $0x1;
	s4 =	smul.u32 $0xB00, s4  }
0x8: {  	s1 =	rddreg [dreg:$0x1];
	_ =	strace $0x8000004A;
	s6 =	sor.u32 s7, s6  }
0x9: {  	s4 =	sadd.s32 s4, s5;
	s7 =	simm.s32 $0x5000;
	s6 =	sshrl.u32 s6, $0x3  }
0xa: {  	s5 =	sadd.s32 s6, s5;
	s6 =	ssub.s32 s3, s31;
	s3 =	sadd.s32 $0x3600, s4  }
0xb: {  	v0 =	vimm.f32 $0.0e+00;
	v1 =	vimm.f32 $1.000000000e+00;
	s4 =	sadd.s32 $0x8FE00, s5;
	s5 =	smax.u32 s6, $0x1;
	s6 =	simm.s32 $0x1  }
.LBB2_1:
0xc: {  	[tilespmem:s2], [sflag:$0x1] =	stream.linear.gather [hbm4b:s3+s2], $0x5000, $0x38;
	[tilespmem:$0x7780] =	vst v63  }
0xd: {  	_ =	swait.ge [sflag:s6], $0x5000  }
0xe: {  	[sflag:s6] =	ssyncset.done $0x0  }
0xf: {  	s11 =	simm.s32 $0x0;
	[sflag:s6] =	ssyncadd.s32 $0xFFFFB000  }
.LBB2_2:
0x10: {  	p0 =	sne.s32 s11, $0x9DC0  }
.Ltmp0:
0x11: {  	_ = 	snop;
	(pc) =	sbr.rel @p0 .LBB2_2-.Ltmp0, $3  }
0x12: {  	_ =	sdelay $0x1  }
0x13: {  	s12 =	sshra.s32 s11, $0x2  }
0x14: {  	s11 =	sadd.s32 $0x40, s11;
	[tilespmem:s12+$0x5000] =	vst v0  }
0x15: {  	s11 =	simm.s32 $0x0  }
.LBB2_4:
0x16: {  	s12 =	sshra.s32 s11, $0x2  }
0x17: {  	v2 =	vld [tilespmem:s12+$0x0];
	_ =	sdelay $0x7  }
0x18: {  	[tilespmem:v2+s7+$0x0] =	vst.idx.add.f32.msk $0xffff, v1  }
0x19: {  	v2 =	vld [tilespmem:s12+$0x10];
	_ =	sdelay $0x7  }
0x1a: {  	[tilespmem:v2+s7+$0x0] =	vst.idx.add.f32.msk $0xffff, v1  }
0x1b: {  	v2 =	vld [tilespmem:s12+$0x20];
	_ =	sdelay $0x7  }
0x1c: {  	[tilespmem:v2+s7+$0x0] =	vst.idx.add.f32.msk $0xffff, v1  }
0x1d: {  	v2 =	vld [tilespmem:s12+$0x30];
	_ =	sdelay $0x2  }
0x1e: {  	p0 =	sne.s32 s11, $0x13E00  }
.Ltmp1:
0x1f: {  	_ = 	snop;
	(pc) =	sbr.rel @p0 .LBB2_4-.Ltmp1, $2  }
0x20: {  	_ =	sdelay $0x2  }
0x21: {  	s11 =	sadd.s32 $0x200, s11;
	[tilespmem:v2+s7+$0x0] =	vst.idx.add.f32.msk $0xffff, v1  }
0x22: {  	s10 =	sadd.s32 $0x1, s10  }
0x23: {  	p0 =	sne.s32 s10, s5  }
.Ltmp2:
0x24: {  	_ = 	snop;
	(pc) =	sbr.rel @p0 .LBB2_1-.Ltmp2, $4  }
0x25: {  	[hbm4b:s4+s8] =	stream.strided.scatter [tilespmem:s7], [sflag:$0x1], $0x2780, s9, s8, $0x38;
	[tilespmem:$0x7780] =	vst v63  }
0x26: {  	_ =	swait.ge [sflag:s6], $0x2780  }
0x27: {  	[sflag:s6] =	ssyncset.done $0x0  }
0x28: {  	[sflag:s6] =	ssyncadd.s32 $0xFFFFD880  }
0x29: {  	_ =	sfence.sel $0x180000  }
0x2a: {  	[bflag:$0x0] =	sbarrier.arrive $0xFFFF  }
0x2b: {  	p0 =	sne.s32 s0, $0x0;
	_ =	strace $0x9000004A  }
0x2c: {  	s0 =	sadd.s32 @!p0 $0x100000, s1;
	[bflag:$0x2] =	sbarrier.arrive $0xFFFF  }
0x2d: {  	[sflag:s0] =	ssyncadd.tile.s32 @!p0 $0x1;
	_ =	shalt  }
.Lfunc_end2:
_tile_overlayer_lowered:
.L_overlay_start_2:
0x2e: {  	(tag) =	ssettag $0x2  }
0x2f: {  	s0 =	rddreg [dreg:$0x0];
	s2 =	stileid.u32  }
0x30: {  	s1 =	rddreg [dreg:$0x1];
	p0 =	sne.s32 s2, $0x0  }
0x31: {  	s3 =	rddreg [dreg:$0x2];
	[bflag:$0x3] =	sbarrier.arrive $0xFFFF;
	s2 =	simm.s32 @!p0 $0x1C01  }
0x32: {  	[timem:s3], [sflag:s2] =	dma.local @!p0 [hbm:s0], s1  }
0x33: {  	s0 =	simm.s32 @!p0 $0x1  }
0x34: {  	_ =	swait.ge @!p0 [sflag:s0], s1  }
0x35: {  	s1 =	ssub.s32 @!p0 $0x0, s1;
	[sflag:s0] =	ssyncset.done @!p0 $0x0  }
0x36: {  	[sflag:s0] =	ssyncadd.s32 @!p0 s1  }
0x37: {  	[bflag:$0x3] =	sbarrier.arrive $0xFFFF  }
0x38: {  	_ =	shalt  }

</sc_bundles>
